<compile_context>
chip_gen: v7x
topology: tpu7x:2x2x1
jax: 0.10.2.dev20260603
libtpu: 0.0.44.dev20260713+nightly
codegen_flags: <defaults>
</compile_context>

<pallas_src>
import functools

import jax
import jax.numpy as jnp
from jax import lax
from jax.experimental import pallas as pl
from jax.experimental.pallas import tpu as pltpu
from jax.experimental.pallas import tpu_sc as plsc

B = 8
N = 20000
K = 17
KEEP = 1000
NV = N // 16
SELV = 63
CAND = N + 32

_i32 = jnp.int32
_u32 = jnp.uint32
_f32 = jnp.float32

_IOTA = lambda: lax.iota(_i32, 16)


def _mono(f):
  b = plsc.bitcast(f, _u32)
  neg = b >= jnp.uint32(0x80000000)
  return jnp.where(neg, ~b, b | jnp.uint32(0x80000000))


def _popc(m):
  return plsc.all_reduce_population_count(m)[0]


def _bit_of(kv, bitpos):
  return (jnp.right_shift(kv, bitpos.astype(_u32)) & jnp.uint32(1)) == jnp.uint32(1)


def _body_a(scores_hbm, oidx, oscore,
            scores_v, cand0, cand1, selk0, seli0, selk1, seli1, score_s):
  c = lax.axis_index("c")
  s = lax.axis_index("s")
  b = c * 4 + s // 4
  q = s % 4

  @pl.when(q == 0)
  def _phase_a():
    pltpu.sync_copy(scores_hbm.at[pl.ds(b * N, N)], scores_v)

    b31 = jnp.int32(31)

    def conv(v, cnt):
      f = scores_v[pl.ds(v * 16, 16)]
      u = _mono(f)
      cand0[pl.ds(v * 16, 16)] = u
      return cnt + _popc(_bit_of(u, b31))
    c_first = lax.fori_loop(0, NV, conv, jnp.int32(0))

    def select_step(src, dst, bitpos, state):
      remaining, prefix, ncand, c_cur = state
      go_right = c_cur >= remaining
      remaining = jnp.where(go_right, remaining, remaining - c_cur)
      prefix = jnp.where(
          go_right,
          prefix | lax.shift_left(jnp.uint32(1), bitpos.astype(_u32)),
          prefix)
      nbpos = jnp.maximum(bitpos - 1, 0)
      nv = (ncand + 15) // 16
      def cb(v, carry):
        wp, cnext = carry
        kv = src[pl.ds(v * 16, 16)]
        valid = (v * 16 + _IOTA()) < ncand
        m = valid & (_bit_of(kv, bitpos) == go_right)
        plsc.store_compressed(dst.at[pl.ds(wp, 16)], kv, mask=m)
        return wp + _popc(m), cnext + _popc(m & _bit_of(kv, nbpos))
      ncand, c_next = lax.fori_loop(0, nv, cb, (jnp.int32(0),) * 2)
      return remaining, prefix, ncand, c_next

    def radix_pair(i, state):
      state = select_step(cand0, cand1, 31 - 2 * i, state)
      state = select_step(cand1, cand0, 30 - 2 * i, state)
      return state

    r_final, thresh, _, _ = lax.fori_loop(
        0, 16, radix_pair,
        (jnp.int32(KEEP), jnp.uint32(0), jnp.int32(N), c_first))

    def sel(v, carry):
      wp, we = carry
      f = scores_v[pl.ds(v * 16, 16)]
      u = _mono(f)
      m_gt = u > thresh
      m_eq = u == thresh
      idxv = v * 16 + _IOTA()
      plsc.store_compressed(selk0.at[pl.ds(wp, 16)], ~u, mask=m_gt)
      plsc.store_compressed(seli0.at[pl.ds(wp, 16)], idxv, mask=m_gt)
      eq_i = plsc.bitcast(idxv, _u32)
      plsc.store_compressed(cand1.at[pl.ds(we, 16)], eq_i, mask=m_eq)
      return wp + _popc(m_gt), we + _popc(m_eq)
    n_gt, _ = lax.fori_loop(0, NV, sel, (jnp.int32(0),) * 2)

    r_final = jnp.int32(KEEP) - n_gt
    inv_t = ~thresh
    def app(j, carry):
      valid = (j * 16 + _IOTA()) < r_final
      iv = plsc.bitcast(cand1[pl.ds(j * 16, 16)], _i32)
      plsc.store_compressed(selk0.at[pl.ds(n_gt + j * 16, 16)],
                            jnp.full((16,), inv_t, _u32), mask=valid)
      plsc.store_compressed(seli0.at[pl.ds(n_gt + j * 16, 16)], iv, mask=valid)
      return carry
    lax.fori_loop(0, (r_final + 15) // 16, app, 0)

    def cnt0(j, acc):
      kv = selk0[pl.ds(j * 16, 16)]
      valid = (j * 16 + _IOTA()) < KEEP
      return acc + _popc(valid & ((kv & jnp.uint32(1)) == jnp.uint32(1)))
    ones_b0 = lax.fori_loop(0, SELV, cnt0, jnp.int32(0))

    def sortpass(sk, si, dk, di, bitpos, n_ones):
      wp1_init = jnp.int32(KEEP) - n_ones
      nbpos = jnp.minimum(bitpos + 1, 31)
      def sb(j, carry):
        wp0, wp1, cnext = carry
        kv = sk[pl.ds(j * 16, 16)]
        iv = si[pl.ds(j * 16, 16)]
        valid = (j * 16 + _IOTA()) < KEEP
        vc = jnp.minimum(jnp.int32(16), jnp.int32(KEEP) - j * 16)
        bit = _bit_of(kv, bitpos)
        m1 = valid & bit
        m0 = valid & ~bit
        plsc.store_compressed(dk.at[pl.ds(wp0, 16)], kv, mask=m0)
        plsc.store_compressed(di.at[pl.ds(wp0, 16)], iv, mask=m0)
        plsc.store_compressed(dk.at[pl.ds(wp1, 16)], kv, mask=m1)
        plsc.store_compressed(di.at[pl.ds(wp1, 16)], iv, mask=m1)
        nb = _bit_of(kv, nbpos)
        c0 = _popc(m0)
        return wp0 + c0, wp1 + (vc - c0), cnext + _popc(valid & nb)
      _, _, cnext = lax.fori_loop(0, SELV, sb, (jnp.int32(0), wp1_init, jnp.int32(0)))
      return cnext

    def sort_pair(i, ones_in):
      ones_mid = sortpass(selk0, seli0, selk1, seli1, 2 * i, ones_in)
      return sortpass(selk1, seli1, selk0, seli0, 2 * i + 1, ones_mid)
    lax.fori_loop(0, 16, sort_pair, ones_b0)

    zeros16 = jnp.zeros((16,), _i32)
    seli0[pl.ds(KEEP, 16)] = zeros16
    seli0[pl.ds(1008, 16)] = zeros16
    pltpu.sync_copy(seli0, oidx.at[pl.ds(b * 1024, 1024)])

    def sc_out(j, carry):
      inv = selk0[pl.ds(j * 16, 16)]
      u = ~inv
      pos = u >= jnp.uint32(0x80000000)
      bits = jnp.where(pos, u ^ jnp.uint32(0x80000000), ~u)
      f = plsc.bitcast(bits, _f32)
      score_s[pl.ds(j * 16, 16)] = 1.0 / (1.0 + jnp.exp(-f))
      return carry
    lax.fori_loop(0, SELV, sc_out, 0)
    pltpu.sync_copy(score_s.at[pl.ds(0, KEEP)], oscore.at[pl.ds(b * KEEP, KEEP)])


def _body_b(idx_hbm, bboxf, posef, kvisf, priorsf, stridef,
            obox, okpt, okscore,
            ichunk, pidx, kidx, bidx, ridx, sidx,
            pose_t, kvis_t, bbox_t, prior_t, stride_t,
            obox_s, okpt_s, okscore_s, sem):
  c = lax.axis_index("c")
  s = lax.axis_index("s")
  b = c * 4 + s // 4
  q = s % 4
  off = q * 256

  def half(h, hcarry):
    pltpu.sync_copy(idx_hbm.at[pl.ds(b * 1024 + off + h * 128, 128)], ichunk)

    def build(v, carry):
      sl = pl.ds(v * 16, 16)
      il = ichunk[sl]
      g = il + b * N
      p0 = g * (2 * K)
      for f in range(2 * K):
        pidx[f, sl] = p0 + f
      k0 = g * K
      for f in range(K):
        kidx[f, sl] = k0 + f
      b0 = g * 4
      for f in range(4):
        bidx[f, sl] = b0 + f
      r0 = il * 2
      for f in range(2):
        ridx[f, sl] = r0 + f
      sidx[0, sl] = il
      return carry
    lax.fori_loop(0, 8, build, 0)

    copies = []
    for f in range(2 * K):
      copies.append(pltpu.async_copy(posef.at[pidx.at[f]], pose_t.at[f], sem))
    for f in range(K):
      copies.append(pltpu.async_copy(kvisf.at[kidx.at[f]], kvis_t.at[f], sem))
    for f in range(4):
      copies.append(pltpu.async_copy(bboxf.at[bidx.at[f]], bbox_t.at[f], sem))
    for f in range(2):
      copies.append(pltpu.async_copy(priorsf.at[ridx.at[f]], prior_t.at[f], sem))
    copies.append(pltpu.async_copy(stridef.at[sidx.at[0]], stride_t.at[0], sem))
    for cp in copies:
      cp.wait()

    def decode(g16, carry):
      sl = pl.ds(g16 * 16, 16)
      e = g16 * 16 + _IOTA()
      col = lambda cc: jnp.full((16,), cc, _i32)
      bx = bbox_t[0, sl]
      by = bbox_t[1, sl]
      bw = bbox_t[2, sl]
      bh = bbox_t[3, sl]
      px = prior_t[0, sl]
      py = prior_t[1, sl]
      sv = stride_t[0, sl]
      cx = bx * sv + px
      cy = by * sv + py
      wx = jnp.exp(bw) * sv
      wy = jnp.exp(bh) * sv
      hx = wx * 0.5
      hy = wy * 0.5
      plsc.store_scatter(obox_s, [e, col(0)], cx - hx)
      plsc.store_scatter(obox_s, [e, col(1)], cy - hy)
      plsc.store_scatter(obox_s, [e, col(2)], cx + hx)
      plsc.store_scatter(obox_s, [e, col(3)], cy + hy)
      sx = wx * 0.625
      sy = wy * 0.625
      for k in range(K):
        ox = pose_t[2 * k, sl]
        oy = pose_t[2 * k + 1, sl]
        plsc.store_scatter(okpt_s, [e, col(2 * k)], cx + ox * sx)
        plsc.store_scatter(okpt_s, [e, col(2 * k + 1)], cy + oy * sy)
        vv = kvis_t[k, sl]
        plsc.store_scatter(okscore_s, [e, col(k)], 1.0 / (1.0 + jnp.exp(-vv)))
      return carry
    lax.fori_loop(0, 8, decode, 0)

    pos = b * KEEP + off + h * 128
    is_tail = (q == 3) & (h == 1)

    @pl.when(jnp.logical_not(is_tail))
    def _full():
      pltpu.sync_copy(obox_s, obox.at[pl.ds(pos, 128)])
      pltpu.sync_copy(okpt_s, okpt.at[pl.ds(pos, 128)])
      pltpu.sync_copy(okscore_s, okscore.at[pl.ds(pos, 128)])

    @pl.when(is_tail)
    def _tail():
      pltpu.sync_copy(obox_s.at[pl.ds(0, 104)], obox.at[pl.ds(pos, 104)])
      pltpu.sync_copy(okpt_s.at[pl.ds(0, 104)], okpt.at[pl.ds(pos, 104)])
      pltpu.sync_copy(okscore_s.at[pl.ds(0, 104)], okscore.at[pl.ds(pos, 104)])
    return hcarry

  lax.fori_loop(0, 2, half, 0)


@jax.jit
def kernel(cls_scores, bbox_preds, pose_vecs, kpt_vis, priors, stride):
  mesh = plsc.VectorSubcoreMesh(core_axis_name="c", subcore_axis_name="s",
                                num_cores=2, num_subcores=16)
  cp = pltpu.CompilerParams(needs_layout_passes=False,
                            use_tc_tiling_on_sc=False)
  fn_a = pl.kernel(
      _body_a,
      out_type=[
          jax.ShapeDtypeStruct((B * 1024,), _i32),
          jax.ShapeDtypeStruct((B * KEEP,), _f32),
      ],
      mesh=mesh,
      compiler_params=cp,
      scratch_types=[
          pltpu.VMEM((N,), _f32),
          pltpu.VMEM((CAND,), _u32),
          pltpu.VMEM((CAND,), _u32),
          pltpu.VMEM((1024,), _u32),
          pltpu.VMEM((1024,), _i32),
          pltpu.VMEM((1024,), _u32),
          pltpu.VMEM((1024,), _i32),
          pltpu.VMEM((1008,), _f32),
      ],
  )
  fn_b = pl.kernel(
      _body_b,
      out_type=[
          jax.ShapeDtypeStruct((B * KEEP, 4), _f32),
          jax.ShapeDtypeStruct((B * KEEP, 2 * K), _f32),
          jax.ShapeDtypeStruct((B * KEEP, K), _f32),
      ],
      mesh=mesh,
      compiler_params=cp,
      scratch_types=[
          pltpu.VMEM((128,), _i32),
          pltpu.VMEM((2 * K, 128), _i32),
          pltpu.VMEM((K, 128), _i32),
          pltpu.VMEM((4, 128), _i32),
          pltpu.VMEM((2, 128), _i32),
          pltpu.VMEM((1, 128), _i32),
          pltpu.VMEM((2 * K, 128), _f32),
          pltpu.VMEM((K, 128), _f32),
          pltpu.VMEM((4, 128), _f32),
          pltpu.VMEM((2, 128), _f32),
          pltpu.VMEM((1, 128), _f32),
          pltpu.VMEM((128, 4), _f32),
          pltpu.VMEM((128, 2 * K), _f32),
          pltpu.VMEM((128, K), _f32),
          pltpu.SemaphoreType.DMA,
      ],
  )
  oidx, oscore = fn_a(cls_scores.reshape(B * N))
  obox, okpt, okscore = fn_b(
      oidx,
      bbox_preds.reshape(B * N * 4),
      pose_vecs.reshape(B * N * 2 * K),
      kpt_vis.reshape(B * N * K),
      priors.reshape(N * 2),
      stride,
  )
  return (obox.reshape(B, KEEP, 4),
          oscore.reshape(B, KEEP, 1),
          okpt.reshape(B, KEEP, K, 2),
          okscore.reshape(B, KEEP, K, 1))

# --- scband reference (transcript-rebuilt; emitter-appended) ---
"""Pipeline reference for scband-end2-end-74689481277989 (READ-ONLY COPY).

The authoritative reference and input builder live on the scoring server;
editing this copy changes nothing except your own understanding.
"""

import jax, jax.numpy as jnp
import numpy as np

B = 8
N = 20000
K = 17
KEEP = 1000
PAD = 1.25


def setup_inputs(seed: int = 0) -> dict:
    key = jax.random.key(seed)
    ks = jax.random.split(key, 5)
    cls_scores = jax.random.normal(ks[0], (B, N, 1), dtype=jnp.float32)
    bbox_preds = jax.random.normal(ks[1], (B, N, 4), dtype=jnp.float32) * 0.5
    pose_vecs = jax.random.normal(ks[2], (B, N, 2 * K), dtype=jnp.float32)
    kpt_vis = jax.random.normal(ks[3], (B, N, K), dtype=jnp.float32)
    priors = jax.random.uniform(ks[4], (N, 2), dtype=jnp.float32) * 640.0
    stride = jnp.full((N,), 16.0, dtype=jnp.float32)
    return {
        'cls_scores': cls_scores,
        'bbox_preds': bbox_preds,
        'pose_vecs': pose_vecs,
        'kpt_vis': kpt_vis,
        'priors': priors,
        'stride': stride,
    }


def _decode_bbox(pred_bboxes, priors, stride):
    s = stride.reshape(1, stride.shape[0], 1)
    p = priors.reshape(1, priors.shape[0], 2)
    xys = pred_bboxes[..., :2] * s + p
    whs = jnp.exp(pred_bboxes[..., 2:]) * s
    tl = xys - whs / 2.0
    br = xys + whs / 2.0
    return jnp.concatenate([tl, br], axis=-1)


def _bbox_xyxy2cs(bbox, padding):
    scale = (bbox[..., 2:] - bbox[..., :2]) * padding
    center = (bbox[..., 2:] + bbox[..., :2]) * 0.5
    return center, scale


def reference(cls_scores, bbox_preds, pose_vecs, kpt_vis, priors, stride):
    bboxes = _decode_bbox(bbox_preds, priors, stride)
    bboxes_scores = jax.nn.sigmoid(cls_scores)
    center, scale = _bbox_xyxy2cs(bboxes[..., :4], PAD)
    # DCC forward_test (deploy mode): pose vectors decode to keypoint offsets
    # in normalized bbox coordinates, scaled by bbox center/scale.
    kpt_off = pose_vecs.reshape(pose_vecs.shape[0], pose_vecs.shape[1], K, 2)
    keypoints = center[:, :, None, :] + kpt_off * scale[:, :, None, :] * 0.5
    keypoints_scores = jax.nn.sigmoid(kpt_vis)[..., None]
    # rtm_topk
    scores_flat = bboxes_scores[..., 0]
    topk_scores, topk_idx = jax.lax.top_k(scores_flat, KEEP)
    topk_bboxes = jnp.take_along_axis(bboxes, topk_idx[..., None], axis=1)
    topk_bboxes_scores = topk_scores[..., None]
    topk_keypoints = jnp.take_along_axis(keypoints, topk_idx[:, :, None, None], axis=1)
    topk_keypoints_scores = jnp.take_along_axis(keypoints_scores, topk_idx[:, :, None, None], axis=1)
    return (topk_bboxes, topk_bboxes_scores, topk_keypoints, topk_keypoints_scores)

if __name__ == "__main__":
    import jax
    _d = setup_inputs()
    print(jax.jit(kernel)(*tuple(_d.values())))

</pallas_src>

<mosaic_0001>
#map = affine_map<(d0, d1) -> (0)>
#map1 = affine_map<(d0, d1) -> (0, 0)>
module attributes {stable_mosaic.version = 14 : i64} {
  func.func @_body_b(%arg0: i32, %arg1: i32, %arg2: memref<8192xi32, #tpu.memory_space<hbm>>, %arg3: memref<640000xf32, #tpu.memory_space<hbm>>, %arg4: memref<5440000xf32, #tpu.memory_space<hbm>>, %arg5: memref<2720000xf32, #tpu.memory_space<hbm>>, %arg6: memref<40000xf32, #tpu.memory_space<hbm>>, %arg7: memref<20000xf32, #tpu.memory_space<hbm>>, %arg8: memref<8000x4xf32, #tpu.memory_space<hbm>>, %arg9: memref<8000x34xf32, #tpu.memory_space<hbm>>, %arg10: memref<8000x17xf32, #tpu.memory_space<hbm>>, %arg11: memref<128xi32, #tpu.memory_space<vmem>>, %arg12: memref<34x128xi32, #tpu.memory_space<vmem>>, %arg13: memref<17x128xi32, #tpu.memory_space<vmem>>, %arg14: memref<4x128xi32, #tpu.memory_space<vmem>>, %arg15: memref<2x128xi32, #tpu.memory_space<vmem>>, %arg16: memref<1x128xi32, #tpu.memory_space<vmem>>, %arg17: memref<34x128xf32, #tpu.memory_space<vmem>>, %arg18: memref<17x128xf32, #tpu.memory_space<vmem>>, %arg19: memref<4x128xf32, #tpu.memory_space<vmem>>, %arg20: memref<2x128xf32, #tpu.memory_space<vmem>>, %arg21: memref<1x128xf32, #tpu.memory_space<vmem>>, %arg22: memref<128x4xf32, #tpu.memory_space<vmem>>, %arg23: memref<128x34xf32, #tpu.memory_space<vmem>>, %arg24: memref<128x17xf32, #tpu.memory_space<vmem>>, %arg25: memref<!tpu.dma_semaphore, #tpu.memory_space<semaphore_mem>>) attributes {dimension_semantics = [#tpu.dimension_semantics<core_parallel>, #tpu.dimension_semantics<subcore_parallel>], iteration_bounds = array<i64: 2, 16>, scalar_prefetch = 0 : i64, scratch_operands = 15 : i64, tpu.core_type = #tpu.core_type<sc_vector_subcore>, window_params = [{transform_indices = #map}, {transform_indices = #map}, {transform_indices = #map}, {transform_indices = #map}, {transform_indices = #map}, {transform_indices = #map}, {transform_indices = #map1}, {transform_indices = #map1}, {transform_indices = #map1}]} {
    %mul3A = arith.constant 4 : i32
    %mul3A_0 = arith.muli %arg0, %mul3A : i32
    %jit3A = arith.constant 4 : i32
    %div3A = arith.divsi %arg1, %jit3A : i32
    %sign3A = arith.constant 0 : i32
    %sign3A_1 = arith.cmpi sgt, %arg1, %sign3A : i32
    %sign3A_2 = arith.extui %sign3A_1 : i1 to i32
    %sign3A_3 = arith.constant 0 : i32
    %sign3A_4 = arith.cmpi slt, %arg1, %sign3A_3 : i32
    %sign3A_5 = arith.extui %sign3A_4 : i1 to i32
    %sign3A_6 = arith.subi %sign3A_2, %sign3A_5 : i32
    %sign3A_7 = arith.constant 0 : i32
    %sign3A_8 = arith.cmpi sgt, %jit3A, %sign3A_7 : i32
    %sign3A_9 = arith.extui %sign3A_8 : i1 to i32
    %sign3A_10 = arith.constant 0 : i32
    %sign3A_11 = arith.cmpi slt, %jit3A, %sign3A_10 : i32
    %sign3A_12 = arith.extui %sign3A_11 : i1 to i32
    %sign3A_13 = arith.subi %sign3A_9, %sign3A_12 : i32
    %ne3A = arith.cmpi ne, %sign3A_6, %sign3A_13 : i32
    %rem3A = arith.remsi %arg1, %jit3A : i32
    %ne3A_14 = arith.constant 0 : i32
    %ne3A_15 = arith.cmpi ne, %rem3A, %ne3A_14 : i32
    %and3A = arith.andi %ne3A, %ne3A_15 : i1
    %sub3A = arith.constant 1 : i32
    %sub3A_16 = arith.subi %div3A, %sub3A : i32
    %select_n3A = arith.select %and3A, %sub3A_16, %div3A : i32
    %add3A = arith.addi %mul3A_0, %select_n3A : i32
    %jit3A_17 = arith.constant 4 : i32
    %eq3A = arith.constant 0 : i32
    %eq3A_18 = arith.cmpi eq, %jit3A_17, %eq3A : i32
    %jit3A_19 = arith.constant 1 : i32
    %select_n3A_20 = arith.select %eq3A_18, %jit3A_19, %jit3A_17 : i32
    %rem3A_21 = arith.remsi %arg1, %select_n3A_20 : i32
    %ne3A_22 = arith.constant 0 : i32
    %ne3A_23 = arith.cmpi ne, %rem3A_21, %ne3A_22 : i32
    %lt3A = arith.constant 0 : i32
    %lt3A_24 = arith.cmpi slt, %rem3A_21, %lt3A : i32
    %lt3A_25 = arith.constant 0 : i32
    %lt3A_26 = arith.cmpi slt, %select_n3A_20, %lt3A_25 : i32
    %ne3A_27 = arith.xori %lt3A_24, %lt3A_26 : i1
    %and3A_28 = arith.andi %ne3A_27, %ne3A_23 : i1
    %add3A_29 = arith.addi %rem3A_21, %select_n3A_20 : i32
    %select_n3A_30 = arith.select %and3A_28, %add3A_29, %rem3A_21 : i32
    %mul3A_31 = arith.constant 256 : i32
    %mul3A_32 = arith.muli %select_n3A_30, %mul3A_31 : i32
    %scan3A = arith.constant 0 : i32
    %scan3A_33 = arith.constant 0 : i32
    %scan3A_34 = arith.constant 2 : i32
    %scan3A_35 = arith.addi %scan3A_33, %scan3A_34 : i32
    %scan3A_36 = arith.constant 1 : i32
    scf.for %scan3A_38 = %scan3A_33 to %scan3A_35 step %scan3A_36  : i32 {
      %mul3A_39 = arith.constant 1024 : i32
      %mul3A_40 = arith.muli %add3A, %mul3A_39 : i32
      %add3A_41 = arith.addi %mul3A_40, %mul3A_32 : i32
      %mul3A_42 = arith.constant 128 : i32
      %mul3A_43 = arith.muli %scan3A_38, %mul3A_42 : i32
      %add3A_44 = arith.addi %add3A_41, %mul3A_43 : i32
      "tpu.region"() ({
        %run_scoped3A = tpu.sem_alloc : memref<!tpu.dma_semaphore, #tpu.memory_space<semaphore_mem>>
        %dma_start3A_1231 = tpu.memref_slice %arg2[%add3A_44] : memref<8192xi32, #tpu.memory_space<hbm>> -> memref<128xi32, #tpu.memory_space<hbm>>
        %dma_start3A_1232 = tpu.memref_slice %arg2[%add3A_44] : memref<8192xi32, #tpu.memory_space<hbm>> -> memref<128xi32, #tpu.memory_space<hbm>>
        tpu.enqueue_dma source(%dma_start3A_1232 : memref<128xi32, #tpu.memory_space<hbm>>) target(%arg11 : memref<128xi32, #tpu.memory_space<vmem>>) target_semaphore(%run_scoped3A : memref<!tpu.dma_semaphore, #tpu.memory_space<semaphore_mem>>)
        %dma_wait3A_1233 = tpu.memref_slice %arg2[%add3A_44] : memref<8192xi32, #tpu.memory_space<hbm>> -> memref<128xi32, #tpu.memory_space<hbm>>
        %dma_wait3A_1234 = tpu.memref_slice %arg2[%add3A_44] : memref<8192xi32, #tpu.memory_space<hbm>> -> memref<128xi32, #tpu.memory_space<hbm>>
        tpu.wait_dma2 semaphore(%run_scoped3A : memref<!tpu.dma_semaphore, #tpu.memory_space<semaphore_mem>>) src(%dma_wait3A_1234 : memref<128xi32, #tpu.memory_space<hbm>>) dst(%arg11 : memref<128xi32, #tpu.memory_space<vmem>>)
        tpu.yield
      }) : () -> ()
      %scan3A_45 = arith.constant 0 : i32
      %scan3A_46 = arith.constant 0 : i32
      %scan3A_47 = arith.constant 8 : i32
      %scan3A_48 = arith.addi %scan3A_46, %scan3A_47 : i32
      %scan3A_49 = arith.constant 1 : i32
      scf.for %scan3A_1231 = %scan3A_46 to %scan3A_48 step %scan3A_49  : i32 {
        %mul3A_1232 = arith.constant 16 : i32
        %mul3A_1233 = arith.muli %scan3A_1231, %mul3A_1232 : i32
        %get3A = arith.index_cast %mul3A_1233 : i32 to index
        %get3A_1234 = tpu.vector_load %arg11[%get3A] {strides = array<i32>} : memref<128xi32, #tpu.memory_space<vmem>>, vector<16xi32>,
        %mul3A_1235 = arith.constant 20000 : i32
        %mul3A_1236 = arith.muli %add3A, %mul3A_1235 : i32
        %add3A_1237 = vector.broadcast %mul3A_1236 : i32 to vector<16xi32>
        %add3A_1238 = arith.addi %get3A_1234, %add3A_1237 : vector<16xi32>
        %mul3A_1239 = arith.constant 34 : i32
        %mul3A_1240 = vector.broadcast %mul3A_1239 : i32 to vector<16xi32>
        %mul3A_1241 = arith.muli %add3A_1238, %mul3A_1240 : vector<16xi32>
        %add3A_1242 = arith.constant 0 : i32
        %add3A_1243 = vector.broadcast %add3A_1242 : i32 to vector<16xi32>
        %add3A_1244 = arith.addi %mul3A_1241, %add3A_1243 : vector<16xi32>
        %swap3A = arith.constant 0 : i32
        %swap3A_1245 = arith.index_cast %swap3A : i32 to index
        %swap3A_1246 = arith.index_cast %mul3A_1233 : i32 to index
        %swap3A_1247 = tpu.vector_load %arg12[%swap3A_1245, %swap3A_1246] {strides = array<i32>} : memref<34x128xi32, #tpu.memory_space<vmem>>, vector<16xi32>,
        tpu.vector_store %arg12[%swap3A_1245, %swap3A_1246], %add3A_1244 {strides = array<i32>} : memref<34x128xi32, #tpu.memory_space<vmem>>, vector<16xi32>,
        %add3A_1248 = arith.constant 1 : i32
        %add3A_1249 = vector.broadcast %add3A_1248 : i32 to vector<16xi32>
        %add3A_1250 = arith.addi %mul3A_1241, %add3A_1249 : vector<16xi32>
        %swap3A_1251 = arith.constant 1 : i32
        %swap3A_1252 = arith.index_cast %swap3A_1251 : i32 to index
        %swap3A_1253 = arith.index_cast %mul3A_1233 : i32 to index
        %swap3A_1254 = tpu.vector_load %arg12[%swap3A_1252, %swap3A_1253] {strides = array<i32>} : memref<34x128xi32, #tpu.memory_space<vmem>>, vector<16xi32>,
        tpu.vector_store %arg12[%swap3A_1252, %swap3A_1253], %add3A_1250 {strides = array<i32>} : memref<34x128xi32, #tpu.memory_space<vmem>>, vector<16xi32>,
        %add3A_1255 = arith.constant 2 : i32
        %add3A_1256 = vector.broadcast %add3A_1255 : i32 to vector<16xi32>
        %add3A_1257 = arith.addi %mul3A_1241, %add3A_1256 : vector<16xi32>
        %swap3A_1258 = arith.constant 2 : i32
        %swap3A_1259 = arith.index_cast %swap3A_1258 : i32 to index
        %swap3A_1260 = arith.index_cast %mul3A_1233 : i32 to index
        %swap3A_1261 = tpu.vector_load %arg12[%swap3A_1259, %swap3A_1260] {strides = array<i32>} : memref<34x128xi32, #tpu.memory_space<vmem>>, vector<16xi32>,
        tpu.vector_store %arg12[%swap3A_1259, %swap3A_1260], %add3A_1257 {strides = array<i32>} : memref<34x128xi32, #tpu.memory_space<vmem>>, vector<16xi32>,
        %add3A_1262 = arith.constant 3 : i32
        %add3A_1263 = vector.broadcast %add3A_1262 : i32 to vector<16xi32>
        %add3A_1264 = arith.addi %mul3A_1241, %add3A_1263 : vector<16xi32>
        %swap3A_1265 = arith.constant 3 : i32
        %swap3A_1266 = arith.index_cast %swap3A_1265 : i32 to index
        %swap3A_1267 = arith.index_cast %mul3A_1233 : i32 to index
        %swap3A_1268 = tpu.vector_load %arg12[%swap3A_1266, %swap3A_1267] {strides = array<i32>} : memref<34x128xi32, #tpu.memory_space<vmem>>, vector<16xi32>,
        tpu.vector_store %arg12[%swap3A_1266, %swap3A_1267], %add3A_1264 {strides = array<i32>} : memref<34x128xi32, #tpu.memory_space<vmem>>, vector<16xi32>,
        %add3A_1269 = arith.constant 4 : i32
        %add3A_1270 = vector.broadcast %add3A_1269 : i32 to vector<16xi32>
        %add3A_1271 = arith.addi %mul3A_1241, %add3A_1270 : vector<16xi32>
        %swap3A_1272 = arith.constant 4 : i32
        %swap3A_1273 = arith.index_cast %swap3A_1272 : i32 to index
        %swap3A_1274 = arith.index_cast %mul3A_1233 : i32 to index
        %swap3A_1275 = tpu.vector_load %arg12[%swap3A_1273, %swap3A_1274] {strides = array<i32>} : memref<34x128xi32, #tpu.memory_space<vmem>>, vector<16xi32>,
        tpu.vector_store %arg12[%swap3A_1273, %swap3A_1274], %add3A_1271 {strides = array<i32>} : memref<34x128xi32, #tpu.memory_space<vmem>>, vector<16xi32>,
        %add3A_1276 = arith.constant 5 : i32
        %add3A_1277 = vector.broadcast %add3A_1276 : i32 to vector<16xi32>
        %add3A_1278 = arith.addi %mul3A_1241, %add3A_1277 : vector<16xi32>
        %swap3A_1279 = arith.constant 5 : i32
        %swap3A_1280 = arith.index_cast %swap3A_1279 : i32 to index
        %swap3A_1281 = arith.index_cast %mul3A_1233 : i32 to index
        %swap3A_1282 = tpu.vector_load %arg12[%swap3A_1280, %swap3A_1281] {strides = array<i32>} : memref<34x128xi32, #tpu.memory_space<vmem>>, vector<16xi32>,
        tpu.vector_store %arg12[%swap3A_1280, %swap3A_1281], %add3A_1278 {strides = array<i32>} : memref<34x128xi32, #tpu.memory_space<vmem>>, vector<16xi32>,
        %add3A_1283 = arith.constant 6 : i32
        %add3A_1284 = vector.broadcast %add3A_1283 : i32 to vector<16xi32>
        %add3A_1285 = arith.addi %mul3A_1241, %add3A_1284 : vector<16xi32>
        %swap3A_1286 = arith.constant 6 : i32
        %swap3A_1287 = arith.index_cast %swap3A_1286 : i32 to index
        %swap3A_1288 = arith.index_cast %mul3A_1233 : i32 to index
        %swap3A_1289 = tpu.vector_load %arg12[%swap3A_1287, %swap3A_1288] {strides = array<i32>} : memref<34x128xi32, #tpu.memory_space<vmem>>, vector<16xi32>,
        tpu.vector_store %arg12[%swap3A_1287, %swap3A_1288], %add3A_1285 {strides = array<i32>} : memref<34x128xi32, #tpu.memory_space<vmem>>, vector<16xi32>,
        %add3A_1290 = arith.constant 7 : i32
        %add3A_1291 = vector.broadcast %add3A_1290 : i32 to vector<16xi32>
        %add3A_1292 = arith.addi %mul3A_1241, %add3A_1291 : vector<16xi32>
        %swap3A_1293 = arith.constant 7 : i32
        %swap3A_1294 = arith.index_cast %swap3A_1293 : i32 to index
        %swap3A_1295 = arith.index_cast %mul3A_1233 : i32 to index
        %swap3A_1296 = tpu.vector_load %arg12[%swap3A_1294, %swap3A_1295] {strides = array<i32>} : memref<34x128xi32, #tpu.memory_space<vmem>>, vector<16xi32>,
        tpu.vector_store %arg12[%swap3A_1294, %swap3A_1295], %add3A_1292 {strides = array<i32>} : memref<34x128xi32, #tpu.memory_space<vmem>>, vector<16xi32>,
        %add3A_1297 = arith.constant 8 : i32
        %add3A_1298 = vector.broadcast %add3A_1297 : i32 to vector<16xi32>
        %add3A_1299 = arith.addi %mul3A_1241, %add3A_1298 : vector<16xi32>
        %swap3A_1300 = arith.constant 8 : i32
        %swap3A_1301 = arith.index_cast %swap3A_1300 : i32 to index
        %swap3A_1302 = arith.index_cast %mul3A_1233 : i32 to index
        %swap3A_1303 = tpu.vector_load %arg12[%swap3A_1301, %swap3A_1302] {strides = array<i32>} : memref<34x128xi32, #tpu.memory_space<vmem>>, vector<16xi32>,
        tpu.vector_store %arg12[%swap3A_1301, %swap3A_1302], %add3A_1299 {strides = array<i32>} : memref<34x128xi32, #tpu.memory_space<vmem>>, vector<16xi32>,
        %add3A_1304 = arith.constant 9 : i32
        %add3A_1305 = vector.broadcast %add3A_1304 : i32 to vector<16xi32>
        %add3A_1306 = arith.addi %mul3A_1241, %add3A_1305 : vector<16xi32>
        %swap3A_1307 = arith.constant 9 : i32
        %swap3A_1308 = arith.index_cast %swap3A_1307 : i32 to index
        %swap3A_1309 = arith.index_cast %mul3A_1233 : i32 to index
        %swap3A_1310 = tpu.vector_load %arg12[%swap3A_1308, %swap3A_1309] {strides = array<i32>} : memref<34x128xi32, #tpu.memory_space<vmem>>, vector<16xi32>,
        tpu.vector_store %arg12[%swap3A_1308, %swap3A_1309], %add3A_1306 {strides = array<i32>} : memref<34x128xi32, #tpu.memory_space<vmem>>, vector<16xi32>,
        %add3A_1311 = arith.constant 10 : i32
        %add3A_1312 = vector.broadcast %add3A_1311 : i32 to vector<16xi32>
        %add3A_1313 = arith.addi %mul3A_1241, %add3A_1312 : vector<16xi32>
        %swap3A_1314 = arith.constant 10 : i32
        %swap3A_1315 = arith.index_cast %swap3A_1314 : i32 to index
        %swap3A_1316 = arith.index_cast %mul3A_1233 : i32 to index
        %swap3A_1317 = tpu.vector_load %arg12[%swap3A_1315, %swap3A_1316] {strides = array<i32>} : memref<34x128xi32, #tpu.memory_space<vmem>>, vector<16xi32>,
        tpu.vector_store %arg12[%swap3A_1315, %swap3A_1316], %add3A_1313 {strides = array<i32>} : memref<34x128xi32, #tpu.memory_space<vmem>>, vector<16xi32>,
        %add3A_1318 = arith.constant 11 : i32
        %add3A_1319 = vector.broadcast %add3A_1318 : i32 to vector<16xi32>
        %add3A_1320 = arith.addi %mul3A_1241, %add3A_1319 : vector<16xi32>
        %swap3A_1321 = arith.constant 11 : i32
        %swap3A_1322 = arith.index_cast %swap3A_1321 : i32 to index
        %swap3A_1323 = arith.index_cast %mul3A_1233 : i32 to index
        %swap3A_1324 = tpu.vector_load %arg12[%swap3A_1322, %swap3A_1323] {strides = array<i32>} : memref<34x128xi32, #tpu.memory_space<vmem>>, vector<16xi32>,
        tpu.vector_store %arg12[%swap3A_1322, %swap3A_1323], %add3A_1320 {strides = array<i32>} : memref<34x128xi32, #tpu.memory_space<vmem>>, vector<16xi32>,
        %add3A_1325 = arith.constant 12 : i32
        %add3A_1326 = vector.broadcast %add3A_1325 : i32 to vector<16xi32>
        %add3A_1327 = arith.addi %mul3A_1241, %add3A_1326 : vector<16xi32>
        %swap3A_1328 = arith.constant 12 : i32
        %swap3A_1329 = arith.index_cast %swap3A_1328 : i32 to index
        %swap3A_1330 = arith.index_cast %mul3A_1233 : i32 to index
        %swap3A_1331 = tpu.vector_load %arg12[%swap3A_1329, %swap3A_1330] {strides = array<i32>} : memref<34x128xi32, #tpu.memory_space<vmem>>, vector<16xi32>,
        tpu.vector_store %arg12[%swap3A_1329, %swap3A_1330], %add3A_1327 {strides = array<i32>} : memref<34x128xi32, #tpu.memory_space<vmem>>, vector<16xi32>,
        %add3A_1332 = arith.constant 13 : i32
        %add3A_1333 = vector.broadcast %add3A_1332 : i32 to vector<16xi32>
        %add3A_1334 = arith.addi %mul3A_1241, %add3A_1333 : vector<16xi32>
        %swap3A_1335 = arith.constant 13 : i32
        %swap3A_1336 = arith.index_cast %swap3A_1335 : i32 to index
        %swap3A_1337 = arith.index_cast %mul3A_1233 : i32 to index
        %swap3A_1338 = tpu.vector_load %arg12[%swap3A_1336, %swap3A_1337] {strides = array<i32>} : memref<34x128xi32, #tpu.memory_space<vmem>>, vector<16xi32>,
        tpu.vector_store %arg12[%swap3A_1336, %swap3A_1337], %add3A_1334 {strides = array<i32>} : memref<34x128xi32, #tpu.memory_space<vmem>>, vector<16xi32>,
        %add3A_1339 = arith.constant 14 : i32
        %add3A_1340 = vector.broadcast %add3A_1339 : i32 to vector<16xi32>
        %add3A_1341 = arith.addi %mul3A_1241, %add3A_1340 : vector<16xi32>
        %swap3A_1342 = arith.constant 14 : i32
        %swap3A_1343 = arith.index_cast %swap3A_1342 : i32 to index
        %swap3A_1344 = arith.index_cast %mul3A_1233 : i32 to index
        %swap3A_1345 = tpu.vector_load %arg12[%swap3A_1343, %swap3A_1344] {strides = array<i32>} : memref<34x128xi32, #tpu.memory_space<vmem>>, vector<16xi32>,
        tpu.vector_store %arg12[%swap3A_1343, %swap3A_1344], %add3A_1341 {strides = array<i32>} : memref<34x128xi32, #tpu.memory_space<vmem>>, vector<16xi32>,
        %add3A_1346 = arith.constant 15 : i32
        %add3A_1347 = vector.broadcast %add3A_1346 : i32 to vector<16xi32>
        %add3A_1348 = arith.addi %mul3A_1241, %add3A_1347 : vector<16xi32>
        %swap3A_1349 = arith.constant 15 : i32
        %swap3A_1350 = arith.index_cast %swap3A_1349 : i32 to index
        %swap3A_1351 = arith.index_cast %mul3A_1233 : i32 to index
        %swap3A_1352 = tpu.vector_load %arg12[%swap3A_1350, %swap3A_1351] {strides = array<i32>} : memref<34x128xi32, #tpu.memory_space<vmem>>, vector<16xi32>,
        tpu.vector_store %arg12[%swap3A_1350, %swap3A_1351], %add3A_1348 {strides = array<i32>} : memref<34x128xi32, #tpu.memory_space<vmem>>, vector<16xi32>,
        %add3A_1353 = arith.constant 16 : i32
        %add3A_1354 = vector.broadcast %add3A_1353 : i32 to vector<16xi32>
        %add3A_1355 = arith.addi %mul3A_1241, %add3A_1354 : vector<16xi32>
        %swap3A_1356 = arith.constant 16 : i32
        %swap3A_1357 = arith.index_cast %swap3A_1356 : i32 to index
        %swap3A_1358 = arith.index_cast %mul3A_1233 : i32 to index
        %swap3A_1359 = tpu.vector_load %arg12[%swap3A_1357, %swap3A_1358] {strides = array<i32>} : memref<34x128xi32, #tpu.memory_space<vmem>>, vector<16xi32>,
        tpu.vector_store %arg12[%swap3A_1357, %swap3A_1358], %add3A_1355 {strides = array<i32>} : memref<34x128xi32, #tpu.memory_space<vmem>>, vector<16xi32>,
        %add3A_1360 = arith.constant 17 : i32
        %add3A_1361 = vector.broadcast %add3A_1360 : i32 to vector<16xi32>
        %add3A_1362 = arith.addi %mul3A_1241, %add3A_1361 : vector<16xi32>
        %swap3A_1363 = arith.constant 17 : i32
        %swap3A_1364 = arith.index_cast %swap3A_1363 : i32 to index
        %swap3A_1365 = arith.index_cast %mul3A_1233 : i32 to index
        %swap3A_1366 = tpu.vector_load %arg12[%swap3A_1364, %swap3A_1365] {strides = array<i32>} : memref<34x128xi32, #tpu.memory_space<vmem>>, vector<16xi32>,
        tpu.vector_store %arg12[%swap3A_1364, %swap3A_1365], %add3A_1362 {strides = array<i32>} : memref<34x128xi32, #tpu.memory_space<vmem>>, vector<16xi32>,
        %add3A_1367 = arith.constant 18 : i32
        %add3A_1368 = vector.broadcast %add3A_1367 : i32 to vector<16xi32>
        %add3A_1369 = arith.addi %mul3A_1241, %add3A_1368 : vector<16xi32>
        %swap3A_1370 = arith.constant 18 : i32
        %swap3A_1371 = arith.index_cast %swap3A_1370 : i32 to index
        %swap3A_1372 = arith.index_cast %mul3A_1233 : i32 to index
        %swap3A_1373 = tpu.vector_load %arg12[%swap3A_1371, %swap3A_1372] {strides = array<i32>} : memref<34x128xi32, #tpu.memory_space<vmem>>, vector<16xi32>,
        tpu.vector_store %arg12[%swap3A_1371, %swap3A_1372], %add3A_1369 {strides = array<i32>} : memref<34x128xi32, #tpu.memory_space<vmem>>, vector<16xi32>,
        %add3A_1374 = arith.constant 19 : i32
        %add3A_1375 = vector.broadcast %add3A_1374 : i32 to vector<16xi32>
        %add3A_1376 = arith.addi %mul3A_1241, %add3A_1375 : vector<16xi32>
        %swap3A_1377 = arith.constant 19 : i32
        %swap3A_1378 = arith.index_cast %swap3A_1377 : i32 to index
        %swap3A_1379 = arith.index_cast %mul3A_1233 : i32 to index
        %swap3A_1380 = tpu.vector_load %arg12[%swap3A_1378, %swap3A_1379] {strides = array<i32>} : memref<34x128xi32, #tpu.memory_space<vmem>>, vector<16xi32>,
        tpu.vector_store %arg12[%swap3A_1378, %swap3A_1379], %add3A_1376 {strides = array<i32>} : memref<34x128xi32, #tpu.memory_space<vmem>>, vector<16xi32>,
        %add3A_1381 = arith.constant 20 : i32
        %add3A_1382 = vector.broadcast %add3A_1381 : i32 to vector<16xi32>
        %add3A_1383 = arith.addi %mul3A_1241, %add3A_1382 : vector<16xi32>
        %swap3A_1384 = arith.constant 20 : i32
        %swap3A_1385 = arith.index_cast %swap3A_1384 : i32 to index
        %swap3A_1386 = arith.index_cast %mul3A_1233 : i32 to index
        %swap3A_1387 = tpu.vector_load %arg12[%swap3A_1385, %swap3A_1386] {strides = array<i32>} : memref<34x128xi32, #tpu.memory_space<vmem>>, vector<16xi32>,
        tpu.vector_store %arg12[%swap3A_1385, %swap3A_1386], %add3A_1383 {strides = array<i32>} : memref<34x128xi32, #tpu.memory_space<vmem>>, vector<16xi32>,
        %add3A_1388 = arith.constant 21 : i32
        %add3A_1389 = vector.broadcast %add3A_1388 : i32 to vector<16xi32>
        %add3A_1390 = arith.addi %mul3A_1241, %add3A_1389 : vector<16xi32>
        %swap3A_1391 = arith.constant 21 : i32
        %swap3A_1392 = arith.index_cast %swap3A_1391 : i32 to index
        %swap3A_1393 = arith.index_cast %mul3A_1233 : i32 to index
        %swap3A_1394 = tpu.vector_load %arg12[%swap3A_1392, %swap3A_1393] {strides = array<i32>} : memref<34x128xi32, #tpu.memory_space<vmem>>, vector<16xi32>,
        tpu.vector_store %arg12[%swap3A_1392, %swap3A_1393], %add3A_1390 {strides = array<i32>} : memref<34x128xi32, #tpu.memory_space<vmem>>, vector<16xi32>,
        %add3A_1395 = arith.constant 22 : i32
        %add3A_1396 = vector.broadcast %add3A_1395 : i32 to vector<16xi32>
        %add3A_1397 = arith.addi %mul3A_1241, %add3A_1396 : vector<16xi32>
        %swap3A_1398 = arith.constant 22 : i32
        %swap3A_1399 = arith.index_cast %swap3A_1398 : i32 to index
        %swap3A_1400 = arith.index_cast %mul3A_1233 : i32 to index
        %swap3A_1401 = tpu.vector_load %arg12[%swap3A_1399, %swap3A_1400] {strides = array<i32>} : memref<34x128xi32, #tpu.memory_space<vmem>>, vector<16xi32>,
        tpu.vector_store %arg12[%swap3A_1399, %swap3A_1400], %add3A_1397 {strides = array<i32>} : memref<34x128xi32, #tpu.memory_space<vmem>>, vector<16xi32>,
        %add3A_1402 = arith.constant 23 : i32
        %add3A_1403 = vector.broadcast %add3A_1402 : i32 to vector<16xi32>
        %add3A_1404 = arith.addi %mul3A_1241, %add3A_1403 : vector<16xi32>
        %swap3A_1405 = arith.constant 23 : i32
        %swap3A_1406 = arith.index_cast %swap3A_1405 : i32 to index
        %swap3A_1407 = arith.index_cast %mul3A_1233 : i32 to index
        %swap3A_1408 = tpu.vector_load %arg12[%swap3A_1406, %swap3A_1407] {strides = array<i32>} : memref<34x128xi32, #tpu.memory_space<vmem>>, vector<16xi32>,
        tpu.vector_store %arg12[%swap3A_1406, %swap3A_1407], %add3A_1404 {strides = array<i32>} : memref<34x128xi32, #tpu.memory_space<vmem>>, vector<16xi32>,
        %add3A_1409 = arith.constant 24 : i32
        %add3A_1410 = vector.broadcast %add3A_1409 : i32 to vector<16xi32>
        %add3A_1411 = arith.addi %mul3A_1241, %add3A_1410 : vector<16xi32>
        %swap3A_1412 = arith.constant 24 : i32
        %swap3A_1413 = arith.index_cast %swap3A_1412 : i32 to index
        %swap3A_1414 = arith.index_cast %mul3A_1233 : i32 to index
        %swap3A_1415 = tpu.vector_load %arg12[%swap3A_1413, %swap3A_1414] {strides = array<i32>} : memref<34x128xi32, #tpu.memory_space<vmem>>, vector<16xi32>,
        tpu.vector_store %arg12[%swap3A_1413, %swap3A_1414], %add3A_1411 {strides = array<i32>} : memref<34x128xi32, #tpu.memory_space<vmem>>, vector<16xi32>,
        %add3A_1416 = arith.constant 25 : i32
        %add3A_1417 = vector.broadcast %add3A_1416 : i32 to vector<16xi32>
        %add3A_1418 = arith.addi %mul3A_1241, %add3A_1417 : vector<16xi32>
        %swap3A_1419 = arith.constant 25 : i32
        %swap3A_1420 = arith.index_cast %swap3A_1419 : i32 to index
        %swap3A_1421 = arith.index_cast %mul3A_1233 : i32 to index
        %swap3A_1422 = tpu.vector_load %arg12[%swap3A_1420, %swap3A_1421] {strides = array<i32>} : memref<34x128xi32, #tpu.memory_space<vmem>>, vector<16xi32>,
        tpu.vector_store %arg12[%swap3A_1420, %swap3A_1421], %add3A_1418 {strides = array<i32>} : memref<34x128xi32, #tpu.memory_space<vmem>>, vector<16xi32>,
        %add3A_1423 = arith.constant 26 : i32
        %add3A_1424 = vector.broadcast %add3A_1423 : i32 to vector<16xi32>
        %add3A_1425 = arith.addi %mul3A_1241, %add3A_1424 : vector<16xi32>
        %swap3A_1426 = arith.constant 26 : i32
        %swap3A_1427 = arith.index_cast %swap3A_1426 : i32 to index
        %swap3A_1428 = arith.index_cast %mul3A_1233 : i32 to index
        %swap3A_1429 = tpu.vector_load %arg12[%swap3A_1427, %swap3A_1428] {strides = array<i32>} : memref<34x128xi32, #tpu.memory_space<vmem>>, vector<16xi32>,
        tpu.vector_store %arg12[%swap3A_1427, %swap3A_1428], %add3A_1425 {strides = array<i32>} : memref<34x128xi32, #tpu.memory_space<vmem>>, vector<16xi32>,
        %add3A_1430 = arith.constant 27 : i32
        %add3A_1431 = vector.broadcast %add3A_1430 : i32 to vector<16xi32>
        %add3A_1432 = arith.addi %mul3A_1241, %add3A_1431 : vector<16xi32>
        %swap3A_1433 = arith.constant 27 : i32
        %swap3A_1434 = arith.index_cast %swap3A_1433 : i32 to index
        %swap3A_1435 = arith.index_cast %mul3A_1233 : i32 to index
        %swap3A_1436 = tpu.vector_load %arg12[%swap3A_1434, %swap3A_1435] {strides = array<i32>} : memref<34x128xi32, #tpu.memory_space<vmem>>, vector<16xi32>,
        tpu.vector_store %arg12[%swap3A_1434, %swap3A_1435], %add3A_1432 {strides = array<i32>} : memref<34x128xi32, #tpu.memory_space<vmem>>, vector<16xi32>,
        %add3A_1437 = arith.constant 28 : i32
        %add3A_1438 = vector.broadcast %add3A_1437 : i32 to vector<16xi32>
        %add3A_1439 = arith.addi %mul3A_1241, %add3A_1438 : vector<16xi32>
        %swap3A_1440 = arith.constant 28 : i32
        %swap3A_1441 = arith.index_cast %swap3A_1440 : i32 to index
        %swap3A_1442 = arith.index_cast %mul3A_1233 : i32 to index
        %swap3A_1443 = tpu.vector_load %arg12[%swap3A_1441, %swap3A_1442] {strides = array<i32>} : memref<34x128xi32, #tpu.memory_space<vmem>>, vector<16xi32>,
        tpu.vector_store %arg12[%swap3A_1441, %swap3A_1442], %add3A_1439 {strides = array<i32>} : memref<34x128xi32, #tpu.memory_space<vmem>>, vector<16xi32>,
        %add3A_1444 = arith.constant 29 : i32
        %add3A_1445 = vector.broadcast %add3A_1444 : i32 to vector<16xi32>
        %add3A_1446 = arith.addi %mul3A_1241, %add3A_1445 : vector<16xi32>
        %swap3A_1447 = arith.constant 29 : i32
        %swap3A_1448 = arith.index_cast %swap3A_1447 : i32 to index
        %swap3A_1449 = arith.index_cast %mul3A_1233 : i32 to index
        %swap3A_1450 = tpu.vector_load %arg12[%swap3A_1448, %swap3A_1449] {strides = array<i32>} : memref<34x128xi32, #tpu.memory_space<vmem>>, vector<16xi32>,
        tpu.vector_store %arg12[%swap3A_1448, %swap3A_1449], %add3A_1446 {strides = array<i32>} : memref<34x128xi32, #tpu.memory_space<vmem>>, vector<16xi32>,
        %add3A_1451 = arith.constant 30 : i32
        %add3A_1452 = vector.broadcast %add3A_1451 : i32 to vector<16xi32>
        %add3A_1453 = arith.addi %mul3A_1241, %add3A_1452 : vector<16xi32>
        %swap3A_1454 = arith.constant 30 : i32
        %swap3A_1455 = arith.index_cast %swap3A_1454 : i32 to index
        %swap3A_1456 = arith.index_cast %mul3A_1233 : i32 to index
        %swap3A_1457 = tpu.vector_load %arg12[%swap3A_1455, %swap3A_1456] {strides = array<i32>} : memref<34x128xi32, #tpu.memory_space<vmem>>, vector<16xi32>,
        tpu.vector_store %arg12[%swap3A_1455, %swap3A_1456], %add3A_1453 {strides = array<i32>} : memref<34x128xi32, #tpu.memory_space<vmem>>, vector<16xi32>,
        %add3A_1458 = arith.constant 31 : i32
        %add3A_1459 = vector.broadcast %add3A_1458 : i32 to vector<16xi32>
        %add3A_1460 = arith.addi %mul3A_1241, %add3A_1459 : vector<16xi32>
        %swap3A_1461 = arith.constant 31 : i32
        %swap3A_1462 = arith.index_cast %swap3A_1461 : i32 to index
        %swap3A_1463 = arith.index_cast %mul3A_1233 : i32 to index
        %swap3A_1464 = tpu.vector_load %arg12[%swap3A_1462, %swap3A_1463] {strides = array<i32>} : memref<34x128xi32, #tpu.memory_space<vmem>>, vector<16xi32>,
        tpu.vector_store %arg12[%swap3A_1462, %swap3A_1463], %add3A_1460 {strides = array<i32>} : memref<34x128xi32, #tpu.memory_space<vmem>>, vector<16xi32>,
        %add3A_1465 = arith.constant 32 : i32
        %add3A_1466 = vector.broadcast %add3A_1465 : i32 to vector<16xi32>
        %add3A_1467 = arith.addi %mul3A_1241, %add3A_1466 : vector<16xi32>
        %swap3A_1468 = arith.constant 32 : i32
        %swap3A_1469 = arith.index_cast %swap3A_1468 : i32 to index
        %swap3A_1470 = arith.index_cast %mul3A_1233 : i32 to index
        %swap3A_1471 = tpu.vector_load %arg12[%swap3A_1469, %swap3A_1470] {strides = array<i32>} : memref<34x128xi32, #tpu.memory_space<vmem>>, vector<16xi32>,
        tpu.vector_store %arg12[%swap3A_1469, %swap3A_1470], %add3A_1467 {strides = array<i32>} : memref<34x128xi32, #tpu.memory_space<vmem>>, vector<16xi32>,
        %add3A_1472 = arith.constant 33 : i32
        %add3A_1473 = vector.broadcast %add3A_1472 : i32 to vector<16xi32>
        %add3A_1474 = arith.addi %mul3A_1241, %add3A_1473 : vector<16xi32>
        %swap3A_1475 = arith.constant 33 : i32
        %swap3A_1476 = arith.index_cast %swap3A_1475 : i32 to index
        %swap3A_1477 = arith.index_cast %mul3A_1233 : i32 to index
        %swap3A_1478 = tpu.vector_load %arg12[%swap3A_1476, %swap3A_1477] {strides = array<i32>} : memref<34x128xi32, #tpu.memory_space<vmem>>, vector<16xi32>,
        tpu.vector_store %arg12[%swap3A_1476, %swap3A_1477], %add3A_1474 {strides = array<i32>} : memref<34x128xi32, #tpu.memory_space<vmem>>, vector<16xi32>,
        %mul3A_1479 = arith.constant 17 : i32
        %mul3A_1480 = vector.broadcast %mul3A_1479 : i32 to vector<16xi32>
        %mul3A_1481 = arith.muli %add3A_1238, %mul3A_1480 : vector<16xi32>
        %add3A_1482 = arith.constant 0 : i32
        %add3A_1483 = vector.broadcast %add3A_1482 : i32 to vector<16xi32>
        %add3A_1484 = arith.addi %mul3A_1481, %add3A_1483 : vector<16xi32>
        %swap3A_1485 = arith.constant 0 : i32
        %swap3A_1486 = arith.index_cast %swap3A_1485 : i32 to index
        %swap3A_1487 = arith.index_cast %mul3A_1233 : i32 to index
        %swap3A_1488 = tpu.vector_load %arg13[%swap3A_1486, %swap3A_1487] {strides = array<i32>} : memref<17x128xi32, #tpu.memory_space<vmem>>, vector<16xi32>,
        tpu.vector_store %arg13[%swap3A_1486, %swap3A_1487], %add3A_1484 {strides = array<i32>} : memref<17x128xi32, #tpu.memory_space<vmem>>, vector<16xi32>,
        %add3A_1489 = arith.constant 1 : i32
        %add3A_1490 = vector.broadcast %add3A_1489 : i32 to vector<16xi32>
        %add3A_1491 = arith.addi %mul3A_1481, %add3A_1490 : vector<16xi32>
        %swap3A_1492 = arith.constant 1 : i32
        %swap3A_1493 = arith.index_cast %swap3A_1492 : i32 to index
        %swap3A_1494 = arith.index_cast %mul3A_1233 : i32 to index
        %swap3A_1495 = tpu.vector_load %arg13[%swap3A_1493, %swap3A_1494] {strides = array<i32>} : memref<17x128xi32, #tpu.memory_space<vmem>>, vector<16xi32>,
        tpu.vector_store %arg13[%swap3A_1493, %swap3A_1494], %add3A_1491 {strides = array<i32>} : memref<17x128xi32, #tpu.memory_space<vmem>>, vector<16xi32>,
        %add3A_1496 = arith.constant 2 : i32
        %add3A_1497 = vector.broadcast %add3A_1496 : i32 to vector<16xi32>
        %add3A_1498 = arith.addi %mul3A_1481, %add3A_1497 : vector<16xi32>
        %swap3A_1499 = arith.constant 2 : i32
        %swap3A_1500 = arith.index_cast %swap3A_1499 : i32 to index
        %swap3A_1501 = arith.index_cast %mul3A_1233 : i32 to index
        %swap3A_1502 = tpu.vector_load %arg13[%swap3A_1500, %swap3A_1501] {strides = array<i32>} : memref<17x128xi32, #tpu.memory_space<vmem>>, vector<16xi32>,
        tpu.vector_store %arg13[%swap3A_1500, %swap3A_1501], %add3A_1498 {strides = array<i32>} : memref<17x128xi32, #tpu.memory_space<vmem>>, vector<16xi32>,
        %add3A_1503 = arith.constant 3 : i32
        %add3A_1504 = vector.broadcast %add3A_1503 : i32 to vector<16xi32>
        %add3A_1505 = arith.addi %mul3A_1481, %add3A_1504 : vector<16xi32>
        %swap3A_1506 = arith.constant 3 : i32
        %swap3A_1507 = arith.index_cast %swap3A_1506 : i32 to index
        %swap3A_1508 = arith.index_cast %mul3A_1233 : i32 to index
        %swap3A_1509 = tpu.vector_load %arg13[%swap3A_1507, %swap3A_1508] {strides = array<i32>} : memref<17x128xi32, #tpu.memory_space<vmem>>, vector<16xi32>,
        tpu.vector_store %arg13[%swap3A_1507, %swap3A_1508], %add3A_1505 {strides = array<i32>} : memref<17x128xi32, #tpu.memory_space<vmem>>, vector<16xi32>,
        %add3A_1510 = arith.constant 4 : i32
        %add3A_1511 = vector.broadcast %add3A_1510 : i32 to vector<16xi32>
        %add3A_1512 = arith.addi %mul3A_1481, %add3A_1511 : vector<16xi32>
        %swap3A_1513 = arith.constant 4 : i32
        %swap3A_1514 = arith.index_cast %swap3A_1513 : i32 to index
        %swap3A_1515 = arith.index_cast %mul3A_1233 : i32 to index
        %swap3A_1516 = tpu.vector_load %arg13[%swap3A_1514, %swap3A_1515] {strides = array<i32>} : memref<17x128xi32, #tpu.memory_space<vmem>>, vector<16xi32>,
        tpu.vector_store %arg13[%swap3A_1514, %swap3A_1515], %add3A_1512 {strides = array<i32>} : memref<17x128xi32, #tpu.memory_space<vmem>>, vector<16xi32>,
        %add3A_1517 = arith.constant 5 : i32
        %add3A_1518 = vector.broadcast %add3A_1517 : i32 to vector<16xi32>
        %add3A_1519 = arith.addi %mul3A_1481, %add3A_1518 : vector<16xi32>
        %swap3A_1520 = arith.constant 5 : i32
        %swap3A_1521 = arith.index_cast %swap3A_1520 : i32 to index
        %swap3A_1522 = arith.index_cast %mul3A_1233 : i32 to index
        %swap3A_1523 = tpu.vector_load %arg13[%swap3A_1521, %swap3A_1522] {strides = array<i32>} : memref<17x128xi32, #tpu.memory_space<vmem>>, vector<16xi32>,
        tpu.vector_store %arg13[%swap3A_1521, %swap3A_1522], %add3A_1519 {strides = array<i32>} : memref<17x128xi32, #tpu.memory_space<vmem>>, vector<16xi32>,
        %add3A_1524 = arith.constant 6 : i32
        %add3A_1525 = vector.broadcast %add3A_1524 : i32 to vector<16xi32>
        %add3A_1526 = arith.addi %mul3A_1481, %add3A_1525 : vector<16xi32>
        %swap3A_1527 = arith.constant 6 : i32
        %swap3A_1528 = arith.index_cast %swap3A_1527 : i32 to index
        %swap3A_1529 = arith.index_cast %mul3A_1233 : i32 to index
        %swap3A_1530 = tpu.vector_load %arg13[%swap3A_1528, %swap3A_1529] {strides = array<i32>} : memref<17x128xi32, #tpu.memory_space<vmem>>, vector<16xi32>,
        tpu.vector_store %arg13[%swap3A_1528, %swap3A_1529], %add3A_1526 {strides = array<i32>} : memref<17x128xi32, #tpu.memory_space<vmem>>, vector<16xi32>,
        %add3A_1531 = arith.constant 7 : i32
        %add3A_1532 = vector.broadcast %add3A_1531 : i32 to vector<16xi32>
        %add3A_1533 = arith.addi %mul3A_1481, %add3A_1532 : vector<16xi32>
        %swap3A_1534 = arith.constant 7 : i32
        %swap3A_1535 = arith.index_cast %swap3A_1534 : i32 to index
        %swap3A_1536 = arith.index_cast %mul3A_1233 : i32 to index
        %swap3A_1537 = tpu.vector_load %arg13[%swap3A_1535, %swap3A_1536] {strides = array<i32>} : memref<17x128xi32, #tpu.memory_space<vmem>>, vector<16xi32>,
        tpu.vector_store %arg13[%swap3A_1535, %swap3A_1536], %add3A_1533 {strides = array<i32>} : memref<17x128xi32, #tpu.memory_space<vmem>>, vector<16xi32>,
        %add3A_1538 = arith.constant 8 : i32
        %add3A_1539 = vector.broadcast %add3A_1538 : i32 to vector<16xi32>
        %add3A_1540 = arith.addi %mul3A_1481, %add3A_1539 : vector<16xi32>
        %swap3A_1541 = arith.constant 8 : i32
        %swap3A_1542 = arith.index_cast %swap3A_1541 : i32 to index
        %swap3A_1543 = arith.index_cast %mul3A_1233 : i32 to index
        %swap3A_1544 = tpu.vector_load %arg13[%swap3A_1542, %swap3A_1543] {strides = array<i32>} : memref<17x128xi32, #tpu.memory_space<vmem>>, vector<16xi32>,
        tpu.vector_store %arg13[%swap3A_1542, %swap3A_1543], %add3A_1540 {strides = array<i32>} : memref<17x128xi32, #tpu.memory_space<vmem>>, vector<16xi32>,
        %add3A_1545 = arith.constant 9 : i32
        %add3A_1546 = vector.broadcast %add3A_1545 : i32 to vector<16xi32>
        %add3A_1547 = arith.addi %mul3A_1481, %add3A_1546 : vector<16xi32>
        %swap3A_1548 = arith.constant 9 : i32
        %swap3A_1549 = arith.index_cast %swap3A_1548 : i32 to index
        %swap3A_1550 = arith.index_cast %mul3A_1233 : i32 to index
        %swap3A_1551 = tpu.vector_load %arg13[%swap3A_1549, %swap3A_1550] {strides = array<i32>} : memref<17x128xi32, #tpu.memory_space<vmem>>, vector<16xi32>,
        tpu.vector_store %arg13[%swap3A_1549, %swap3A_1550], %add3A_1547 {strides = array<i32>} : memref<17x128xi32, #tpu.memory_space<vmem>>, vector<16xi32>,
        %add3A_1552 = arith.constant 10 : i32
        %add3A_1553 = vector.broadcast %add3A_1552 : i32 to vector<16xi32>
        %add3A_1554 = arith.addi %mul3A_1481, %add3A_1553 : vector<16xi32>
        %swap3A_1555 = arith.constant 10 : i32
        %swap3A_1556 = arith.index_cast %swap3A_1555 : i32 to index
        %swap3A_1557 = arith.index_cast %mul3A_1233 : i32 to index
        %swap3A_1558 = tpu.vector_load %arg13[%swap3A_1556, %swap3A_1557] {strides = array<i32>} : memref<17x128xi32, #tpu.memory_space<vmem>>, vector<16xi32>,
        tpu.vector_store %arg13[%swap3A_1556, %swap3A_1557], %add3A_1554 {strides = array<i32>} : memref<17x128xi32, #tpu.memory_space<vmem>>, vector<16xi32>,
        %add3A_1559 = arith.constant 11 : i32
        %add3A_1560 = vector.broadcast %add3A_1559 : i32 to vector<16xi32>
        %add3A_1561 = arith.addi %mul3A_1481, %add3A_1560 : vector<16xi32>
        %swap3A_1562 = arith.constant 11 : i32
        %swap3A_1563 = arith.index_cast %swap3A_1562 : i32 to index
        %swap3A_1564 = arith.index_cast %mul3A_1233 : i32 to index
        %swap3A_1565 = tpu.vector_load %arg13[%swap3A_1563, %swap3A_1564] {strides = array<i32>} : memref<17x128xi32, #tpu.memory_space<vmem>>, vector<16xi32>,
        tpu.vector_store %arg13[%swap3A_1563, %swap3A_1564], %add3A_1561 {strides = array<i32>} : memref<17x128xi32, #tpu.memory_space<vmem>>, vector<16xi32>,
        %add3A_1566 = arith.constant 12 : i32
        %add3A_1567 = vector.broadcast %add3A_1566 : i32 to vector<16xi32>
        %add3A_1568 = arith.addi %mul3A_1481, %add3A_1567 : vector<16xi32>
        %swap3A_1569 = arith.constant 12 : i32
        %swap3A_1570 = arith.index_cast %swap3A_1569 : i32 to index
        %swap3A_1571 = arith.index_cast %mul3A_1233 : i32 to index
        %swap3A_1572 = tpu.vector_load %arg13[%swap3A_1570, %swap3A_1571] {strides = array<i32>} : memref<17x128xi32, #tpu.memory_space<vmem>>, vector<16xi32>,
        tpu.vector_store %arg13[%swap3A_1570, %swap3A_1571], %add3A_1568 {strides = array<i32>} : memref<17x128xi32, #tpu.memory_space<vmem>>, vector<16xi32>,
        %add3A_1573 = arith.constant 13 : i32
        %add3A_1574 = vector.broadcast %add3A_1573 : i32 to vector<16xi32>
        %add3A_1575 = arith.addi %mul3A_1481, %add3A_1574 : vector<16xi32>
        %swap3A_1576 = arith.constant 13 : i32
        %swap3A_1577 = arith.index_cast %swap3A_1576 : i32 to index
        %swap3A_1578 = arith.index_cast %mul3A_1233 : i32 to index
        %swap3A_1579 = tpu.vector_load %arg13[%swap3A_1577, %swap3A_1578] {strides = array<i32>} : memref<17x128xi32, #tpu.memory_space<vmem>>, vector<16xi32>,
        tpu.vector_store %arg13[%swap3A_1577, %swap3A_1578], %add3A_1575 {strides = array<i32>} : memref<17x128xi32, #tpu.memory_space<vmem>>, vector<16xi32>,
        %add3A_1580 = arith.constant 14 : i32
        %add3A_1581 = vector.broadcast %add3A_1580 : i32 to vector<16xi32>
        %add3A_1582 = arith.addi %mul3A_1481, %add3A_1581 : vector<16xi32>
        %swap3A_1583 = arith.constant 14 : i32
        %swap3A_1584 = arith.index_cast %swap3A_1583 : i32 to index
        %swap3A_1585 = arith.index_cast %mul3A_1233 : i32 to index
        %swap3A_1586 = tpu.vector_load %arg13[%swap3A_1584, %swap3A_1585] {strides = array<i32>} : memref<17x128xi32, #tpu.memory_space<vmem>>, vector<16xi32>,
        tpu.vector_store %arg13[%swap3A_1584, %swap3A_1585], %add3A_1582 {strides = array<i32>} : memref<17x128xi32, #tpu.memory_space<vmem>>, vector<16xi32>,
        %add3A_1587 = arith.constant 15 : i32
        %add3A_1588 = vector.broadcast %add3A_1587 : i32 to vector<16xi32>
        %add3A_1589 = arith.addi %mul3A_1481, %add3A_1588 : vector<16xi32>
        %swap3A_1590 = arith.constant 15 : i32
        %swap3A_1591 = arith.index_cast %swap3A_1590 : i32 to index
        %swap3A_1592 = arith.index_cast %mul3A_1233 : i32 to index
        %swap3A_1593 = tpu.vector_load %arg13[%swap3A_1591, %swap3A_1592] {strides = array<i32>} : memref<17x128xi32, #tpu.memory_space<vmem>>, vector<16xi32>,
        tpu.vector_store %arg13[%swap3A_1591, %swap3A_1592], %add3A_1589 {strides = array<i32>} : memref<17x128xi32, #tpu.memory_space<vmem>>, vector<16xi32>,
        %add3A_1594 = arith.constant 16 : i32
        %add3A_1595 = vector.broadcast %add3A_1594 : i32 to vector<16xi32>
        %add3A_1596 = arith.addi %mul3A_1481, %add3A_1595 : vector<16xi32>
        %swap3A_1597 = arith.constant 16 : i32
        %swap3A_1598 = arith.index_cast %swap3A_1597 : i32 to index
        %swap3A_1599 = arith.index_cast %mul3A_1233 : i32 to index
        %swap3A_1600 = tpu.vector_load %arg13[%swap3A_1598, %swap3A_1599] {strides = array<i32>} : memref<17x128xi32, #tpu.memory_space<vmem>>, vector<16xi32>,
        tpu.vector_store %arg13[%swap3A_1598, %swap3A_1599], %add3A_1596 {strides = array<i32>} : memref<17x128xi32, #tpu.memory_space<vmem>>, vector<16xi32>,
        %mul3A_1601 = arith.constant 4 : i32
        %mul3A_1602 = vector.broadcast %mul3A_1601 : i32 to vector<16xi32>
        %mul3A_1603 = arith.muli %add3A_1238, %mul3A_1602 : vector<16xi32>
        %add3A_1604 = arith.constant 0 : i32
        %add3A_1605 = vector.broadcast %add3A_1604 : i32 to vector<16xi32>
        %add3A_1606 = arith.addi %mul3A_1603, %add3A_1605 : vector<16xi32>
        %swap3A_1607 = arith.constant 0 : i32
        %swap3A_1608 = arith.index_cast %swap3A_1607 : i32 to index
        %swap3A_1609 = arith.index_cast %mul3A_1233 : i32 to index
        %swap3A_1610 = tpu.vector_load %arg14[%swap3A_1608, %swap3A_1609] {strides = array<i32>} : memref<4x128xi32, #tpu.memory_space<vmem>>, vector<16xi32>,
        tpu.vector_store %arg14[%swap3A_1608, %swap3A_1609], %add3A_1606 {strides = array<i32>} : memref<4x128xi32, #tpu.memory_space<vmem>>, vector<16xi32>,
        %add3A_1611 = arith.constant 1 : i32
        %add3A_1612 = vector.broadcast %add3A_1611 : i32 to vector<16xi32>
        %add3A_1613 = arith.addi %mul3A_1603, %add3A_1612 : vector<16xi32>
        %swap3A_1614 = arith.constant 1 : i32
        %swap3A_1615 = arith.index_cast %swap3A_1614 : i32 to index
        %swap3A_1616 = arith.index_cast %mul3A_1233 : i32 to index
        %swap3A_1617 = tpu.vector_load %arg14[%swap3A_1615, %swap3A_1616] {strides = array<i32>} : memref<4x128xi32, #tpu.memory_space<vmem>>, vector<16xi32>,
        tpu.vector_store %arg14[%swap3A_1615, %swap3A_1616], %add3A_1613 {strides = array<i32>} : memref<4x128xi32, #tpu.memory_space<vmem>>, vector<16xi32>,
        %add3A_1618 = arith.constant 2 : i32
        %add3A_1619 = vector.broadcast %add3A_1618 : i32 to vector<16xi32>
        %add3A_1620 = arith.addi %mul3A_1603, %add3A_1619 : vector<16xi32>
        %swap3A_1621 = arith.constant 2 : i32
        %swap3A_1622 = arith.index_cast %swap3A_1621 : i32 to index
        %swap3A_1623 = arith.index_cast %mul3A_1233 : i32 to index
        %swap3A_1624 = tpu.vector_load %arg14[%swap3A_1622, %swap3A_1623] {strides = array<i32>} : memref<4x128xi32, #tpu.memory_space<vmem>>, vector<16xi32>,
        tpu.vector_store %arg14[%swap3A_1622, %swap3A_1623], %add3A_1620 {strides = array<i32>} : memref<4x128xi32, #tpu.memory_space<vmem>>, vector<16xi32>,
        %add3A_1625 = arith.constant 3 : i32
        %add3A_1626 = vector.broadcast %add3A_1625 : i32 to vector<16xi32>
        %add3A_1627 = arith.addi %mul3A_1603, %add3A_1626 : vector<16xi32>
        %swap3A_1628 = arith.constant 3 : i32
        %swap3A_1629 = arith.index_cast %swap3A_1628 : i32 to index
        %swap3A_1630 = arith.index_cast %mul3A_1233 : i32 to index
        %swap3A_1631 = tpu.vector_load %arg14[%swap3A_1629, %swap3A_1630] {strides = array<i32>} : memref<4x128xi32, #tpu.memory_space<vmem>>, vector<16xi32>,
        tpu.vector_store %arg14[%swap3A_1629, %swap3A_1630], %add3A_1627 {strides = array<i32>} : memref<4x128xi32, #tpu.memory_space<vmem>>, vector<16xi32>,
        %mul3A_1632 = arith.constant 2 : i32
        %mul3A_1633 = vector.broadcast %mul3A_1632 : i32 to vector<16xi32>
        %mul3A_1634 = arith.muli %get3A_1234, %mul3A_1633 : vector<16xi32>
        %add3A_1635 = arith.constant 0 : i32
        %add3A_1636 = vector.broadcast %add3A_1635 : i32 to vector<16xi32>
        %add3A_1637 = arith.addi %mul3A_1634, %add3A_1636 : vector<16xi32>
        %swap3A_1638 = arith.constant 0 : i32
        %swap3A_1639 = arith.index_cast %swap3A_1638 : i32 to index
        %swap3A_1640 = arith.index_cast %mul3A_1233 : i32 to index
        %swap3A_1641 = tpu.vector_load %arg15[%swap3A_1639, %swap3A_1640] {strides = array<i32>} : memref<2x128xi32, #tpu.memory_space<vmem>>, vector<16xi32>,
        tpu.vector_store %arg15[%swap3A_1639, %swap3A_1640], %add3A_1637 {strides = array<i32>} : memref<2x128xi32, #tpu.memory_space<vmem>>, vector<16xi32>,
        %add3A_1642 = arith.constant 1 : i32
        %add3A_1643 = vector.broadcast %add3A_1642 : i32 to vector<16xi32>
        %add3A_1644 = arith.addi %mul3A_1634, %add3A_1643 : vector<16xi32>
        %swap3A_1645 = arith.constant 1 : i32
        %swap3A_1646 = arith.index_cast %swap3A_1645 : i32 to index
        %swap3A_1647 = arith.index_cast %mul3A_1233 : i32 to index
        %swap3A_1648 = tpu.vector_load %arg15[%swap3A_1646, %swap3A_1647] {strides = array<i32>} : memref<2x128xi32, #tpu.memory_space<vmem>>, vector<16xi32>,
        tpu.vector_store %arg15[%swap3A_1646, %swap3A_1647], %add3A_1644 {strides = array<i32>} : memref<2x128xi32, #tpu.memory_space<vmem>>, vector<16xi32>,
        %swap3A_1649 = arith.constant 0 : i32
        %swap3A_1650 = arith.index_cast %swap3A_1649 : i32 to index
        %swap3A_1651 = arith.index_cast %mul3A_1233 : i32 to index
        %swap3A_1652 = tpu.vector_load %arg16[%swap3A_1650, %swap3A_1651] {strides = array<i32>} : memref<1x128xi32, #tpu.memory_space<vmem>>, vector<16xi32>,
        tpu.vector_store %arg16[%swap3A_1650, %swap3A_1651], %get3A_1234 {strides = array<i32>} : memref<1x128xi32, #tpu.memory_space<vmem>>, vector<16xi32>,
      }
      %scan3A_50 = arith.constant 8 : i32
      %dma_start3A = arith.constant 0 : i32
      %dma_start3A_51 = arith.constant 0 : i32
      %dma_start3A_52 = arith.constant 0 : i32
      %dma_start3A_53 = tpu.memref_slice %arg17[%dma_start3A_51, %dma_start3A_52] : memref<34x128xf32, #tpu.memory_space<vmem>> -> memref<1x128xf32, #tpu.memory_space<vmem>>
      %dma_start3A_54 = tpu.memref_squeeze %dma_start3A_53 : memref<1x128xf32, #tpu.memory_space<vmem>> -> memref<128xf32, #tpu.memory_space<vmem>>
      %dma_start3A_55 = arith.constant 0 : i32
      %dma_start3A_56 = tpu.memref_slice %arg12[%dma_start3A, %dma_start3A_55] : memref<34x128xi32, #tpu.memory_space<vmem>> -> memref<1x128xi32, #tpu.memory_space<vmem>>
      %dma_start3A_57 = tpu.memref_squeeze %dma_start3A_56 : memref<1x128xi32, #tpu.memory_space<vmem>> -> memref<128xi32, #tpu.memory_space<vmem>>
      %dma_start3A_58 = arith.constant 0 : i32
      %dma_start3A_59 = tpu.memref_slice %arg4[%dma_start3A_58] : memref<5440000xf32, #tpu.memory_space<hbm>> -> memref<5440000xf32, #tpu.memory_space<hbm>>
      tpu.enqueue_indirect_dma source(%dma_start3A_59 : memref<5440000xf32, #tpu.memory_space<hbm>>) target(%dma_start3A_54 : memref<128xf32, #tpu.memory_space<vmem>>) offsets(%dma_start3A_57 : memref<128xi32, #tpu.memory_space<vmem>>) semaphore(%arg25 : memref<!tpu.dma_semaphore, #tpu.memory_space<semaphore_mem>>)
      %dma_start3A_60 = arith.constant 1 : i32
      %dma_start3A_61 = arith.constant 1 : i32
      %dma_start3A_62 = arith.constant 0 : i32
      %dma_start3A_63 = tpu.memref_slice %arg17[%dma_start3A_61, %dma_start3A_62] : memref<34x128xf32, #tpu.memory_space<vmem>> -> memref<1x128xf32, #tpu.memory_space<vmem>>
      %dma_start3A_64 = tpu.memref_squeeze %dma_start3A_63 : memref<1x128xf32, #tpu.memory_space<vmem>> -> memref<128xf32, #tpu.memory_space<vmem>>
      %dma_start3A_65 = arith.constant 0 : i32
      %dma_start3A_66 = tpu.memref_slice %arg12[%dma_start3A_60, %dma_start3A_65] : memref<34x128xi32, #tpu.memory_space<vmem>> -> memref<1x128xi32, #tpu.memory_space<vmem>>
      %dma_start3A_67 = tpu.memref_squeeze %dma_start3A_66 : memref<1x128xi32, #tpu.memory_space<vmem>> -> memref<128xi32, #tpu.memory_space<vmem>>
      %dma_start3A_68 = arith.constant 0 : i32
      %dma_start3A_69 = tpu.memref_slice %arg4[%dma_start3A_68] : memref<5440000xf32, #tpu.memory_space<hbm>> -> memref<5440000xf32, #tpu.memory_space<hbm>>
      tpu.enqueue_indirect_dma source(%dma_start3A_69 : memref<5440000xf32, #tpu.memory_space<hbm>>) target(%dma_start3A_64 : memref<128xf32, #tpu.memory_space<vmem>>) offsets(%dma_start3A_67 : memref<128xi32, #tpu.memory_space<vmem>>) semaphore(%arg25 : memref<!tpu.dma_semaphore, #tpu.memory_space<semaphore_mem>>)
      %dma_start3A_70 = arith.constant 2 : i32
      %dma_start3A_71 = arith.constant 2 : i32
      %dma_start3A_72 = arith.constant 0 : i32
      %dma_start3A_73 = tpu.memref_slice %arg17[%dma_start3A_71, %dma_start3A_72] : memref<34x128xf32, #tpu.memory_space<vmem>> -> memref<1x128xf32, #tpu.memory_space<vmem>>
      %dma_start3A_74 = tpu.memref_squeeze %dma_start3A_73 : memref<1x128xf32, #tpu.memory_space<vmem>> -> memref<128xf32, #tpu.memory_space<vmem>>
      %dma_start3A_75 = arith.constant 0 : i32
      %dma_start3A_76 = tpu.memref_slice %arg12[%dma_start3A_70, %dma_start3A_75] : memref<34x128xi32, #tpu.memory_space<vmem>> -> memref<1x128xi32, #tpu.memory_space<vmem>>
      %dma_start3A_77 = tpu.memref_squeeze %dma_start3A_76 : memref<1x128xi32, #tpu.memory_space<vmem>> -> memref<128xi32, #tpu.memory_space<vmem>>
      %dma_start3A_78 = arith.constant 0 : i32
      %dma_start3A_79 = tpu.memref_slice %arg4[%dma_start3A_78] : memref<5440000xf32, #tpu.memory_space<hbm>> -> memref<5440000xf32, #tpu.memory_space<hbm>>
      tpu.enqueue_indirect_dma source(%dma_start3A_79 : memref<5440000xf32, #tpu.memory_space<hbm>>) target(%dma_start3A_74 : memref<128xf32, #tpu.memory_space<vmem>>) offsets(%dma_start3A_77 : memref<128xi32, #tpu.memory_space<vmem>>) semaphore(%arg25 : memref<!tpu.dma_semaphore, #tpu.memory_space<semaphore_mem>>)
      %dma_start3A_80 = arith.constant 3 : i32
      %dma_start3A_81 = arith.constant 3 : i32
      %dma_start3A_82 = arith.constant 0 : i32
      %dma_start3A_83 = tpu.memref_slice %arg17[%dma_start3A_81, %dma_start3A_82] : memref<34x128xf32, #tpu.memory_space<vmem>> -> memref<1x128xf32, #tpu.memory_space<vmem>>
      %dma_start3A_84 = tpu.memref_squeeze %dma_start3A_83 : memref<1x128xf32, #tpu.memory_space<vmem>> -> memref<128xf32, #tpu.memory_space<vmem>>
      %dma_start3A_85 = arith.constant 0 : i32
      %dma_start3A_86 = tpu.memref_slice %arg12[%dma_start3A_80, %dma_start3A_85] : memref<34x128xi32, #tpu.memory_space<vmem>> -> memref<1x128xi32, #tpu.memory_space<vmem>>
      %dma_start3A_87 = tpu.memref_squeeze %dma_start3A_86 : memref<1x128xi32, #tpu.memory_space<vmem>> -> memref<128xi32, #tpu.memory_space<vmem>>
      %dma_start3A_88 = arith.constant 0 : i32
      %dma_start3A_89 = tpu.memref_slice %arg4[%dma_start3A_88] : memref<5440000xf32, #tpu.memory_space<hbm>> -> memref<5440000xf32, #tpu.memory_space<hbm>>
      tpu.enqueue_indirect_dma source(%dma_start3A_89 : memref<5440000xf32, #tpu.memory_space<hbm>>) target(%dma_start3A_84 : memref<128xf32, #tpu.memory_space<vmem>>) offsets(%dma_start3A_87 : memref<128xi32, #tpu.memory_space<vmem>>) semaphore(%arg25 : memref<!tpu.dma_semaphore, #tpu.memory_space<semaphore_mem>>)
      %dma_start3A_90 = arith.constant 4 : i32
      %dma_start3A_91 = arith.constant 4 : i32
      %dma_start3A_92 = arith.constant 0 : i32
      %dma_start3A_93 = tpu.memref_slice %arg17[%dma_start3A_91, %dma_start3A_92] : memref<34x128xf32, #tpu.memory_space<vmem>> -> memref<1x128xf32, #tpu.memory_space<vmem>>
      %dma_start3A_94 = tpu.memref_squeeze %dma_start3A_93 : memref<1x128xf32, #tpu.memory_space<vmem>> -> memref<128xf32, #tpu.memory_space<vmem>>
      %dma_start3A_95 = arith.constant 0 : i32
      %dma_start3A_96 = tpu.memref_slice %arg12[%dma_start3A_90, %dma_start3A_95] : memref<34x128xi32, #tpu.memory_space<vmem>> -> memref<1x128xi32, #tpu.memory_space<vmem>>
      %dma_start3A_97 = tpu.memref_squeeze %dma_start3A_96 : memref<1x128xi32, #tpu.memory_space<vmem>> -> memref<128xi32, #tpu.memory_space<vmem>>
      %dma_start3A_98 = arith.constant 0 : i32
      %dma_start3A_99 = tpu.memref_slice %arg4[%dma_start3A_98] : memref<5440000xf32, #tpu.memory_space<hbm>> -> memref<5440000xf32, #tpu.memory_space<hbm>>
      tpu.enqueue_indirect_dma source(%dma_start3A_99 : memref<5440000xf32, #tpu.memory_space<hbm>>) target(%dma_start3A_94 : memref<128xf32, #tpu.memory_space<vmem>>) offsets(%dma_start3A_97 : memref<128xi32, #tpu.memory_space<vmem>>) semaphore(%arg25 : memref<!tpu.dma_semaphore, #tpu.memory_space<semaphore_mem>>)
      %dma_start3A_100 = arith.constant 5 : i32
      %dma_start3A_101 = arith.constant 5 : i32
      %dma_start3A_102 = arith.constant 0 : i32
      %dma_start3A_103 = tpu.memref_slice %arg17[%dma_start3A_101, %dma_start3A_102] : memref<34x128xf32, #tpu.memory_space<vmem>> -> memref<1x128xf32, #tpu.memory_space<vmem>>
      %dma_start3A_104 = tpu.memref_squeeze %dma_start3A_103 : memref<1x128xf32, #tpu.memory_space<vmem>> -> memref<128xf32, #tpu.memory_space<vmem>>
      %dma_start3A_105 = arith.constant 0 : i32
      %dma_start3A_106 = tpu.memref_slice %arg12[%dma_start3A_100, %dma_start3A_105] : memref<34x128xi32, #tpu.memory_space<vmem>> -> memref<1x128xi32, #tpu.memory_space<vmem>>
      %dma_start3A_107 = tpu.memref_squeeze %dma_start3A_106 : memref<1x128xi32, #tpu.memory_space<vmem>> -> memref<128xi32, #tpu.memory_space<vmem>>
      %dma_start3A_108 = arith.constant 0 : i32
      %dma_start3A_109 = tpu.memref_slice %arg4[%dma_start3A_108] : memref<5440000xf32, #tpu.memory_space<hbm>> -> memref<5440000xf32, #tpu.memory_space<hbm>>
      tpu.enqueue_indirect_dma source(%dma_start3A_109 : memref<5440000xf32, #tpu.memory_space<hbm>>) target(%dma_start3A_104 : memref<128xf32, #tpu.memory_space<vmem>>) offsets(%dma_start3A_107 : memref<128xi32, #tpu.memory_space<vmem>>) semaphore(%arg25 : memref<!tpu.dma_semaphore, #tpu.memory_space<semaphore_mem>>)
      %dma_start3A_110 = arith.constant 6 : i32
      %dma_start3A_111 = arith.constant 6 : i32
      %dma_start3A_112 = arith.constant 0 : i32
      %dma_start3A_113 = tpu.memref_slice %arg17[%dma_start3A_111, %dma_start3A_112] : memref<34x128xf32, #tpu.memory_space<vmem>> -> memref<1x128xf32, #tpu.memory_space<vmem>>
      %dma_start3A_114 = tpu.memref_squeeze %dma_start3A_113 : memref<1x128xf32, #tpu.memory_space<vmem>> -> memref<128xf32, #tpu.memory_space<vmem>>
      %dma_start3A_115 = arith.constant 0 : i32
      %dma_start3A_116 = tpu.memref_slice %arg12[%dma_start3A_110, %dma_start3A_115] : memref<34x128xi32, #tpu.memory_space<vmem>> -> memref<1x128xi32, #tpu.memory_space<vmem>>
      %dma_start3A_117 = tpu.memref_squeeze %dma_start3A_116 : memref<1x128xi32, #tpu.memory_space<vmem>> -> memref<128xi32, #tpu.memory_space<vmem>>
      %dma_start3A_118 = arith.constant 0 : i32
      %dma_start3A_119 = tpu.memref_slice %arg4[%dma_start3A_118] : memref<5440000xf32, #tpu.memory_space<hbm>> -> memref<5440000xf32, #tpu.memory_space<hbm>>
      tpu.enqueue_indirect_dma source(%dma_start3A_119 : memref<5440000xf32, #tpu.memory_space<hbm>>) target(%dma_start3A_114 : memref<128xf32, #tpu.memory_space<vmem>>) offsets(%dma_start3A_117 : memref<128xi32, #tpu.memory_space<vmem>>) semaphore(%arg25 : memref<!tpu.dma_semaphore, #tpu.memory_space<semaphore_mem>>)
      %dma_start3A_120 = arith.constant 7 : i32
      %dma_start3A_121 = arith.constant 7 : i32
      %dma_start3A_122 = arith.constant 0 : i32
      %dma_start3A_123 = tpu.memref_slice %arg17[%dma_start3A_121, %dma_start3A_122] : memref<34x128xf32, #tpu.memory_space<vmem>> -> memref<1x128xf32, #tpu.memory_space<vmem>>
      %dma_start3A_124 = tpu.memref_squeeze %dma_start3A_123 : memref<1x128xf32, #tpu.memory_space<vmem>> -> memref<128xf32, #tpu.memory_space<vmem>>
      %dma_start3A_125 = arith.constant 0 : i32
      %dma_start3A_126 = tpu.memref_slice %arg12[%dma_start3A_120, %dma_start3A_125] : memref<34x128xi32, #tpu.memory_space<vmem>> -> memref<1x128xi32, #tpu.memory_space<vmem>>
      %dma_start3A_127 = tpu.memref_squeeze %dma_start3A_126 : memref<1x128xi32, #tpu.memory_space<vmem>> -> memref<128xi32, #tpu.memory_space<vmem>>
      %dma_start3A_128 = arith.constant 0 : i32
      %dma_start3A_129 = tpu.memref_slice %arg4[%dma_start3A_128] : memref<5440000xf32, #tpu.memory_space<hbm>> -> memref<5440000xf32, #tpu.memory_space<hbm>>
      tpu.enqueue_indirect_dma source(%dma_start3A_129 : memref<5440000xf32, #tpu.memory_space<hbm>>) target(%dma_start3A_124 : memref<128xf32, #tpu.memory_space<vmem>>) offsets(%dma_start3A_127 : memref<128xi32, #tpu.memory_space<vmem>>) semaphore(%arg25 : memref<!tpu.dma_semaphore, #tpu.memory_space<semaphore_mem>>)
      %dma_start3A_130 = arith.constant 8 : i32
      %dma_start3A_131 = arith.constant 8 : i32
      %dma_start3A_132 = arith.constant 0 : i32
      %dma_start3A_133 = tpu.memref_slice %arg17[%dma_start3A_131, %dma_start3A_132] : memref<34x128xf32, #tpu.memory_space<vmem>> -> memref<1x128xf32, #tpu.memory_space<vmem>>
      %dma_start3A_134 = tpu.memref_squeeze %dma_start3A_133 : memref<1x128xf32, #tpu.memory_space<vmem>> -> memref<128xf32, #tpu.memory_space<vmem>>
      %dma_start3A_135 = arith.constant 0 : i32
      %dma_start3A_136 = tpu.memref_slice %arg12[%dma_start3A_130, %dma_start3A_135] : memref<34x128xi32, #tpu.memory_space<vmem>> -> memref<1x128xi32, #tpu.memory_space<vmem>>
      %dma_start3A_137 = tpu.memref_squeeze %dma_start3A_136 : memref<1x128xi32, #tpu.memory_space<vmem>> -> memref<128xi32, #tpu.memory_space<vmem>>
      %dma_start3A_138 = arith.constant 0 : i32
      %dma_start3A_139 = tpu.memref_slice %arg4[%dma_start3A_138] : memref<5440000xf32, #tpu.memory_space<hbm>> -> memref<5440000xf32, #tpu.memory_space<hbm>>
      tpu.enqueue_indirect_dma source(%dma_start3A_139 : memref<5440000xf32, #tpu.memory_space<hbm>>) target(%dma_start3A_134 : memref<128xf32, #tpu.memory_space<vmem>>) offsets(%dma_start3A_137 : memref<128xi32, #tpu.memory_space<vmem>>) semaphore(%arg25 : memref<!tpu.dma_semaphore, #tpu.memory_space<semaphore_mem>>)
      %dma_start3A_140 = arith.constant 9 : i32
      %dma_start3A_141 = arith.constant 9 : i32
      %dma_start3A_142 = arith.constant 0 : i32
      %dma_start3A_143 = tpu.memref_slice %arg17[%dma_start3A_141, %dma_start3A_142] : memref<34x128xf32, #tpu.memory_space<vmem>> -> memref<1x128xf32, #tpu.memory_space<vmem>>
      %dma_start3A_144 = tpu.memref_squeeze %dma_start3A_143 : memref<1x128xf32, #tpu.memory_space<vmem>> -> memref<128xf32, #tpu.memory_space<vmem>>
      %dma_start3A_145 = arith.constant 0 : i32
      %dma_start3A_146 = tpu.memref_slice %arg12[%dma_start3A_140, %dma_start3A_145] : memref<34x128xi32, #tpu.memory_space<vmem>> -> memref<1x128xi32, #tpu.memory_space<vmem>>
      %dma_start3A_147 = tpu.memref_squeeze %dma_start3A_146 : memref<1x128xi32, #tpu.memory_space<vmem>> -> memref<128xi32, #tpu.memory_space<vmem>>
      %dma_start3A_148 = arith.constant 0 : i32
      %dma_start3A_149 = tpu.memref_slice %arg4[%dma_start3A_148] : memref<5440000xf32, #tpu.memory_space<hbm>> -> memref<5440000xf32, #tpu.memory_space<hbm>>
      tpu.enqueue_indirect_dma source(%dma_start3A_149 : memref<5440000xf32, #tpu.memory_space<hbm>>) target(%dma_start3A_144 : memref<128xf32, #tpu.memory_space<vmem>>) offsets(%dma_start3A_147 : memref<128xi32, #tpu.memory_space<vmem>>) semaphore(%arg25 : memref<!tpu.dma_semaphore, #tpu.memory_space<semaphore_mem>>)
      %dma_start3A_150 = arith.constant 10 : i32
      %dma_start3A_151 = arith.constant 10 : i32
      %dma_start3A_152 = arith.constant 0 : i32
      %dma_start3A_153 = tpu.memref_slice %arg17[%dma_start3A_151, %dma_start3A_152] : memref<34x128xf32, #tpu.memory_space<vmem>> -> memref<1x128xf32, #tpu.memory_space<vmem>>
      %dma_start3A_154 = tpu.memref_squeeze %dma_start3A_153 : memref<1x128xf32, #tpu.memory_space<vmem>> -> memref<128xf32, #tpu.memory_space<vmem>>
      %dma_start3A_155 = arith.constant 0 : i32
      %dma_start3A_156 = tpu.memref_slice %arg12[%dma_start3A_150, %dma_start3A_155] : memref<34x128xi32, #tpu.memory_space<vmem>> -> memref<1x128xi32, #tpu.memory_space<vmem>>
      %dma_start3A_157 = tpu.memref_squeeze %dma_start3A_156 : memref<1x128xi32, #tpu.memory_space<vmem>> -> memref<128xi32, #tpu.memory_space<vmem>>
      %dma_start3A_158 = arith.constant 0 : i32
      %dma_start3A_159 = tpu.memref_slice %arg4[%dma_start3A_158] : memref<5440000xf32, #tpu.memory_space<hbm>> -> memref<5440000xf32, #tpu.memory_space<hbm>>
      tpu.enqueue_indirect_dma source(%dma_start3A_159 : memref<5440000xf32, #tpu.memory_space<hbm>>) target(%dma_start3A_154 : memref<128xf32, #tpu.memory_space<vmem>>) offsets(%dma_start3A_157 : memref<128xi32, #tpu.memory_space<vmem>>) semaphore(%arg25 : memref<!tpu.dma_semaphore, #tpu.memory_space<semaphore_mem>>)
      %dma_start3A_160 = arith.constant 11 : i32
      %dma_start3A_161 = arith.constant 11 : i32
      %dma_start3A_162 = arith.constant 0 : i32
      %dma_start3A_163 = tpu.memref_slice %arg17[%dma_start3A_161, %dma_start3A_162] : memref<34x128xf32, #tpu.memory_space<vmem>> -> memref<1x128xf32, #tpu.memory_space<vmem>>
      %dma_start3A_164 = tpu.memref_squeeze %dma_start3A_163 : memref<1x128xf32, #tpu.memory_space<vmem>> -> memref<128xf32, #tpu.memory_space<vmem>>
      %dma_start3A_165 = arith.constant 0 : i32
      %dma_start3A_166 = tpu.memref_slice %arg12[%dma_start3A_160, %dma_start3A_165] : memref<34x128xi32, #tpu.memory_space<vmem>> -> memref<1x128xi32, #tpu.memory_space<vmem>>
      %dma_start3A_167 = tpu.memref_squeeze %dma_start3A_166 : memref<1x128xi32, #tpu.memory_space<vmem>> -> memref<128xi32, #tpu.memory_space<vmem>>
      %dma_start3A_168 = arith.constant 0 : i32
      %dma_start3A_169 = tpu.memref_slice %arg4[%dma_start3A_168] : memref<5440000xf32, #tpu.memory_space<hbm>> -> memref<5440000xf32, #tpu.memory_space<hbm>>
      tpu.enqueue_indirect_dma source(%dma_start3A_169 : memref<5440000xf32, #tpu.memory_space<hbm>>) target(%dma_start3A_164 : memref<128xf32, #tpu.memory_space<vmem>>) offsets(%dma_start3A_167 : memref<128xi32, #tpu.memory_space<vmem>>) semaphore(%arg25 : memref<!tpu.dma_semaphore, #tpu.memory_space<semaphore_mem>>)
      %dma_start3A_170 = arith.constant 12 : i32
      %dma_start3A_171 = arith.constant 12 : i32
      %dma_start3A_172 = arith.constant 0 : i32
      %dma_start3A_173 = tpu.memref_slice %arg17[%dma_start3A_171, %dma_start3A_172] : memref<34x128xf32, #tpu.memory_space<vmem>> -> memref<1x128xf32, #tpu.memory_space<vmem>>
      %dma_start3A_174 = tpu.memref_squeeze %dma_start3A_173 : memref<1x128xf32, #tpu.memory_space<vmem>> -> memref<128xf32, #tpu.memory_space<vmem>>
      %dma_start3A_175 = arith.constant 0 : i32
      %dma_start3A_176 = tpu.memref_slice %arg12[%dma_start3A_170, %dma_start3A_175] : memref<34x128xi32, #tpu.memory_space<vmem>> -> memref<1x128xi32, #tpu.memory_space<vmem>>
      %dma_start3A_177 = tpu.memref_squeeze %dma_start3A_176 : memref<1x128xi32, #tpu.memory_space<vmem>> -> memref<128xi32, #tpu.memory_space<vmem>>
      %dma_start3A_178 = arith.constant 0 : i32
      %dma_start3A_179 = tpu.memref_slice %arg4[%dma_start3A_178] : memref<5440000xf32, #tpu.memory_space<hbm>> -> memref<5440000xf32, #tpu.memory_space<hbm>>
      tpu.enqueue_indirect_dma source(%dma_start3A_179 : memref<5440000xf32, #tpu.memory_space<hbm>>) target(%dma_start3A_174 : memref<128xf32, #tpu.memory_space<vmem>>) offsets(%dma_start3A_177 : memref<128xi32, #tpu.memory_space<vmem>>) semaphore(%arg25 : memref<!tpu.dma_semaphore, #tpu.memory_space<semaphore_mem>>)
      %dma_start3A_180 = arith.constant 13 : i32
      %dma_start3A_181 = arith.constant 13 : i32
      %dma_start3A_182 = arith.constant 0 : i32
      %dma_start3A_183 = tpu.memref_slice %arg17[%dma_start3A_181, %dma_start3A_182] : memref<34x128xf32, #tpu.memory_space<vmem>> -> memref<1x128xf32, #tpu.memory_space<vmem>>
      %dma_start3A_184 = tpu.memref_squeeze %dma_start3A_183 : memref<1x128xf32, #tpu.memory_space<vmem>> -> memref<128xf32, #tpu.memory_space<vmem>>
      %dma_start3A_185 = arith.constant 0 : i32
      %dma_start3A_186 = tpu.memref_slice %arg12[%dma_start3A_180, %dma_start3A_185] : memref<34x128xi32, #tpu.memory_space<vmem>> -> memref<1x128xi32, #tpu.memory_space<vmem>>
      %dma_start3A_187 = tpu.memref_squeeze %dma_start3A_186 : memref<1x128xi32, #tpu.memory_space<vmem>> -> memref<128xi32, #tpu.memory_space<vmem>>
      %dma_start3A_188 = arith.constant 0 : i32
      %dma_start3A_189 = tpu.memref_slice %arg4[%dma_start3A_188] : memref<5440000xf32, #tpu.memory_space<hbm>> -> memref<5440000xf32, #tpu.memory_space<hbm>>
      tpu.enqueue_indirect_dma source(%dma_start3A_189 : memref<5440000xf32, #tpu.memory_space<hbm>>) target(%dma_start3A_184 : memref<128xf32, #tpu.memory_space<vmem>>) offsets(%dma_start3A_187 : memref<128xi32, #tpu.memory_space<vmem>>) semaphore(%arg25 : memref<!tpu.dma_semaphore, #tpu.memory_space<semaphore_mem>>)
      %dma_start3A_190 = arith.constant 14 : i32
      %dma_start3A_191 = arith.constant 14 : i32
      %dma_start3A_192 = arith.constant 0 : i32
      %dma_start3A_193 = tpu.memref_slice %arg17[%dma_start3A_191, %dma_start3A_192] : memref<34x128xf32, #tpu.memory_space<vmem>> -> memref<1x128xf32, #tpu.memory_space<vmem>>
      %dma_start3A_194 = tpu.memref_squeeze %dma_start3A_193 : memref<1x128xf32, #tpu.memory_space<vmem>> -> memref<128xf32, #tpu.memory_space<vmem>>
      %dma_start3A_195 = arith.constant 0 : i32
      %dma_start3A_196 = tpu.memref_slice %arg12[%dma_start3A_190, %dma_start3A_195] : memref<34x128xi32, #tpu.memory_space<vmem>> -> memref<1x128xi32, #tpu.memory_space<vmem>>
      %dma_start3A_197 = tpu.memref_squeeze %dma_start3A_196 : memref<1x128xi32, #tpu.memory_space<vmem>> -> memref<128xi32, #tpu.memory_space<vmem>>
      %dma_start3A_198 = arith.constant 0 : i32
      %dma_start3A_199 = tpu.memref_slice %arg4[%dma_start3A_198] : memref<5440000xf32, #tpu.memory_space<hbm>> -> memref<5440000xf32, #tpu.memory_space<hbm>>
      tpu.enqueue_indirect_dma source(%dma_start3A_199 : memref<5440000xf32, #tpu.memory_space<hbm>>) target(%dma_start3A_194 : memref<128xf32, #tpu.memory_space<vmem>>) offsets(%dma_start3A_197 : memref<128xi32, #tpu.memory_space<vmem>>) semaphore(%arg25 : memref<!tpu.dma_semaphore, #tpu.memory_space<semaphore_mem>>)
      %dma_start3A_200 = arith.constant 15 : i32
      %dma_start3A_201 = arith.constant 15 : i32
      %dma_start3A_202 = arith.constant 0 : i32
      %dma_start3A_203 = tpu.memref_slice %arg17[%dma_start3A_201, %dma_start3A_202] : memref<34x128xf32, #tpu.memory_space<vmem>> -> memref<1x128xf32, #tpu.memory_space<vmem>>
      %dma_start3A_204 = tpu.memref_squeeze %dma_start3A_203 : memref<1x128xf32, #tpu.memory_space<vmem>> -> memref<128xf32, #tpu.memory_space<vmem>>
      %dma_start3A_205 = arith.constant 0 : i32
      %dma_start3A_206 = tpu.memref_slice %arg12[%dma_start3A_200, %dma_start3A_205] : memref<34x128xi32, #tpu.memory_space<vmem>> -> memref<1x128xi32, #tpu.memory_space<vmem>>
      %dma_start3A_207 = tpu.memref_squeeze %dma_start3A_206 : memref<1x128xi32, #tpu.memory_space<vmem>> -> memref<128xi32, #tpu.memory_space<vmem>>
      %dma_start3A_208 = arith.constant 0 : i32
      %dma_start3A_209 = tpu.memref_slice %arg4[%dma_start3A_208] : memref<5440000xf32, #tpu.memory_space<hbm>> -> memref<5440000xf32, #tpu.memory_space<hbm>>
      tpu.enqueue_indirect_dma source(%dma_start3A_209 : memref<5440000xf32, #tpu.memory_space<hbm>>) target(%dma_start3A_204 : memref<128xf32, #tpu.memory_space<vmem>>) offsets(%dma_start3A_207 : memref<128xi32, #tpu.memory_space<vmem>>) semaphore(%arg25 : memref<!tpu.dma_semaphore, #tpu.memory_space<semaphore_mem>>)
      %dma_start3A_210 = arith.constant 16 : i32
      %dma_start3A_211 = arith.constant 16 : i32
      %dma_start3A_212 = arith.constant 0 : i32
      %dma_start3A_213 = tpu.memref_slice %arg17[%dma_start3A_211, %dma_start3A_212] : memref<34x128xf32, #tpu.memory_space<vmem>> -> memref<1x128xf32, #tpu.memory_space<vmem>>
      %dma_start3A_214 = tpu.memref_squeeze %dma_start3A_213 : memref<1x128xf32, #tpu.memory_space<vmem>> -> memref<128xf32, #tpu.memory_space<vmem>>
      %dma_start3A_215 = arith.constant 0 : i32
      %dma_start3A_216 = tpu.memref_slice %arg12[%dma_start3A_210, %dma_start3A_215] : memref<34x128xi32, #tpu.memory_space<vmem>> -> memref<1x128xi32, #tpu.memory_space<vmem>>
      %dma_start3A_217 = tpu.memref_squeeze %dma_start3A_216 : memref<1x128xi32, #tpu.memory_space<vmem>> -> memref<128xi32, #tpu.memory_space<vmem>>
      %dma_start3A_218 = arith.constant 0 : i32
      %dma_start3A_219 = tpu.memref_slice %arg4[%dma_start3A_218] : memref<5440000xf32, #tpu.memory_space<hbm>> -> memref<5440000xf32, #tpu.memory_space<hbm>>
      tpu.enqueue_indirect_dma source(%dma_start3A_219 : memref<5440000xf32, #tpu.memory_space<hbm>>) target(%dma_start3A_214 : memref<128xf32, #tpu.memory_space<vmem>>) offsets(%dma_start3A_217 : memref<128xi32, #tpu.memory_space<vmem>>) semaphore(%arg25 : memref<!tpu.dma_semaphore, #tpu.memory_space<semaphore_mem>>)
      %dma_start3A_220 = arith.constant 17 : i32
      %dma_start3A_221 = arith.constant 17 : i32
      %dma_start3A_222 = arith.constant 0 : i32
      %dma_start3A_223 = tpu.memref_slice %arg17[%dma_start3A_221, %dma_start3A_222] : memref<34x128xf32, #tpu.memory_space<vmem>> -> memref<1x128xf32, #tpu.memory_space<vmem>>
      %dma_start3A_224 = tpu.memref_squeeze %dma_start3A_223 : memref<1x128xf32, #tpu.memory_space<vmem>> -> memref<128xf32, #tpu.memory_space<vmem>>
      %dma_start3A_225 = arith.constant 0 : i32
      %dma_start3A_226 = tpu.memref_slice %arg12[%dma_start3A_220, %dma_start3A_225] : memref<34x128xi32, #tpu.memory_space<vmem>> -> memref<1x128xi32, #tpu.memory_space<vmem>>
      %dma_start3A_227 = tpu.memref_squeeze %dma_start3A_226 : memref<1x128xi32, #tpu.memory_space<vmem>> -> memref<128xi32, #tpu.memory_space<vmem>>
      %dma_start3A_228 = arith.constant 0 : i32
      %dma_start3A_229 = tpu.memref_slice %arg4[%dma_start3A_228] : memref<5440000xf32, #tpu.memory_space<hbm>> -> memref<5440000xf32, #tpu.memory_space<hbm>>
      tpu.enqueue_indirect_dma source(%dma_start3A_229 : memref<5440000xf32, #tpu.memory_space<hbm>>) target(%dma_start3A_224 : memref<128xf32, #tpu.memory_space<vmem>>) offsets(%dma_start3A_227 : memref<128xi32, #tpu.memory_space<vmem>>) semaphore(%arg25 : memref<!tpu.dma_semaphore, #tpu.memory_space<semaphore_mem>>)
      %dma_start3A_230 = arith.constant 18 : i32
      %dma_start3A_231 = arith.constant 18 : i32
      %dma_start3A_232 = arith.constant 0 : i32
      %dma_start3A_233 = tpu.memref_slice %arg17[%dma_start3A_231, %dma_start3A_232] : memref<34x128xf32, #tpu.memory_space<vmem>> -> memref<1x128xf32, #tpu.memory_space<vmem>>
      %dma_start3A_234 = tpu.memref_squeeze %dma_start3A_233 : memref<1x128xf32, #tpu.memory_space<vmem>> -> memref<128xf32, #tpu.memory_space<vmem>>
      %dma_start3A_235 = arith.constant 0 : i32
      %dma_start3A_236 = tpu.memref_slice %arg12[%dma_start3A_230, %dma_start3A_235] : memref<34x128xi32, #tpu.memory_space<vmem>> -> memref<1x128xi32, #tpu.memory_space<vmem>>
      %dma_start3A_237 = tpu.memref_squeeze %dma_start3A_236 : memref<1x128xi32, #tpu.memory_space<vmem>> -> memref<128xi32, #tpu.memory_space<vmem>>
      %dma_start3A_238 = arith.constant 0 : i32
      %dma_start3A_239 = tpu.memref_slice %arg4[%dma_start3A_238] : memref<5440000xf32, #tpu.memory_space<hbm>> -> memref<5440000xf32, #tpu.memory_space<hbm>>
      tpu.enqueue_indirect_dma source(%dma_start3A_239 : memref<5440000xf32, #tpu.memory_space<hbm>>) target(%dma_start3A_234 : memref<128xf32, #tpu.memory_space<vmem>>) offsets(%dma_start3A_237 : memref<128xi32, #tpu.memory_space<vmem>>) semaphore(%arg25 : memref<!tpu.dma_semaphore, #tpu.memory_space<semaphore_mem>>)
      %dma_start3A_240 = arith.constant 19 : i32
      %dma_start3A_241 = arith.constant 19 : i32
      %dma_start3A_242 = arith.constant 0 : i32
      %dma_start3A_243 = tpu.memref_slice %arg17[%dma_start3A_241, %dma_start3A_242] : memref<34x128xf32, #tpu.memory_space<vmem>> -> memref<1x128xf32, #tpu.memory_space<vmem>>
      %dma_start3A_244 = tpu.memref_squeeze %dma_start3A_243 : memref<1x128xf32, #tpu.memory_space<vmem>> -> memref<128xf32, #tpu.memory_space<vmem>>
      %dma_start3A_245 = arith.constant 0 : i32
      %dma_start3A_246 = tpu.memref_slice %arg12[%dma_start3A_240, %dma_start3A_245] : memref<34x128xi32, #tpu.memory_space<vmem>> -> memref<1x128xi32, #tpu.memory_space<vmem>>
      %dma_start3A_247 = tpu.memref_squeeze %dma_start3A_246 : memref<1x128xi32, #tpu.memory_space<vmem>> -> memref<128xi32, #tpu.memory_space<vmem>>
      %dma_start3A_248 = arith.constant 0 : i32
      %dma_start3A_249 = tpu.memref_slice %arg4[%dma_start3A_248] : memref<5440000xf32, #tpu.memory_space<hbm>> -> memref<5440000xf32, #tpu.memory_space<hbm>>
      tpu.enqueue_indirect_dma source(%dma_start3A_249 : memref<5440000xf32, #tpu.memory_space<hbm>>) target(%dma_start3A_244 : memref<128xf32, #tpu.memory_space<vmem>>) offsets(%dma_start3A_247 : memref<128xi32, #tpu.memory_space<vmem>>) semaphore(%arg25 : memref<!tpu.dma_semaphore, #tpu.memory_space<semaphore_mem>>)
      %dma_start3A_250 = arith.constant 20 : i32
      %dma_start3A_251 = arith.constant 20 : i32
      %dma_start3A_252 = arith.constant 0 : i32
      %dma_start3A_253 = tpu.memref_slice %arg17[%dma_start3A_251, %dma_start3A_252] : memref<34x128xf32, #tpu.memory_space<vmem>> -> memref<1x128xf32, #tpu.memory_space<vmem>>
      %dma_start3A_254 = tpu.memref_squeeze %dma_start3A_253 : memref<1x128xf32, #tpu.memory_space<vmem>> -> memref<128xf32, #tpu.memory_space<vmem>>
      %dma_start3A_255 = arith.constant 0 : i32
      %dma_start3A_256 = tpu.memref_slice %arg12[%dma_start3A_250, %dma_start3A_255] : memref<34x128xi32, #tpu.memory_space<vmem>> -> memref<1x128xi32, #tpu.memory_space<vmem>>
      %dma_start3A_257 = tpu.memref_squeeze %dma_start3A_256 : memref<1x128xi32, #tpu.memory_space<vmem>> -> memref<128xi32, #tpu.memory_space<vmem>>
      %dma_start3A_258 = arith.constant 0 : i32
      %dma_start3A_259 = tpu.memref_slice %arg4[%dma_start3A_258] : memref<5440000xf32, #tpu.memory_space<hbm>> -> memref<5440000xf32, #tpu.memory_space<hbm>>
      tpu.enqueue_indirect_dma source(%dma_start3A_259 : memref<5440000xf32, #tpu.memory_space<hbm>>) target(%dma_start3A_254 : memref<128xf32, #tpu.memory_space<vmem>>) offsets(%dma_start3A_257 : memref<128xi32, #tpu.memory_space<vmem>>) semaphore(%arg25 : memref<!tpu.dma_semaphore, #tpu.memory_space<semaphore_mem>>)
      %dma_start3A_260 = arith.constant 21 : i32
      %dma_start3A_261 = arith.constant 21 : i32
      %dma_start3A_262 = arith.constant 0 : i32
      %dma_start3A_263 = tpu.memref_slice %arg17[%dma_start3A_261, %dma_start3A_262] : memref<34x128xf32, #tpu.memory_space<vmem>> -> memref<1x128xf32, #tpu.memory_space<vmem>>
      %dma_start3A_264 = tpu.memref_squeeze %dma_start3A_263 : memref<1x128xf32, #tpu.memory_space<vmem>> -> memref<128xf32, #tpu.memory_space<vmem>>
      %dma_start3A_265 = arith.constant 0 : i32
      %dma_start3A_266 = tpu.memref_slice %arg12[%dma_start3A_260, %dma_start3A_265] : memref<34x128xi32, #tpu.memory_space<vmem>> -> memref<1x128xi32, #tpu.memory_space<vmem>>
      %dma_start3A_267 = tpu.memref_squeeze %dma_start3A_266 : memref<1x128xi32, #tpu.memory_space<vmem>> -> memref<128xi32, #tpu.memory_space<vmem>>
      %dma_start3A_268 = arith.constant 0 : i32
      %dma_start3A_269 = tpu.memref_slice %arg4[%dma_start3A_268] : memref<5440000xf32, #tpu.memory_space<hbm>> -> memref<5440000xf32, #tpu.memory_space<hbm>>
      tpu.enqueue_indirect_dma source(%dma_start3A_269 : memref<5440000xf32, #tpu.memory_space<hbm>>) target(%dma_start3A_264 : memref<128xf32, #tpu.memory_space<vmem>>) offsets(%dma_start3A_267 : memref<128xi32, #tpu.memory_space<vmem>>) semaphore(%arg25 : memref<!tpu.dma_semaphore, #tpu.memory_space<semaphore_mem>>)
      %dma_start3A_270 = arith.constant 22 : i32
      %dma_start3A_271 = arith.constant 22 : i32
      %dma_start3A_272 = arith.constant 0 : i32
      %dma_start3A_273 = tpu.memref_slice %arg17[%dma_start3A_271, %dma_start3A_272] : memref<34x128xf32, #tpu.memory_space<vmem>> -> memref<1x128xf32, #tpu.memory_space<vmem>>
      %dma_start3A_274 = tpu.memref_squeeze %dma_start3A_273 : memref<1x128xf32, #tpu.memory_space<vmem>> -> memref<128xf32, #tpu.memory_space<vmem>>
      %dma_start3A_275 = arith.constant 0 : i32
      %dma_start3A_276 = tpu.memref_slice %arg12[%dma_start3A_270, %dma_start3A_275] : memref<34x128xi32, #tpu.memory_space<vmem>> -> memref<1x128xi32, #tpu.memory_space<vmem>>
      %dma_start3A_277 = tpu.memref_squeeze %dma_start3A_276 : memref<1x128xi32, #tpu.memory_space<vmem>> -> memref<128xi32, #tpu.memory_space<vmem>>
      %dma_start3A_278 = arith.constant 0 : i32
      %dma_start3A_279 = tpu.memref_slice %arg4[%dma_start3A_278] : memref<5440000xf32, #tpu.memory_space<hbm>> -> memref<5440000xf32, #tpu.memory_space<hbm>>
      tpu.enqueue_indirect_dma source(%dma_start3A_279 : memref<5440000xf32, #tpu.memory_space<hbm>>) target(%dma_start3A_274 : memref<128xf32, #tpu.memory_space<vmem>>) offsets(%dma_start3A_277 : memref<128xi32, #tpu.memory_space<vmem>>) semaphore(%arg25 : memref<!tpu.dma_semaphore, #tpu.memory_space<semaphore_mem>>)
      %dma_start3A_280 = arith.constant 23 : i32
      %dma_start3A_281 = arith.constant 23 : i32
      %dma_start3A_282 = arith.constant 0 : i32
      %dma_start3A_283 = tpu.memref_slice %arg17[%dma_start3A_281, %dma_start3A_282] : memref<34x128xf32, #tpu.memory_space<vmem>> -> memref<1x128xf32, #tpu.memory_space<vmem>>
      %dma_start3A_284 = tpu.memref_squeeze %dma_start3A_283 : memref<1x128xf32, #tpu.memory_space<vmem>> -> memref<128xf32, #tpu.memory_space<vmem>>
      %dma_start3A_285 = arith.constant 0 : i32
      %dma_start3A_286 = tpu.memref_slice %arg12[%dma_start3A_280, %dma_start3A_285] : memref<34x128xi32, #tpu.memory_space<vmem>> -> memref<1x128xi32, #tpu.memory_space<vmem>>
      %dma_start3A_287 = tpu.memref_squeeze %dma_start3A_286 : memref<1x128xi32, #tpu.memory_space<vmem>> -> memref<128xi32, #tpu.memory_space<vmem>>
      %dma_start3A_288 = arith.constant 0 : i32
      %dma_start3A_289 = tpu.memref_slice %arg4[%dma_start3A_288] : memref<5440000xf32, #tpu.memory_space<hbm>> -> memref<5440000xf32, #tpu.memory_space<hbm>>
      tpu.enqueue_indirect_dma source(%dma_start3A_289 : memref<5440000xf32, #tpu.memory_space<hbm>>) target(%dma_start3A_284 : memref<128xf32, #tpu.memory_space<vmem>>) offsets(%dma_start3A_287 : memref<128xi32, #tpu.memory_space<vmem>>) semaphore(%arg25 : memref<!tpu.dma_semaphore, #tpu.memory_space<semaphore_mem>>)
      %dma_start3A_290 = arith.constant 24 : i32
      %dma_start3A_291 = arith.constant 24 : i32
      %dma_start3A_292 = arith.constant 0 : i32
      %dma_start3A_293 = tpu.memref_slice %arg17[%dma_start3A_291, %dma_start3A_292] : memref<34x128xf32, #tpu.memory_space<vmem>> -> memref<1x128xf32, #tpu.memory_space<vmem>>
      %dma_start3A_294 = tpu.memref_squeeze %dma_start3A_293 : memref<1x128xf32, #tpu.memory_space<vmem>> -> memref<128xf32, #tpu.memory_space<vmem>>
      %dma_start3A_295 = arith.constant 0 : i32
      %dma_start3A_296 = tpu.memref_slice %arg12[%dma_start3A_290, %dma_start3A_295] : memref<34x128xi32, #tpu.memory_space<vmem>> -> memref<1x128xi32, #tpu.memory_space<vmem>>
      %dma_start3A_297 = tpu.memref_squeeze %dma_start3A_296 : memref<1x128xi32, #tpu.memory_space<vmem>> -> memref<128xi32, #tpu.memory_space<vmem>>
      %dma_start3A_298 = arith.constant 0 : i32
      %dma_start3A_299 = tpu.memref_slice %arg4[%dma_start3A_298] : memref<5440000xf32, #tpu.memory_space<hbm>> -> memref<5440000xf32, #tpu.memory_space<hbm>>
      tpu.enqueue_indirect_dma source(%dma_start3A_299 : memref<5440000xf32, #tpu.memory_space<hbm>>) target(%dma_start3A_294 : memref<128xf32, #tpu.memory_space<vmem>>) offsets(%dma_start3A_297 : memref<128xi32, #tpu.memory_space<vmem>>) semaphore(%arg25 : memref<!tpu.dma_semaphore, #tpu.memory_space<semaphore_mem>>)
      %dma_start3A_300 = arith.constant 25 : i32
      %dma_start3A_301 = arith.constant 25 : i32
      %dma_start3A_302 = arith.constant 0 : i32
      %dma_start3A_303 = tpu.memref_slice %arg17[%dma_start3A_301, %dma_start3A_302] : memref<34x128xf32, #tpu.memory_space<vmem>> -> memref<1x128xf32, #tpu.memory_space<vmem>>
      %dma_start3A_304 = tpu.memref_squeeze %dma_start3A_303 : memref<1x128xf32, #tpu.memory_space<vmem>> -> memref<128xf32, #tpu.memory_space<vmem>>
      %dma_start3A_305 = arith.constant 0 : i32
      %dma_start3A_306 = tpu.memref_slice %arg12[%dma_start3A_300, %dma_start3A_305] : memref<34x128xi32, #tpu.memory_space<vmem>> -> memref<1x128xi32, #tpu.memory_space<vmem>>
      %dma_start3A_307 = tpu.memref_squeeze %dma_start3A_306 : memref<1x128xi32, #tpu.memory_space<vmem>> -> memref<128xi32, #tpu.memory_space<vmem>>
      %dma_start3A_308 = arith.constant 0 : i32
      %dma_start3A_309 = tpu.memref_slice %arg4[%dma_start3A_308] : memref<5440000xf32, #tpu.memory_space<hbm>> -> memref<5440000xf32, #tpu.memory_space<hbm>>
      tpu.enqueue_indirect_dma source(%dma_start3A_309 : memref<5440000xf32, #tpu.memory_space<hbm>>) target(%dma_start3A_304 : memref<128xf32, #tpu.memory_space<vmem>>) offsets(%dma_start3A_307 : memref<128xi32, #tpu.memory_space<vmem>>) semaphore(%arg25 : memref<!tpu.dma_semaphore, #tpu.memory_space<semaphore_mem>>)
      %dma_start3A_310 = arith.constant 26 : i32
      %dma_start3A_311 = arith.constant 26 : i32
      %dma_start3A_312 = arith.constant 0 : i32
      %dma_start3A_313 = tpu.memref_slice %arg17[%dma_start3A_311, %dma_start3A_312] : memref<34x128xf32, #tpu.memory_space<vmem>> -> memref<1x128xf32, #tpu.memory_space<vmem>>
      %dma_start3A_314 = tpu.memref_squeeze %dma_start3A_313 : memref<1x128xf32, #tpu.memory_space<vmem>> -> memref<128xf32, #tpu.memory_space<vmem>>
      %dma_start3A_315 = arith.constant 0 : i32
      %dma_start3A_316 = tpu.memref_slice %arg12[%dma_start3A_310, %dma_start3A_315] : memref<34x128xi32, #tpu.memory_space<vmem>> -> memref<1x128xi32, #tpu.memory_space<vmem>>
      %dma_start3A_317 = tpu.memref_squeeze %dma_start3A_316 : memref<1x128xi32, #tpu.memory_space<vmem>> -> memref<128xi32, #tpu.memory_space<vmem>>
      %dma_start3A_318 = arith.constant 0 : i32
      %dma_start3A_319 = tpu.memref_slice %arg4[%dma_start3A_318] : memref<5440000xf32, #tpu.memory_space<hbm>> -> memref<5440000xf32, #tpu.memory_space<hbm>>
      tpu.enqueue_indirect_dma source(%dma_start3A_319 : memref<5440000xf32, #tpu.memory_space<hbm>>) target(%dma_start3A_314 : memref<128xf32, #tpu.memory_space<vmem>>) offsets(%dma_start3A_317 : memref<128xi32, #tpu.memory_space<vmem>>) semaphore(%arg25 : memref<!tpu.dma_semaphore, #tpu.memory_space<semaphore_mem>>)
      %dma_start3A_320 = arith.constant 27 : i32
      %dma_start3A_321 = arith.constant 27 : i32
      %dma_start3A_322 = arith.constant 0 : i32
      %dma_start3A_323 = tpu.memref_slice %arg17[%dma_start3A_321, %dma_start3A_322] : memref<34x128xf32, #tpu.memory_space<vmem>> -> memref<1x128xf32, #tpu.memory_space<vmem>>
      %dma_start3A_324 = tpu.memref_squeeze %dma_start3A_323 : memref<1x128xf32, #tpu.memory_space<vmem>> -> memref<128xf32, #tpu.memory_space<vmem>>
      %dma_start3A_325 = arith.constant 0 : i32
      %dma_start3A_326 = tpu.memref_slice %arg12[%dma_start3A_320, %dma_start3A_325] : memref<34x128xi32, #tpu.memory_space<vmem>> -> memref<1x128xi32, #tpu.memory_space<vmem>>
      %dma_start3A_327 = tpu.memref_squeeze %dma_start3A_326 : memref<1x128xi32, #tpu.memory_space<vmem>> -> memref<128xi32, #tpu.memory_space<vmem>>
      %dma_start3A_328 = arith.constant 0 : i32
      %dma_start3A_329 = tpu.memref_slice %arg4[%dma_start3A_328] : memref<5440000xf32, #tpu.memory_space<hbm>> -> memref<5440000xf32, #tpu.memory_space<hbm>>
      tpu.enqueue_indirect_dma source(%dma_start3A_329 : memref<5440000xf32, #tpu.memory_space<hbm>>) target(%dma_start3A_324 : memref<128xf32, #tpu.memory_space<vmem>>) offsets(%dma_start3A_327 : memref<128xi32, #tpu.memory_space<vmem>>) semaphore(%arg25 : memref<!tpu.dma_semaphore, #tpu.memory_space<semaphore_mem>>)
      %dma_start3A_330 = arith.constant 28 : i32
      %dma_start3A_331 = arith.constant 28 : i32
      %dma_start3A_332 = arith.constant 0 : i32
      %dma_start3A_333 = tpu.memref_slice %arg17[%dma_start3A_331, %dma_start3A_332] : memref<34x128xf32, #tpu.memory_space<vmem>> -> memref<1x128xf32, #tpu.memory_space<vmem>>
      %dma_start3A_334 = tpu.memref_squeeze %dma_start3A_333 : memref<1x128xf32, #tpu.memory_space<vmem>> -> memref<128xf32, #tpu.memory_space<vmem>>
      %dma_start3A_335 = arith.constant 0 : i32
      %dma_start3A_336 = tpu.memref_slice %arg12[%dma_start3A_330, %dma_start3A_335] : memref<34x128xi32, #tpu.memory_space<vmem>> -> memref<1x128xi32, #tpu.memory_space<vmem>>
      %dma_start3A_337 = tpu.memref_squeeze %dma_start3A_336 : memref<1x128xi32, #tpu.memory_space<vmem>> -> memref<128xi32, #tpu.memory_space<vmem>>
      %dma_start3A_338 = arith.constant 0 : i32
      %dma_start3A_339 = tpu.memref_slice %arg4[%dma_start3A_338] : memref<5440000xf32, #tpu.memory_space<hbm>> -> memref<5440000xf32, #tpu.memory_space<hbm>>
      tpu.enqueue_indirect_dma source(%dma_start3A_339 : memref<5440000xf32, #tpu.memory_space<hbm>>) target(%dma_start3A_334 : memref<128xf32, #tpu.memory_space<vmem>>) offsets(%dma_start3A_337 : memref<128xi32, #tpu.memory_space<vmem>>) semaphore(%arg25 : memref<!tpu.dma_semaphore, #tpu.memory_space<semaphore_mem>>)
      %dma_start3A_340 = arith.constant 29 : i32
      %dma_start3A_341 = arith.constant 29 : i32
      %dma_start3A_342 = arith.constant 0 : i32
      %dma_start3A_343 = tpu.memref_slice %arg17[%dma_start3A_341, %dma_start3A_342] : memref<34x128xf32, #tpu.memory_space<vmem>> -> memref<1x128xf32, #tpu.memory_space<vmem>>
      %dma_start3A_344 = tpu.memref_squeeze %dma_start3A_343 : memref<1x128xf32, #tpu.memory_space<vmem>> -> memref<128xf32, #tpu.memory_space<vmem>>
      %dma_start3A_345 = arith.constant 0 : i32
      %dma_start3A_346 = tpu.memref_slice %arg12[%dma_start3A_340, %dma_start3A_345] : memref<34x128xi32, #tpu.memory_space<vmem>> -> memref<1x128xi32, #tpu.memory_space<vmem>>
      %dma_start3A_347 = tpu.memref_squeeze %dma_start3A_346 : memref<1x128xi32, #tpu.memory_space<vmem>> -> memref<128xi32, #tpu.memory_space<vmem>>
      %dma_start3A_348 = arith.constant 0 : i32
      %dma_start3A_349 = tpu.memref_slice %arg4[%dma_start3A_348] : memref<5440000xf32, #tpu.memory_space<hbm>> -> memref<5440000xf32, #tpu.memory_space<hbm>>
      tpu.enqueue_indirect_dma source(%dma_start3A_349 : memref<5440000xf32, #tpu.memory_space<hbm>>) target(%dma_start3A_344 : memref<128xf32, #tpu.memory_space<vmem>>) offsets(%dma_start3A_347 : memref<128xi32, #tpu.memory_space<vmem>>) semaphore(%arg25 : memref<!tpu.dma_semaphore, #tpu.memory_space<semaphore_mem>>)
      %dma_start3A_350 = arith.constant 30 : i32
      %dma_start3A_351 = arith.constant 30 : i32
      %dma_start3A_352 = arith.constant 0 : i32
      %dma_start3A_353 = tpu.memref_slice %arg17[%dma_start3A_351, %dma_start3A_352] : memref<34x128xf32, #tpu.memory_space<vmem>> -> memref<1x128xf32, #tpu.memory_space<vmem>>
      %dma_start3A_354 = tpu.memref_squeeze %dma_start3A_353 : memref<1x128xf32, #tpu.memory_space<vmem>> -> memref<128xf32, #tpu.memory_space<vmem>>
      %dma_start3A_355 = arith.constant 0 : i32
      %dma_start3A_356 = tpu.memref_slice %arg12[%dma_start3A_350, %dma_start3A_355] : memref<34x128xi32, #tpu.memory_space<vmem>> -> memref<1x128xi32, #tpu.memory_space<vmem>>
      %dma_start3A_357 = tpu.memref_squeeze %dma_start3A_356 : memref<1x128xi32, #tpu.memory_space<vmem>> -> memref<128xi32, #tpu.memory_space<vmem>>
      %dma_start3A_358 = arith.constant 0 : i32
      %dma_start3A_359 = tpu.memref_slice %arg4[%dma_start3A_358] : memref<5440000xf32, #tpu.memory_space<hbm>> -> memref<5440000xf32, #tpu.memory_space<hbm>>
      tpu.enqueue_indirect_dma source(%dma_start3A_359 : memref<5440000xf32, #tpu.memory_space<hbm>>) target(%dma_start3A_354 : memref<128xf32, #tpu.memory_space<vmem>>) offsets(%dma_start3A_357 : memref<128xi32, #tpu.memory_space<vmem>>) semaphore(%arg25 : memref<!tpu.dma_semaphore, #tpu.memory_space<semaphore_mem>>)
      %dma_start3A_360 = arith.constant 31 : i32
      %dma_start3A_361 = arith.constant 31 : i32
      %dma_start3A_362 = arith.constant 0 : i32
      %dma_start3A_363 = tpu.memref_slice %arg17[%dma_start3A_361, %dma_start3A_362] : memref<34x128xf32, #tpu.memory_space<vmem>> -> memref<1x128xf32, #tpu.memory_space<vmem>>
      %dma_start3A_364 = tpu.memref_squeeze %dma_start3A_363 : memref<1x128xf32, #tpu.memory_space<vmem>> -> memref<128xf32, #tpu.memory_space<vmem>>
      %dma_start3A_365 = arith.constant 0 : i32
      %dma_start3A_366 = tpu.memref_slice %arg12[%dma_start3A_360, %dma_start3A_365] : memref<34x128xi32, #tpu.memory_space<vmem>> -> memref<1x128xi32, #tpu.memory_space<vmem>>
      %dma_start3A_367 = tpu.memref_squeeze %dma_start3A_366 : memref<1x128xi32, #tpu.memory_space<vmem>> -> memref<128xi32, #tpu.memory_space<vmem>>
      %dma_start3A_368 = arith.constant 0 : i32
      %dma_start3A_369 = tpu.memref_slice %arg4[%dma_start3A_368] : memref<5440000xf32, #tpu.memory_space<hbm>> -> memref<5440000xf32, #tpu.memory_space<hbm>>
      tpu.enqueue_indirect_dma source(%dma_start3A_369 : memref<5440000xf32, #tpu.memory_space<hbm>>) target(%dma_start3A_364 : memref<128xf32, #tpu.memory_space<vmem>>) offsets(%dma_start3A_367 : memref<128xi32, #tpu.memory_space<vmem>>) semaphore(%arg25 : memref<!tpu.dma_semaphore, #tpu.memory_space<semaphore_mem>>)
      %dma_start3A_370 = arith.constant 32 : i32
      %dma_start3A_371 = arith.constant 32 : i32
      %dma_start3A_372 = arith.constant 0 : i32
      %dma_start3A_373 = tpu.memref_slice %arg17[%dma_start3A_371, %dma_start3A_372] : memref<34x128xf32, #tpu.memory_space<vmem>> -> memref<1x128xf32, #tpu.memory_space<vmem>>
      %dma_start3A_374 = tpu.memref_squeeze %dma_start3A_373 : memref<1x128xf32, #tpu.memory_space<vmem>> -> memref<128xf32, #tpu.memory_space<vmem>>
      %dma_start3A_375 = arith.constant 0 : i32
      %dma_start3A_376 = tpu.memref_slice %arg12[%dma_start3A_370, %dma_start3A_375] : memref<34x128xi32, #tpu.memory_space<vmem>> -> memref<1x128xi32, #tpu.memory_space<vmem>>
      %dma_start3A_377 = tpu.memref_squeeze %dma_start3A_376 : memref<1x128xi32, #tpu.memory_space<vmem>> -> memref<128xi32, #tpu.memory_space<vmem>>
      %dma_start3A_378 = arith.constant 0 : i32
      %dma_start3A_379 = tpu.memref_slice %arg4[%dma_start3A_378] : memref<5440000xf32, #tpu.memory_space<hbm>> -> memref<5440000xf32, #tpu.memory_space<hbm>>
      tpu.enqueue_indirect_dma source(%dma_start3A_379 : memref<5440000xf32, #tpu.memory_space<hbm>>) target(%dma_start3A_374 : memref<128xf32, #tpu.memory_space<vmem>>) offsets(%dma_start3A_377 : memref<128xi32, #tpu.memory_space<vmem>>) semaphore(%arg25 : memref<!tpu.dma_semaphore, #tpu.memory_space<semaphore_mem>>)
      %dma_start3A_380 = arith.constant 33 : i32
      %dma_start3A_381 = arith.constant 33 : i32
      %dma_start3A_382 = arith.constant 0 : i32
      %dma_start3A_383 = tpu.memref_slice %arg17[%dma_start3A_381, %dma_start3A_382] : memref<34x128xf32, #tpu.memory_space<vmem>> -> memref<1x128xf32, #tpu.memory_space<vmem>>
      %dma_start3A_384 = tpu.memref_squeeze %dma_start3A_383 : memref<1x128xf32, #tpu.memory_space<vmem>> -> memref<128xf32, #tpu.memory_space<vmem>>
      %dma_start3A_385 = arith.constant 0 : i32
      %dma_start3A_386 = tpu.memref_slice %arg12[%dma_start3A_380, %dma_start3A_385] : memref<34x128xi32, #tpu.memory_space<vmem>> -> memref<1x128xi32, #tpu.memory_space<vmem>>
      %dma_start3A_387 = tpu.memref_squeeze %dma_start3A_386 : memref<1x128xi32, #tpu.memory_space<vmem>> -> memref<128xi32, #tpu.memory_space<vmem>>
      %dma_start3A_388 = arith.constant 0 : i32
      %dma_start3A_389 = tpu.memref_slice %arg4[%dma_start3A_388] : memref<5440000xf32, #tpu.memory_space<hbm>> -> memref<5440000xf32, #tpu.memory_space<hbm>>
      tpu.enqueue_indirect_dma source(%dma_start3A_389 : memref<5440000xf32, #tpu.memory_space<hbm>>) target(%dma_start3A_384 : memref<128xf32, #tpu.memory_space<vmem>>) offsets(%dma_start3A_387 : memref<128xi32, #tpu.memory_space<vmem>>) semaphore(%arg25 : memref<!tpu.dma_semaphore, #tpu.memory_space<semaphore_mem>>)
      %dma_start3A_390 = arith.constant 0 : i32
      %dma_start3A_391 = arith.constant 0 : i32
      %dma_start3A_392 = arith.constant 0 : i32
      %dma_start3A_393 = tpu.memref_slice %arg18[%dma_start3A_391, %dma_start3A_392] : memref<17x128xf32, #tpu.memory_space<vmem>> -> memref<1x128xf32, #tpu.memory_space<vmem>>
      %dma_start3A_394 = tpu.memref_squeeze %dma_start3A_393 : memref<1x128xf32, #tpu.memory_space<vmem>> -> memref<128xf32, #tpu.memory_space<vmem>>
      %dma_start3A_395 = arith.constant 0 : i32
      %dma_start3A_396 = tpu.memref_slice %arg13[%dma_start3A_390, %dma_start3A_395] : memref<17x128xi32, #tpu.memory_space<vmem>> -> memref<1x128xi32, #tpu.memory_space<vmem>>
      %dma_start3A_397 = tpu.memref_squeeze %dma_start3A_396 : memref<1x128xi32, #tpu.memory_space<vmem>> -> memref<128xi32, #tpu.memory_space<vmem>>
      %dma_start3A_398 = arith.constant 0 : i32
      %dma_start3A_399 = tpu.memref_slice %arg5[%dma_start3A_398] : memref<2720000xf32, #tpu.memory_space<hbm>> -> memref<2720000xf32, #tpu.memory_space<hbm>>
      tpu.enqueue_indirect_dma source(%dma_start3A_399 : memref<2720000xf32, #tpu.memory_space<hbm>>) target(%dma_start3A_394 : memref<128xf32, #tpu.memory_space<vmem>>) offsets(%dma_start3A_397 : memref<128xi32, #tpu.memory_space<vmem>>) semaphore(%arg25 : memref<!tpu.dma_semaphore, #tpu.memory_space<semaphore_mem>>)
      %dma_start3A_400 = arith.constant 1 : i32
      %dma_start3A_401 = arith.constant 1 : i32
      %dma_start3A_402 = arith.constant 0 : i32
      %dma_start3A_403 = tpu.memref_slice %arg18[%dma_start3A_401, %dma_start3A_402] : memref<17x128xf32, #tpu.memory_space<vmem>> -> memref<1x128xf32, #tpu.memory_space<vmem>>
      %dma_start3A_404 = tpu.memref_squeeze %dma_start3A_403 : memref<1x128xf32, #tpu.memory_space<vmem>> -> memref<128xf32, #tpu.memory_space<vmem>>
      %dma_start3A_405 = arith.constant 0 : i32
      %dma_start3A_406 = tpu.memref_slice %arg13[%dma_start3A_400, %dma_start3A_405] : memref<17x128xi32, #tpu.memory_space<vmem>> -> memref<1x128xi32, #tpu.memory_space<vmem>>
      %dma_start3A_407 = tpu.memref_squeeze %dma_start3A_406 : memref<1x128xi32, #tpu.memory_space<vmem>> -> memref<128xi32, #tpu.memory_space<vmem>>
      %dma_start3A_408 = arith.constant 0 : i32
      %dma_start3A_409 = tpu.memref_slice %arg5[%dma_start3A_408] : memref<2720000xf32, #tpu.memory_space<hbm>> -> memref<2720000xf32, #tpu.memory_space<hbm>>
      tpu.enqueue_indirect_dma source(%dma_start3A_409 : memref<2720000xf32, #tpu.memory_space<hbm>>) target(%dma_start3A_404 : memref<128xf32, #tpu.memory_space<vmem>>) offsets(%dma_start3A_407 : memref<128xi32, #tpu.memory_space<vmem>>) semaphore(%arg25 : memref<!tpu.dma_semaphore, #tpu.memory_space<semaphore_mem>>)
      %dma_start3A_410 = arith.constant 2 : i32
      %dma_start3A_411 = arith.constant 2 : i32
      %dma_start3A_412 = arith.constant 0 : i32
      %dma_start3A_413 = tpu.memref_slice %arg18[%dma_start3A_411, %dma_start3A_412] : memref<17x128xf32, #tpu.memory_space<vmem>> -> memref<1x128xf32, #tpu.memory_space<vmem>>
      %dma_start3A_414 = tpu.memref_squeeze %dma_start3A_413 : memref<1x128xf32, #tpu.memory_space<vmem>> -> memref<128xf32, #tpu.memory_space<vmem>>
      %dma_start3A_415 = arith.constant 0 : i32
      %dma_start3A_416 = tpu.memref_slice %arg13[%dma_start3A_410, %dma_start3A_415] : memref<17x128xi32, #tpu.memory_space<vmem>> -> memref<1x128xi32, #tpu.memory_space<vmem>>
      %dma_start3A_417 = tpu.memref_squeeze %dma_start3A_416 : memref<1x128xi32, #tpu.memory_space<vmem>> -> memref<128xi32, #tpu.memory_space<vmem>>
      %dma_start3A_418 = arith.constant 0 : i32
      %dma_start3A_419 = tpu.memref_slice %arg5[%dma_start3A_418] : memref<2720000xf32, #tpu.memory_space<hbm>> -> memref<2720000xf32, #tpu.memory_space<hbm>>
      tpu.enqueue_indirect_dma source(%dma_start3A_419 : memref<2720000xf32, #tpu.memory_space<hbm>>) target(%dma_start3A_414 : memref<128xf32, #tpu.memory_space<vmem>>) offsets(%dma_start3A_417 : memref<128xi32, #tpu.memory_space<vmem>>) semaphore(%arg25 : memref<!tpu.dma_semaphore, #tpu.memory_space<semaphore_mem>>)
      %dma_start3A_420 = arith.constant 3 : i32
      %dma_start3A_421 = arith.constant 3 : i32
      %dma_start3A_422 = arith.constant 0 : i32
      %dma_start3A_423 = tpu.memref_slice %arg18[%dma_start3A_421, %dma_start3A_422] : memref<17x128xf32, #tpu.memory_space<vmem>> -> memref<1x128xf32, #tpu.memory_space<vmem>>
      %dma_start3A_424 = tpu.memref_squeeze %dma_start3A_423 : memref<1x128xf32, #tpu.memory_space<vmem>> -> memref<128xf32, #tpu.memory_space<vmem>>
      %dma_start3A_425 = arith.constant 0 : i32
      %dma_start3A_426 = tpu.memref_slice %arg13[%dma_start3A_420, %dma_start3A_425] : memref<17x128xi32, #tpu.memory_space<vmem>> -> memref<1x128xi32, #tpu.memory_space<vmem>>
      %dma_start3A_427 = tpu.memref_squeeze %dma_start3A_426 : memref<1x128xi32, #tpu.memory_space<vmem>> -> memref<128xi32, #tpu.memory_space<vmem>>
      %dma_start3A_428 = arith.constant 0 : i32
      %dma_start3A_429 = tpu.memref_slice %arg5[%dma_start3A_428] : memref<2720000xf32, #tpu.memory_space<hbm>> -> memref<2720000xf32, #tpu.memory_space<hbm>>
      tpu.enqueue_indirect_dma source(%dma_start3A_429 : memref<2720000xf32, #tpu.memory_space<hbm>>) target(%dma_start3A_424 : memref<128xf32, #tpu.memory_space<vmem>>) offsets(%dma_start3A_427 : memref<128xi32, #tpu.memory_space<vmem>>) semaphore(%arg25 : memref<!tpu.dma_semaphore, #tpu.memory_space<semaphore_mem>>)
      %dma_start3A_430 = arith.constant 4 : i32
      %dma_start3A_431 = arith.constant 4 : i32
      %dma_start3A_432 = arith.constant 0 : i32
      %dma_start3A_433 = tpu.memref_slice %arg18[%dma_start3A_431, %dma_start3A_432] : memref<17x128xf32, #tpu.memory_space<vmem>> -> memref<1x128xf32, #tpu.memory_space<vmem>>
      %dma_start3A_434 = tpu.memref_squeeze %dma_start3A_433 : memref<1x128xf32, #tpu.memory_space<vmem>> -> memref<128xf32, #tpu.memory_space<vmem>>
      %dma_start3A_435 = arith.constant 0 : i32
      %dma_start3A_436 = tpu.memref_slice %arg13[%dma_start3A_430, %dma_start3A_435] : memref<17x128xi32, #tpu.memory_space<vmem>> -> memref<1x128xi32, #tpu.memory_space<vmem>>
      %dma_start3A_437 = tpu.memref_squeeze %dma_start3A_436 : memref<1x128xi32, #tpu.memory_space<vmem>> -> memref<128xi32, #tpu.memory_space<vmem>>
      %dma_start3A_438 = arith.constant 0 : i32
      %dma_start3A_439 = tpu.memref_slice %arg5[%dma_start3A_438] : memref<2720000xf32, #tpu.memory_space<hbm>> -> memref<2720000xf32, #tpu.memory_space<hbm>>
      tpu.enqueue_indirect_dma source(%dma_start3A_439 : memref<2720000xf32, #tpu.memory_space<hbm>>) target(%dma_start3A_434 : memref<128xf32, #tpu.memory_space<vmem>>) offsets(%dma_start3A_437 : memref<128xi32, #tpu.memory_space<vmem>>) semaphore(%arg25 : memref<!tpu.dma_semaphore, #tpu.memory_space<semaphore_mem>>)
      %dma_start3A_440 = arith.constant 5 : i32
      %dma_start3A_441 = arith.constant 5 : i32
      %dma_start3A_442 = arith.constant 0 : i32
      %dma_start3A_443 = tpu.memref_slice %arg18[%dma_start3A_441, %dma_start3A_442] : memref<17x128xf32, #tpu.memory_space<vmem>> -> memref<1x128xf32, #tpu.memory_space<vmem>>
      %dma_start3A_444 = tpu.memref_squeeze %dma_start3A_443 : memref<1x128xf32, #tpu.memory_space<vmem>> -> memref<128xf32, #tpu.memory_space<vmem>>
      %dma_start3A_445 = arith.constant 0 : i32
      %dma_start3A_446 = tpu.memref_slice %arg13[%dma_start3A_440, %dma_start3A_445] : memref<17x128xi32, #tpu.memory_space<vmem>> -> memref<1x128xi32, #tpu.memory_space<vmem>>
      %dma_start3A_447 = tpu.memref_squeeze %dma_start3A_446 : memref<1x128xi32, #tpu.memory_space<vmem>> -> memref<128xi32, #tpu.memory_space<vmem>>
      %dma_start3A_448 = arith.constant 0 : i32
      %dma_start3A_449 = tpu.memref_slice %arg5[%dma_start3A_448] : memref<2720000xf32, #tpu.memory_space<hbm>> -> memref<2720000xf32, #tpu.memory_space<hbm>>
      tpu.enqueue_indirect_dma source(%dma_start3A_449 : memref<2720000xf32, #tpu.memory_space<hbm>>) target(%dma_start3A_444 : memref<128xf32, #tpu.memory_space<vmem>>) offsets(%dma_start3A_447 : memref<128xi32, #tpu.memory_space<vmem>>) semaphore(%arg25 : memref<!tpu.dma_semaphore, #tpu.memory_space<semaphore_mem>>)
      %dma_start3A_450 = arith.constant 6 : i32
      %dma_start3A_451 = arith.constant 6 : i32
      %dma_start3A_452 = arith.constant 0 : i32
      %dma_start3A_453 = tpu.memref_slice %arg18[%dma_start3A_451, %dma_start3A_452] : memref<17x128xf32, #tpu.memory_space<vmem>> -> memref<1x128xf32, #tpu.memory_space<vmem>>
      %dma_start3A_454 = tpu.memref_squeeze %dma_start3A_453 : memref<1x128xf32, #tpu.memory_space<vmem>> -> memref<128xf32, #tpu.memory_space<vmem>>
      %dma_start3A_455 = arith.constant 0 : i32
      %dma_start3A_456 = tpu.memref_slice %arg13[%dma_start3A_450, %dma_start3A_455] : memref<17x128xi32, #tpu.memory_space<vmem>> -> memref<1x128xi32, #tpu.memory_space<vmem>>
      %dma_start3A_457 = tpu.memref_squeeze %dma_start3A_456 : memref<1x128xi32, #tpu.memory_space<vmem>> -> memref<128xi32, #tpu.memory_space<vmem>>
      %dma_start3A_458 = arith.constant 0 : i32
      %dma_start3A_459 = tpu.memref_slice %arg5[%dma_start3A_458] : memref<2720000xf32, #tpu.memory_space<hbm>> -> memref<2720000xf32, #tpu.memory_space<hbm>>
      tpu.enqueue_indirect_dma source(%dma_start3A_459 : memref<2720000xf32, #tpu.memory_space<hbm>>) target(%dma_start3A_454 : memref<128xf32, #tpu.memory_space<vmem>>) offsets(%dma_start3A_457 : memref<128xi32, #tpu.memory_space<vmem>>) semaphore(%arg25 : memref<!tpu.dma_semaphore, #tpu.memory_space<semaphore_mem>>)
      %dma_start3A_460 = arith.constant 7 : i32
      %dma_start3A_461 = arith.constant 7 : i32
      %dma_start3A_462 = arith.constant 0 : i32
      %dma_start3A_463 = tpu.memref_slice %arg18[%dma_start3A_461, %dma_start3A_462] : memref<17x128xf32, #tpu.memory_space<vmem>> -> memref<1x128xf32, #tpu.memory_space<vmem>>
      %dma_start3A_464 = tpu.memref_squeeze %dma_start3A_463 : memref<1x128xf32, #tpu.memory_space<vmem>> -> memref<128xf32, #tpu.memory_space<vmem>>
      %dma_start3A_465 = arith.constant 0 : i32
      %dma_start3A_466 = tpu.memref_slice %arg13[%dma_start3A_460, %dma_start3A_465] : memref<17x128xi32, #tpu.memory_space<vmem>> -> memref<1x128xi32, #tpu.memory_space<vmem>>
      %dma_start3A_467 = tpu.memref_squeeze %dma_start3A_466 : memref<1x128xi32, #tpu.memory_space<vmem>> -> memref<128xi32, #tpu.memory_space<vmem>>
      %dma_start3A_468 = arith.constant 0 : i32
      %dma_start3A_469 = tpu.memref_slice %arg5[%dma_start3A_468] : memref<2720000xf32, #tpu.memory_space<hbm>> -> memref<2720000xf32, #tpu.memory_space<hbm>>
      tpu.enqueue_indirect_dma source(%dma_start3A_469 : memref<2720000xf32, #tpu.memory_space<hbm>>) target(%dma_start3A_464 : memref<128xf32, #tpu.memory_space<vmem>>) offsets(%dma_start3A_467 : memref<128xi32, #tpu.memory_space<vmem>>) semaphore(%arg25 : memref<!tpu.dma_semaphore, #tpu.memory_space<semaphore_mem>>)
      %dma_start3A_470 = arith.constant 8 : i32
      %dma_start3A_471 = arith.constant 8 : i32
      %dma_start3A_472 = arith.constant 0 : i32
      %dma_start3A_473 = tpu.memref_slice %arg18[%dma_start3A_471, %dma_start3A_472] : memref<17x128xf32, #tpu.memory_space<vmem>> -> memref<1x128xf32, #tpu.memory_space<vmem>>
      %dma_start3A_474 = tpu.memref_squeeze %dma_start3A_473 : memref<1x128xf32, #tpu.memory_space<vmem>> -> memref<128xf32, #tpu.memory_space<vmem>>
      %dma_start3A_475 = arith.constant 0 : i32
      %dma_start3A_476 = tpu.memref_slice %arg13[%dma_start3A_470, %dma_start3A_475] : memref<17x128xi32, #tpu.memory_space<vmem>> -> memref<1x128xi32, #tpu.memory_space<vmem>>
      %dma_start3A_477 = tpu.memref_squeeze %dma_start3A_476 : memref<1x128xi32, #tpu.memory_space<vmem>> -> memref<128xi32, #tpu.memory_space<vmem>>
      %dma_start3A_478 = arith.constant 0 : i32
      %dma_start3A_479 = tpu.memref_slice %arg5[%dma_start3A_478] : memref<2720000xf32, #tpu.memory_space<hbm>> -> memref<2720000xf32, #tpu.memory_space<hbm>>
      tpu.enqueue_indirect_dma source(%dma_start3A_479 : memref<2720000xf32, #tpu.memory_space<hbm>>) target(%dma_start3A_474 : memref<128xf32, #tpu.memory_space<vmem>>) offsets(%dma_start3A_477 : memref<128xi32, #tpu.memory_space<vmem>>) semaphore(%arg25 : memref<!tpu.dma_semaphore, #tpu.memory_space<semaphore_mem>>)
      %dma_start3A_480 = arith.constant 9 : i32
      %dma_start3A_481 = arith.constant 9 : i32
      %dma_start3A_482 = arith.constant 0 : i32
      %dma_start3A_483 = tpu.memref_slice %arg18[%dma_start3A_481, %dma_start3A_482] : memref<17x128xf32, #tpu.memory_space<vmem>> -> memref<1x128xf32, #tpu.memory_space<vmem>>
      %dma_start3A_484 = tpu.memref_squeeze %dma_start3A_483 : memref<1x128xf32, #tpu.memory_space<vmem>> -> memref<128xf32, #tpu.memory_space<vmem>>
      %dma_start3A_485 = arith.constant 0 : i32
      %dma_start3A_486 = tpu.memref_slice %arg13[%dma_start3A_480, %dma_start3A_485] : memref<17x128xi32, #tpu.memory_space<vmem>> -> memref<1x128xi32, #tpu.memory_space<vmem>>
      %dma_start3A_487 = tpu.memref_squeeze %dma_start3A_486 : memref<1x128xi32, #tpu.memory_space<vmem>> -> memref<128xi32, #tpu.memory_space<vmem>>
      %dma_start3A_488 = arith.constant 0 : i32
      %dma_start3A_489 = tpu.memref_slice %arg5[%dma_start3A_488] : memref<2720000xf32, #tpu.memory_space<hbm>> -> memref<2720000xf32, #tpu.memory_space<hbm>>
      tpu.enqueue_indirect_dma source(%dma_start3A_489 : memref<2720000xf32, #tpu.memory_space<hbm>>) target(%dma_start3A_484 : memref<128xf32, #tpu.memory_space<vmem>>) offsets(%dma_start3A_487 : memref<128xi32, #tpu.memory_space<vmem>>) semaphore(%arg25 : memref<!tpu.dma_semaphore, #tpu.memory_space<semaphore_mem>>)
      %dma_start3A_490 = arith.constant 10 : i32
      %dma_start3A_491 = arith.constant 10 : i32
      %dma_start3A_492 = arith.constant 0 : i32
      %dma_start3A_493 = tpu.memref_slice %arg18[%dma_start3A_491, %dma_start3A_492] : memref<17x128xf32, #tpu.memory_space<vmem>> -> memref<1x128xf32, #tpu.memory_space<vmem>>
      %dma_start3A_494 = tpu.memref_squeeze %dma_start3A_493 : memref<1x128xf32, #tpu.memory_space<vmem>> -> memref<128xf32, #tpu.memory_space<vmem>>
      %dma_start3A_495 = arith.constant 0 : i32
      %dma_start3A_496 = tpu.memref_slice %arg13[%dma_start3A_490, %dma_start3A_495] : memref<17x128xi32, #tpu.memory_space<vmem>> -> memref<1x128xi32, #tpu.memory_space<vmem>>
      %dma_start3A_497 = tpu.memref_squeeze %dma_start3A_496 : memref<1x128xi32, #tpu.memory_space<vmem>> -> memref<128xi32, #tpu.memory_space<vmem>>
      %dma_start3A_498 = arith.constant 0 : i32
      %dma_start3A_499 = tpu.memref_slice %arg5[%dma_start3A_498] : memref<2720000xf32, #tpu.memory_space<hbm>> -> memref<2720000xf32, #tpu.memory_space<hbm>>
      tpu.enqueue_indirect_dma source(%dma_start3A_499 : memref<2720000xf32, #tpu.memory_space<hbm>>) target(%dma_start3A_494 : memref<128xf32, #tpu.memory_space<vmem>>) offsets(%dma_start3A_497 : memref<128xi32, #tpu.memory_space<vmem>>) semaphore(%arg25 : memref<!tpu.dma_semaphore, #tpu.memory_space<semaphore_mem>>)
      %dma_start3A_500 = arith.constant 11 : i32
      %dma_start3A_501 = arith.constant 11 : i32
      %dma_start3A_502 = arith.constant 0 : i32
      %dma_start3A_503 = tpu.memref_slice %arg18[%dma_start3A_501, %dma_start3A_502] : memref<17x128xf32, #tpu.memory_space<vmem>> -> memref<1x128xf32, #tpu.memory_space<vmem>>
      %dma_start3A_504 = tpu.memref_squeeze %dma_start3A_503 : memref<1x128xf32, #tpu.memory_space<vmem>> -> memref<128xf32, #tpu.memory_space<vmem>>
      %dma_start3A_505 = arith.constant 0 : i32
      %dma_start3A_506 = tpu.memref_slice %arg13[%dma_start3A_500, %dma_start3A_505] : memref<17x128xi32, #tpu.memory_space<vmem>> -> memref<1x128xi32, #tpu.memory_space<vmem>>
      %dma_start3A_507 = tpu.memref_squeeze %dma_start3A_506 : memref<1x128xi32, #tpu.memory_space<vmem>> -> memref<128xi32, #tpu.memory_space<vmem>>
      %dma_start3A_508 = arith.constant 0 : i32
      %dma_start3A_509 = tpu.memref_slice %arg5[%dma_start3A_508] : memref<2720000xf32, #tpu.memory_space<hbm>> -> memref<2720000xf32, #tpu.memory_space<hbm>>
      tpu.enqueue_indirect_dma source(%dma_start3A_509 : memref<2720000xf32, #tpu.memory_space<hbm>>) target(%dma_start3A_504 : memref<128xf32, #tpu.memory_space<vmem>>) offsets(%dma_start3A_507 : memref<128xi32, #tpu.memory_space<vmem>>) semaphore(%arg25 : memref<!tpu.dma_semaphore, #tpu.memory_space<semaphore_mem>>)
      %dma_start3A_510 = arith.constant 12 : i32
      %dma_start3A_511 = arith.constant 12 : i32
      %dma_start3A_512 = arith.constant 0 : i32
      %dma_start3A_513 = tpu.memref_slice %arg18[%dma_start3A_511, %dma_start3A_512] : memref<17x128xf32, #tpu.memory_space<vmem>> -> memref<1x128xf32, #tpu.memory_space<vmem>>
      %dma_start3A_514 = tpu.memref_squeeze %dma_start3A_513 : memref<1x128xf32, #tpu.memory_space<vmem>> -> memref<128xf32, #tpu.memory_space<vmem>>
      %dma_start3A_515 = arith.constant 0 : i32
      %dma_start3A_516 = tpu.memref_slice %arg13[%dma_start3A_510, %dma_start3A_515] : memref<17x128xi32, #tpu.memory_space<vmem>> -> memref<1x128xi32, #tpu.memory_space<vmem>>
      %dma_start3A_517 = tpu.memref_squeeze %dma_start3A_516 : memref<1x128xi32, #tpu.memory_space<vmem>> -> memref<128xi32, #tpu.memory_space<vmem>>
      %dma_start3A_518 = arith.constant 0 : i32
      %dma_start3A_519 = tpu.memref_slice %arg5[%dma_start3A_518] : memref<2720000xf32, #tpu.memory_space<hbm>> -> memref<2720000xf32, #tpu.memory_space<hbm>>
      tpu.enqueue_indirect_dma source(%dma_start3A_519 : memref<2720000xf32, #tpu.memory_space<hbm>>) target(%dma_start3A_514 : memref<128xf32, #tpu.memory_space<vmem>>) offsets(%dma_start3A_517 : memref<128xi32, #tpu.memory_space<vmem>>) semaphore(%arg25 : memref<!tpu.dma_semaphore, #tpu.memory_space<semaphore_mem>>)
      %dma_start3A_520 = arith.constant 13 : i32
      %dma_start3A_521 = arith.constant 13 : i32
      %dma_start3A_522 = arith.constant 0 : i32
      %dma_start3A_523 = tpu.memref_slice %arg18[%dma_start3A_521, %dma_start3A_522] : memref<17x128xf32, #tpu.memory_space<vmem>> -> memref<1x128xf32, #tpu.memory_space<vmem>>
      %dma_start3A_524 = tpu.memref_squeeze %dma_start3A_523 : memref<1x128xf32, #tpu.memory_space<vmem>> -> memref<128xf32, #tpu.memory_space<vmem>>
      %dma_start3A_525 = arith.constant 0 : i32
      %dma_start3A_526 = tpu.memref_slice %arg13[%dma_start3A_520, %dma_start3A_525] : memref<17x128xi32, #tpu.memory_space<vmem>> -> memref<1x128xi32, #tpu.memory_space<vmem>>
      %dma_start3A_527 = tpu.memref_squeeze %dma_start3A_526 : memref<1x128xi32, #tpu.memory_space<vmem>> -> memref<128xi32, #tpu.memory_space<vmem>>
      %dma_start3A_528 = arith.constant 0 : i32
      %dma_start3A_529 = tpu.memref_slice %arg5[%dma_start3A_528] : memref<2720000xf32, #tpu.memory_space<hbm>> -> memref<2720000xf32, #tpu.memory_space<hbm>>
      tpu.enqueue_indirect_dma source(%dma_start3A_529 : memref<2720000xf32, #tpu.memory_space<hbm>>) target(%dma_start3A_524 : memref<128xf32, #tpu.memory_space<vmem>>) offsets(%dma_start3A_527 : memref<128xi32, #tpu.memory_space<vmem>>) semaphore(%arg25 : memref<!tpu.dma_semaphore, #tpu.memory_space<semaphore_mem>>)
      %dma_start3A_530 = arith.constant 14 : i32
      %dma_start3A_531 = arith.constant 14 : i32
      %dma_start3A_532 = arith.constant 0 : i32
      %dma_start3A_533 = tpu.memref_slice %arg18[%dma_start3A_531, %dma_start3A_532] : memref<17x128xf32, #tpu.memory_space<vmem>> -> memref<1x128xf32, #tpu.memory_space<vmem>>
      %dma_start3A_534 = tpu.memref_squeeze %dma_start3A_533 : memref<1x128xf32, #tpu.memory_space<vmem>> -> memref<128xf32, #tpu.memory_space<vmem>>
      %dma_start3A_535 = arith.constant 0 : i32
      %dma_start3A_536 = tpu.memref_slice %arg13[%dma_start3A_530, %dma_start3A_535] : memref<17x128xi32, #tpu.memory_space<vmem>> -> memref<1x128xi32, #tpu.memory_space<vmem>>
      %dma_start3A_537 = tpu.memref_squeeze %dma_start3A_536 : memref<1x128xi32, #tpu.memory_space<vmem>> -> memref<128xi32, #tpu.memory_space<vmem>>
      %dma_start3A_538 = arith.constant 0 : i32
      %dma_start3A_539 = tpu.memref_slice %arg5[%dma_start3A_538] : memref<2720000xf32, #tpu.memory_space<hbm>> -> memref<2720000xf32, #tpu.memory_space<hbm>>
      tpu.enqueue_indirect_dma source(%dma_start3A_539 : memref<2720000xf32, #tpu.memory_space<hbm>>) target(%dma_start3A_534 : memref<128xf32, #tpu.memory_space<vmem>>) offsets(%dma_start3A_537 : memref<128xi32, #tpu.memory_space<vmem>>) semaphore(%arg25 : memref<!tpu.dma_semaphore, #tpu.memory_space<semaphore_mem>>)
      %dma_start3A_540 = arith.constant 15 : i32
      %dma_start3A_541 = arith.constant 15 : i32
      %dma_start3A_542 = arith.constant 0 : i32
      %dma_start3A_543 = tpu.memref_slice %arg18[%dma_start3A_541, %dma_start3A_542] : memref<17x128xf32, #tpu.memory_space<vmem>> -> memref<1x128xf32, #tpu.memory_space<vmem>>
      %dma_start3A_544 = tpu.memref_squeeze %dma_start3A_543 : memref<1x128xf32, #tpu.memory_space<vmem>> -> memref<128xf32, #tpu.memory_space<vmem>>
      %dma_start3A_545 = arith.constant 0 : i32
      %dma_start3A_546 = tpu.memref_slice %arg13[%dma_start3A_540, %dma_start3A_545] : memref<17x128xi32, #tpu.memory_space<vmem>> -> memref<1x128xi32, #tpu.memory_space<vmem>>
      %dma_start3A_547 = tpu.memref_squeeze %dma_start3A_546 : memref<1x128xi32, #tpu.memory_space<vmem>> -> memref<128xi32, #tpu.memory_space<vmem>>
      %dma_start3A_548 = arith.constant 0 : i32
      %dma_start3A_549 = tpu.memref_slice %arg5[%dma_start3A_548] : memref<2720000xf32, #tpu.memory_space<hbm>> -> memref<2720000xf32, #tpu.memory_space<hbm>>
      tpu.enqueue_indirect_dma source(%dma_start3A_549 : memref<2720000xf32, #tpu.memory_space<hbm>>) target(%dma_start3A_544 : memref<128xf32, #tpu.memory_space<vmem>>) offsets(%dma_start3A_547 : memref<128xi32, #tpu.memory_space<vmem>>) semaphore(%arg25 : memref<!tpu.dma_semaphore, #tpu.memory_space<semaphore_mem>>)
      %dma_start3A_550 = arith.constant 16 : i32
      %dma_start3A_551 = arith.constant 16 : i32
      %dma_start3A_552 = arith.constant 0 : i32
      %dma_start3A_553 = tpu.memref_slice %arg18[%dma_start3A_551, %dma_start3A_552] : memref<17x128xf32, #tpu.memory_space<vmem>> -> memref<1x128xf32, #tpu.memory_space<vmem>>
      %dma_start3A_554 = tpu.memref_squeeze %dma_start3A_553 : memref<1x128xf32, #tpu.memory_space<vmem>> -> memref<128xf32, #tpu.memory_space<vmem>>
      %dma_start3A_555 = arith.constant 0 : i32
      %dma_start3A_556 = tpu.memref_slice %arg13[%dma_start3A_550, %dma_start3A_555] : memref<17x128xi32, #tpu.memory_space<vmem>> -> memref<1x128xi32, #tpu.memory_space<vmem>>
      %dma_start3A_557 = tpu.memref_squeeze %dma_start3A_556 : memref<1x128xi32, #tpu.memory_space<vmem>> -> memref<128xi32, #tpu.memory_space<vmem>>
      %dma_start3A_558 = arith.constant 0 : i32
      %dma_start3A_559 = tpu.memref_slice %arg5[%dma_start3A_558] : memref<2720000xf32, #tpu.memory_space<hbm>> -> memref<2720000xf32, #tpu.memory_space<hbm>>
      tpu.enqueue_indirect_dma source(%dma_start3A_559 : memref<2720000xf32, #tpu.memory_space<hbm>>) target(%dma_start3A_554 : memref<128xf32, #tpu.memory_space<vmem>>) offsets(%dma_start3A_557 : memref<128xi32, #tpu.memory_space<vmem>>) semaphore(%arg25 : memref<!tpu.dma_semaphore, #tpu.memory_space<semaphore_mem>>)
      %dma_start3A_560 = arith.constant 0 : i32
      %dma_start3A_561 = arith.constant 0 : i32
      %dma_start3A_562 = arith.constant 0 : i32
      %dma_start3A_563 = tpu.memref_slice %arg19[%dma_start3A_561, %dma_start3A_562] : memref<4x128xf32, #tpu.memory_space<vmem>> -> memref<1x128xf32, #tpu.memory_space<vmem>>
      %dma_start3A_564 = tpu.memref_squeeze %dma_start3A_563 : memref<1x128xf32, #tpu.memory_space<vmem>> -> memref<128xf32, #tpu.memory_space<vmem>>
      %dma_start3A_565 = arith.constant 0 : i32
      %dma_start3A_566 = tpu.memref_slice %arg14[%dma_start3A_560, %dma_start3A_565] : memref<4x128xi32, #tpu.memory_space<vmem>> -> memref<1x128xi32, #tpu.memory_space<vmem>>
      %dma_start3A_567 = tpu.memref_squeeze %dma_start3A_566 : memref<1x128xi32, #tpu.memory_space<vmem>> -> memref<128xi32, #tpu.memory_space<vmem>>
      %dma_start3A_568 = arith.constant 0 : i32
      %dma_start3A_569 = tpu.memref_slice %arg3[%dma_start3A_568] : memref<640000xf32, #tpu.memory_space<hbm>> -> memref<640000xf32, #tpu.memory_space<hbm>>
      tpu.enqueue_indirect_dma source(%dma_start3A_569 : memref<640000xf32, #tpu.memory_space<hbm>>) target(%dma_start3A_564 : memref<128xf32, #tpu.memory_space<vmem>>) offsets(%dma_start3A_567 : memref<128xi32, #tpu.memory_space<vmem>>) semaphore(%arg25 : memref<!tpu.dma_semaphore, #tpu.memory_space<semaphore_mem>>)
      %dma_start3A_570 = arith.constant 1 : i32
      %dma_start3A_571 = arith.constant 1 : i32
      %dma_start3A_572 = arith.constant 0 : i32
      %dma_start3A_573 = tpu.memref_slice %arg19[%dma_start3A_571, %dma_start3A_572] : memref<4x128xf32, #tpu.memory_space<vmem>> -> memref<1x128xf32, #tpu.memory_space<vmem>>
      %dma_start3A_574 = tpu.memref_squeeze %dma_start3A_573 : memref<1x128xf32, #tpu.memory_space<vmem>> -> memref<128xf32, #tpu.memory_space<vmem>>
      %dma_start3A_575 = arith.constant 0 : i32
      %dma_start3A_576 = tpu.memref_slice %arg14[%dma_start3A_570, %dma_start3A_575] : memref<4x128xi32, #tpu.memory_space<vmem>> -> memref<1x128xi32, #tpu.memory_space<vmem>>
      %dma_start3A_577 = tpu.memref_squeeze %dma_start3A_576 : memref<1x128xi32, #tpu.memory_space<vmem>> -> memref<128xi32, #tpu.memory_space<vmem>>
      %dma_start3A_578 = arith.constant 0 : i32
      %dma_start3A_579 = tpu.memref_slice %arg3[%dma_start3A_578] : memref<640000xf32, #tpu.memory_space<hbm>> -> memref<640000xf32, #tpu.memory_space<hbm>>
      tpu.enqueue_indirect_dma source(%dma_start3A_579 : memref<640000xf32, #tpu.memory_space<hbm>>) target(%dma_start3A_574 : memref<128xf32, #tpu.memory_space<vmem>>) offsets(%dma_start3A_577 : memref<128xi32, #tpu.memory_space<vmem>>) semaphore(%arg25 : memref<!tpu.dma_semaphore, #tpu.memory_space<semaphore_mem>>)
      %dma_start3A_580 = arith.constant 2 : i32
      %dma_start3A_581 = arith.constant 2 : i32
      %dma_start3A_582 = arith.constant 0 : i32
      %dma_start3A_583 = tpu.memref_slice %arg19[%dma_start3A_581, %dma_start3A_582] : memref<4x128xf32, #tpu.memory_space<vmem>> -> memref<1x128xf32, #tpu.memory_space<vmem>>
      %dma_start3A_584 = tpu.memref_squeeze %dma_start3A_583 : memref<1x128xf32, #tpu.memory_space<vmem>> -> memref<128xf32, #tpu.memory_space<vmem>>
      %dma_start3A_585 = arith.constant 0 : i32
      %dma_start3A_586 = tpu.memref_slice %arg14[%dma_start3A_580, %dma_start3A_585] : memref<4x128xi32, #tpu.memory_space<vmem>> -> memref<1x128xi32, #tpu.memory_space<vmem>>
      %dma_start3A_587 = tpu.memref_squeeze %dma_start3A_586 : memref<1x128xi32, #tpu.memory_space<vmem>> -> memref<128xi32, #tpu.memory_space<vmem>>
      %dma_start3A_588 = arith.constant 0 : i32
      %dma_start3A_589 = tpu.memref_slice %arg3[%dma_start3A_588] : memref<640000xf32, #tpu.memory_space<hbm>> -> memref<640000xf32, #tpu.memory_space<hbm>>
      tpu.enqueue_indirect_dma source(%dma_start3A_589 : memref<640000xf32, #tpu.memory_space<hbm>>) target(%dma_start3A_584 : memref<128xf32, #tpu.memory_space<vmem>>) offsets(%dma_start3A_587 : memref<128xi32, #tpu.memory_space<vmem>>) semaphore(%arg25 : memref<!tpu.dma_semaphore, #tpu.memory_space<semaphore_mem>>)
      %dma_start3A_590 = arith.constant 3 : i32
      %dma_start3A_591 = arith.constant 3 : i32
      %dma_start3A_592 = arith.constant 0 : i32
      %dma_start3A_593 = tpu.memref_slice %arg19[%dma_start3A_591, %dma_start3A_592] : memref<4x128xf32, #tpu.memory_space<vmem>> -> memref<1x128xf32, #tpu.memory_space<vmem>>
      %dma_start3A_594 = tpu.memref_squeeze %dma_start3A_593 : memref<1x128xf32, #tpu.memory_space<vmem>> -> memref<128xf32, #tpu.memory_space<vmem>>
      %dma_start3A_595 = arith.constant 0 : i32
      %dma_start3A_596 = tpu.memref_slice %arg14[%dma_start3A_590, %dma_start3A_595] : memref<4x128xi32, #tpu.memory_space<vmem>> -> memref<1x128xi32, #tpu.memory_space<vmem>>
      %dma_start3A_597 = tpu.memref_squeeze %dma_start3A_596 : memref<1x128xi32, #tpu.memory_space<vmem>> -> memref<128xi32, #tpu.memory_space<vmem>>
      %dma_start3A_598 = arith.constant 0 : i32
      %dma_start3A_599 = tpu.memref_slice %arg3[%dma_start3A_598] : memref<640000xf32, #tpu.memory_space<hbm>> -> memref<640000xf32, #tpu.memory_space<hbm>>
      tpu.enqueue_indirect_dma source(%dma_start3A_599 : memref<640000xf32, #tpu.memory_space<hbm>>) target(%dma_start3A_594 : memref<128xf32, #tpu.memory_space<vmem>>) offsets(%dma_start3A_597 : memref<128xi32, #tpu.memory_space<vmem>>) semaphore(%arg25 : memref<!tpu.dma_semaphore, #tpu.memory_space<semaphore_mem>>)
      %dma_start3A_600 = arith.constant 0 : i32
      %dma_start3A_601 = arith.constant 0 : i32
      %dma_start3A_602 = arith.constant 0 : i32
      %dma_start3A_603 = tpu.memref_slice %arg20[%dma_start3A_601, %dma_start3A_602] : memref<2x128xf32, #tpu.memory_space<vmem>> -> memref<1x128xf32, #tpu.memory_space<vmem>>
      %dma_start3A_604 = tpu.memref_squeeze %dma_start3A_603 : memref<1x128xf32, #tpu.memory_space<vmem>> -> memref<128xf32, #tpu.memory_space<vmem>>
      %dma_start3A_605 = arith.constant 0 : i32
      %dma_start3A_606 = tpu.memref_slice %arg15[%dma_start3A_600, %dma_start3A_605] : memref<2x128xi32, #tpu.memory_space<vmem>> -> memref<1x128xi32, #tpu.memory_space<vmem>>
      %dma_start3A_607 = tpu.memref_squeeze %dma_start3A_606 : memref<1x128xi32, #tpu.memory_space<vmem>> -> memref<128xi32, #tpu.memory_space<vmem>>
      %dma_start3A_608 = arith.constant 0 : i32
      %dma_start3A_609 = tpu.memref_slice %arg6[%dma_start3A_608] : memref<40000xf32, #tpu.memory_space<hbm>> -> memref<40000xf32, #tpu.memory_space<hbm>>
      tpu.enqueue_indirect_dma source(%dma_start3A_609 : memref<40000xf32, #tpu.memory_space<hbm>>) target(%dma_start3A_604 : memref<128xf32, #tpu.memory_space<vmem>>) offsets(%dma_start3A_607 : memref<128xi32, #tpu.memory_space<vmem>>) semaphore(%arg25 : memref<!tpu.dma_semaphore, #tpu.memory_space<semaphore_mem>>)
      %dma_start3A_610 = arith.constant 1 : i32
      %dma_start3A_611 = arith.constant 1 : i32
      %dma_start3A_612 = arith.constant 0 : i32
      %dma_start3A_613 = tpu.memref_slice %arg20[%dma_start3A_611, %dma_start3A_612] : memref<2x128xf32, #tpu.memory_space<vmem>> -> memref<1x128xf32, #tpu.memory_space<vmem>>
      %dma_start3A_614 = tpu.memref_squeeze %dma_start3A_613 : memref<1x128xf32, #tpu.memory_space<vmem>> -> memref<128xf32, #tpu.memory_space<vmem>>
      %dma_start3A_615 = arith.constant 0 : i32
      %dma_start3A_616 = tpu.memref_slice %arg15[%dma_start3A_610, %dma_start3A_615] : memref<2x128xi32, #tpu.memory_space<vmem>> -> memref<1x128xi32, #tpu.memory_space<vmem>>
      %dma_start3A_617 = tpu.memref_squeeze %dma_start3A_616 : memref<1x128xi32, #tpu.memory_space<vmem>> -> memref<128xi32, #tpu.memory_space<vmem>>
      %dma_start3A_618 = arith.constant 0 : i32
      %dma_start3A_619 = tpu.memref_slice %arg6[%dma_start3A_618] : memref<40000xf32, #tpu.memory_space<hbm>> -> memref<40000xf32, #tpu.memory_space<hbm>>
      tpu.enqueue_indirect_dma source(%dma_start3A_619 : memref<40000xf32, #tpu.memory_space<hbm>>) target(%dma_start3A_614 : memref<128xf32, #tpu.memory_space<vmem>>) offsets(%dma_start3A_617 : memref<128xi32, #tpu.memory_space<vmem>>) semaphore(%arg25 : memref<!tpu.dma_semaphore, #tpu.memory_space<semaphore_mem>>)
      %dma_start3A_620 = arith.constant 0 : i32
      %dma_start3A_621 = arith.constant 0 : i32
      %dma_start3A_622 = arith.constant 0 : i32
      %dma_start3A_623 = tpu.memref_slice %arg21[%dma_start3A_621, %dma_start3A_622] : memref<1x128xf32, #tpu.memory_space<vmem>> -> memref<1x128xf32, #tpu.memory_space<vmem>>
      %dma_start3A_624 = tpu.memref_squeeze %dma_start3A_623 : memref<1x128xf32, #tpu.memory_space<vmem>> -> memref<128xf32, #tpu.memory_space<vmem>>
      %dma_start3A_625 = arith.constant 0 : i32
      %dma_start3A_626 = tpu.memref_slice %arg16[%dma_start3A_620, %dma_start3A_625] : memref<1x128xi32, #tpu.memory_space<vmem>> -> memref<1x128xi32, #tpu.memory_space<vmem>>
      %dma_start3A_627 = tpu.memref_squeeze %dma_start3A_626 : memref<1x128xi32, #tpu.memory_space<vmem>> -> memref<128xi32, #tpu.memory_space<vmem>>
      %dma_start3A_628 = arith.constant 0 : i32
      %dma_start3A_629 = tpu.memref_slice %arg7[%dma_start3A_628] : memref<20000xf32, #tpu.memory_space<hbm>> -> memref<20000xf32, #tpu.memory_space<hbm>>
      tpu.enqueue_indirect_dma source(%dma_start3A_629 : memref<20000xf32, #tpu.memory_space<hbm>>) target(%dma_start3A_624 : memref<128xf32, #tpu.memory_space<vmem>>) offsets(%dma_start3A_627 : memref<128xi32, #tpu.memory_space<vmem>>) semaphore(%arg25 : memref<!tpu.dma_semaphore, #tpu.memory_space<semaphore_mem>>)
      %dma_wait3A = arith.constant 0 : i32
      %dma_wait3A_630 = arith.constant 0 : i32
      %dma_wait3A_631 = arith.constant 0 : i32
      %dma_wait3A_632 = tpu.memref_slice %arg17[%dma_wait3A_630, %dma_wait3A_631] : memref<34x128xf32, #tpu.memory_space<vmem>> -> memref<1x128xf32, #tpu.memory_space<vmem>>
      %dma_wait3A_633 = tpu.memref_squeeze %dma_wait3A_632 : memref<1x128xf32, #tpu.memory_space<vmem>> -> memref<128xf32, #tpu.memory_space<vmem>>
      %dma_wait3A_634 = arith.constant 0 : i32
      %dma_wait3A_635 = tpu.memref_slice %arg12[%dma_wait3A, %dma_wait3A_634] : memref<34x128xi32, #tpu.memory_space<vmem>> -> memref<1x128xi32, #tpu.memory_space<vmem>>
      %dma_wait3A_636 = tpu.memref_squeeze %dma_wait3A_635 : memref<1x128xi32, #tpu.memory_space<vmem>> -> memref<128xi32, #tpu.memory_space<vmem>>
      %dma_wait3A_637 = arith.constant 0 : i32
      %dma_wait3A_638 = tpu.memref_slice %arg4[%dma_wait3A_637] : memref<5440000xf32, #tpu.memory_space<hbm>> -> memref<5440000xf32, #tpu.memory_space<hbm>>
      tpu.wait_indirect_dma semaphore(%arg25 : memref<!tpu.dma_semaphore, #tpu.memory_space<semaphore_mem>>) src(%dma_wait3A_638 : memref<5440000xf32, #tpu.memory_space<hbm>>) dst(%dma_wait3A_633 : memref<128xf32, #tpu.memory_space<vmem>>)
      %dma_wait3A_639 = arith.constant 1 : i32
      %dma_wait3A_640 = arith.constant 1 : i32
      %dma_wait3A_641 = arith.constant 0 : i32
      %dma_wait3A_642 = tpu.memref_slice %arg17[%dma_wait3A_640, %dma_wait3A_641] : memref<34x128xf32, #tpu.memory_space<vmem>> -> memref<1x128xf32, #tpu.memory_space<vmem>>
      %dma_wait3A_643 = tpu.memref_squeeze %dma_wait3A_642 : memref<1x128xf32, #tpu.memory_space<vmem>> -> memref<128xf32, #tpu.memory_space<vmem>>
      %dma_wait3A_644 = arith.constant 0 : i32
      %dma_wait3A_645 = tpu.memref_slice %arg12[%dma_wait3A_639, %dma_wait3A_644] : memref<34x128xi32, #tpu.memory_space<vmem>> -> memref<1x128xi32, #tpu.memory_space<vmem>>
      %dma_wait3A_646 = tpu.memref_squeeze %dma_wait3A_645 : memref<1x128xi32, #tpu.memory_space<vmem>> -> memref<128xi32, #tpu.memory_space<vmem>>
      %dma_wait3A_647 = arith.constant 0 : i32
      %dma_wait3A_648 = tpu.memref_slice %arg4[%dma_wait3A_647] : memref<5440000xf32, #tpu.memory_space<hbm>> -> memref<5440000xf32, #tpu.memory_space<hbm>>
      tpu.wait_indirect_dma semaphore(%arg25 : memref<!tpu.dma_semaphore, #tpu.memory_space<semaphore_mem>>) src(%dma_wait3A_648 : memref<5440000xf32, #tpu.memory_space<hbm>>) dst(%dma_wait3A_643 : memref<128xf32, #tpu.memory_space<vmem>>)
      %dma_wait3A_649 = arith.constant 2 : i32
      %dma_wait3A_650 = arith.constant 2 : i32
      %dma_wait3A_651 = arith.constant 0 : i32
      %dma_wait3A_652 = tpu.memref_slice %arg17[%dma_wait3A_650, %dma_wait3A_651] : memref<34x128xf32, #tpu.memory_space<vmem>> -> memref<1x128xf32, #tpu.memory_space<vmem>>
      %dma_wait3A_653 = tpu.memref_squeeze %dma_wait3A_652 : memref<1x128xf32, #tpu.memory_space<vmem>> -> memref<128xf32, #tpu.memory_space<vmem>>
      %dma_wait3A_654 = arith.constant 0 : i32
      %dma_wait3A_655 = tpu.memref_slice %arg12[%dma_wait3A_649, %dma_wait3A_654] : memref<34x128xi32, #tpu.memory_space<vmem>> -> memref<1x128xi32, #tpu.memory_space<vmem>>
      %dma_wait3A_656 = tpu.memref_squeeze %dma_wait3A_655 : memref<1x128xi32, #tpu.memory_space<vmem>> -> memref<128xi32, #tpu.memory_space<vmem>>
      %dma_wait3A_657 = arith.constant 0 : i32
      %dma_wait3A_658 = tpu.memref_slice %arg4[%dma_wait3A_657] : memref<5440000xf32, #tpu.memory_space<hbm>> -> memref<5440000xf32, #tpu.memory_space<hbm>>
      tpu.wait_indirect_dma semaphore(%arg25 : memref<!tpu.dma_semaphore, #tpu.memory_space<semaphore_mem>>) src(%dma_wait3A_658 : memref<5440000xf32, #tpu.memory_space<hbm>>) dst(%dma_wait3A_653 : memref<128xf32, #tpu.memory_space<vmem>>)
      %dma_wait3A_659 = arith.constant 3 : i32
      %dma_wait3A_660 = arith.constant 3 : i32
      %dma_wait3A_661 = arith.constant 0 : i32
      %dma_wait3A_662 = tpu.memref_slice %arg17[%dma_wait3A_660, %dma_wait3A_661] : memref<34x128xf32, #tpu.memory_space<vmem>> -> memref<1x128xf32, #tpu.memory_space<vmem>>
      %dma_wait3A_663 = tpu.memref_squeeze %dma_wait3A_662 : memref<1x128xf32, #tpu.memory_space<vmem>> -> memref<128xf32, #tpu.memory_space<vmem>>
      %dma_wait3A_664 = arith.constant 0 : i32
      %dma_wait3A_665 = tpu.memref_slice %arg12[%dma_wait3A_659, %dma_wait3A_664] : memref<34x128xi32, #tpu.memory_space<vmem>> -> memref<1x128xi32, #tpu.memory_space<vmem>>
      %dma_wait3A_666 = tpu.memref_squeeze %dma_wait3A_665 : memref<1x128xi32, #tpu.memory_space<vmem>> -> memref<128xi32, #tpu.memory_space<vmem>>
      %dma_wait3A_667 = arith.constant 0 : i32
      %dma_wait3A_668 = tpu.memref_slice %arg4[%dma_wait3A_667] : memref<5440000xf32, #tpu.memory_space<hbm>> -> memref<5440000xf32, #tpu.memory_space<hbm>>
      tpu.wait_indirect_dma semaphore(%arg25 : memref<!tpu.dma_semaphore, #tpu.memory_space<semaphore_mem>>) src(%dma_wait3A_668 : memref<5440000xf32, #tpu.memory_space<hbm>>) dst(%dma_wait3A_663 : memref<128xf32, #tpu.memory_space<vmem>>)
      %dma_wait3A_669 = arith.constant 4 : i32
      %dma_wait3A_670 = arith.constant 4 : i32
      %dma_wait3A_671 = arith.constant 0 : i32
      %dma_wait3A_672 = tpu.memref_slice %arg17[%dma_wait3A_670, %dma_wait3A_671] : memref<34x128xf32, #tpu.memory_space<vmem>> -> memref<1x128xf32, #tpu.memory_space<vmem>>
      %dma_wait3A_673 = tpu.memref_squeeze %dma_wait3A_672 : memref<1x128xf32, #tpu.memory_space<vmem>> -> memref<128xf32, #tpu.memory_space<vmem>>
      %dma_wait3A_674 = arith.constant 0 : i32
      %dma_wait3A_675 = tpu.memref_slice %arg12[%dma_wait3A_669, %dma_wait3A_674] : memref<34x128xi32, #tpu.memory_space<vmem>> -> memref<1x128xi32, #tpu.memory_space<vmem>>
      %dma_wait3A_676 = tpu.memref_squeeze %dma_wait3A_675 : memref<1x128xi32, #tpu.memory_space<vmem>> -> memref<128xi32, #tpu.memory_space<vmem>>
      %dma_wait3A_677 = arith.constant 0 : i32
      %dma_wait3A_678 = tpu.memref_slice %arg4[%dma_wait3A_677] : memref<5440000xf32, #tpu.memory_space<hbm>> -> memref<5440000xf32, #tpu.memory_space<hbm>>
      tpu.wait_indirect_dma semaphore(%arg25 : memref<!tpu.dma_semaphore, #tpu.memory_space<semaphore_mem>>) src(%dma_wait3A_678 : memref<5440000xf32, #tpu.memory_space<hbm>>) dst(%dma_wait3A_673 : memref<128xf32, #tpu.memory_space<vmem>>)
      %dma_wait3A_679 = arith.constant 5 : i32
      %dma_wait3A_680 = arith.constant 5 : i32
      %dma_wait3A_681 = arith.constant 0 : i32
      %dma_wait3A_682 = tpu.memref_slice %arg17[%dma_wait3A_680, %dma_wait3A_681] : memref<34x128xf32, #tpu.memory_space<vmem>> -> memref<1x128xf32, #tpu.memory_space<vmem>>
      %dma_wait3A_683 = tpu.memref_squeeze %dma_wait3A_682 : memref<1x128xf32, #tpu.memory_space<vmem>> -> memref<128xf32, #tpu.memory_space<vmem>>
      %dma_wait3A_684 = arith.constant 0 : i32
      %dma_wait3A_685 = tpu.memref_slice %arg12[%dma_wait3A_679, %dma_wait3A_684] : memref<34x128xi32, #tpu.memory_space<vmem>> -> memref<1x128xi32, #tpu.memory_space<vmem>>
      %dma_wait3A_686 = tpu.memref_squeeze %dma_wait3A_685 : memref<1x128xi32, #tpu.memory_space<vmem>> -> memref<128xi32, #tpu.memory_space<vmem>>
      %dma_wait3A_687 = arith.constant 0 : i32
      %dma_wait3A_688 = tpu.memref_slice %arg4[%dma_wait3A_687] : memref<5440000xf32, #tpu.memory_space<hbm>> -> memref<5440000xf32, #tpu.memory_space<hbm>>
      tpu.wait_indirect_dma semaphore(%arg25 : memref<!tpu.dma_semaphore, #tpu.memory_space<semaphore_mem>>) src(%dma_wait3A_688 : memref<5440000xf32, #tpu.memory_space<hbm>>) dst(%dma_wait3A_683 : memref<128xf32, #tpu.memory_space<vmem>>)
      %dma_wait3A_689 = arith.constant 6 : i32
      %dma_wait3A_690 = arith.constant 6 : i32
      %dma_wait3A_691 = arith.constant 0 : i32
      %dma_wait3A_692 = tpu.memref_slice %arg17[%dma_wait3A_690, %dma_wait3A_691] : memref<34x128xf32, #tpu.memory_space<vmem>> -> memref<1x128xf32, #tpu.memory_space<vmem>>
      %dma_wait3A_693 = tpu.memref_squeeze %dma_wait3A_692 : memref<1x128xf32, #tpu.memory_space<vmem>> -> memref<128xf32, #tpu.memory_space<vmem>>
      %dma_wait3A_694 = arith.constant 0 : i32
      %dma_wait3A_695 = tpu.memref_slice %arg12[%dma_wait3A_689, %dma_wait3A_694] : memref<34x128xi32, #tpu.memory_space<vmem>> -> memref<1x128xi32, #tpu.memory_space<vmem>>
      %dma_wait3A_696 = tpu.memref_squeeze %dma_wait3A_695 : memref<1x128xi32, #tpu.memory_space<vmem>> -> memref<128xi32, #tpu.memory_space<vmem>>
      %dma_wait3A_697 = arith.constant 0 : i32
      %dma_wait3A_698 = tpu.memref_slice %arg4[%dma_wait3A_697] : memref<5440000xf32, #tpu.memory_space<hbm>> -> memref<5440000xf32, #tpu.memory_space<hbm>>
      tpu.wait_indirect_dma semaphore(%arg25 : memref<!tpu.dma_semaphore, #tpu.memory_space<semaphore_mem>>) src(%dma_wait3A_698 : memref<5440000xf32, #tpu.memory_space<hbm>>) dst(%dma_wait3A_693 : memref<128xf32, #tpu.memory_space<vmem>>)
      %dma_wait3A_699 = arith.constant 7 : i32
      %dma_wait3A_700 = arith.constant 7 : i32
      %dma_wait3A_701 = arith.constant 0 : i32
      %dma_wait3A_702 = tpu.memref_slice %arg17[%dma_wait3A_700, %dma_wait3A_701] : memref<34x128xf32, #tpu.memory_space<vmem>> -> memref<1x128xf32, #tpu.memory_space<vmem>>
      %dma_wait3A_703 = tpu.memref_squeeze %dma_wait3A_702 : memref<1x128xf32, #tpu.memory_space<vmem>> -> memref<128xf32, #tpu.memory_space<vmem>>
      %dma_wait3A_704 = arith.constant 0 : i32
      %dma_wait3A_705 = tpu.memref_slice %arg12[%dma_wait3A_699, %dma_wait3A_704] : memref<34x128xi32, #tpu.memory_space<vmem>> -> memref<1x128xi32, #tpu.memory_space<vmem>>
      %dma_wait3A_706 = tpu.memref_squeeze %dma_wait3A_705 : memref<1x128xi32, #tpu.memory_space<vmem>> -> memref<128xi32, #tpu.memory_space<vmem>>
      %dma_wait3A_707 = arith.constant 0 : i32
      %dma_wait3A_708 = tpu.memref_slice %arg4[%dma_wait3A_707] : memref<5440000xf32, #tpu.memory_space<hbm>> -> memref<5440000xf32, #tpu.memory_space<hbm>>
      tpu.wait_indirect_dma semaphore(%arg25 : memref<!tpu.dma_semaphore, #tpu.memory_space<semaphore_mem>>) src(%dma_wait3A_708 : memref<5440000xf32, #tpu.memory_space<hbm>>) dst(%dma_wait3A_703 : memref<128xf32, #tpu.memory_space<vmem>>)
      %dma_wait3A_709 = arith.constant 8 : i32
      %dma_wait3A_710 = arith.constant 8 : i32
      %dma_wait3A_711 = arith.constant 0 : i32
      %dma_wait3A_712 = tpu.memref_slice %arg17[%dma_wait3A_710, %dma_wait3A_711] : memref<34x128xf32, #tpu.memory_space<vmem>> -> memref<1x128xf32, #tpu.memory_space<vmem>>
      %dma_wait3A_713 = tpu.memref_squeeze %dma_wait3A_712 : memref<1x128xf32, #tpu.memory_space<vmem>> -> memref<128xf32, #tpu.memory_space<vmem>>
      %dma_wait3A_714 = arith.constant 0 : i32
      %dma_wait3A_715 = tpu.memref_slice %arg12[%dma_wait3A_709, %dma_wait3A_714] : memref<34x128xi32, #tpu.memory_space<vmem>> -> memref<1x128xi32, #tpu.memory_space<vmem>>
      %dma_wait3A_716 = tpu.memref_squeeze %dma_wait3A_715 : memref<1x128xi32, #tpu.memory_space<vmem>> -> memref<128xi32, #tpu.memory_space<vmem>>
      %dma_wait3A_717 = arith.constant 0 : i32
      %dma_wait3A_718 = tpu.memref_slice %arg4[%dma_wait3A_717] : memref<5440000xf32, #tpu.memory_space<hbm>> -> memref<5440000xf32, #tpu.memory_space<hbm>>
      tpu.wait_indirect_dma semaphore(%arg25 : memref<!tpu.dma_semaphore, #tpu.memory_space<semaphore_mem>>) src(%dma_wait3A_718 : memref<5440000xf32, #tpu.memory_space<hbm>>) dst(%dma_wait3A_713 : memref<128xf32, #tpu.memory_space<vmem>>)
      %dma_wait3A_719 = arith.constant 9 : i32
      %dma_wait3A_720 = arith.constant 9 : i32
      %dma_wait3A_721 = arith.constant 0 : i32
      %dma_wait3A_722 = tpu.memref_slice %arg17[%dma_wait3A_720, %dma_wait3A_721] : memref<34x128xf32, #tpu.memory_space<vmem>> -> memref<1x128xf32, #tpu.memory_space<vmem>>
      %dma_wait3A_723 = tpu.memref_squeeze %dma_wait3A_722 : memref<1x128xf32, #tpu.memory_space<vmem>> -> memref<128xf32, #tpu.memory_space<vmem>>
      %dma_wait3A_724 = arith.constant 0 : i32
      %dma_wait3A_725 = tpu.memref_slice %arg12[%dma_wait3A_719, %dma_wait3A_724] : memref<34x128xi32, #tpu.memory_space<vmem>> -> memref<1x128xi32, #tpu.memory_space<vmem>>
      %dma_wait3A_726 = tpu.memref_squeeze %dma_wait3A_725 : memref<1x128xi32, #tpu.memory_space<vmem>> -> memref<128xi32, #tpu.memory_space<vmem>>
      %dma_wait3A_727 = arith.constant 0 : i32
      %dma_wait3A_728 = tpu.memref_slice %arg4[%dma_wait3A_727] : memref<5440000xf32, #tpu.memory_space<hbm>> -> memref<5440000xf32, #tpu.memory_space<hbm>>
      tpu.wait_indirect_dma semaphore(%arg25 : memref<!tpu.dma_semaphore, #tpu.memory_space<semaphore_mem>>) src(%dma_wait3A_728 : memref<5440000xf32, #tpu.memory_space<hbm>>) dst(%dma_wait3A_723 : memref<128xf32, #tpu.memory_space<vmem>>)
      %dma_wait3A_729 = arith.constant 10 : i32
      %dma_wait3A_730 = arith.constant 10 : i32
      %dma_wait3A_731 = arith.constant 0 : i32
      %dma_wait3A_732 = tpu.memref_slice %arg17[%dma_wait3A_730, %dma_wait3A_731] : memref<34x128xf32, #tpu.memory_space<vmem>> -> memref<1x128xf32, #tpu.memory_space<vmem>>
      %dma_wait3A_733 = tpu.memref_squeeze %dma_wait3A_732 : memref<1x128xf32, #tpu.memory_space<vmem>> -> memref<128xf32, #tpu.memory_space<vmem>>
      %dma_wait3A_734 = arith.constant 0 : i32
      %dma_wait3A_735 = tpu.memref_slice %arg12[%dma_wait3A_729, %dma_wait3A_734] : memref<34x128xi32, #tpu.memory_space<vmem>> -> memref<1x128xi32, #tpu.memory_space<vmem>>
      %dma_wait3A_736 = tpu.memref_squeeze %dma_wait3A_735 : memref<1x128xi32, #tpu.memory_space<vmem>> -> memref<128xi32, #tpu.memory_space<vmem>>
      %dma_wait3A_737 = arith.constant 0 : i32
      %dma_wait3A_738 = tpu.memref_slice %arg4[%dma_wait3A_737] : memref<5440000xf32, #tpu.memory_space<hbm>> -> memref<5440000xf32, #tpu.memory_space<hbm>>
      tpu.wait_indirect_dma semaphore(%arg25 : memref<!tpu.dma_semaphore, #tpu.memory_space<semaphore_mem>>) src(%dma_wait3A_738 : memref<5440000xf32, #tpu.memory_space<hbm>>) dst(%dma_wait3A_733 : memref<128xf32, #tpu.memory_space<vmem>>)
      %dma_wait3A_739 = arith.constant 11 : i32
      %dma_wait3A_740 = arith.constant 11 : i32
      %dma_wait3A_741 = arith.constant 0 : i32
      %dma_wait3A_742 = tpu.memref_slice %arg17[%dma_wait3A_740, %dma_wait3A_741] : memref<34x128xf32, #tpu.memory_space<vmem>> -> memref<1x128xf32, #tpu.memory_space<vmem>>
      %dma_wait3A_743 = tpu.memref_squeeze %dma_wait3A_742 : memref<1x128xf32, #tpu.memory_space<vmem>> -> memref<128xf32, #tpu.memory_space<vmem>>
      %dma_wait3A_744 = arith.constant 0 : i32
      %dma_wait3A_745 = tpu.memref_slice %arg12[%dma_wait3A_739, %dma_wait3A_744] : memref<34x128xi32, #tpu.memory_space<vmem>> -> memref<1x128xi32, #tpu.memory_space<vmem>>
      %dma_wait3A_746 = tpu.memref_squeeze %dma_wait3A_745 : memref<1x128xi32, #tpu.memory_space<vmem>> -> memref<128xi32, #tpu.memory_space<vmem>>
      %dma_wait3A_747 = arith.constant 0 : i32
      %dma_wait3A_748 = tpu.memref_slice %arg4[%dma_wait3A_747] : memref<5440000xf32, #tpu.memory_space<hbm>> -> memref<5440000xf32, #tpu.memory_space<hbm>>
      tpu.wait_indirect_dma semaphore(%arg25 : memref<!tpu.dma_semaphore, #tpu.memory_space<semaphore_mem>>) src(%dma_wait3A_748 : memref<5440000xf32, #tpu.memory_space<hbm>>) dst(%dma_wait3A_743 : memref<128xf32, #tpu.memory_space<vmem>>)
      %dma_wait3A_749 = arith.constant 12 : i32
      %dma_wait3A_750 = arith.constant 12 : i32
      %dma_wait3A_751 = arith.constant 0 : i32
      %dma_wait3A_752 = tpu.memref_slice %arg17[%dma_wait3A_750, %dma_wait3A_751] : memref<34x128xf32, #tpu.memory_space<vmem>> -> memref<1x128xf32, #tpu.memory_space<vmem>>
      %dma_wait3A_753 = tpu.memref_squeeze %dma_wait3A_752 : memref<1x128xf32, #tpu.memory_space<vmem>> -> memref<128xf32, #tpu.memory_space<vmem>>
      %dma_wait3A_754 = arith.constant 0 : i32
      %dma_wait3A_755 = tpu.memref_slice %arg12[%dma_wait3A_749, %dma_wait3A_754] : memref<34x128xi32, #tpu.memory_space<vmem>> -> memref<1x128xi32, #tpu.memory_space<vmem>>
      %dma_wait3A_756 = tpu.memref_squeeze %dma_wait3A_755 : memref<1x128xi32, #tpu.memory_space<vmem>> -> memref<128xi32, #tpu.memory_space<vmem>>
      %dma_wait3A_757 = arith.constant 0 : i32
      %dma_wait3A_758 = tpu.memref_slice %arg4[%dma_wait3A_757] : memref<5440000xf32, #tpu.memory_space<hbm>> -> memref<5440000xf32, #tpu.memory_space<hbm>>
      tpu.wait_indirect_dma semaphore(%arg25 : memref<!tpu.dma_semaphore, #tpu.memory_space<semaphore_mem>>) src(%dma_wait3A_758 : memref<5440000xf32, #tpu.memory_space<hbm>>) dst(%dma_wait3A_753 : memref<128xf32, #tpu.memory_space<vmem>>)
      %dma_wait3A_759 = arith.constant 13 : i32
      %dma_wait3A_760 = arith.constant 13 : i32
      %dma_wait3A_761 = arith.constant 0 : i32
      %dma_wait3A_762 = tpu.memref_slice %arg17[%dma_wait3A_760, %dma_wait3A_761] : memref<34x128xf32, #tpu.memory_space<vmem>> -> memref<1x128xf32, #tpu.memory_space<vmem>>
      %dma_wait3A_763 = tpu.memref_squeeze %dma_wait3A_762 : memref<1x128xf32, #tpu.memory_space<vmem>> -> memref<128xf32, #tpu.memory_space<vmem>>
      %dma_wait3A_764 = arith.constant 0 : i32
      %dma_wait3A_765 = tpu.memref_slice %arg12[%dma_wait3A_759, %dma_wait3A_764] : memref<34x128xi32, #tpu.memory_space<vmem>> -> memref<1x128xi32, #tpu.memory_space<vmem>>
      %dma_wait3A_766 = tpu.memref_squeeze %dma_wait3A_765 : memref<1x128xi32, #tpu.memory_space<vmem>> -> memref<128xi32, #tpu.memory_space<vmem>>
      %dma_wait3A_767 = arith.constant 0 : i32
      %dma_wait3A_768 = tpu.memref_slice %arg4[%dma_wait3A_767] : memref<5440000xf32, #tpu.memory_space<hbm>> -> memref<5440000xf32, #tpu.memory_space<hbm>>
      tpu.wait_indirect_dma semaphore(%arg25 : memref<!tpu.dma_semaphore, #tpu.memory_space<semaphore_mem>>) src(%dma_wait3A_768 : memref<5440000xf32, #tpu.memory_space<hbm>>) dst(%dma_wait3A_763 : memref<128xf32, #tpu.memory_space<vmem>>)
      %dma_wait3A_769 = arith.constant 14 : i32
      %dma_wait3A_770 = arith.constant 14 : i32
      %dma_wait3A_771 = arith.constant 0 : i32
      %dma_wait3A_772 = tpu.memref_slice %arg17[%dma_wait3A_770, %dma_wait3A_771] : memref<34x128xf32, #tpu.memory_space<vmem>> -> memref<1x128xf32, #tpu.memory_space<vmem>>
      %dma_wait3A_773 = tpu.memref_squeeze %dma_wait3A_772 : memref<1x128xf32, #tpu.memory_space<vmem>> -> memref<128xf32, #tpu.memory_space<vmem>>
      %dma_wait3A_774 = arith.constant 0 : i32
      %dma_wait3A_775 = tpu.memref_slice %arg12[%dma_wait3A_769, %dma_wait3A_774] : memref<34x128xi32, #tpu.memory_space<vmem>> -> memref<1x128xi32, #tpu.memory_space<vmem>>
      %dma_wait3A_776 = tpu.memref_squeeze %dma_wait3A_775 : memref<1x128xi32, #tpu.memory_space<vmem>> -> memref<128xi32, #tpu.memory_space<vmem>>
      %dma_wait3A_777 = arith.constant 0 : i32
      %dma_wait3A_778 = tpu.memref_slice %arg4[%dma_wait3A_777] : memref<5440000xf32, #tpu.memory_space<hbm>> -> memref<5440000xf32, #tpu.memory_space<hbm>>
      tpu.wait_indirect_dma semaphore(%arg25 : memref<!tpu.dma_semaphore, #tpu.memory_space<semaphore_mem>>) src(%dma_wait3A_778 : memref<5440000xf32, #tpu.memory_space<hbm>>) dst(%dma_wait3A_773 : memref<128xf32, #tpu.memory_space<vmem>>)
      %dma_wait3A_779 = arith.constant 15 : i32
      %dma_wait3A_780 = arith.constant 15 : i32
      %dma_wait3A_781 = arith.constant 0 : i32
      %dma_wait3A_782 = tpu.memref_slice %arg17[%dma_wait3A_780, %dma_wait3A_781] : memref<34x128xf32, #tpu.memory_space<vmem>> -> memref<1x128xf32, #tpu.memory_space<vmem>>
      %dma_wait3A_783 = tpu.memref_squeeze %dma_wait3A_782 : memref<1x128xf32, #tpu.memory_space<vmem>> -> memref<128xf32, #tpu.memory_space<vmem>>
      %dma_wait3A_784 = arith.constant 0 : i32
      %dma_wait3A_785 = tpu.memref_slice %arg12[%dma_wait3A_779, %dma_wait3A_784] : memref<34x128xi32, #tpu.memory_space<vmem>> -> memref<1x128xi32, #tpu.memory_space<vmem>>
      %dma_wait3A_786 = tpu.memref_squeeze %dma_wait3A_785 : memref<1x128xi32, #tpu.memory_space<vmem>> -> memref<128xi32, #tpu.memory_space<vmem>>
      %dma_wait3A_787 = arith.constant 0 : i32
      %dma_wait3A_788 = tpu.memref_slice %arg4[%dma_wait3A_787] : memref<5440000xf32, #tpu.memory_space<hbm>> -> memref<5440000xf32, #tpu.memory_space<hbm>>
      tpu.wait_indirect_dma semaphore(%arg25 : memref<!tpu.dma_semaphore, #tpu.memory_space<semaphore_mem>>) src(%dma_wait3A_788 : memref<5440000xf32, #tpu.memory_space<hbm>>) dst(%dma_wait3A_783 : memref<128xf32, #tpu.memory_space<vmem>>)
      %dma_wait3A_789 = arith.constant 16 : i32
      %dma_wait3A_790 = arith.constant 16 : i32
      %dma_wait3A_791 = arith.constant 0 : i32
      %dma_wait3A_792 = tpu.memref_slice %arg17[%dma_wait3A_790, %dma_wait3A_791] : memref<34x128xf32, #tpu.memory_space<vmem>> -> memref<1x128xf32, #tpu.memory_space<vmem>>
      %dma_wait3A_793 = tpu.memref_squeeze %dma_wait3A_792 : memref<1x128xf32, #tpu.memory_space<vmem>> -> memref<128xf32, #tpu.memory_space<vmem>>
      %dma_wait3A_794 = arith.constant 0 : i32
      %dma_wait3A_795 = tpu.memref_slice %arg12[%dma_wait3A_789, %dma_wait3A_794] : memref<34x128xi32, #tpu.memory_space<vmem>> -> memref<1x128xi32, #tpu.memory_space<vmem>>
      %dma_wait3A_796 = tpu.memref_squeeze %dma_wait3A_795 : memref<1x128xi32, #tpu.memory_space<vmem>> -> memref<128xi32, #tpu.memory_space<vmem>>
      %dma_wait3A_797 = arith.constant 0 : i32
      %dma_wait3A_798 = tpu.memref_slice %arg4[%dma_wait3A_797] : memref<5440000xf32, #tpu.memory_space<hbm>> -> memref<5440000xf32, #tpu.memory_space<hbm>>
      tpu.wait_indirect_dma semaphore(%arg25 : memref<!tpu.dma_semaphore, #tpu.memory_space<semaphore_mem>>) src(%dma_wait3A_798 : memref<5440000xf32, #tpu.memory_space<hbm>>) dst(%dma_wait3A_793 : memref<128xf32, #tpu.memory_space<vmem>>)
      %dma_wait3A_799 = arith.constant 17 : i32
      %dma_wait3A_800 = arith.constant 17 : i32
      %dma_wait3A_801 = arith.constant 0 : i32
      %dma_wait3A_802 = tpu.memref_slice %arg17[%dma_wait3A_800, %dma_wait3A_801] : memref<34x128xf32, #tpu.memory_space<vmem>> -> memref<1x128xf32, #tpu.memory_space<vmem>>
      %dma_wait3A_803 = tpu.memref_squeeze %dma_wait3A_802 : memref<1x128xf32, #tpu.memory_space<vmem>> -> memref<128xf32, #tpu.memory_space<vmem>>
      %dma_wait3A_804 = arith.constant 0 : i32
      %dma_wait3A_805 = tpu.memref_slice %arg12[%dma_wait3A_799, %dma_wait3A_804] : memref<34x128xi32, #tpu.memory_space<vmem>> -> memref<1x128xi32, #tpu.memory_space<vmem>>
      %dma_wait3A_806 = tpu.memref_squeeze %dma_wait3A_805 : memref<1x128xi32, #tpu.memory_space<vmem>> -> memref<128xi32, #tpu.memory_space<vmem>>
      %dma_wait3A_807 = arith.constant 0 : i32
      %dma_wait3A_808 = tpu.memref_slice %arg4[%dma_wait3A_807] : memref<5440000xf32, #tpu.memory_space<hbm>> -> memref<5440000xf32, #tpu.memory_space<hbm>>
      tpu.wait_indirect_dma semaphore(%arg25 : memref<!tpu.dma_semaphore, #tpu.memory_space<semaphore_mem>>) src(%dma_wait3A_808 : memref<5440000xf32, #tpu.memory_space<hbm>>) dst(%dma_wait3A_803 : memref<128xf32, #tpu.memory_space<vmem>>)
      %dma_wait3A_809 = arith.constant 18 : i32
      %dma_wait3A_810 = arith.constant 18 : i32
      %dma_wait3A_811 = arith.constant 0 : i32
      %dma_wait3A_812 = tpu.memref_slice %arg17[%dma_wait3A_810, %dma_wait3A_811] : memref<34x128xf32, #tpu.memory_space<vmem>> -> memref<1x128xf32, #tpu.memory_space<vmem>>
      %dma_wait3A_813 = tpu.memref_squeeze %dma_wait3A_812 : memref<1x128xf32, #tpu.memory_space<vmem>> -> memref<128xf32, #tpu.memory_space<vmem>>
      %dma_wait3A_814 = arith.constant 0 : i32
      %dma_wait3A_815 = tpu.memref_slice %arg12[%dma_wait3A_809, %dma_wait3A_814] : memref<34x128xi32, #tpu.memory_space<vmem>> -> memref<1x128xi32, #tpu.memory_space<vmem>>
      %dma_wait3A_816 = tpu.memref_squeeze %dma_wait3A_815 : memref<1x128xi32, #tpu.memory_space<vmem>> -> memref<128xi32, #tpu.memory_space<vmem>>
      %dma_wait3A_817 = arith.constant 0 : i32
      %dma_wait3A_818 = tpu.memref_slice %arg4[%dma_wait3A_817] : memref<5440000xf32, #tpu.memory_space<hbm>> -> memref<5440000xf32, #tpu.memory_space<hbm>>
      tpu.wait_indirect_dma semaphore(%arg25 : memref<!tpu.dma_semaphore, #tpu.memory_space<semaphore_mem>>) src(%dma_wait3A_818 : memref<5440000xf32, #tpu.memory_space<hbm>>) dst(%dma_wait3A_813 : memref<128xf32, #tpu.memory_space<vmem>>)
      %dma_wait3A_819 = arith.constant 19 : i32
      %dma_wait3A_820 = arith.constant 19 : i32
      %dma_wait3A_821 = arith.constant 0 : i32
      %dma_wait3A_822 = tpu.memref_slice %arg17[%dma_wait3A_820, %dma_wait3A_821] : memref<34x128xf32, #tpu.memory_space<vmem>> -> memref<1x128xf32, #tpu.memory_space<vmem>>
      %dma_wait3A_823 = tpu.memref_squeeze %dma_wait3A_822 : memref<1x128xf32, #tpu.memory_space<vmem>> -> memref<128xf32, #tpu.memory_space<vmem>>
      %dma_wait3A_824 = arith.constant 0 : i32
      %dma_wait3A_825 = tpu.memref_slice %arg12[%dma_wait3A_819, %dma_wait3A_824] : memref<34x128xi32, #tpu.memory_space<vmem>> -> memref<1x128xi32, #tpu.memory_space<vmem>>
      %dma_wait3A_826 = tpu.memref_squeeze %dma_wait3A_825 : memref<1x128xi32, #tpu.memory_space<vmem>> -> memref<128xi32, #tpu.memory_space<vmem>>
      %dma_wait3A_827 = arith.constant 0 : i32
      %dma_wait3A_828 = tpu.memref_slice %arg4[%dma_wait3A_827] : memref<5440000xf32, #tpu.memory_space<hbm>> -> memref<5440000xf32, #tpu.memory_space<hbm>>
      tpu.wait_indirect_dma semaphore(%arg25 : memref<!tpu.dma_semaphore, #tpu.memory_space<semaphore_mem>>) src(%dma_wait3A_828 : memref<5440000xf32, #tpu.memory_space<hbm>>) dst(%dma_wait3A_823 : memref<128xf32, #tpu.memory_space<vmem>>)
      %dma_wait3A_829 = arith.constant 20 : i32
      %dma_wait3A_830 = arith.constant 20 : i32
      %dma_wait3A_831 = arith.constant 0 : i32
      %dma_wait3A_832 = tpu.memref_slice %arg17[%dma_wait3A_830, %dma_wait3A_831] : memref<34x128xf32, #tpu.memory_space<vmem>> -> memref<1x128xf32, #tpu.memory_space<vmem>>
      %dma_wait3A_833 = tpu.memref_squeeze %dma_wait3A_832 : memref<1x128xf32, #tpu.memory_space<vmem>> -> memref<128xf32, #tpu.memory_space<vmem>>
      %dma_wait3A_834 = arith.constant 0 : i32
      %dma_wait3A_835 = tpu.memref_slice %arg12[%dma_wait3A_829, %dma_wait3A_834] : memref<34x128xi32, #tpu.memory_space<vmem>> -> memref<1x128xi32, #tpu.memory_space<vmem>>
      %dma_wait3A_836 = tpu.memref_squeeze %dma_wait3A_835 : memref<1x128xi32, #tpu.memory_space<vmem>> -> memref<128xi32, #tpu.memory_space<vmem>>
      %dma_wait3A_837 = arith.constant 0 : i32
      %dma_wait3A_838 = tpu.memref_slice %arg4[%dma_wait3A_837] : memref<5440000xf32, #tpu.memory_space<hbm>> -> memref<5440000xf32, #tpu.memory_space<hbm>>
      tpu.wait_indirect_dma semaphore(%arg25 : memref<!tpu.dma_semaphore, #tpu.memory_space<semaphore_mem>>) src(%dma_wait3A_838 : memref<5440000xf32, #tpu.memory_space<hbm>>) dst(%dma_wait3A_833 : memref<128xf32, #tpu.memory_space<vmem>>)
      %dma_wait3A_839 = arith.constant 21 : i32
      %dma_wait3A_840 = arith.constant 21 : i32
      %dma_wait3A_841 = arith.constant 0 : i32
      %dma_wait3A_842 = tpu.memref_slice %arg17[%dma_wait3A_840, %dma_wait3A_841] : memref<34x128xf32, #tpu.memory_space<vmem>> -> memref<1x128xf32, #tpu.memory_space<vmem>>
      %dma_wait3A_843 = tpu.memref_squeeze %dma_wait3A_842 : memref<1x128xf32, #tpu.memory_space<vmem>> -> memref<128xf32, #tpu.memory_space<vmem>>
      %dma_wait3A_844 = arith.constant 0 : i32
      %dma_wait3A_845 = tpu.memref_slice %arg12[%dma_wait3A_839, %dma_wait3A_844] : memref<34x128xi32, #tpu.memory_space<vmem>> -> memref<1x128xi32, #tpu.memory_space<vmem>>
      %dma_wait3A_846 = tpu.memref_squeeze %dma_wait3A_845 : memref<1x128xi32, #tpu.memory_space<vmem>> -> memref<128xi32, #tpu.memory_space<vmem>>
      %dma_wait3A_847 = arith.constant 0 : i32
      %dma_wait3A_848 = tpu.memref_slice %arg4[%dma_wait3A_847] : memref<5440000xf32, #tpu.memory_space<hbm>> -> memref<5440000xf32, #tpu.memory_space<hbm>>
      tpu.wait_indirect_dma semaphore(%arg25 : memref<!tpu.dma_semaphore, #tpu.memory_space<semaphore_mem>>) src(%dma_wait3A_848 : memref<5440000xf32, #tpu.memory_space<hbm>>) dst(%dma_wait3A_843 : memref<128xf32, #tpu.memory_space<vmem>>)
      %dma_wait3A_849 = arith.constant 22 : i32
      %dma_wait3A_850 = arith.constant 22 : i32
      %dma_wait3A_851 = arith.constant 0 : i32
      %dma_wait3A_852 = tpu.memref_slice %arg17[%dma_wait3A_850, %dma_wait3A_851] : memref<34x128xf32, #tpu.memory_space<vmem>> -> memref<1x128xf32, #tpu.memory_space<vmem>>
      %dma_wait3A_853 = tpu.memref_squeeze %dma_wait3A_852 : memref<1x128xf32, #tpu.memory_space<vmem>> -> memref<128xf32, #tpu.memory_space<vmem>>
      %dma_wait3A_854 = arith.constant 0 : i32
      %dma_wait3A_855 = tpu.memref_slice %arg12[%dma_wait3A_849, %dma_wait3A_854] : memref<34x128xi32, #tpu.memory_space<vmem>> -> memref<1x128xi32, #tpu.memory_space<vmem>>
      %dma_wait3A_856 = tpu.memref_squeeze %dma_wait3A_855 : memref<1x128xi32, #tpu.memory_space<vmem>> -> memref<128xi32, #tpu.memory_space<vmem>>
      %dma_wait3A_857 = arith.constant 0 : i32
      %dma_wait3A_858 = tpu.memref_slice %arg4[%dma_wait3A_857] : memref<5440000xf32, #tpu.memory_space<hbm>> -> memref<5440000xf32, #tpu.memory_space<hbm>>
      tpu.wait_indirect_dma semaphore(%arg25 : memref<!tpu.dma_semaphore, #tpu.memory_space<semaphore_mem>>) src(%dma_wait3A_858 : memref<5440000xf32, #tpu.memory_space<hbm>>) dst(%dma_wait3A_853 : memref<128xf32, #tpu.memory_space<vmem>>)
      %dma_wait3A_859 = arith.constant 23 : i32
      %dma_wait3A_860 = arith.constant 23 : i32
      %dma_wait3A_861 = arith.constant 0 : i32
      %dma_wait3A_862 = tpu.memref_slice %arg17[%dma_wait3A_860, %dma_wait3A_861] : memref<34x128xf32, #tpu.memory_space<vmem>> -> memref<1x128xf32, #tpu.memory_space<vmem>>
      %dma_wait3A_863 = tpu.memref_squeeze %dma_wait3A_862 : memref<1x128xf32, #tpu.memory_space<vmem>> -> memref<128xf32, #tpu.memory_space<vmem>>
      %dma_wait3A_864 = arith.constant 0 : i32
      %dma_wait3A_865 = tpu.memref_slice %arg12[%dma_wait3A_859, %dma_wait3A_864] : memref<34x128xi32, #tpu.memory_space<vmem>> -> memref<1x128xi32, #tpu.memory_space<vmem>>
      %dma_wait3A_866 = tpu.memref_squeeze %dma_wait3A_865 : memref<1x128xi32, #tpu.memory_space<vmem>> -> memref<128xi32, #tpu.memory_space<vmem>>
      %dma_wait3A_867 = arith.constant 0 : i32
      %dma_wait3A_868 = tpu.memref_slice %arg4[%dma_wait3A_867] : memref<5440000xf32, #tpu.memory_space<hbm>> -> memref<5440000xf32, #tpu.memory_space<hbm>>
      tpu.wait_indirect_dma semaphore(%arg25 : memref<!tpu.dma_semaphore, #tpu.memory_space<semaphore_mem>>) src(%dma_wait3A_868 : memref<5440000xf32, #tpu.memory_space<hbm>>) dst(%dma_wait3A_863 : memref<128xf32, #tpu.memory_space<vmem>>)
      %dma_wait3A_869 = arith.constant 24 : i32
      %dma_wait3A_870 = arith.constant 24 : i32
      %dma_wait3A_871 = arith.constant 0 : i32
      %dma_wait3A_872 = tpu.memref_slice %arg17[%dma_wait3A_870, %dma_wait3A_871] : memref<34x128xf32, #tpu.memory_space<vmem>> -> memref<1x128xf32, #tpu.memory_space<vmem>>
      %dma_wait3A_873 = tpu.memref_squeeze %dma_wait3A_872 : memref<1x128xf32, #tpu.memory_space<vmem>> -> memref<128xf32, #tpu.memory_space<vmem>>
      %dma_wait3A_874 = arith.constant 0 : i32
      %dma_wait3A_875 = tpu.memref_slice %arg12[%dma_wait3A_869, %dma_wait3A_874] : memref<34x128xi32, #tpu.memory_space<vmem>> -> memref<1x128xi32, #tpu.memory_space<vmem>>
      %dma_wait3A_876 = tpu.memref_squeeze %dma_wait3A_875 : memref<1x128xi32, #tpu.memory_space<vmem>> -> memref<128xi32, #tpu.memory_space<vmem>>
      %dma_wait3A_877 = arith.constant 0 : i32
      %dma_wait3A_878 = tpu.memref_slice %arg4[%dma_wait3A_877] : memref<5440000xf32, #tpu.memory_space<hbm>> -> memref<5440000xf32, #tpu.memory_space<hbm>>
      tpu.wait_indirect_dma semaphore(%arg25 : memref<!tpu.dma_semaphore, #tpu.memory_space<semaphore_mem>>) src(%dma_wait3A_878 : memref<5440000xf32, #tpu.memory_space<hbm>>) dst(%dma_wait3A_873 : memref<128xf32, #tpu.memory_space<vmem>>)
      %dma_wait3A_879 = arith.constant 25 : i32
      %dma_wait3A_880 = arith.constant 25 : i32
      %dma_wait3A_881 = arith.constant 0 : i32
      %dma_wait3A_882 = tpu.memref_slice %arg17[%dma_wait3A_880, %dma_wait3A_881] : memref<34x128xf32, #tpu.memory_space<vmem>> -> memref<1x128xf32, #tpu.memory_space<vmem>>
      %dma_wait3A_883 = tpu.memref_squeeze %dma_wait3A_882 : memref<1x128xf32, #tpu.memory_space<vmem>> -> memref<128xf32, #tpu.memory_space<vmem>>
      %dma_wait3A_884 = arith.constant 0 : i32
      %dma_wait3A_885 = tpu.memref_slice %arg12[%dma_wait3A_879, %dma_wait3A_884] : memref<34x128xi32, #tpu.memory_space<vmem>> -> memref<1x128xi32, #tpu.memory_space<vmem>>
      %dma_wait3A_886 = tpu.memref_squeeze %dma_wait3A_885 : memref<1x128xi32, #tpu.memory_space<vmem>> -> memref<128xi32, #tpu.memory_space<vmem>>
      %dma_wait3A_887 = arith.constant 0 : i32
      %dma_wait3A_888 = tpu.memref_slice %arg4[%dma_wait3A_887] : memref<5440000xf32, #tpu.memory_space<hbm>> -> memref<5440000xf32, #tpu.memory_space<hbm>>
      tpu.wait_indirect_dma semaphore(%arg25 : memref<!tpu.dma_semaphore, #tpu.memory_space<semaphore_mem>>) src(%dma_wait3A_888 : memref<5440000xf32, #tpu.memory_space<hbm>>) dst(%dma_wait3A_883 : memref<128xf32, #tpu.memory_space<vmem>>)
      %dma_wait3A_889 = arith.constant 26 : i32
      %dma_wait3A_890 = arith.constant 26 : i32
      %dma_wait3A_891 = arith.constant 0 : i32
      %dma_wait3A_892 = tpu.memref_slice %arg17[%dma_wait3A_890, %dma_wait3A_891] : memref<34x128xf32, #tpu.memory_space<vmem>> -> memref<1x128xf32, #tpu.memory_space<vmem>>
      %dma_wait3A_893 = tpu.memref_squeeze %dma_wait3A_892 : memref<1x128xf32, #tpu.memory_space<vmem>> -> memref<128xf32, #tpu.memory_space<vmem>>
      %dma_wait3A_894 = arith.constant 0 : i32
      %dma_wait3A_895 = tpu.memref_slice %arg12[%dma_wait3A_889, %dma_wait3A_894] : memref<34x128xi32, #tpu.memory_space<vmem>> -> memref<1x128xi32, #tpu.memory_space<vmem>>
      %dma_wait3A_896 = tpu.memref_squeeze %dma_wait3A_895 : memref<1x128xi32, #tpu.memory_space<vmem>> -> memref<128xi32, #tpu.memory_space<vmem>>
      %dma_wait3A_897 = arith.constant 0 : i32
      %dma_wait3A_898 = tpu.memref_slice %arg4[%dma_wait3A_897] : memref<5440000xf32, #tpu.memory_space<hbm>> -> memref<5440000xf32, #tpu.memory_space<hbm>>
      tpu.wait_indirect_dma semaphore(%arg25 : memref<!tpu.dma_semaphore, #tpu.memory_space<semaphore_mem>>) src(%dma_wait3A_898 : memref<5440000xf32, #tpu.memory_space<hbm>>) dst(%dma_wait3A_893 : memref<128xf32, #tpu.memory_space<vmem>>)
      %dma_wait3A_899 = arith.constant 27 : i32
      %dma_wait3A_900 = arith.constant 27 : i32
      %dma_wait3A_901 = arith.constant 0 : i32
      %dma_wait3A_902 = tpu.memref_slice %arg17[%dma_wait3A_900, %dma_wait3A_901] : memref<34x128xf32, #tpu.memory_space<vmem>> -> memref<1x128xf32, #tpu.memory_space<vmem>>
      %dma_wait3A_903 = tpu.memref_squeeze %dma_wait3A_902 : memref<1x128xf32, #tpu.memory_space<vmem>> -> memref<128xf32, #tpu.memory_space<vmem>>
      %dma_wait3A_904 = arith.constant 0 : i32
      %dma_wait3A_905 = tpu.memref_slice %arg12[%dma_wait3A_899, %dma_wait3A_904] : memref<34x128xi32, #tpu.memory_space<vmem>> -> memref<1x128xi32, #tpu.memory_space<vmem>>
      %dma_wait3A_906 = tpu.memref_squeeze %dma_wait3A_905 : memref<1x128xi32, #tpu.memory_space<vmem>> -> memref<128xi32, #tpu.memory_space<vmem>>
      %dma_wait3A_907 = arith.constant 0 : i32
      %dma_wait3A_908 = tpu.memref_slice %arg4[%dma_wait3A_907] : memref<5440000xf32, #tpu.memory_space<hbm>> -> memref<5440000xf32, #tpu.memory_space<hbm>>
      tpu.wait_indirect_dma semaphore(%arg25 : memref<!tpu.dma_semaphore, #tpu.memory_space<semaphore_mem>>) src(%dma_wait3A_908 : memref<5440000xf32, #tpu.memory_space<hbm>>) dst(%dma_wait3A_903 : memref<128xf32, #tpu.memory_space<vmem>>)
      %dma_wait3A_909 = arith.constant 28 : i32
      %dma_wait3A_910 = arith.constant 28 : i32
      %dma_wait3A_911 = arith.constant 0 : i32
      %dma_wait3A_912 = tpu.memref_slice %arg17[%dma_wait3A_910, %dma_wait3A_911] : memref<34x128xf32, #tpu.memory_space<vmem>> -> memref<1x128xf32, #tpu.memory_space<vmem>>
      %dma_wait3A_913 = tpu.memref_squeeze %dma_wait3A_912 : memref<1x128xf32, #tpu.memory_space<vmem>> -> memref<128xf32, #tpu.memory_space<vmem>>
      %dma_wait3A_914 = arith.constant 0 : i32
      %dma_wait3A_915 = tpu.memref_slice %arg12[%dma_wait3A_909, %dma_wait3A_914] : memref<34x128xi32, #tpu.memory_space<vmem>> -> memref<1x128xi32, #tpu.memory_space<vmem>>
      %dma_wait3A_916 = tpu.memref_squeeze %dma_wait3A_915 : memref<1x128xi32, #tpu.memory_space<vmem>> -> memref<128xi32, #tpu.memory_space<vmem>>
      %dma_wait3A_917 = arith.constant 0 : i32
      %dma_wait3A_918 = tpu.memref_slice %arg4[%dma_wait3A_917] : memref<5440000xf32, #tpu.memory_space<hbm>> -> memref<5440000xf32, #tpu.memory_space<hbm>>
      tpu.wait_indirect_dma semaphore(%arg25 : memref<!tpu.dma_semaphore, #tpu.memory_space<semaphore_mem>>) src(%dma_wait3A_918 : memref<5440000xf32, #tpu.memory_space<hbm>>) dst(%dma_wait3A_913 : memref<128xf32, #tpu.memory_space<vmem>>)
      %dma_wait3A_919 = arith.constant 29 : i32
      %dma_wait3A_920 = arith.constant 29 : i32
      %dma_wait3A_921 = arith.constant 0 : i32
      %dma_wait3A_922 = tpu.memref_slice %arg17[%dma_wait3A_920, %dma_wait3A_921] : memref<34x128xf32, #tpu.memory_space<vmem>> -> memref<1x128xf32, #tpu.memory_space<vmem>>
      %dma_wait3A_923 = tpu.memref_squeeze %dma_wait3A_922 : memref<1x128xf32, #tpu.memory_space<vmem>> -> memref<128xf32, #tpu.memory_space<vmem>>
      %dma_wait3A_924 = arith.constant 0 : i32
      %dma_wait3A_925 = tpu.memref_slice %arg12[%dma_wait3A_919, %dma_wait3A_924] : memref<34x128xi32, #tpu.memory_space<vmem>> -> memref<1x128xi32, #tpu.memory_space<vmem>>
      %dma_wait3A_926 = tpu.memref_squeeze %dma_wait3A_925 : memref<1x128xi32, #tpu.memory_space<vmem>> -> memref<128xi32, #tpu.memory_space<vmem>>
      %dma_wait3A_927 = arith.constant 0 : i32
      %dma_wait3A_928 = tpu.memref_slice %arg4[%dma_wait3A_927] : memref<5440000xf32, #tpu.memory_space<hbm>> -> memref<5440000xf32, #tpu.memory_space<hbm>>
      tpu.wait_indirect_dma semaphore(%arg25 : memref<!tpu.dma_semaphore, #tpu.memory_space<semaphore_mem>>) src(%dma_wait3A_928 : memref<5440000xf32, #tpu.memory_space<hbm>>) dst(%dma_wait3A_923 : memref<128xf32, #tpu.memory_space<vmem>>)
      %dma_wait3A_929 = arith.constant 30 : i32
      %dma_wait3A_930 = arith.constant 30 : i32
      %dma_wait3A_931 = arith.constant 0 : i32
      %dma_wait3A_932 = tpu.memref_slice %arg17[%dma_wait3A_930, %dma_wait3A_931] : memref<34x128xf32, #tpu.memory_space<vmem>> -> memref<1x128xf32, #tpu.memory_space<vmem>>
      %dma_wait3A_933 = tpu.memref_squeeze %dma_wait3A_932 : memref<1x128xf32, #tpu.memory_space<vmem>> -> memref<128xf32, #tpu.memory_space<vmem>>
      %dma_wait3A_934 = arith.constant 0 : i32
      %dma_wait3A_935 = tpu.memref_slice %arg12[%dma_wait3A_929, %dma_wait3A_934] : memref<34x128xi32, #tpu.memory_space<vmem>> -> memref<1x128xi32, #tpu.memory_space<vmem>>
      %dma_wait3A_936 = tpu.memref_squeeze %dma_wait3A_935 : memref<1x128xi32, #tpu.memory_space<vmem>> -> memref<128xi32, #tpu.memory_space<vmem>>
      %dma_wait3A_937 = arith.constant 0 : i32
      %dma_wait3A_938 = tpu.memref_slice %arg4[%dma_wait3A_937] : memref<5440000xf32, #tpu.memory_space<hbm>> -> memref<5440000xf32, #tpu.memory_space<hbm>>
      tpu.wait_indirect_dma semaphore(%arg25 : memref<!tpu.dma_semaphore, #tpu.memory_space<semaphore_mem>>) src(%dma_wait3A_938 : memref<5440000xf32, #tpu.memory_space<hbm>>) dst(%dma_wait3A_933 : memref<128xf32, #tpu.memory_space<vmem>>)
      %dma_wait3A_939 = arith.constant 31 : i32
      %dma_wait3A_940 = arith.constant 31 : i32
      %dma_wait3A_941 = arith.constant 0 : i32
      %dma_wait3A_942 = tpu.memref_slice %arg17[%dma_wait3A_940, %dma_wait3A_941] : memref<34x128xf32, #tpu.memory_space<vmem>> -> memref<1x128xf32, #tpu.memory_space<vmem>>
      %dma_wait3A_943 = tpu.memref_squeeze %dma_wait3A_942 : memref<1x128xf32, #tpu.memory_space<vmem>> -> memref<128xf32, #tpu.memory_space<vmem>>
      %dma_wait3A_944 = arith.constant 0 : i32
      %dma_wait3A_945 = tpu.memref_slice %arg12[%dma_wait3A_939, %dma_wait3A_944] : memref<34x128xi32, #tpu.memory_space<vmem>> -> memref<1x128xi32, #tpu.memory_space<vmem>>
      %dma_wait3A_946 = tpu.memref_squeeze %dma_wait3A_945 : memref<1x128xi32, #tpu.memory_space<vmem>> -> memref<128xi32, #tpu.memory_space<vmem>>
      %dma_wait3A_947 = arith.constant 0 : i32
      %dma_wait3A_948 = tpu.memref_slice %arg4[%dma_wait3A_947] : memref<5440000xf32, #tpu.memory_space<hbm>> -> memref<5440000xf32, #tpu.memory_space<hbm>>
      tpu.wait_indirect_dma semaphore(%arg25 : memref<!tpu.dma_semaphore, #tpu.memory_space<semaphore_mem>>) src(%dma_wait3A_948 : memref<5440000xf32, #tpu.memory_space<hbm>>) dst(%dma_wait3A_943 : memref<128xf32, #tpu.memory_space<vmem>>)
      %dma_wait3A_949 = arith.constant 32 : i32
      %dma_wait3A_950 = arith.constant 32 : i32
      %dma_wait3A_951 = arith.constant 0 : i32
      %dma_wait3A_952 = tpu.memref_slice %arg17[%dma_wait3A_950, %dma_wait3A_951] : memref<34x128xf32, #tpu.memory_space<vmem>> -> memref<1x128xf32, #tpu.memory_space<vmem>>
      %dma_wait3A_953 = tpu.memref_squeeze %dma_wait3A_952 : memref<1x128xf32, #tpu.memory_space<vmem>> -> memref<128xf32, #tpu.memory_space<vmem>>
      %dma_wait3A_954 = arith.constant 0 : i32
      %dma_wait3A_955 = tpu.memref_slice %arg12[%dma_wait3A_949, %dma_wait3A_954] : memref<34x128xi32, #tpu.memory_space<vmem>> -> memref<1x128xi32, #tpu.memory_space<vmem>>
      %dma_wait3A_956 = tpu.memref_squeeze %dma_wait3A_955 : memref<1x128xi32, #tpu.memory_space<vmem>> -> memref<128xi32, #tpu.memory_space<vmem>>
      %dma_wait3A_957 = arith.constant 0 : i32
      %dma_wait3A_958 = tpu.memref_slice %arg4[%dma_wait3A_957] : memref<5440000xf32, #tpu.memory_space<hbm>> -> memref<5440000xf32, #tpu.memory_space<hbm>>
      tpu.wait_indirect_dma semaphore(%arg25 : memref<!tpu.dma_semaphore, #tpu.memory_space<semaphore_mem>>) src(%dma_wait3A_958 : memref<5440000xf32, #tpu.memory_space<hbm>>) dst(%dma_wait3A_953 : memref<128xf32, #tpu.memory_space<vmem>>)
      %dma_wait3A_959 = arith.constant 33 : i32
      %dma_wait3A_960 = arith.constant 33 : i32
      %dma_wait3A_961 = arith.constant 0 : i32
      %dma_wait3A_962 = tpu.memref_slice %arg17[%dma_wait3A_960, %dma_wait3A_961] : memref<34x128xf32, #tpu.memory_space<vmem>> -> memref<1x128xf32, #tpu.memory_space<vmem>>
      %dma_wait3A_963 = tpu.memref_squeeze %dma_wait3A_962 : memref<1x128xf32, #tpu.memory_space<vmem>> -> memref<128xf32, #tpu.memory_space<vmem>>
      %dma_wait3A_964 = arith.constant 0 : i32
      %dma_wait3A_965 = tpu.memref_slice %arg12[%dma_wait3A_959, %dma_wait3A_964] : memref<34x128xi32, #tpu.memory_space<vmem>> -> memref<1x128xi32, #tpu.memory_space<vmem>>
      %dma_wait3A_966 = tpu.memref_squeeze %dma_wait3A_965 : memref<1x128xi32, #tpu.memory_space<vmem>> -> memref<128xi32, #tpu.memory_space<vmem>>
      %dma_wait3A_967 = arith.constant 0 : i32
      %dma_wait3A_968 = tpu.memref_slice %arg4[%dma_wait3A_967] : memref<5440000xf32, #tpu.memory_space<hbm>> -> memref<5440000xf32, #tpu.memory_space<hbm>>
      tpu.wait_indirect_dma semaphore(%arg25 : memref<!tpu.dma_semaphore, #tpu.memory_space<semaphore_mem>>) src(%dma_wait3A_968 : memref<5440000xf32, #tpu.memory_space<hbm>>) dst(%dma_wait3A_963 : memref<128xf32, #tpu.memory_space<vmem>>)
      %dma_wait3A_969 = arith.constant 0 : i32
      %dma_wait3A_970 = arith.constant 0 : i32
      %dma_wait3A_971 = arith.constant 0 : i32
      %dma_wait3A_972 = tpu.memref_slice %arg18[%dma_wait3A_970, %dma_wait3A_971] : memref<17x128xf32, #tpu.memory_space<vmem>> -> memref<1x128xf32, #tpu.memory_space<vmem>>
      %dma_wait3A_973 = tpu.memref_squeeze %dma_wait3A_972 : memref<1x128xf32, #tpu.memory_space<vmem>> -> memref<128xf32, #tpu.memory_space<vmem>>
      %dma_wait3A_974 = arith.constant 0 : i32
      %dma_wait3A_975 = tpu.memref_slice %arg13[%dma_wait3A_969, %dma_wait3A_974] : memref<17x128xi32, #tpu.memory_space<vmem>> -> memref<1x128xi32, #tpu.memory_space<vmem>>
      %dma_wait3A_976 = tpu.memref_squeeze %dma_wait3A_975 : memref<1x128xi32, #tpu.memory_space<vmem>> -> memref<128xi32, #tpu.memory_space<vmem>>
      %dma_wait3A_977 = arith.constant 0 : i32
      %dma_wait3A_978 = tpu.memref_slice %arg5[%dma_wait3A_977] : memref<2720000xf32, #tpu.memory_space<hbm>> -> memref<2720000xf32, #tpu.memory_space<hbm>>
      tpu.wait_indirect_dma semaphore(%arg25 : memref<!tpu.dma_semaphore, #tpu.memory_space<semaphore_mem>>) src(%dma_wait3A_978 : memref<2720000xf32, #tpu.memory_space<hbm>>) dst(%dma_wait3A_973 : memref<128xf32, #tpu.memory_space<vmem>>)
      %dma_wait3A_979 = arith.constant 1 : i32
      %dma_wait3A_980 = arith.constant 1 : i32
      %dma_wait3A_981 = arith.constant 0 : i32
      %dma_wait3A_982 = tpu.memref_slice %arg18[%dma_wait3A_980, %dma_wait3A_981] : memref<17x128xf32, #tpu.memory_space<vmem>> -> memref<1x128xf32, #tpu.memory_space<vmem>>
      %dma_wait3A_983 = tpu.memref_squeeze %dma_wait3A_982 : memref<1x128xf32, #tpu.memory_space<vmem>> -> memref<128xf32, #tpu.memory_space<vmem>>
      %dma_wait3A_984 = arith.constant 0 : i32
      %dma_wait3A_985 = tpu.memref_slice %arg13[%dma_wait3A_979, %dma_wait3A_984] : memref<17x128xi32, #tpu.memory_space<vmem>> -> memref<1x128xi32, #tpu.memory_space<vmem>>
      %dma_wait3A_986 = tpu.memref_squeeze %dma_wait3A_985 : memref<1x128xi32, #tpu.memory_space<vmem>> -> memref<128xi32, #tpu.memory_space<vmem>>
      %dma_wait3A_987 = arith.constant 0 : i32
      %dma_wait3A_988 = tpu.memref_slice %arg5[%dma_wait3A_987] : memref<2720000xf32, #tpu.memory_space<hbm>> -> memref<2720000xf32, #tpu.memory_space<hbm>>
      tpu.wait_indirect_dma semaphore(%arg25 : memref<!tpu.dma_semaphore, #tpu.memory_space<semaphore_mem>>) src(%dma_wait3A_988 : memref<2720000xf32, #tpu.memory_space<hbm>>) dst(%dma_wait3A_983 : memref<128xf32, #tpu.memory_space<vmem>>)
      %dma_wait3A_989 = arith.constant 2 : i32
      %dma_wait3A_990 = arith.constant 2 : i32
      %dma_wait3A_991 = arith.constant 0 : i32
      %dma_wait3A_992 = tpu.memref_slice %arg18[%dma_wait3A_990, %dma_wait3A_991] : memref<17x128xf32, #tpu.memory_space<vmem>> -> memref<1x128xf32, #tpu.memory_space<vmem>>
      %dma_wait3A_993 = tpu.memref_squeeze %dma_wait3A_992 : memref<1x128xf32, #tpu.memory_space<vmem>> -> memref<128xf32, #tpu.memory_space<vmem>>
      %dma_wait3A_994 = arith.constant 0 : i32
      %dma_wait3A_995 = tpu.memref_slice %arg13[%dma_wait3A_989, %dma_wait3A_994] : memref<17x128xi32, #tpu.memory_space<vmem>> -> memref<1x128xi32, #tpu.memory_space<vmem>>
      %dma_wait3A_996 = tpu.memref_squeeze %dma_wait3A_995 : memref<1x128xi32, #tpu.memory_space<vmem>> -> memref<128xi32, #tpu.memory_space<vmem>>
      %dma_wait3A_997 = arith.constant 0 : i32
      %dma_wait3A_998 = tpu.memref_slice %arg5[%dma_wait3A_997] : memref<2720000xf32, #tpu.memory_space<hbm>> -> memref<2720000xf32, #tpu.memory_space<hbm>>
      tpu.wait_indirect_dma semaphore(%arg25 : memref<!tpu.dma_semaphore, #tpu.memory_space<semaphore_mem>>) src(%dma_wait3A_998 : memref<2720000xf32, #tpu.memory_space<hbm>>) dst(%dma_wait3A_993 : memref<128xf32, #tpu.memory_space<vmem>>)
      %dma_wait3A_999 = arith.constant 3 : i32
      %dma_wait3A_1000 = arith.constant 3 : i32
      %dma_wait3A_1001 = arith.constant 0 : i32
      %dma_wait3A_1002 = tpu.memref_slice %arg18[%dma_wait3A_1000, %dma_wait3A_1001] : memref<17x128xf32, #tpu.memory_space<vmem>> -> memref<1x128xf32, #tpu.memory_space<vmem>>
      %dma_wait3A_1003 = tpu.memref_squeeze %dma_wait3A_1002 : memref<1x128xf32, #tpu.memory_space<vmem>> -> memref<128xf32, #tpu.memory_space<vmem>>
      %dma_wait3A_1004 = arith.constant 0 : i32
      %dma_wait3A_1005 = tpu.memref_slice %arg13[%dma_wait3A_999, %dma_wait3A_1004] : memref<17x128xi32, #tpu.memory_space<vmem>> -> memref<1x128xi32, #tpu.memory_space<vmem>>
      %dma_wait3A_1006 = tpu.memref_squeeze %dma_wait3A_1005 : memref<1x128xi32, #tpu.memory_space<vmem>> -> memref<128xi32, #tpu.memory_space<vmem>>
      %dma_wait3A_1007 = arith.constant 0 : i32
      %dma_wait3A_1008 = tpu.memref_slice %arg5[%dma_wait3A_1007] : memref<2720000xf32, #tpu.memory_space<hbm>> -> memref<2720000xf32, #tpu.memory_space<hbm>>
      tpu.wait_indirect_dma semaphore(%arg25 : memref<!tpu.dma_semaphore, #tpu.memory_space<semaphore_mem>>) src(%dma_wait3A_1008 : memref<2720000xf32, #tpu.memory_space<hbm>>) dst(%dma_wait3A_1003 : memref<128xf32, #tpu.memory_space<vmem>>)
      %dma_wait3A_1009 = arith.constant 4 : i32
      %dma_wait3A_1010 = arith.constant 4 : i32
      %dma_wait3A_1011 = arith.constant 0 : i32
      %dma_wait3A_1012 = tpu.memref_slice %arg18[%dma_wait3A_1010, %dma_wait3A_1011] : memref<17x128xf32, #tpu.memory_space<vmem>> -> memref<1x128xf32, #tpu.memory_space<vmem>>
      %dma_wait3A_1013 = tpu.memref_squeeze %dma_wait3A_1012 : memref<1x128xf32, #tpu.memory_space<vmem>> -> memref<128xf32, #tpu.memory_space<vmem>>
      %dma_wait3A_1014 = arith.constant 0 : i32
      %dma_wait3A_1015 = tpu.memref_slice %arg13[%dma_wait3A_1009, %dma_wait3A_1014] : memref<17x128xi32, #tpu.memory_space<vmem>> -> memref<1x128xi32, #tpu.memory_space<vmem>>
      %dma_wait3A_1016 = tpu.memref_squeeze %dma_wait3A_1015 : memref<1x128xi32, #tpu.memory_space<vmem>> -> memref<128xi32, #tpu.memory_space<vmem>>
      %dma_wait3A_1017 = arith.constant 0 : i32
      %dma_wait3A_1018 = tpu.memref_slice %arg5[%dma_wait3A_1017] : memref<2720000xf32, #tpu.memory_space<hbm>> -> memref<2720000xf32, #tpu.memory_space<hbm>>
      tpu.wait_indirect_dma semaphore(%arg25 : memref<!tpu.dma_semaphore, #tpu.memory_space<semaphore_mem>>) src(%dma_wait3A_1018 : memref<2720000xf32, #tpu.memory_space<hbm>>) dst(%dma_wait3A_1013 : memref<128xf32, #tpu.memory_space<vmem>>)
      %dma_wait3A_1019 = arith.constant 5 : i32
      %dma_wait3A_1020 = arith.constant 5 : i32
      %dma_wait3A_1021 = arith.constant 0 : i32
      %dma_wait3A_1022 = tpu.memref_slice %arg18[%dma_wait3A_1020, %dma_wait3A_1021] : memref<17x128xf32, #tpu.memory_space<vmem>> -> memref<1x128xf32, #tpu.memory_space<vmem>>
      %dma_wait3A_1023 = tpu.memref_squeeze %dma_wait3A_1022 : memref<1x128xf32, #tpu.memory_space<vmem>> -> memref<128xf32, #tpu.memory_space<vmem>>
      %dma_wait3A_1024 = arith.constant 0 : i32
      %dma_wait3A_1025 = tpu.memref_slice %arg13[%dma_wait3A_1019, %dma_wait3A_1024] : memref<17x128xi32, #tpu.memory_space<vmem>> -> memref<1x128xi32, #tpu.memory_space<vmem>>
      %dma_wait3A_1026 = tpu.memref_squeeze %dma_wait3A_1025 : memref<1x128xi32, #tpu.memory_space<vmem>> -> memref<128xi32, #tpu.memory_space<vmem>>
      %dma_wait3A_1027 = arith.constant 0 : i32
      %dma_wait3A_1028 = tpu.memref_slice %arg5[%dma_wait3A_1027] : memref<2720000xf32, #tpu.memory_space<hbm>> -> memref<2720000xf32, #tpu.memory_space<hbm>>
      tpu.wait_indirect_dma semaphore(%arg25 : memref<!tpu.dma_semaphore, #tpu.memory_space<semaphore_mem>>) src(%dma_wait3A_1028 : memref<2720000xf32, #tpu.memory_space<hbm>>) dst(%dma_wait3A_1023 : memref<128xf32, #tpu.memory_space<vmem>>)
      %dma_wait3A_1029 = arith.constant 6 : i32
      %dma_wait3A_1030 = arith.constant 6 : i32
      %dma_wait3A_1031 = arith.constant 0 : i32
      %dma_wait3A_1032 = tpu.memref_slice %arg18[%dma_wait3A_1030, %dma_wait3A_1031] : memref<17x128xf32, #tpu.memory_space<vmem>> -> memref<1x128xf32, #tpu.memory_space<vmem>>
      %dma_wait3A_1033 = tpu.memref_squeeze %dma_wait3A_1032 : memref<1x128xf32, #tpu.memory_space<vmem>> -> memref<128xf32, #tpu.memory_space<vmem>>
      %dma_wait3A_1034 = arith.constant 0 : i32
      %dma_wait3A_1035 = tpu.memref_slice %arg13[%dma_wait3A_1029, %dma_wait3A_1034] : memref<17x128xi32, #tpu.memory_space<vmem>> -> memref<1x128xi32, #tpu.memory_space<vmem>>
      %dma_wait3A_1036 = tpu.memref_squeeze %dma_wait3A_1035 : memref<1x128xi32, #tpu.memory_space<vmem>> -> memref<128xi32, #tpu.memory_space<vmem>>
      %dma_wait3A_1037 = arith.constant 0 : i32
      %dma_wait3A_1038 = tpu.memref_slice %arg5[%dma_wait3A_1037] : memref<2720000xf32, #tpu.memory_space<hbm>> -> memref<2720000xf32, #tpu.memory_space<hbm>>
      tpu.wait_indirect_dma semaphore(%arg25 : memref<!tpu.dma_semaphore, #tpu.memory_space<semaphore_mem>>) src(%dma_wait3A_1038 : memref<2720000xf32, #tpu.memory_space<hbm>>) dst(%dma_wait3A_1033 : memref<128xf32, #tpu.memory_space<vmem>>)
      %dma_wait3A_1039 = arith.constant 7 : i32
      %dma_wait3A_1040 = arith.constant 7 : i32
      %dma_wait3A_1041 = arith.constant 0 : i32
      %dma_wait3A_1042 = tpu.memref_slice %arg18[%dma_wait3A_1040, %dma_wait3A_1041] : memref<17x128xf32, #tpu.memory_space<vmem>> -> memref<1x128xf32, #tpu.memory_space<vmem>>
      %dma_wait3A_1043 = tpu.memref_squeeze %dma_wait3A_1042 : memref<1x128xf32, #tpu.memory_space<vmem>> -> memref<128xf32, #tpu.memory_space<vmem>>
      %dma_wait3A_1044 = arith.constant 0 : i32
      %dma_wait3A_1045 = tpu.memref_slice %arg13[%dma_wait3A_1039, %dma_wait3A_1044] : memref<17x128xi32, #tpu.memory_space<vmem>> -> memref<1x128xi32, #tpu.memory_space<vmem>>
      %dma_wait3A_1046 = tpu.memref_squeeze %dma_wait3A_1045 : memref<1x128xi32, #tpu.memory_space<vmem>> -> memref<128xi32, #tpu.memory_space<vmem>>
      %dma_wait3A_1047 = arith.constant 0 : i32
      %dma_wait3A_1048 = tpu.memref_slice %arg5[%dma_wait3A_1047] : memref<2720000xf32, #tpu.memory_space<hbm>> -> memref<2720000xf32, #tpu.memory_space<hbm>>
      tpu.wait_indirect_dma semaphore(%arg25 : memref<!tpu.dma_semaphore, #tpu.memory_space<semaphore_mem>>) src(%dma_wait3A_1048 : memref<2720000xf32, #tpu.memory_space<hbm>>) dst(%dma_wait3A_1043 : memref<128xf32, #tpu.memory_space<vmem>>)
      %dma_wait3A_1049 = arith.constant 8 : i32
      %dma_wait3A_1050 = arith.constant 8 : i32
      %dma_wait3A_1051 = arith.constant 0 : i32
      %dma_wait3A_1052 = tpu.memref_slice %arg18[%dma_wait3A_1050, %dma_wait3A_1051] : memref<17x128xf32, #tpu.memory_space<vmem>> -> memref<1x128xf32, #tpu.memory_space<vmem>>
      %dma_wait3A_1053 = tpu.memref_squeeze %dma_wait3A_1052 : memref<1x128xf32, #tpu.memory_space<vmem>> -> memref<128xf32, #tpu.memory_space<vmem>>
      %dma_wait3A_1054 = arith.constant 0 : i32
      %dma_wait3A_1055 = tpu.memref_slice %arg13[%dma_wait3A_1049, %dma_wait3A_1054] : memref<17x128xi32, #tpu.memory_space<vmem>> -> memref<1x128xi32, #tpu.memory_space<vmem>>
      %dma_wait3A_1056 = tpu.memref_squeeze %dma_wait3A_1055 : memref<1x128xi32, #tpu.memory_space<vmem>> -> memref<128xi32, #tpu.memory_space<vmem>>
      %dma_wait3A_1057 = arith.constant 0 : i32
      %dma_wait3A_1058 = tpu.memref_slice %arg5[%dma_wait3A_1057] : memref<2720000xf32, #tpu.memory_space<hbm>> -> memref<2720000xf32, #tpu.memory_space<hbm>>
      tpu.wait_indirect_dma semaphore(%arg25 : memref<!tpu.dma_semaphore, #tpu.memory_space<semaphore_mem>>) src(%dma_wait3A_1058 : memref<2720000xf32, #tpu.memory_space<hbm>>) dst(%dma_wait3A_1053 : memref<128xf32, #tpu.memory_space<vmem>>)
      %dma_wait3A_1059 = arith.constant 9 : i32
      %dma_wait3A_1060 = arith.constant 9 : i32
      %dma_wait3A_1061 = arith.constant 0 : i32
      %dma_wait3A_1062 = tpu.memref_slice %arg18[%dma_wait3A_1060, %dma_wait3A_1061] : memref<17x128xf32, #tpu.memory_space<vmem>> -> memref<1x128xf32, #tpu.memory_space<vmem>>
      %dma_wait3A_1063 = tpu.memref_squeeze %dma_wait3A_1062 : memref<1x128xf32, #tpu.memory_space<vmem>> -> memref<128xf32, #tpu.memory_space<vmem>>
      %dma_wait3A_1064 = arith.constant 0 : i32
      %dma_wait3A_1065 = tpu.memref_slice %arg13[%dma_wait3A_1059, %dma_wait3A_1064] : memref<17x128xi32, #tpu.memory_space<vmem>> -> memref<1x128xi32, #tpu.memory_space<vmem>>
      %dma_wait3A_1066 = tpu.memref_squeeze %dma_wait3A_1065 : memref<1x128xi32, #tpu.memory_space<vmem>> -> memref<128xi32, #tpu.memory_space<vmem>>
      %dma_wait3A_1067 = arith.constant 0 : i32
      %dma_wait3A_1068 = tpu.memref_slice %arg5[%dma_wait3A_1067] : memref<2720000xf32, #tpu.memory_space<hbm>> -> memref<2720000xf32, #tpu.memory_space<hbm>>
      tpu.wait_indirect_dma semaphore(%arg25 : memref<!tpu.dma_semaphore, #tpu.memory_space<semaphore_mem>>) src(%dma_wait3A_1068 : memref<2720000xf32, #tpu.memory_space<hbm>>) dst(%dma_wait3A_1063 : memref<128xf32, #tpu.memory_space<vmem>>)
      %dma_wait3A_1069 = arith.constant 10 : i32
      %dma_wait3A_1070 = arith.constant 10 : i32
      %dma_wait3A_1071 = arith.constant 0 : i32
      %dma_wait3A_1072 = tpu.memref_slice %arg18[%dma_wait3A_1070, %dma_wait3A_1071] : memref<17x128xf32, #tpu.memory_space<vmem>> -> memref<1x128xf32, #tpu.memory_space<vmem>>
      %dma_wait3A_1073 = tpu.memref_squeeze %dma_wait3A_1072 : memref<1x128xf32, #tpu.memory_space<vmem>> -> memref<128xf32, #tpu.memory_space<vmem>>
      %dma_wait3A_1074 = arith.constant 0 : i32
      %dma_wait3A_1075 = tpu.memref_slice %arg13[%dma_wait3A_1069, %dma_wait3A_1074] : memref<17x128xi32, #tpu.memory_space<vmem>> -> memref<1x128xi32, #tpu.memory_space<vmem>>
      %dma_wait3A_1076 = tpu.memref_squeeze %dma_wait3A_1075 : memref<1x128xi32, #tpu.memory_space<vmem>> -> memref<128xi32, #tpu.memory_space<vmem>>
      %dma_wait3A_1077 = arith.constant 0 : i32
      %dma_wait3A_1078 = tpu.memref_slice %arg5[%dma_wait3A_1077] : memref<2720000xf32, #tpu.memory_space<hbm>> -> memref<2720000xf32, #tpu.memory_space<hbm>>
      tpu.wait_indirect_dma semaphore(%arg25 : memref<!tpu.dma_semaphore, #tpu.memory_space<semaphore_mem>>) src(%dma_wait3A_1078 : memref<2720000xf32, #tpu.memory_space<hbm>>) dst(%dma_wait3A_1073 : memref<128xf32, #tpu.memory_space<vmem>>)
      %dma_wait3A_1079 = arith.constant 11 : i32
      %dma_wait3A_1080 = arith.constant 11 : i32
      %dma_wait3A_1081 = arith.constant 0 : i32
      %dma_wait3A_1082 = tpu.memref_slice %arg18[%dma_wait3A_1080, %dma_wait3A_1081] : memref<17x128xf32, #tpu.memory_space<vmem>> -> memref<1x128xf32, #tpu.memory_space<vmem>>
      %dma_wait3A_1083 = tpu.memref_squeeze %dma_wait3A_1082 : memref<1x128xf32, #tpu.memory_space<vmem>> -> memref<128xf32, #tpu.memory_space<vmem>>
      %dma_wait3A_1084 = arith.constant 0 : i32
      %dma_wait3A_1085 = tpu.memref_slice %arg13[%dma_wait3A_1079, %dma_wait3A_1084] : memref<17x128xi32, #tpu.memory_space<vmem>> -> memref<1x128xi32, #tpu.memory_space<vmem>>
      %dma_wait3A_1086 = tpu.memref_squeeze %dma_wait3A_1085 : memref<1x128xi32, #tpu.memory_space<vmem>> -> memref<128xi32, #tpu.memory_space<vmem>>
      %dma_wait3A_1087 = arith.constant 0 : i32
      %dma_wait3A_1088 = tpu.memref_slice %arg5[%dma_wait3A_1087] : memref<2720000xf32, #tpu.memory_space<hbm>> -> memref<2720000xf32, #tpu.memory_space<hbm>>
      tpu.wait_indirect_dma semaphore(%arg25 : memref<!tpu.dma_semaphore, #tpu.memory_space<semaphore_mem>>) src(%dma_wait3A_1088 : memref<2720000xf32, #tpu.memory_space<hbm>>) dst(%dma_wait3A_1083 : memref<128xf32, #tpu.memory_space<vmem>>)
      %dma_wait3A_1089 = arith.constant 12 : i32
      %dma_wait3A_1090 = arith.constant 12 : i32
      %dma_wait3A_1091 = arith.constant 0 : i32
      %dma_wait3A_1092 = tpu.memref_slice %arg18[%dma_wait3A_1090, %dma_wait3A_1091] : memref<17x128xf32, #tpu.memory_space<vmem>> -> memref<1x128xf32, #tpu.memory_space<vmem>>
      %dma_wait3A_1093 = tpu.memref_squeeze %dma_wait3A_1092 : memref<1x128xf32, #tpu.memory_space<vmem>> -> memref<128xf32, #tpu.memory_space<vmem>>
      %dma_wait3A_1094 = arith.constant 0 : i32
      %dma_wait3A_1095 = tpu.memref_slice %arg13[%dma_wait3A_1089, %dma_wait3A_1094] : memref<17x128xi32, #tpu.memory_space<vmem>> -> memref<1x128xi32, #tpu.memory_space<vmem>>
      %dma_wait3A_1096 = tpu.memref_squeeze %dma_wait3A_1095 : memref<1x128xi32, #tpu.memory_space<vmem>> -> memref<128xi32, #tpu.memory_space<vmem>>
      %dma_wait3A_1097 = arith.constant 0 : i32
      %dma_wait3A_1098 = tpu.memref_slice %arg5[%dma_wait3A_1097] : memref<2720000xf32, #tpu.memory_space<hbm>> -> memref<2720000xf32, #tpu.memory_space<hbm>>
      tpu.wait_indirect_dma semaphore(%arg25 : memref<!tpu.dma_semaphore, #tpu.memory_space<semaphore_mem>>) src(%dma_wait3A_1098 : memref<2720000xf32, #tpu.memory_space<hbm>>) dst(%dma_wait3A_1093 : memref<128xf32, #tpu.memory_space<vmem>>)
      %dma_wait3A_1099 = arith.constant 13 : i32
      %dma_wait3A_1100 = arith.constant 13 : i32
      %dma_wait3A_1101 = arith.constant 0 : i32
      %dma_wait3A_1102 = tpu.memref_slice %arg18[%dma_wait3A_1100, %dma_wait3A_1101] : memref<17x128xf32, #tpu.memory_space<vmem>> -> memref<1x128xf32, #tpu.memory_space<vmem>>
      %dma_wait3A_1103 = tpu.memref_squeeze %dma_wait3A_1102 : memref<1x128xf32, #tpu.memory_space<vmem>> -> memref<128xf32, #tpu.memory_space<vmem>>
      %dma_wait3A_1104 = arith.constant 0 : i32
      %dma_wait3A_1105 = tpu.memref_slice %arg13[%dma_wait3A_1099, %dma_wait3A_1104] : memref<17x128xi32, #tpu.memory_space<vmem>> -> memref<1x128xi32, #tpu.memory_space<vmem>>
      %dma_wait3A_1106 = tpu.memref_squeeze %dma_wait3A_1105 : memref<1x128xi32, #tpu.memory_space<vmem>> -> memref<128xi32, #tpu.memory_space<vmem>>
      %dma_wait3A_1107 = arith.constant 0 : i32
      %dma_wait3A_1108 = tpu.memref_slice %arg5[%dma_wait3A_1107] : memref<2720000xf32, #tpu.memory_space<hbm>> -> memref<2720000xf32, #tpu.memory_space<hbm>>
      tpu.wait_indirect_dma semaphore(%arg25 : memref<!tpu.dma_semaphore, #tpu.memory_space<semaphore_mem>>) src(%dma_wait3A_1108 : memref<2720000xf32, #tpu.memory_space<hbm>>) dst(%dma_wait3A_1103 : memref<128xf32, #tpu.memory_space<vmem>>)
      %dma_wait3A_1109 = arith.constant 14 : i32
      %dma_wait3A_1110 = arith.constant 14 : i32
      %dma_wait3A_1111 = arith.constant 0 : i32
      %dma_wait3A_1112 = tpu.memref_slice %arg18[%dma_wait3A_1110, %dma_wait3A_1111] : memref<17x128xf32, #tpu.memory_space<vmem>> -> memref<1x128xf32, #tpu.memory_space<vmem>>
      %dma_wait3A_1113 = tpu.memref_squeeze %dma_wait3A_1112 : memref<1x128xf32, #tpu.memory_space<vmem>> -> memref<128xf32, #tpu.memory_space<vmem>>
      %dma_wait3A_1114 = arith.constant 0 : i32
      %dma_wait3A_1115 = tpu.memref_slice %arg13[%dma_wait3A_1109, %dma_wait3A_1114] : memref<17x128xi32, #tpu.memory_space<vmem>> -> memref<1x128xi32, #tpu.memory_space<vmem>>
      %dma_wait3A_1116 = tpu.memref_squeeze %dma_wait3A_1115 : memref<1x128xi32, #tpu.memory_space<vmem>> -> memref<128xi32, #tpu.memory_space<vmem>>
      %dma_wait3A_1117 = arith.constant 0 : i32
      %dma_wait3A_1118 = tpu.memref_slice %arg5[%dma_wait3A_1117] : memref<2720000xf32, #tpu.memory_space<hbm>> -> memref<2720000xf32, #tpu.memory_space<hbm>>
      tpu.wait_indirect_dma semaphore(%arg25 : memref<!tpu.dma_semaphore, #tpu.memory_space<semaphore_mem>>) src(%dma_wait3A_1118 : memref<2720000xf32, #tpu.memory_space<hbm>>) dst(%dma_wait3A_1113 : memref<128xf32, #tpu.memory_space<vmem>>)
      %dma_wait3A_1119 = arith.constant 15 : i32
      %dma_wait3A_1120 = arith.constant 15 : i32
      %dma_wait3A_1121 = arith.constant 0 : i32
      %dma_wait3A_1122 = tpu.memref_slice %arg18[%dma_wait3A_1120, %dma_wait3A_1121] : memref<17x128xf32, #tpu.memory_space<vmem>> -> memref<1x128xf32, #tpu.memory_space<vmem>>
      %dma_wait3A_1123 = tpu.memref_squeeze %dma_wait3A_1122 : memref<1x128xf32, #tpu.memory_space<vmem>> -> memref<128xf32, #tpu.memory_space<vmem>>
      %dma_wait3A_1124 = arith.constant 0 : i32
      %dma_wait3A_1125 = tpu.memref_slice %arg13[%dma_wait3A_1119, %dma_wait3A_1124] : memref<17x128xi32, #tpu.memory_space<vmem>> -> memref<1x128xi32, #tpu.memory_space<vmem>>
      %dma_wait3A_1126 = tpu.memref_squeeze %dma_wait3A_1125 : memref<1x128xi32, #tpu.memory_space<vmem>> -> memref<128xi32, #tpu.memory_space<vmem>>
      %dma_wait3A_1127 = arith.constant 0 : i32
      %dma_wait3A_1128 = tpu.memref_slice %arg5[%dma_wait3A_1127] : memref<2720000xf32, #tpu.memory_space<hbm>> -> memref<2720000xf32, #tpu.memory_space<hbm>>
      tpu.wait_indirect_dma semaphore(%arg25 : memref<!tpu.dma_semaphore, #tpu.memory_space<semaphore_mem>>) src(%dma_wait3A_1128 : memref<2720000xf32, #tpu.memory_space<hbm>>) dst(%dma_wait3A_1123 : memref<128xf32, #tpu.memory_space<vmem>>)
      %dma_wait3A_1129 = arith.constant 16 : i32
      %dma_wait3A_1130 = arith.constant 16 : i32
      %dma_wait3A_1131 = arith.constant 0 : i32
      %dma_wait3A_1132 = tpu.memref_slice %arg18[%dma_wait3A_1130, %dma_wait3A_1131] : memref<17x128xf32, #tpu.memory_space<vmem>> -> memref<1x128xf32, #tpu.memory_space<vmem>>
      %dma_wait3A_1133 = tpu.memref_squeeze %dma_wait3A_1132 : memref<1x128xf32, #tpu.memory_space<vmem>> -> memref<128xf32, #tpu.memory_space<vmem>>
      %dma_wait3A_1134 = arith.constant 0 : i32
      %dma_wait3A_1135 = tpu.memref_slice %arg13[%dma_wait3A_1129, %dma_wait3A_1134] : memref<17x128xi32, #tpu.memory_space<vmem>> -> memref<1x128xi32, #tpu.memory_space<vmem>>
      %dma_wait3A_1136 = tpu.memref_squeeze %dma_wait3A_1135 : memref<1x128xi32, #tpu.memory_space<vmem>> -> memref<128xi32, #tpu.memory_space<vmem>>
      %dma_wait3A_1137 = arith.constant 0 : i32
      %dma_wait3A_1138 = tpu.memref_slice %arg5[%dma_wait3A_1137] : memref<2720000xf32, #tpu.memory_space<hbm>> -> memref<2720000xf32, #tpu.memory_space<hbm>>
      tpu.wait_indirect_dma semaphore(%arg25 : memref<!tpu.dma_semaphore, #tpu.memory_space<semaphore_mem>>) src(%dma_wait3A_1138 : memref<2720000xf32, #tpu.memory_space<hbm>>) dst(%dma_wait3A_1133 : memref<128xf32, #tpu.memory_space<vmem>>)
      %dma_wait3A_1139 = arith.constant 0 : i32
      %dma_wait3A_1140 = arith.constant 0 : i32
      %dma_wait3A_1141 = arith.constant 0 : i32
      %dma_wait3A_1142 = tpu.memref_slice %arg19[%dma_wait3A_1140, %dma_wait3A_1141] : memref<4x128xf32, #tpu.memory_space<vmem>> -> memref<1x128xf32, #tpu.memory_space<vmem>>
      %dma_wait3A_1143 = tpu.memref_squeeze %dma_wait3A_1142 : memref<1x128xf32, #tpu.memory_space<vmem>> -> memref<128xf32, #tpu.memory_space<vmem>>
      %dma_wait3A_1144 = arith.constant 0 : i32
      %dma_wait3A_1145 = tpu.memref_slice %arg14[%dma_wait3A_1139, %dma_wait3A_1144] : memref<4x128xi32, #tpu.memory_space<vmem>> -> memref<1x128xi32, #tpu.memory_space<vmem>>
      %dma_wait3A_1146 = tpu.memref_squeeze %dma_wait3A_1145 : memref<1x128xi32, #tpu.memory_space<vmem>> -> memref<128xi32, #tpu.memory_space<vmem>>
      %dma_wait3A_1147 = arith.constant 0 : i32
      %dma_wait3A_1148 = tpu.memref_slice %arg3[%dma_wait3A_1147] : memref<640000xf32, #tpu.memory_space<hbm>> -> memref<640000xf32, #tpu.memory_space<hbm>>
      tpu.wait_indirect_dma semaphore(%arg25 : memref<!tpu.dma_semaphore, #tpu.memory_space<semaphore_mem>>) src(%dma_wait3A_1148 : memref<640000xf32, #tpu.memory_space<hbm>>) dst(%dma_wait3A_1143 : memref<128xf32, #tpu.memory_space<vmem>>)
      %dma_wait3A_1149 = arith.constant 1 : i32
      %dma_wait3A_1150 = arith.constant 1 : i32
      %dma_wait3A_1151 = arith.constant 0 : i32
      %dma_wait3A_1152 = tpu.memref_slice %arg19[%dma_wait3A_1150, %dma_wait3A_1151] : memref<4x128xf32, #tpu.memory_space<vmem>> -> memref<1x128xf32, #tpu.memory_space<vmem>>
      %dma_wait3A_1153 = tpu.memref_squeeze %dma_wait3A_1152 : memref<1x128xf32, #tpu.memory_space<vmem>> -> memref<128xf32, #tpu.memory_space<vmem>>
      %dma_wait3A_1154 = arith.constant 0 : i32
      %dma_wait3A_1155 = tpu.memref_slice %arg14[%dma_wait3A_1149, %dma_wait3A_1154] : memref<4x128xi32, #tpu.memory_space<vmem>> -> memref<1x128xi32, #tpu.memory_space<vmem>>
      %dma_wait3A_1156 = tpu.memref_squeeze %dma_wait3A_1155 : memref<1x128xi32, #tpu.memory_space<vmem>> -> memref<128xi32, #tpu.memory_space<vmem>>
      %dma_wait3A_1157 = arith.constant 0 : i32
      %dma_wait3A_1158 = tpu.memref_slice %arg3[%dma_wait3A_1157] : memref<640000xf32, #tpu.memory_space<hbm>> -> memref<640000xf32, #tpu.memory_space<hbm>>
      tpu.wait_indirect_dma semaphore(%arg25 : memref<!tpu.dma_semaphore, #tpu.memory_space<semaphore_mem>>) src(%dma_wait3A_1158 : memref<640000xf32, #tpu.memory_space<hbm>>) dst(%dma_wait3A_1153 : memref<128xf32, #tpu.memory_space<vmem>>)
      %dma_wait3A_1159 = arith.constant 2 : i32
      %dma_wait3A_1160 = arith.constant 2 : i32
      %dma_wait3A_1161 = arith.constant 0 : i32
      %dma_wait3A_1162 = tpu.memref_slice %arg19[%dma_wait3A_1160, %dma_wait3A_1161] : memref<4x128xf32, #tpu.memory_space<vmem>> -> memref<1x128xf32, #tpu.memory_space<vmem>>
      %dma_wait3A_1163 = tpu.memref_squeeze %dma_wait3A_1162 : memref<1x128xf32, #tpu.memory_space<vmem>> -> memref<128xf32, #tpu.memory_space<vmem>>
      %dma_wait3A_1164 = arith.constant 0 : i32
      %dma_wait3A_1165 = tpu.memref_slice %arg14[%dma_wait3A_1159, %dma_wait3A_1164] : memref<4x128xi32, #tpu.memory_space<vmem>> -> memref<1x128xi32, #tpu.memory_space<vmem>>
      %dma_wait3A_1166 = tpu.memref_squeeze %dma_wait3A_1165 : memref<1x128xi32, #tpu.memory_space<vmem>> -> memref<128xi32, #tpu.memory_space<vmem>>
      %dma_wait3A_1167 = arith.constant 0 : i32
      %dma_wait3A_1168 = tpu.memref_slice %arg3[%dma_wait3A_1167] : memref<640000xf32, #tpu.memory_space<hbm>> -> memref<640000xf32, #tpu.memory_space<hbm>>
      tpu.wait_indirect_dma semaphore(%arg25 : memref<!tpu.dma_semaphore, #tpu.memory_space<semaphore_mem>>) src(%dma_wait3A_1168 : memref<640000xf32, #tpu.memory_space<hbm>>) dst(%dma_wait3A_1163 : memref<128xf32, #tpu.memory_space<vmem>>)
      %dma_wait3A_1169 = arith.constant 3 : i32
      %dma_wait3A_1170 = arith.constant 3 : i32
      %dma_wait3A_1171 = arith.constant 0 : i32
      %dma_wait3A_1172 = tpu.memref_slice %arg19[%dma_wait3A_1170, %dma_wait3A_1171] : memref<4x128xf32, #tpu.memory_space<vmem>> -> memref<1x128xf32, #tpu.memory_space<vmem>>
      %dma_wait3A_1173 = tpu.memref_squeeze %dma_wait3A_1172 : memref<1x128xf32, #tpu.memory_space<vmem>> -> memref<128xf32, #tpu.memory_space<vmem>>
      %dma_wait3A_1174 = arith.constant 0 : i32
      %dma_wait3A_1175 = tpu.memref_slice %arg14[%dma_wait3A_1169, %dma_wait3A_1174] : memref<4x128xi32, #tpu.memory_space<vmem>> -> memref<1x128xi32, #tpu.memory_space<vmem>>
      %dma_wait3A_1176 = tpu.memref_squeeze %dma_wait3A_1175 : memref<1x128xi32, #tpu.memory_space<vmem>> -> memref<128xi32, #tpu.memory_space<vmem>>
      %dma_wait3A_1177 = arith.constant 0 : i32
      %dma_wait3A_1178 = tpu.memref_slice %arg3[%dma_wait3A_1177] : memref<640000xf32, #tpu.memory_space<hbm>> -> memref<640000xf32, #tpu.memory_space<hbm>>
      tpu.wait_indirect_dma semaphore(%arg25 : memref<!tpu.dma_semaphore, #tpu.memory_space<semaphore_mem>>) src(%dma_wait3A_1178 : memref<640000xf32, #tpu.memory_space<hbm>>) dst(%dma_wait3A_1173 : memref<128xf32, #tpu.memory_space<vmem>>)
      %dma_wait3A_1179 = arith.constant 0 : i32
      %dma_wait3A_1180 = arith.constant 0 : i32
      %dma_wait3A_1181 = arith.constant 0 : i32
      %dma_wait3A_1182 = tpu.memref_slice %arg20[%dma_wait3A_1180, %dma_wait3A_1181] : memref<2x128xf32, #tpu.memory_space<vmem>> -> memref<1x128xf32, #tpu.memory_space<vmem>>
      %dma_wait3A_1183 = tpu.memref_squeeze %dma_wait3A_1182 : memref<1x128xf32, #tpu.memory_space<vmem>> -> memref<128xf32, #tpu.memory_space<vmem>>
      %dma_wait3A_1184 = arith.constant 0 : i32
      %dma_wait3A_1185 = tpu.memref_slice %arg15[%dma_wait3A_1179, %dma_wait3A_1184] : memref<2x128xi32, #tpu.memory_space<vmem>> -> memref<1x128xi32, #tpu.memory_space<vmem>>
      %dma_wait3A_1186 = tpu.memref_squeeze %dma_wait3A_1185 : memref<1x128xi32, #tpu.memory_space<vmem>> -> memref<128xi32, #tpu.memory_space<vmem>>
      %dma_wait3A_1187 = arith.constant 0 : i32
      %dma_wait3A_1188 = tpu.memref_slice %arg6[%dma_wait3A_1187] : memref<40000xf32, #tpu.memory_space<hbm>> -> memref<40000xf32, #tpu.memory_space<hbm>>
      tpu.wait_indirect_dma semaphore(%arg25 : memref<!tpu.dma_semaphore, #tpu.memory_space<semaphore_mem>>) src(%dma_wait3A_1188 : memref<40000xf32, #tpu.memory_space<hbm>>) dst(%dma_wait3A_1183 : memref<128xf32, #tpu.memory_space<vmem>>)
      %dma_wait3A_1189 = arith.constant 1 : i32
      %dma_wait3A_1190 = arith.constant 1 : i32
      %dma_wait3A_1191 = arith.constant 0 : i32
      %dma_wait3A_1192 = tpu.memref_slice %arg20[%dma_wait3A_1190, %dma_wait3A_1191] : memref<2x128xf32, #tpu.memory_space<vmem>> -> memref<1x128xf32, #tpu.memory_space<vmem>>
      %dma_wait3A_1193 = tpu.memref_squeeze %dma_wait3A_1192 : memref<1x128xf32, #tpu.memory_space<vmem>> -> memref<128xf32, #tpu.memory_space<vmem>>
      %dma_wait3A_1194 = arith.constant 0 : i32
      %dma_wait3A_1195 = tpu.memref_slice %arg15[%dma_wait3A_1189, %dma_wait3A_1194] : memref<2x128xi32, #tpu.memory_space<vmem>> -> memref<1x128xi32, #tpu.memory_space<vmem>>
      %dma_wait3A_1196 = tpu.memref_squeeze %dma_wait3A_1195 : memref<1x128xi32, #tpu.memory_space<vmem>> -> memref<128xi32, #tpu.memory_space<vmem>>
      %dma_wait3A_1197 = arith.constant 0 : i32
      %dma_wait3A_1198 = tpu.memref_slice %arg6[%dma_wait3A_1197] : memref<40000xf32, #tpu.memory_space<hbm>> -> memref<40000xf32, #tpu.memory_space<hbm>>
      tpu.wait_indirect_dma semaphore(%arg25 : memref<!tpu.dma_semaphore, #tpu.memory_space<semaphore_mem>>) src(%dma_wait3A_1198 : memref<40000xf32, #tpu.memory_space<hbm>>) dst(%dma_wait3A_1193 : memref<128xf32, #tpu.memory_space<vmem>>)
      %dma_wait3A_1199 = arith.constant 0 : i32
      %dma_wait3A_1200 = arith.constant 0 : i32
      %dma_wait3A_1201 = arith.constant 0 : i32
      %dma_wait3A_1202 = tpu.memref_slice %arg21[%dma_wait3A_1200, %dma_wait3A_1201] : memref<1x128xf32, #tpu.memory_space<vmem>> -> memref<1x128xf32, #tpu.memory_space<vmem>>
      %dma_wait3A_1203 = tpu.memref_squeeze %dma_wait3A_1202 : memref<1x128xf32, #tpu.memory_space<vmem>> -> memref<128xf32, #tpu.memory_space<vmem>>
      %dma_wait3A_1204 = arith.constant 0 : i32
      %dma_wait3A_1205 = tpu.memref_slice %arg16[%dma_wait3A_1199, %dma_wait3A_1204] : memref<1x128xi32, #tpu.memory_space<vmem>> -> memref<1x128xi32, #tpu.memory_space<vmem>>
      %dma_wait3A_1206 = tpu.memref_squeeze %dma_wait3A_1205 : memref<1x128xi32, #tpu.memory_space<vmem>> -> memref<128xi32, #tpu.memory_space<vmem>>
      %dma_wait3A_1207 = arith.constant 0 : i32
      %dma_wait3A_1208 = tpu.memref_slice %arg7[%dma_wait3A_1207] : memref<20000xf32, #tpu.memory_space<hbm>> -> memref<20000xf32, #tpu.memory_space<hbm>>
      tpu.wait_indirect_dma semaphore(%arg25 : memref<!tpu.dma_semaphore, #tpu.memory_space<semaphore_mem>>) src(%dma_wait3A_1208 : memref<20000xf32, #tpu.memory_space<hbm>>) dst(%dma_wait3A_1203 : memref<128xf32, #tpu.memory_space<vmem>>)
      %scan3A_1209 = arith.constant 0 : i32
      %scan3A_1210 = arith.constant 0 : i32
      %scan3A_1211 = arith.constant 8 : i32
      %scan3A_1212 = arith.addi %scan3A_1210, %scan3A_1211 : i32
      %scan3A_1213 = arith.constant 1 : i32
      scf.for %scan3A_1231 = %scan3A_1210 to %scan3A_1212 step %scan3A_1213  : i32 {
        %mul3A_1232 = arith.constant 16 : i32
        %mul3A_1233 = arith.muli %scan3A_1231, %mul3A_1232 : i32
        %mul3A_1234 = arith.constant 16 : i32
        %mul3A_1235 = arith.muli %scan3A_1231, %mul3A_1234 : i32
        %iota3A = tpu.iota {dimensions = array<i32: 0>} : vector<16xi32>
        %add3A_1236 = vector.broadcast %mul3A_1235 : i32 to vector<16xi32>
        %add3A_1237 = arith.addi %add3A_1236, %iota3A : vector<16xi32>
        %get3A = arith.constant 0 : i32
        %get3A_1238 = arith.index_cast %get3A : i32 to index
        %get3A_1239 = arith.index_cast %mul3A_1233 : i32 to index
        %get3A_1240 = tpu.vector_load %arg19[%get3A_1238, %get3A_1239] {strides = array<i32>} : memref<4x128xf32, #tpu.memory_space<vmem>>, vector<16xf32>,
        %get3A_1241 = arith.constant 1 : i32
        %get3A_1242 = arith.index_cast %get3A_1241 : i32 to index
        %get3A_1243 = arith.index_cast %mul3A_1233 : i32 to index
        %get3A_1244 = tpu.vector_load %arg19[%get3A_1242, %get3A_1243] {strides = array<i32>} : memref<4x128xf32, #tpu.memory_space<vmem>>, vector<16xf32>,
        %get3A_1245 = arith.constant 2 : i32
        %get3A_1246 = arith.index_cast %get3A_1245 : i32 to index
        %get3A_1247 = arith.index_cast %mul3A_1233 : i32 to index
        %get3A_1248 = tpu.vector_load %arg19[%get3A_1246, %get3A_1247] {strides = array<i32>} : memref<4x128xf32, #tpu.memory_space<vmem>>, vector<16xf32>,
        %get3A_1249 = arith.constant 3 : i32
        %get3A_1250 = arith.index_cast %get3A_1249 : i32 to index
        %get3A_1251 = arith.index_cast %mul3A_1233 : i32 to index
        %get3A_1252 = tpu.vector_load %arg19[%get3A_1250, %get3A_1251] {strides = array<i32>} : memref<4x128xf32, #tpu.memory_space<vmem>>, vector<16xf32>,
        %get3A_1253 = arith.constant 0 : i32
        %get3A_1254 = arith.index_cast %get3A_1253 : i32 to index
        %get3A_1255 = arith.index_cast %mul3A_1233 : i32 to index
        %get3A_1256 = tpu.vector_load %arg20[%get3A_1254, %get3A_1255] {strides = array<i32>} : memref<2x128xf32, #tpu.memory_space<vmem>>, vector<16xf32>,
        %get3A_1257 = arith.constant 1 : i32
        %get3A_1258 = arith.index_cast %get3A_1257 : i32 to index
        %get3A_1259 = arith.index_cast %mul3A_1233 : i32 to index
        %get3A_1260 = tpu.vector_load %arg20[%get3A_1258, %get3A_1259] {strides = array<i32>} : memref<2x128xf32, #tpu.memory_space<vmem>>, vector<16xf32>,
        %get3A_1261 = arith.constant 0 : i32
        %get3A_1262 = arith.index_cast %get3A_1261 : i32 to index
        %get3A_1263 = arith.index_cast %mul3A_1233 : i32 to index
        %get3A_1264 = tpu.vector_load %arg21[%get3A_1262, %get3A_1263] {strides = array<i32>} : memref<1x128xf32, #tpu.memory_space<vmem>>, vector<16xf32>,
        %mul3A_1265 = arith.mulf %get3A_1240, %get3A_1264 : vector<16xf32>
        %add3A_1266 = arith.addf %mul3A_1265, %get3A_1256 : vector<16xf32>
        %mul3A_1267 = arith.mulf %get3A_1244, %get3A_1264 : vector<16xf32>
        %add3A_1268 = arith.addf %mul3A_1267, %get3A_1260 : vector<16xf32>
        %exp3A = math.exp %get3A_1248 : vector<16xf32>
        %mul3A_1269 = arith.mulf %exp3A, %get3A_1264 : vector<16xf32>
        %exp3A_1270 = math.exp %get3A_1252 : vector<16xf32>
        %mul3A_1271 = arith.mulf %exp3A_1270, %get3A_1264 : vector<16xf32>
        %mul3A_1272 = arith.constant 5.000000e-01 : f32
        %mul3A_1273 = vector.broadcast %mul3A_1272 : f32 to vector<16xf32>
        %mul3A_1274 = arith.mulf %mul3A_1269, %mul3A_1273 : vector<16xf32>
        %mul3A_1275 = arith.constant 5.000000e-01 : f32
        %mul3A_1276 = vector.broadcast %mul3A_1275 : f32 to vector<16xf32>
        %mul3A_1277 = arith.mulf %mul3A_1271, %mul3A_1276 : vector<16xf32>
        %broadcast_in_dim3A = arith.constant 0 : i32
        %broadcast_in_dim3A_1278 = vector.broadcast %broadcast_in_dim3A : i32 to vector<16xi32>
        %sub3A_1279 = arith.subf %add3A_1266, %mul3A_1274 : vector<16xf32>
        tpu.vector_store_idx %arg22[%add3A_1237, %broadcast_in_dim3A_1278], %sub3A_1279 : memref<128x4xf32, #tpu.memory_space<vmem>>[vector<16xi32>, vector<16xi32>], vector<16xf32>,
        %broadcast_in_dim3A_1280 = arith.constant 1 : i32
        %broadcast_in_dim3A_1281 = vector.broadcast %broadcast_in_dim3A_1280 : i32 to vector<16xi32>
        %sub3A_1282 = arith.subf %add3A_1268, %mul3A_1277 : vector<16xf32>
        tpu.vector_store_idx %arg22[%add3A_1237, %broadcast_in_dim3A_1281], %sub3A_1282 : memref<128x4xf32, #tpu.memory_space<vmem>>[vector<16xi32>, vector<16xi32>], vector<16xf32>,
        %broadcast_in_dim3A_1283 = arith.constant 2 : i32
        %broadcast_in_dim3A_1284 = vector.broadcast %broadcast_in_dim3A_1283 : i32 to vector<16xi32>
        %add3A_1285 = arith.addf %add3A_1266, %mul3A_1274 : vector<16xf32>
        tpu.vector_store_idx %arg22[%add3A_1237, %broadcast_in_dim3A_1284], %add3A_1285 : memref<128x4xf32, #tpu.memory_space<vmem>>[vector<16xi32>, vector<16xi32>], vector<16xf32>,
        %broadcast_in_dim3A_1286 = arith.constant 3 : i32
        %broadcast_in_dim3A_1287 = vector.broadcast %broadcast_in_dim3A_1286 : i32 to vector<16xi32>
        %add3A_1288 = arith.addf %add3A_1268, %mul3A_1277 : vector<16xf32>
        tpu.vector_store_idx %arg22[%add3A_1237, %broadcast_in_dim3A_1287], %add3A_1288 : memref<128x4xf32, #tpu.memory_space<vmem>>[vector<16xi32>, vector<16xi32>], vector<16xf32>,
        %mul3A_1289 = arith.constant 6.250000e-01 : f32
        %mul3A_1290 = vector.broadcast %mul3A_1289 : f32 to vector<16xf32>
        %mul3A_1291 = arith.mulf %mul3A_1269, %mul3A_1290 : vector<16xf32>
        %mul3A_1292 = arith.constant 6.250000e-01 : f32
        %mul3A_1293 = vector.broadcast %mul3A_1292 : f32 to vector<16xf32>
        %mul3A_1294 = arith.mulf %mul3A_1271, %mul3A_1293 : vector<16xf32>
        %get3A_1295 = arith.constant 0 : i32
        %get3A_1296 = arith.index_cast %get3A_1295 : i32 to index
        %get3A_1297 = arith.index_cast %mul3A_1233 : i32 to index
        %get3A_1298 = tpu.vector_load %arg17[%get3A_1296, %get3A_1297] {strides = array<i32>} : memref<34x128xf32, #tpu.memory_space<vmem>>, vector<16xf32>,
        %get3A_1299 = arith.constant 1 : i32
        %get3A_1300 = arith.index_cast %get3A_1299 : i32 to index
        %get3A_1301 = arith.index_cast %mul3A_1233 : i32 to index
        %get3A_1302 = tpu.vector_load %arg17[%get3A_1300, %get3A_1301] {strides = array<i32>} : memref<34x128xf32, #tpu.memory_space<vmem>>, vector<16xf32>,
        %broadcast_in_dim3A_1303 = arith.constant 0 : i32
        %broadcast_in_dim3A_1304 = vector.broadcast %broadcast_in_dim3A_1303 : i32 to vector<16xi32>
        %mul3A_1305 = arith.mulf %get3A_1298, %mul3A_1291 : vector<16xf32>
        %add3A_1306 = arith.addf %add3A_1266, %mul3A_1305 : vector<16xf32>
        tpu.vector_store_idx %arg23[%add3A_1237, %broadcast_in_dim3A_1304], %add3A_1306 : memref<128x34xf32, #tpu.memory_space<vmem>>[vector<16xi32>, vector<16xi32>], vector<16xf32>,
        %broadcast_in_dim3A_1307 = arith.constant 1 : i32
        %broadcast_in_dim3A_1308 = vector.broadcast %broadcast_in_dim3A_1307 : i32 to vector<16xi32>
        %mul3A_1309 = arith.mulf %get3A_1302, %mul3A_1294 : vector<16xf32>
        %add3A_1310 = arith.addf %add3A_1268, %mul3A_1309 : vector<16xf32>
        tpu.vector_store_idx %arg23[%add3A_1237, %broadcast_in_dim3A_1308], %add3A_1310 : memref<128x34xf32, #tpu.memory_space<vmem>>[vector<16xi32>, vector<16xi32>], vector<16xf32>,
        %get3A_1311 = arith.constant 0 : i32
        %get3A_1312 = arith.index_cast %get3A_1311 : i32 to index
        %get3A_1313 = arith.index_cast %mul3A_1233 : i32 to index
        %get3A_1314 = tpu.vector_load %arg18[%get3A_1312, %get3A_1313] {strides = array<i32>} : memref<17x128xf32, #tpu.memory_space<vmem>>, vector<16xf32>,
        %broadcast_in_dim3A_1315 = arith.constant 0 : i32
        %broadcast_in_dim3A_1316 = vector.broadcast %broadcast_in_dim3A_1315 : i32 to vector<16xi32>
        %neg3A = arith.constant 0.000000e+00 : f32
        %neg3A_1317 = vector.broadcast %neg3A : f32 to vector<16xf32>
        %neg3A_1318 = arith.subf %neg3A_1317, %get3A_1314 : vector<16xf32>
        %exp3A_1319 = math.exp %neg3A_1318 : vector<16xf32>
        %add3A_1320 = arith.constant 1.000000e+00 : f32
        %add3A_1321 = vector.broadcast %add3A_1320 : f32 to vector<16xf32>
        %add3A_1322 = arith.addf %add3A_1321, %exp3A_1319 : vector<16xf32>
        %div3A_1323 = arith.constant 1.000000e+00 : f32
        %div3A_1324 = vector.broadcast %div3A_1323 : f32 to vector<16xf32>
        %div3A_1325 = arith.divf %div3A_1324, %add3A_1322 : vector<16xf32>
        tpu.vector_store_idx %arg24[%add3A_1237, %broadcast_in_dim3A_1316], %div3A_1325 : memref<128x17xf32, #tpu.memory_space<vmem>>[vector<16xi32>, vector<16xi32>], vector<16xf32>,
        %get3A_1326 = arith.constant 2 : i32
        %get3A_1327 = arith.index_cast %get3A_1326 : i32 to index
        %get3A_1328 = arith.index_cast %mul3A_1233 : i32 to index
        %get3A_1329 = tpu.vector_load %arg17[%get3A_1327, %get3A_1328] {strides = array<i32>} : memref<34x128xf32, #tpu.memory_space<vmem>>, vector<16xf32>,
        %get3A_1330 = arith.constant 3 : i32
        %get3A_1331 = arith.index_cast %get3A_1330 : i32 to index
        %get3A_1332 = arith.index_cast %mul3A_1233 : i32 to index
        %get3A_1333 = tpu.vector_load %arg17[%get3A_1331, %get3A_1332] {strides = array<i32>} : memref<34x128xf32, #tpu.memory_space<vmem>>, vector<16xf32>,
        %broadcast_in_dim3A_1334 = arith.constant 2 : i32
        %broadcast_in_dim3A_1335 = vector.broadcast %broadcast_in_dim3A_1334 : i32 to vector<16xi32>
        %mul3A_1336 = arith.mulf %get3A_1329, %mul3A_1291 : vector<16xf32>
        %add3A_1337 = arith.addf %add3A_1266, %mul3A_1336 : vector<16xf32>
        tpu.vector_store_idx %arg23[%add3A_1237, %broadcast_in_dim3A_1335], %add3A_1337 : memref<128x34xf32, #tpu.memory_space<vmem>>[vector<16xi32>, vector<16xi32>], vector<16xf32>,
        %broadcast_in_dim3A_1338 = arith.constant 3 : i32
        %broadcast_in_dim3A_1339 = vector.broadcast %broadcast_in_dim3A_1338 : i32 to vector<16xi32>
        %mul3A_1340 = arith.mulf %get3A_1333, %mul3A_1294 : vector<16xf32>
        %add3A_1341 = arith.addf %add3A_1268, %mul3A_1340 : vector<16xf32>
        tpu.vector_store_idx %arg23[%add3A_1237, %broadcast_in_dim3A_1339], %add3A_1341 : memref<128x34xf32, #tpu.memory_space<vmem>>[vector<16xi32>, vector<16xi32>], vector<16xf32>,
        %get3A_1342 = arith.constant 1 : i32
        %get3A_1343 = arith.index_cast %get3A_1342 : i32 to index
        %get3A_1344 = arith.index_cast %mul3A_1233 : i32 to index
        %get3A_1345 = tpu.vector_load %arg18[%get3A_1343, %get3A_1344] {strides = array<i32>} : memref<17x128xf32, #tpu.memory_space<vmem>>, vector<16xf32>,
        %broadcast_in_dim3A_1346 = arith.constant 1 : i32
        %broadcast_in_dim3A_1347 = vector.broadcast %broadcast_in_dim3A_1346 : i32 to vector<16xi32>
        %neg3A_1348 = arith.constant 0.000000e+00 : f32
        %neg3A_1349 = vector.broadcast %neg3A_1348 : f32 to vector<16xf32>
        %neg3A_1350 = arith.subf %neg3A_1349, %get3A_1345 : vector<16xf32>
        %exp3A_1351 = math.exp %neg3A_1350 : vector<16xf32>
        %add3A_1352 = arith.constant 1.000000e+00 : f32
        %add3A_1353 = vector.broadcast %add3A_1352 : f32 to vector<16xf32>
        %add3A_1354 = arith.addf %add3A_1353, %exp3A_1351 : vector<16xf32>
        %div3A_1355 = arith.constant 1.000000e+00 : f32
        %div3A_1356 = vector.broadcast %div3A_1355 : f32 to vector<16xf32>
        %div3A_1357 = arith.divf %div3A_1356, %add3A_1354 : vector<16xf32>
        tpu.vector_store_idx %arg24[%add3A_1237, %broadcast_in_dim3A_1347], %div3A_1357 : memref<128x17xf32, #tpu.memory_space<vmem>>[vector<16xi32>, vector<16xi32>], vector<16xf32>,
        %get3A_1358 = arith.constant 4 : i32
        %get3A_1359 = arith.index_cast %get3A_1358 : i32 to index
        %get3A_1360 = arith.index_cast %mul3A_1233 : i32 to index
        %get3A_1361 = tpu.vector_load %arg17[%get3A_1359, %get3A_1360] {strides = array<i32>} : memref<34x128xf32, #tpu.memory_space<vmem>>, vector<16xf32>,
        %get3A_1362 = arith.constant 5 : i32
        %get3A_1363 = arith.index_cast %get3A_1362 : i32 to index
        %get3A_1364 = arith.index_cast %mul3A_1233 : i32 to index
        %get3A_1365 = tpu.vector_load %arg17[%get3A_1363, %get3A_1364] {strides = array<i32>} : memref<34x128xf32, #tpu.memory_space<vmem>>, vector<16xf32>,
        %broadcast_in_dim3A_1366 = arith.constant 4 : i32
        %broadcast_in_dim3A_1367 = vector.broadcast %broadcast_in_dim3A_1366 : i32 to vector<16xi32>
        %mul3A_1368 = arith.mulf %get3A_1361, %mul3A_1291 : vector<16xf32>
        %add3A_1369 = arith.addf %add3A_1266, %mul3A_1368 : vector<16xf32>
        tpu.vector_store_idx %arg23[%add3A_1237, %broadcast_in_dim3A_1367], %add3A_1369 : memref<128x34xf32, #tpu.memory_space<vmem>>[vector<16xi32>, vector<16xi32>], vector<16xf32>,
        %broadcast_in_dim3A_1370 = arith.constant 5 : i32
        %broadcast_in_dim3A_1371 = vector.broadcast %broadcast_in_dim3A_1370 : i32 to vector<16xi32>
        %mul3A_1372 = arith.mulf %get3A_1365, %mul3A_1294 : vector<16xf32>
        %add3A_1373 = arith.addf %add3A_1268, %mul3A_1372 : vector<16xf32>
        tpu.vector_store_idx %arg23[%add3A_1237, %broadcast_in_dim3A_1371], %add3A_1373 : memref<128x34xf32, #tpu.memory_space<vmem>>[vector<16xi32>, vector<16xi32>], vector<16xf32>,
        %get3A_1374 = arith.constant 2 : i32
        %get3A_1375 = arith.index_cast %get3A_1374 : i32 to index
        %get3A_1376 = arith.index_cast %mul3A_1233 : i32 to index
        %get3A_1377 = tpu.vector_load %arg18[%get3A_1375, %get3A_1376] {strides = array<i32>} : memref<17x128xf32, #tpu.memory_space<vmem>>, vector<16xf32>,
        %broadcast_in_dim3A_1378 = arith.constant 2 : i32
        %broadcast_in_dim3A_1379 = vector.broadcast %broadcast_in_dim3A_1378 : i32 to vector<16xi32>
        %neg3A_1380 = arith.constant 0.000000e+00 : f32
        %neg3A_1381 = vector.broadcast %neg3A_1380 : f32 to vector<16xf32>
        %neg3A_1382 = arith.subf %neg3A_1381, %get3A_1377 : vector<16xf32>
        %exp3A_1383 = math.exp %neg3A_1382 : vector<16xf32>
        %add3A_1384 = arith.constant 1.000000e+00 : f32
        %add3A_1385 = vector.broadcast %add3A_1384 : f32 to vector<16xf32>
        %add3A_1386 = arith.addf %add3A_1385, %exp3A_1383 : vector<16xf32>
        %div3A_1387 = arith.constant 1.000000e+00 : f32
        %div3A_1388 = vector.broadcast %div3A_1387 : f32 to vector<16xf32>
        %div3A_1389 = arith.divf %div3A_1388, %add3A_1386 : vector<16xf32>
        tpu.vector_store_idx %arg24[%add3A_1237, %broadcast_in_dim3A_1379], %div3A_1389 : memref<128x17xf32, #tpu.memory_space<vmem>>[vector<16xi32>, vector<16xi32>], vector<16xf32>,
        %get3A_1390 = arith.constant 6 : i32
        %get3A_1391 = arith.index_cast %get3A_1390 : i32 to index
        %get3A_1392 = arith.index_cast %mul3A_1233 : i32 to index
        %get3A_1393 = tpu.vector_load %arg17[%get3A_1391, %get3A_1392] {strides = array<i32>} : memref<34x128xf32, #tpu.memory_space<vmem>>, vector<16xf32>,
        %get3A_1394 = arith.constant 7 : i32
        %get3A_1395 = arith.index_cast %get3A_1394 : i32 to index
        %get3A_1396 = arith.index_cast %mul3A_1233 : i32 to index
        %get3A_1397 = tpu.vector_load %arg17[%get3A_1395, %get3A_1396] {strides = array<i32>} : memref<34x128xf32, #tpu.memory_space<vmem>>, vector<16xf32>,
        %broadcast_in_dim3A_1398 = arith.constant 6 : i32
        %broadcast_in_dim3A_1399 = vector.broadcast %broadcast_in_dim3A_1398 : i32 to vector<16xi32>
        %mul3A_1400 = arith.mulf %get3A_1393, %mul3A_1291 : vector<16xf32>
        %add3A_1401 = arith.addf %add3A_1266, %mul3A_1400 : vector<16xf32>
        tpu.vector_store_idx %arg23[%add3A_1237, %broadcast_in_dim3A_1399], %add3A_1401 : memref<128x34xf32, #tpu.memory_space<vmem>>[vector<16xi32>, vector<16xi32>], vector<16xf32>,
        %broadcast_in_dim3A_1402 = arith.constant 7 : i32
        %broadcast_in_dim3A_1403 = vector.broadcast %broadcast_in_dim3A_1402 : i32 to vector<16xi32>
        %mul3A_1404 = arith.mulf %get3A_1397, %mul3A_1294 : vector<16xf32>
        %add3A_1405 = arith.addf %add3A_1268, %mul3A_1404 : vector<16xf32>
        tpu.vector_store_idx %arg23[%add3A_1237, %broadcast_in_dim3A_1403], %add3A_1405 : memref<128x34xf32, #tpu.memory_space<vmem>>[vector<16xi32>, vector<16xi32>], vector<16xf32>,
        %get3A_1406 = arith.constant 3 : i32
        %get3A_1407 = arith.index_cast %get3A_1406 : i32 to index
        %get3A_1408 = arith.index_cast %mul3A_1233 : i32 to index
        %get3A_1409 = tpu.vector_load %arg18[%get3A_1407, %get3A_1408] {strides = array<i32>} : memref<17x128xf32, #tpu.memory_space<vmem>>, vector<16xf32>,
        %broadcast_in_dim3A_1410 = arith.constant 3 : i32
        %broadcast_in_dim3A_1411 = vector.broadcast %broadcast_in_dim3A_1410 : i32 to vector<16xi32>
        %neg3A_1412 = arith.constant 0.000000e+00 : f32
        %neg3A_1413 = vector.broadcast %neg3A_1412 : f32 to vector<16xf32>
        %neg3A_1414 = arith.subf %neg3A_1413, %get3A_1409 : vector<16xf32>
        %exp3A_1415 = math.exp %neg3A_1414 : vector<16xf32>
        %add3A_1416 = arith.constant 1.000000e+00 : f32
        %add3A_1417 = vector.broadcast %add3A_1416 : f32 to vector<16xf32>
        %add3A_1418 = arith.addf %add3A_1417, %exp3A_1415 : vector<16xf32>
        %div3A_1419 = arith.constant 1.000000e+00 : f32
        %div3A_1420 = vector.broadcast %div3A_1419 : f32 to vector<16xf32>
        %div3A_1421 = arith.divf %div3A_1420, %add3A_1418 : vector<16xf32>
        tpu.vector_store_idx %arg24[%add3A_1237, %broadcast_in_dim3A_1411], %div3A_1421 : memref<128x17xf32, #tpu.memory_space<vmem>>[vector<16xi32>, vector<16xi32>], vector<16xf32>,
        %get3A_1422 = arith.constant 8 : i32
        %get3A_1423 = arith.index_cast %get3A_1422 : i32 to index
        %get3A_1424 = arith.index_cast %mul3A_1233 : i32 to index
        %get3A_1425 = tpu.vector_load %arg17[%get3A_1423, %get3A_1424] {strides = array<i32>} : memref<34x128xf32, #tpu.memory_space<vmem>>, vector<16xf32>,
        %get3A_1426 = arith.constant 9 : i32
        %get3A_1427 = arith.index_cast %get3A_1426 : i32 to index
        %get3A_1428 = arith.index_cast %mul3A_1233 : i32 to index
        %get3A_1429 = tpu.vector_load %arg17[%get3A_1427, %get3A_1428] {strides = array<i32>} : memref<34x128xf32, #tpu.memory_space<vmem>>, vector<16xf32>,
        %broadcast_in_dim3A_1430 = arith.constant 8 : i32
        %broadcast_in_dim3A_1431 = vector.broadcast %broadcast_in_dim3A_1430 : i32 to vector<16xi32>
        %mul3A_1432 = arith.mulf %get3A_1425, %mul3A_1291 : vector<16xf32>
        %add3A_1433 = arith.addf %add3A_1266, %mul3A_1432 : vector<16xf32>
        tpu.vector_store_idx %arg23[%add3A_1237, %broadcast_in_dim3A_1431], %add3A_1433 : memref<128x34xf32, #tpu.memory_space<vmem>>[vector<16xi32>, vector<16xi32>], vector<16xf32>,
        %broadcast_in_dim3A_1434 = arith.constant 9 : i32
        %broadcast_in_dim3A_1435 = vector.broadcast %broadcast_in_dim3A_1434 : i32 to vector<16xi32>
        %mul3A_1436 = arith.mulf %get3A_1429, %mul3A_1294 : vector<16xf32>
        %add3A_1437 = arith.addf %add3A_1268, %mul3A_1436 : vector<16xf32>
        tpu.vector_store_idx %arg23[%add3A_1237, %broadcast_in_dim3A_1435], %add3A_1437 : memref<128x34xf32, #tpu.memory_space<vmem>>[vector<16xi32>, vector<16xi32>], vector<16xf32>,
        %get3A_1438 = arith.constant 4 : i32
        %get3A_1439 = arith.index_cast %get3A_1438 : i32 to index
        %get3A_1440 = arith.index_cast %mul3A_1233 : i32 to index
        %get3A_1441 = tpu.vector_load %arg18[%get3A_1439, %get3A_1440] {strides = array<i32>} : memref<17x128xf32, #tpu.memory_space<vmem>>, vector<16xf32>,
        %broadcast_in_dim3A_1442 = arith.constant 4 : i32
        %broadcast_in_dim3A_1443 = vector.broadcast %broadcast_in_dim3A_1442 : i32 to vector<16xi32>
        %neg3A_1444 = arith.constant 0.000000e+00 : f32
        %neg3A_1445 = vector.broadcast %neg3A_1444 : f32 to vector<16xf32>
        %neg3A_1446 = arith.subf %neg3A_1445, %get3A_1441 : vector<16xf32>
        %exp3A_1447 = math.exp %neg3A_1446 : vector<16xf32>
        %add3A_1448 = arith.constant 1.000000e+00 : f32
        %add3A_1449 = vector.broadcast %add3A_1448 : f32 to vector<16xf32>
        %add3A_1450 = arith.addf %add3A_1449, %exp3A_1447 : vector<16xf32>
        %div3A_1451 = arith.constant 1.000000e+00 : f32
        %div3A_1452 = vector.broadcast %div3A_1451 : f32 to vector<16xf32>
        %div3A_1453 = arith.divf %div3A_1452, %add3A_1450 : vector<16xf32>
        tpu.vector_store_idx %arg24[%add3A_1237, %broadcast_in_dim3A_1443], %div3A_1453 : memref<128x17xf32, #tpu.memory_space<vmem>>[vector<16xi32>, vector<16xi32>], vector<16xf32>,
        %get3A_1454 = arith.constant 10 : i32
        %get3A_1455 = arith.index_cast %get3A_1454 : i32 to index
        %get3A_1456 = arith.index_cast %mul3A_1233 : i32 to index
        %get3A_1457 = tpu.vector_load %arg17[%get3A_1455, %get3A_1456] {strides = array<i32>} : memref<34x128xf32, #tpu.memory_space<vmem>>, vector<16xf32>,
        %get3A_1458 = arith.constant 11 : i32
        %get3A_1459 = arith.index_cast %get3A_1458 : i32 to index
        %get3A_1460 = arith.index_cast %mul3A_1233 : i32 to index
        %get3A_1461 = tpu.vector_load %arg17[%get3A_1459, %get3A_1460] {strides = array<i32>} : memref<34x128xf32, #tpu.memory_space<vmem>>, vector<16xf32>,
        %broadcast_in_dim3A_1462 = arith.constant 10 : i32
        %broadcast_in_dim3A_1463 = vector.broadcast %broadcast_in_dim3A_1462 : i32 to vector<16xi32>
        %mul3A_1464 = arith.mulf %get3A_1457, %mul3A_1291 : vector<16xf32>
        %add3A_1465 = arith.addf %add3A_1266, %mul3A_1464 : vector<16xf32>
        tpu.vector_store_idx %arg23[%add3A_1237, %broadcast_in_dim3A_1463], %add3A_1465 : memref<128x34xf32, #tpu.memory_space<vmem>>[vector<16xi32>, vector<16xi32>], vector<16xf32>,
        %broadcast_in_dim3A_1466 = arith.constant 11 : i32
        %broadcast_in_dim3A_1467 = vector.broadcast %broadcast_in_dim3A_1466 : i32 to vector<16xi32>
        %mul3A_1468 = arith.mulf %get3A_1461, %mul3A_1294 : vector<16xf32>
        %add3A_1469 = arith.addf %add3A_1268, %mul3A_1468 : vector<16xf32>
        tpu.vector_store_idx %arg23[%add3A_1237, %broadcast_in_dim3A_1467], %add3A_1469 : memref<128x34xf32, #tpu.memory_space<vmem>>[vector<16xi32>, vector<16xi32>], vector<16xf32>,
        %get3A_1470 = arith.constant 5 : i32
        %get3A_1471 = arith.index_cast %get3A_1470 : i32 to index
        %get3A_1472 = arith.index_cast %mul3A_1233 : i32 to index
        %get3A_1473 = tpu.vector_load %arg18[%get3A_1471, %get3A_1472] {strides = array<i32>} : memref<17x128xf32, #tpu.memory_space<vmem>>, vector<16xf32>,
        %broadcast_in_dim3A_1474 = arith.constant 5 : i32
        %broadcast_in_dim3A_1475 = vector.broadcast %broadcast_in_dim3A_1474 : i32 to vector<16xi32>
        %neg3A_1476 = arith.constant 0.000000e+00 : f32
        %neg3A_1477 = vector.broadcast %neg3A_1476 : f32 to vector<16xf32>
        %neg3A_1478 = arith.subf %neg3A_1477, %get3A_1473 : vector<16xf32>
        %exp3A_1479 = math.exp %neg3A_1478 : vector<16xf32>
        %add3A_1480 = arith.constant 1.000000e+00 : f32
        %add3A_1481 = vector.broadcast %add3A_1480 : f32 to vector<16xf32>
        %add3A_1482 = arith.addf %add3A_1481, %exp3A_1479 : vector<16xf32>
        %div3A_1483 = arith.constant 1.000000e+00 : f32
        %div3A_1484 = vector.broadcast %div3A_1483 : f32 to vector<16xf32>
        %div3A_1485 = arith.divf %div3A_1484, %add3A_1482 : vector<16xf32>
        tpu.vector_store_idx %arg24[%add3A_1237, %broadcast_in_dim3A_1475], %div3A_1485 : memref<128x17xf32, #tpu.memory_space<vmem>>[vector<16xi32>, vector<16xi32>], vector<16xf32>,
        %get3A_1486 = arith.constant 12 : i32
        %get3A_1487 = arith.index_cast %get3A_1486 : i32 to index
        %get3A_1488 = arith.index_cast %mul3A_1233 : i32 to index
        %get3A_1489 = tpu.vector_load %arg17[%get3A_1487, %get3A_1488] {strides = array<i32>} : memref<34x128xf32, #tpu.memory_space<vmem>>, vector<16xf32>,
        %get3A_1490 = arith.constant 13 : i32
        %get3A_1491 = arith.index_cast %get3A_1490 : i32 to index
        %get3A_1492 = arith.index_cast %mul3A_1233 : i32 to index
        %get3A_1493 = tpu.vector_load %arg17[%get3A_1491, %get3A_1492] {strides = array<i32>} : memref<34x128xf32, #tpu.memory_space<vmem>>, vector<16xf32>,
        %broadcast_in_dim3A_1494 = arith.constant 12 : i32
        %broadcast_in_dim3A_1495 = vector.broadcast %broadcast_in_dim3A_1494 : i32 to vector<16xi32>
        %mul3A_1496 = arith.mulf %get3A_1489, %mul3A_1291 : vector<16xf32>
        %add3A_1497 = arith.addf %add3A_1266, %mul3A_1496 : vector<16xf32>
        tpu.vector_store_idx %arg23[%add3A_1237, %broadcast_in_dim3A_1495], %add3A_1497 : memref<128x34xf32, #tpu.memory_space<vmem>>[vector<16xi32>, vector<16xi32>], vector<16xf32>,
        %broadcast_in_dim3A_1498 = arith.constant 13 : i32
        %broadcast_in_dim3A_1499 = vector.broadcast %broadcast_in_dim3A_1498 : i32 to vector<16xi32>
        %mul3A_1500 = arith.mulf %get3A_1493, %mul3A_1294 : vector<16xf32>
        %add3A_1501 = arith.addf %add3A_1268, %mul3A_1500 : vector<16xf32>
        tpu.vector_store_idx %arg23[%add3A_1237, %broadcast_in_dim3A_1499], %add3A_1501 : memref<128x34xf32, #tpu.memory_space<vmem>>[vector<16xi32>, vector<16xi32>], vector<16xf32>,
        %get3A_1502 = arith.constant 6 : i32
        %get3A_1503 = arith.index_cast %get3A_1502 : i32 to index
        %get3A_1504 = arith.index_cast %mul3A_1233 : i32 to index
        %get3A_1505 = tpu.vector_load %arg18[%get3A_1503, %get3A_1504] {strides = array<i32>} : memref<17x128xf32, #tpu.memory_space<vmem>>, vector<16xf32>,
        %broadcast_in_dim3A_1506 = arith.constant 6 : i32
        %broadcast_in_dim3A_1507 = vector.broadcast %broadcast_in_dim3A_1506 : i32 to vector<16xi32>
        %neg3A_1508 = arith.constant 0.000000e+00 : f32
        %neg3A_1509 = vector.broadcast %neg3A_1508 : f32 to vector<16xf32>
        %neg3A_1510 = arith.subf %neg3A_1509, %get3A_1505 : vector<16xf32>
        %exp3A_1511 = math.exp %neg3A_1510 : vector<16xf32>
        %add3A_1512 = arith.constant 1.000000e+00 : f32
        %add3A_1513 = vector.broadcast %add3A_1512 : f32 to vector<16xf32>
        %add3A_1514 = arith.addf %add3A_1513, %exp3A_1511 : vector<16xf32>
        %div3A_1515 = arith.constant 1.000000e+00 : f32
        %div3A_1516 = vector.broadcast %div3A_1515 : f32 to vector<16xf32>
        %div3A_1517 = arith.divf %div3A_1516, %add3A_1514 : vector<16xf32>
        tpu.vector_store_idx %arg24[%add3A_1237, %broadcast_in_dim3A_1507], %div3A_1517 : memref<128x17xf32, #tpu.memory_space<vmem>>[vector<16xi32>, vector<16xi32>], vector<16xf32>,
        %get3A_1518 = arith.constant 14 : i32
        %get3A_1519 = arith.index_cast %get3A_1518 : i32 to index
        %get3A_1520 = arith.index_cast %mul3A_1233 : i32 to index
        %get3A_1521 = tpu.vector_load %arg17[%get3A_1519, %get3A_1520] {strides = array<i32>} : memref<34x128xf32, #tpu.memory_space<vmem>>, vector<16xf32>,
        %get3A_1522 = arith.constant 15 : i32
        %get3A_1523 = arith.index_cast %get3A_1522 : i32 to index
        %get3A_1524 = arith.index_cast %mul3A_1233 : i32 to index
        %get3A_1525 = tpu.vector_load %arg17[%get3A_1523, %get3A_1524] {strides = array<i32>} : memref<34x128xf32, #tpu.memory_space<vmem>>, vector<16xf32>,
        %broadcast_in_dim3A_1526 = arith.constant 14 : i32
        %broadcast_in_dim3A_1527 = vector.broadcast %broadcast_in_dim3A_1526 : i32 to vector<16xi32>
        %mul3A_1528 = arith.mulf %get3A_1521, %mul3A_1291 : vector<16xf32>
        %add3A_1529 = arith.addf %add3A_1266, %mul3A_1528 : vector<16xf32>
        tpu.vector_store_idx %arg23[%add3A_1237, %broadcast_in_dim3A_1527], %add3A_1529 : memref<128x34xf32, #tpu.memory_space<vmem>>[vector<16xi32>, vector<16xi32>], vector<16xf32>,
        %broadcast_in_dim3A_1530 = arith.constant 15 : i32
        %broadcast_in_dim3A_1531 = vector.broadcast %broadcast_in_dim3A_1530 : i32 to vector<16xi32>
        %mul3A_1532 = arith.mulf %get3A_1525, %mul3A_1294 : vector<16xf32>
        %add3A_1533 = arith.addf %add3A_1268, %mul3A_1532 : vector<16xf32>
        tpu.vector_store_idx %arg23[%add3A_1237, %broadcast_in_dim3A_1531], %add3A_1533 : memref<128x34xf32, #tpu.memory_space<vmem>>[vector<16xi32>, vector<16xi32>], vector<16xf32>,
        %get3A_1534 = arith.constant 7 : i32
        %get3A_1535 = arith.index_cast %get3A_1534 : i32 to index
        %get3A_1536 = arith.index_cast %mul3A_1233 : i32 to index
        %get3A_1537 = tpu.vector_load %arg18[%get3A_1535, %get3A_1536] {strides = array<i32>} : memref<17x128xf32, #tpu.memory_space<vmem>>, vector<16xf32>,
        %broadcast_in_dim3A_1538 = arith.constant 7 : i32
        %broadcast_in_dim3A_1539 = vector.broadcast %broadcast_in_dim3A_1538 : i32 to vector<16xi32>
        %neg3A_1540 = arith.constant 0.000000e+00 : f32
        %neg3A_1541 = vector.broadcast %neg3A_1540 : f32 to vector<16xf32>
        %neg3A_1542 = arith.subf %neg3A_1541, %get3A_1537 : vector<16xf32>
        %exp3A_1543 = math.exp %neg3A_1542 : vector<16xf32>
        %add3A_1544 = arith.constant 1.000000e+00 : f32
        %add3A_1545 = vector.broadcast %add3A_1544 : f32 to vector<16xf32>
        %add3A_1546 = arith.addf %add3A_1545, %exp3A_1543 : vector<16xf32>
        %div3A_1547 = arith.constant 1.000000e+00 : f32
        %div3A_1548 = vector.broadcast %div3A_1547 : f32 to vector<16xf32>
        %div3A_1549 = arith.divf %div3A_1548, %add3A_1546 : vector<16xf32>
        tpu.vector_store_idx %arg24[%add3A_1237, %broadcast_in_dim3A_1539], %div3A_1549 : memref<128x17xf32, #tpu.memory_space<vmem>>[vector<16xi32>, vector<16xi32>], vector<16xf32>,
        %get3A_1550 = arith.constant 16 : i32
        %get3A_1551 = arith.index_cast %get3A_1550 : i32 to index
        %get3A_1552 = arith.index_cast %mul3A_1233 : i32 to index
        %get3A_1553 = tpu.vector_load %arg17[%get3A_1551, %get3A_1552] {strides = array<i32>} : memref<34x128xf32, #tpu.memory_space<vmem>>, vector<16xf32>,
        %get3A_1554 = arith.constant 17 : i32
        %get3A_1555 = arith.index_cast %get3A_1554 : i32 to index
        %get3A_1556 = arith.index_cast %mul3A_1233 : i32 to index
        %get3A_1557 = tpu.vector_load %arg17[%get3A_1555, %get3A_1556] {strides = array<i32>} : memref<34x128xf32, #tpu.memory_space<vmem>>, vector<16xf32>,
        %broadcast_in_dim3A_1558 = arith.constant 16 : i32
        %broadcast_in_dim3A_1559 = vector.broadcast %broadcast_in_dim3A_1558 : i32 to vector<16xi32>
        %mul3A_1560 = arith.mulf %get3A_1553, %mul3A_1291 : vector<16xf32>
        %add3A_1561 = arith.addf %add3A_1266, %mul3A_1560 : vector<16xf32>
        tpu.vector_store_idx %arg23[%add3A_1237, %broadcast_in_dim3A_1559], %add3A_1561 : memref<128x34xf32, #tpu.memory_space<vmem>>[vector<16xi32>, vector<16xi32>], vector<16xf32>,
        %broadcast_in_dim3A_1562 = arith.constant 17 : i32
        %broadcast_in_dim3A_1563 = vector.broadcast %broadcast_in_dim3A_1562 : i32 to vector<16xi32>
        %mul3A_1564 = arith.mulf %get3A_1557, %mul3A_1294 : vector<16xf32>
        %add3A_1565 = arith.addf %add3A_1268, %mul3A_1564 : vector<16xf32>
        tpu.vector_store_idx %arg23[%add3A_1237, %broadcast_in_dim3A_1563], %add3A_1565 : memref<128x34xf32, #tpu.memory_space<vmem>>[vector<16xi32>, vector<16xi32>], vector<16xf32>,
        %get3A_1566 = arith.constant 8 : i32
        %get3A_1567 = arith.index_cast %get3A_1566 : i32 to index
        %get3A_1568 = arith.index_cast %mul3A_1233 : i32 to index
        %get3A_1569 = tpu.vector_load %arg18[%get3A_1567, %get3A_1568] {strides = array<i32>} : memref<17x128xf32, #tpu.memory_space<vmem>>, vector<16xf32>,
        %broadcast_in_dim3A_1570 = arith.constant 8 : i32
        %broadcast_in_dim3A_1571 = vector.broadcast %broadcast_in_dim3A_1570 : i32 to vector<16xi32>
        %neg3A_1572 = arith.constant 0.000000e+00 : f32
        %neg3A_1573 = vector.broadcast %neg3A_1572 : f32 to vector<16xf32>
        %neg3A_1574 = arith.subf %neg3A_1573, %get3A_1569 : vector<16xf32>
        %exp3A_1575 = math.exp %neg3A_1574 : vector<16xf32>
        %add3A_1576 = arith.constant 1.000000e+00 : f32
        %add3A_1577 = vector.broadcast %add3A_1576 : f32 to vector<16xf32>
        %add3A_1578 = arith.addf %add3A_1577, %exp3A_1575 : vector<16xf32>
        %div3A_1579 = arith.constant 1.000000e+00 : f32
        %div3A_1580 = vector.broadcast %div3A_1579 : f32 to vector<16xf32>
        %div3A_1581 = arith.divf %div3A_1580, %add3A_1578 : vector<16xf32>
        tpu.vector_store_idx %arg24[%add3A_1237, %broadcast_in_dim3A_1571], %div3A_1581 : memref<128x17xf32, #tpu.memory_space<vmem>>[vector<16xi32>, vector<16xi32>], vector<16xf32>,
        %get3A_1582 = arith.constant 18 : i32
        %get3A_1583 = arith.index_cast %get3A_1582 : i32 to index
        %get3A_1584 = arith.index_cast %mul3A_1233 : i32 to index
        %get3A_1585 = tpu.vector_load %arg17[%get3A_1583, %get3A_1584] {strides = array<i32>} : memref<34x128xf32, #tpu.memory_space<vmem>>, vector<16xf32>,
        %get3A_1586 = arith.constant 19 : i32
        %get3A_1587 = arith.index_cast %get3A_1586 : i32 to index
        %get3A_1588 = arith.index_cast %mul3A_1233 : i32 to index
        %get3A_1589 = tpu.vector_load %arg17[%get3A_1587, %get3A_1588] {strides = array<i32>} : memref<34x128xf32, #tpu.memory_space<vmem>>, vector<16xf32>,
        %broadcast_in_dim3A_1590 = arith.constant 18 : i32
        %broadcast_in_dim3A_1591 = vector.broadcast %broadcast_in_dim3A_1590 : i32 to vector<16xi32>
        %mul3A_1592 = arith.mulf %get3A_1585, %mul3A_1291 : vector<16xf32>
        %add3A_1593 = arith.addf %add3A_1266, %mul3A_1592 : vector<16xf32>
        tpu.vector_store_idx %arg23[%add3A_1237, %broadcast_in_dim3A_1591], %add3A_1593 : memref<128x34xf32, #tpu.memory_space<vmem>>[vector<16xi32>, vector<16xi32>], vector<16xf32>,
        %broadcast_in_dim3A_1594 = arith.constant 19 : i32
        %broadcast_in_dim3A_1595 = vector.broadcast %broadcast_in_dim3A_1594 : i32 to vector<16xi32>
        %mul3A_1596 = arith.mulf %get3A_1589, %mul3A_1294 : vector<16xf32>
        %add3A_1597 = arith.addf %add3A_1268, %mul3A_1596 : vector<16xf32>
        tpu.vector_store_idx %arg23[%add3A_1237, %broadcast_in_dim3A_1595], %add3A_1597 : memref<128x34xf32, #tpu.memory_space<vmem>>[vector<16xi32>, vector<16xi32>], vector<16xf32>,
        %get3A_1598 = arith.constant 9 : i32
        %get3A_1599 = arith.index_cast %get3A_1598 : i32 to index
        %get3A_1600 = arith.index_cast %mul3A_1233 : i32 to index
        %get3A_1601 = tpu.vector_load %arg18[%get3A_1599, %get3A_1600] {strides = array<i32>} : memref<17x128xf32, #tpu.memory_space<vmem>>, vector<16xf32>,
        %broadcast_in_dim3A_1602 = arith.constant 9 : i32
        %broadcast_in_dim3A_1603 = vector.broadcast %broadcast_in_dim3A_1602 : i32 to vector<16xi32>
        %neg3A_1604 = arith.constant 0.000000e+00 : f32
        %neg3A_1605 = vector.broadcast %neg3A_1604 : f32 to vector<16xf32>
        %neg3A_1606 = arith.subf %neg3A_1605, %get3A_1601 : vector<16xf32>
        %exp3A_1607 = math.exp %neg3A_1606 : vector<16xf32>
        %add3A_1608 = arith.constant 1.000000e+00 : f32
        %add3A_1609 = vector.broadcast %add3A_1608 : f32 to vector<16xf32>
        %add3A_1610 = arith.addf %add3A_1609, %exp3A_1607 : vector<16xf32>
        %div3A_1611 = arith.constant 1.000000e+00 : f32
        %div3A_1612 = vector.broadcast %div3A_1611 : f32 to vector<16xf32>
        %div3A_1613 = arith.divf %div3A_1612, %add3A_1610 : vector<16xf32>
        tpu.vector_store_idx %arg24[%add3A_1237, %broadcast_in_dim3A_1603], %div3A_1613 : memref<128x17xf32, #tpu.memory_space<vmem>>[vector<16xi32>, vector<16xi32>], vector<16xf32>,
        %get3A_1614 = arith.constant 20 : i32
        %get3A_1615 = arith.index_cast %get3A_1614 : i32 to index
        %get3A_1616 = arith.index_cast %mul3A_1233 : i32 to index
        %get3A_1617 = tpu.vector_load %arg17[%get3A_1615, %get3A_1616] {strides = array<i32>} : memref<34x128xf32, #tpu.memory_space<vmem>>, vector<16xf32>,
        %get3A_1618 = arith.constant 21 : i32
        %get3A_1619 = arith.index_cast %get3A_1618 : i32 to index
        %get3A_1620 = arith.index_cast %mul3A_1233 : i32 to index
        %get3A_1621 = tpu.vector_load %arg17[%get3A_1619, %get3A_1620] {strides = array<i32>} : memref<34x128xf32, #tpu.memory_space<vmem>>, vector<16xf32>,
        %broadcast_in_dim3A_1622 = arith.constant 20 : i32
        %broadcast_in_dim3A_1623 = vector.broadcast %broadcast_in_dim3A_1622 : i32 to vector<16xi32>
        %mul3A_1624 = arith.mulf %get3A_1617, %mul3A_1291 : vector<16xf32>
        %add3A_1625 = arith.addf %add3A_1266, %mul3A_1624 : vector<16xf32>
        tpu.vector_store_idx %arg23[%add3A_1237, %broadcast_in_dim3A_1623], %add3A_1625 : memref<128x34xf32, #tpu.memory_space<vmem>>[vector<16xi32>, vector<16xi32>], vector<16xf32>,
        %broadcast_in_dim3A_1626 = arith.constant 21 : i32
        %broadcast_in_dim3A_1627 = vector.broadcast %broadcast_in_dim3A_1626 : i32 to vector<16xi32>
        %mul3A_1628 = arith.mulf %get3A_1621, %mul3A_1294 : vector<16xf32>
        %add3A_1629 = arith.addf %add3A_1268, %mul3A_1628 : vector<16xf32>
        tpu.vector_store_idx %arg23[%add3A_1237, %broadcast_in_dim3A_1627], %add3A_1629 : memref<128x34xf32, #tpu.memory_space<vmem>>[vector<16xi32>, vector<16xi32>], vector<16xf32>,
        %get3A_1630 = arith.constant 10 : i32
        %get3A_1631 = arith.index_cast %get3A_1630 : i32 to index
        %get3A_1632 = arith.index_cast %mul3A_1233 : i32 to index
        %get3A_1633 = tpu.vector_load %arg18[%get3A_1631, %get3A_1632] {strides = array<i32>} : memref<17x128xf32, #tpu.memory_space<vmem>>, vector<16xf32>,
        %broadcast_in_dim3A_1634 = arith.constant 10 : i32
        %broadcast_in_dim3A_1635 = vector.broadcast %broadcast_in_dim3A_1634 : i32 to vector<16xi32>
        %neg3A_1636 = arith.constant 0.000000e+00 : f32
        %neg3A_1637 = vector.broadcast %neg3A_1636 : f32 to vector<16xf32>
        %neg3A_1638 = arith.subf %neg3A_1637, %get3A_1633 : vector<16xf32>
        %exp3A_1639 = math.exp %neg3A_1638 : vector<16xf32>
        %add3A_1640 = arith.constant 1.000000e+00 : f32
        %add3A_1641 = vector.broadcast %add3A_1640 : f32 to vector<16xf32>
        %add3A_1642 = arith.addf %add3A_1641, %exp3A_1639 : vector<16xf32>
        %div3A_1643 = arith.constant 1.000000e+00 : f32
        %div3A_1644 = vector.broadcast %div3A_1643 : f32 to vector<16xf32>
        %div3A_1645 = arith.divf %div3A_1644, %add3A_1642 : vector<16xf32>
        tpu.vector_store_idx %arg24[%add3A_1237, %broadcast_in_dim3A_1635], %div3A_1645 : memref<128x17xf32, #tpu.memory_space<vmem>>[vector<16xi32>, vector<16xi32>], vector<16xf32>,
        %get3A_1646 = arith.constant 22 : i32
        %get3A_1647 = arith.index_cast %get3A_1646 : i32 to index
        %get3A_1648 = arith.index_cast %mul3A_1233 : i32 to index
        %get3A_1649 = tpu.vector_load %arg17[%get3A_1647, %get3A_1648] {strides = array<i32>} : memref<34x128xf32, #tpu.memory_space<vmem>>, vector<16xf32>,
        %get3A_1650 = arith.constant 23 : i32
        %get3A_1651 = arith.index_cast %get3A_1650 : i32 to index
        %get3A_1652 = arith.index_cast %mul3A_1233 : i32 to index
        %get3A_1653 = tpu.vector_load %arg17[%get3A_1651, %get3A_1652] {strides = array<i32>} : memref<34x128xf32, #tpu.memory_space<vmem>>, vector<16xf32>,
        %broadcast_in_dim3A_1654 = arith.constant 22 : i32
        %broadcast_in_dim3A_1655 = vector.broadcast %broadcast_in_dim3A_1654 : i32 to vector<16xi32>
        %mul3A_1656 = arith.mulf %get3A_1649, %mul3A_1291 : vector<16xf32>
        %add3A_1657 = arith.addf %add3A_1266, %mul3A_1656 : vector<16xf32>
        tpu.vector_store_idx %arg23[%add3A_1237, %broadcast_in_dim3A_1655], %add3A_1657 : memref<128x34xf32, #tpu.memory_space<vmem>>[vector<16xi32>, vector<16xi32>], vector<16xf32>,
        %broadcast_in_dim3A_1658 = arith.constant 23 : i32
        %broadcast_in_dim3A_1659 = vector.broadcast %broadcast_in_dim3A_1658 : i32 to vector<16xi32>
        %mul3A_1660 = arith.mulf %get3A_1653, %mul3A_1294 : vector<16xf32>
        %add3A_1661 = arith.addf %add3A_1268, %mul3A_1660 : vector<16xf32>
        tpu.vector_store_idx %arg23[%add3A_1237, %broadcast_in_dim3A_1659], %add3A_1661 : memref<128x34xf32, #tpu.memory_space<vmem>>[vector<16xi32>, vector<16xi32>], vector<16xf32>,
        %get3A_1662 = arith.constant 11 : i32
        %get3A_1663 = arith.index_cast %get3A_1662 : i32 to index
        %get3A_1664 = arith.index_cast %mul3A_1233 : i32 to index
        %get3A_1665 = tpu.vector_load %arg18[%get3A_1663, %get3A_1664] {strides = array<i32>} : memref<17x128xf32, #tpu.memory_space<vmem>>, vector<16xf32>,
        %broadcast_in_dim3A_1666 = arith.constant 11 : i32
        %broadcast_in_dim3A_1667 = vector.broadcast %broadcast_in_dim3A_1666 : i32 to vector<16xi32>
        %neg3A_1668 = arith.constant 0.000000e+00 : f32
        %neg3A_1669 = vector.broadcast %neg3A_1668 : f32 to vector<16xf32>
        %neg3A_1670 = arith.subf %neg3A_1669, %get3A_1665 : vector<16xf32>
        %exp3A_1671 = math.exp %neg3A_1670 : vector<16xf32>
        %add3A_1672 = arith.constant 1.000000e+00 : f32
        %add3A_1673 = vector.broadcast %add3A_1672 : f32 to vector<16xf32>
        %add3A_1674 = arith.addf %add3A_1673, %exp3A_1671 : vector<16xf32>
        %div3A_1675 = arith.constant 1.000000e+00 : f32
        %div3A_1676 = vector.broadcast %div3A_1675 : f32 to vector<16xf32>
        %div3A_1677 = arith.divf %div3A_1676, %add3A_1674 : vector<16xf32>
        tpu.vector_store_idx %arg24[%add3A_1237, %broadcast_in_dim3A_1667], %div3A_1677 : memref<128x17xf32, #tpu.memory_space<vmem>>[vector<16xi32>, vector<16xi32>], vector<16xf32>,
        %get3A_1678 = arith.constant 24 : i32
        %get3A_1679 = arith.index_cast %get3A_1678 : i32 to index
        %get3A_1680 = arith.index_cast %mul3A_1233 : i32 to index
        %get3A_1681 = tpu.vector_load %arg17[%get3A_1679, %get3A_1680] {strides = array<i32>} : memref<34x128xf32, #tpu.memory_space<vmem>>, vector<16xf32>,
        %get3A_1682 = arith.constant 25 : i32
        %get3A_1683 = arith.index_cast %get3A_1682 : i32 to index
        %get3A_1684 = arith.index_cast %mul3A_1233 : i32 to index
        %get3A_1685 = tpu.vector_load %arg17[%get3A_1683, %get3A_1684] {strides = array<i32>} : memref<34x128xf32, #tpu.memory_space<vmem>>, vector<16xf32>,
        %broadcast_in_dim3A_1686 = arith.constant 24 : i32
        %broadcast_in_dim3A_1687 = vector.broadcast %broadcast_in_dim3A_1686 : i32 to vector<16xi32>
        %mul3A_1688 = arith.mulf %get3A_1681, %mul3A_1291 : vector<16xf32>
        %add3A_1689 = arith.addf %add3A_1266, %mul3A_1688 : vector<16xf32>
        tpu.vector_store_idx %arg23[%add3A_1237, %broadcast_in_dim3A_1687], %add3A_1689 : memref<128x34xf32, #tpu.memory_space<vmem>>[vector<16xi32>, vector<16xi32>], vector<16xf32>,
        %broadcast_in_dim3A_1690 = arith.constant 25 : i32
        %broadcast_in_dim3A_1691 = vector.broadcast %broadcast_in_dim3A_1690 : i32 to vector<16xi32>
        %mul3A_1692 = arith.mulf %get3A_1685, %mul3A_1294 : vector<16xf32>
        %add3A_1693 = arith.addf %add3A_1268, %mul3A_1692 : vector<16xf32>
        tpu.vector_store_idx %arg23[%add3A_1237, %broadcast_in_dim3A_1691], %add3A_1693 : memref<128x34xf32, #tpu.memory_space<vmem>>[vector<16xi32>, vector<16xi32>], vector<16xf32>,
        %get3A_1694 = arith.constant 12 : i32
        %get3A_1695 = arith.index_cast %get3A_1694 : i32 to index
        %get3A_1696 = arith.index_cast %mul3A_1233 : i32 to index
        %get3A_1697 = tpu.vector_load %arg18[%get3A_1695, %get3A_1696] {strides = array<i32>} : memref<17x128xf32, #tpu.memory_space<vmem>>, vector<16xf32>,
        %broadcast_in_dim3A_1698 = arith.constant 12 : i32
        %broadcast_in_dim3A_1699 = vector.broadcast %broadcast_in_dim3A_1698 : i32 to vector<16xi32>
        %neg3A_1700 = arith.constant 0.000000e+00 : f32
        %neg3A_1701 = vector.broadcast %neg3A_1700 : f32 to vector<16xf32>
        %neg3A_1702 = arith.subf %neg3A_1701, %get3A_1697 : vector<16xf32>
        %exp3A_1703 = math.exp %neg3A_1702 : vector<16xf32>
        %add3A_1704 = arith.constant 1.000000e+00 : f32
        %add3A_1705 = vector.broadcast %add3A_1704 : f32 to vector<16xf32>
        %add3A_1706 = arith.addf %add3A_1705, %exp3A_1703 : vector<16xf32>
        %div3A_1707 = arith.constant 1.000000e+00 : f32
        %div3A_1708 = vector.broadcast %div3A_1707 : f32 to vector<16xf32>
        %div3A_1709 = arith.divf %div3A_1708, %add3A_1706 : vector<16xf32>
        tpu.vector_store_idx %arg24[%add3A_1237, %broadcast_in_dim3A_1699], %div3A_1709 : memref<128x17xf32, #tpu.memory_space<vmem>>[vector<16xi32>, vector<16xi32>], vector<16xf32>,
        %get3A_1710 = arith.constant 26 : i32
        %get3A_1711 = arith.index_cast %get3A_1710 : i32 to index
        %get3A_1712 = arith.index_cast %mul3A_1233 : i32 to index
        %get3A_1713 = tpu.vector_load %arg17[%get3A_1711, %get3A_1712] {strides = array<i32>} : memref<34x128xf32, #tpu.memory_space<vmem>>, vector<16xf32>,
        %get3A_1714 = arith.constant 27 : i32
        %get3A_1715 = arith.index_cast %get3A_1714 : i32 to index
        %get3A_1716 = arith.index_cast %mul3A_1233 : i32 to index
        %get3A_1717 = tpu.vector_load %arg17[%get3A_1715, %get3A_1716] {strides = array<i32>} : memref<34x128xf32, #tpu.memory_space<vmem>>, vector<16xf32>,
        %broadcast_in_dim3A_1718 = arith.constant 26 : i32
        %broadcast_in_dim3A_1719 = vector.broadcast %broadcast_in_dim3A_1718 : i32 to vector<16xi32>
        %mul3A_1720 = arith.mulf %get3A_1713, %mul3A_1291 : vector<16xf32>
        %add3A_1721 = arith.addf %add3A_1266, %mul3A_1720 : vector<16xf32>
        tpu.vector_store_idx %arg23[%add3A_1237, %broadcast_in_dim3A_1719], %add3A_1721 : memref<128x34xf32, #tpu.memory_space<vmem>>[vector<16xi32>, vector<16xi32>], vector<16xf32>,
        %broadcast_in_dim3A_1722 = arith.constant 27 : i32
        %broadcast_in_dim3A_1723 = vector.broadcast %broadcast_in_dim3A_1722 : i32 to vector<16xi32>
        %mul3A_1724 = arith.mulf %get3A_1717, %mul3A_1294 : vector<16xf32>
        %add3A_1725 = arith.addf %add3A_1268, %mul3A_1724 : vector<16xf32>
        tpu.vector_store_idx %arg23[%add3A_1237, %broadcast_in_dim3A_1723], %add3A_1725 : memref<128x34xf32, #tpu.memory_space<vmem>>[vector<16xi32>, vector<16xi32>], vector<16xf32>,
        %get3A_1726 = arith.constant 13 : i32
        %get3A_1727 = arith.index_cast %get3A_1726 : i32 to index
        %get3A_1728 = arith.index_cast %mul3A_1233 : i32 to index
        %get3A_1729 = tpu.vector_load %arg18[%get3A_1727, %get3A_1728] {strides = array<i32>} : memref<17x128xf32, #tpu.memory_space<vmem>>, vector<16xf32>,
        %broadcast_in_dim3A_1730 = arith.constant 13 : i32
        %broadcast_in_dim3A_1731 = vector.broadcast %broadcast_in_dim3A_1730 : i32 to vector<16xi32>
        %neg3A_1732 = arith.constant 0.000000e+00 : f32
        %neg3A_1733 = vector.broadcast %neg3A_1732 : f32 to vector<16xf32>
        %neg3A_1734 = arith.subf %neg3A_1733, %get3A_1729 : vector<16xf32>
        %exp3A_1735 = math.exp %neg3A_1734 : vector<16xf32>
        %add3A_1736 = arith.constant 1.000000e+00 : f32
        %add3A_1737 = vector.broadcast %add3A_1736 : f32 to vector<16xf32>
        %add3A_1738 = arith.addf %add3A_1737, %exp3A_1735 : vector<16xf32>
        %div3A_1739 = arith.constant 1.000000e+00 : f32
        %div3A_1740 = vector.broadcast %div3A_1739 : f32 to vector<16xf32>
        %div3A_1741 = arith.divf %div3A_1740, %add3A_1738 : vector<16xf32>
        tpu.vector_store_idx %arg24[%add3A_1237, %broadcast_in_dim3A_1731], %div3A_1741 : memref<128x17xf32, #tpu.memory_space<vmem>>[vector<16xi32>, vector<16xi32>], vector<16xf32>,
        %get3A_1742 = arith.constant 28 : i32
        %get3A_1743 = arith.index_cast %get3A_1742 : i32 to index
        %get3A_1744 = arith.index_cast %mul3A_1233 : i32 to index
        %get3A_1745 = tpu.vector_load %arg17[%get3A_1743, %get3A_1744] {strides = array<i32>} : memref<34x128xf32, #tpu.memory_space<vmem>>, vector<16xf32>,
        %get3A_1746 = arith.constant 29 : i32
        %get3A_1747 = arith.index_cast %get3A_1746 : i32 to index
        %get3A_1748 = arith.index_cast %mul3A_1233 : i32 to index
        %get3A_1749 = tpu.vector_load %arg17[%get3A_1747, %get3A_1748] {strides = array<i32>} : memref<34x128xf32, #tpu.memory_space<vmem>>, vector<16xf32>,
        %broadcast_in_dim3A_1750 = arith.constant 28 : i32
        %broadcast_in_dim3A_1751 = vector.broadcast %broadcast_in_dim3A_1750 : i32 to vector<16xi32>
        %mul3A_1752 = arith.mulf %get3A_1745, %mul3A_1291 : vector<16xf32>
        %add3A_1753 = arith.addf %add3A_1266, %mul3A_1752 : vector<16xf32>
        tpu.vector_store_idx %arg23[%add3A_1237, %broadcast_in_dim3A_1751], %add3A_1753 : memref<128x34xf32, #tpu.memory_space<vmem>>[vector<16xi32>, vector<16xi32>], vector<16xf32>,
        %broadcast_in_dim3A_1754 = arith.constant 29 : i32
        %broadcast_in_dim3A_1755 = vector.broadcast %broadcast_in_dim3A_1754 : i32 to vector<16xi32>
        %mul3A_1756 = arith.mulf %get3A_1749, %mul3A_1294 : vector<16xf32>
        %add3A_1757 = arith.addf %add3A_1268, %mul3A_1756 : vector<16xf32>
        tpu.vector_store_idx %arg23[%add3A_1237, %broadcast_in_dim3A_1755], %add3A_1757 : memref<128x34xf32, #tpu.memory_space<vmem>>[vector<16xi32>, vector<16xi32>], vector<16xf32>,
        %get3A_1758 = arith.constant 14 : i32
        %get3A_1759 = arith.index_cast %get3A_1758 : i32 to index
        %get3A_1760 = arith.index_cast %mul3A_1233 : i32 to index
        %get3A_1761 = tpu.vector_load %arg18[%get3A_1759, %get3A_1760] {strides = array<i32>} : memref<17x128xf32, #tpu.memory_space<vmem>>, vector<16xf32>,
        %broadcast_in_dim3A_1762 = arith.constant 14 : i32
        %broadcast_in_dim3A_1763 = vector.broadcast %broadcast_in_dim3A_1762 : i32 to vector<16xi32>
        %neg3A_1764 = arith.constant 0.000000e+00 : f32
        %neg3A_1765 = vector.broadcast %neg3A_1764 : f32 to vector<16xf32>
        %neg3A_1766 = arith.subf %neg3A_1765, %get3A_1761 : vector<16xf32>
        %exp3A_1767 = math.exp %neg3A_1766 : vector<16xf32>
        %add3A_1768 = arith.constant 1.000000e+00 : f32
        %add3A_1769 = vector.broadcast %add3A_1768 : f32 to vector<16xf32>
        %add3A_1770 = arith.addf %add3A_1769, %exp3A_1767 : vector<16xf32>
        %div3A_1771 = arith.constant 1.000000e+00 : f32
        %div3A_1772 = vector.broadcast %div3A_1771 : f32 to vector<16xf32>
        %div3A_1773 = arith.divf %div3A_1772, %add3A_1770 : vector<16xf32>
        tpu.vector_store_idx %arg24[%add3A_1237, %broadcast_in_dim3A_1763], %div3A_1773 : memref<128x17xf32, #tpu.memory_space<vmem>>[vector<16xi32>, vector<16xi32>], vector<16xf32>,
        %get3A_1774 = arith.constant 30 : i32
        %get3A_1775 = arith.index_cast %get3A_1774 : i32 to index
        %get3A_1776 = arith.index_cast %mul3A_1233 : i32 to index
        %get3A_1777 = tpu.vector_load %arg17[%get3A_1775, %get3A_1776] {strides = array<i32>} : memref<34x128xf32, #tpu.memory_space<vmem>>, vector<16xf32>,
        %get3A_1778 = arith.constant 31 : i32
        %get3A_1779 = arith.index_cast %get3A_1778 : i32 to index
        %get3A_1780 = arith.index_cast %mul3A_1233 : i32 to index
        %get3A_1781 = tpu.vector_load %arg17[%get3A_1779, %get3A_1780] {strides = array<i32>} : memref<34x128xf32, #tpu.memory_space<vmem>>, vector<16xf32>,
        %broadcast_in_dim3A_1782 = arith.constant 30 : i32
        %broadcast_in_dim3A_1783 = vector.broadcast %broadcast_in_dim3A_1782 : i32 to vector<16xi32>
        %mul3A_1784 = arith.mulf %get3A_1777, %mul3A_1291 : vector<16xf32>
        %add3A_1785 = arith.addf %add3A_1266, %mul3A_1784 : vector<16xf32>
        tpu.vector_store_idx %arg23[%add3A_1237, %broadcast_in_dim3A_1783], %add3A_1785 : memref<128x34xf32, #tpu.memory_space<vmem>>[vector<16xi32>, vector<16xi32>], vector<16xf32>,
        %broadcast_in_dim3A_1786 = arith.constant 31 : i32
        %broadcast_in_dim3A_1787 = vector.broadcast %broadcast_in_dim3A_1786 : i32 to vector<16xi32>
        %mul3A_1788 = arith.mulf %get3A_1781, %mul3A_1294 : vector<16xf32>
        %add3A_1789 = arith.addf %add3A_1268, %mul3A_1788 : vector<16xf32>
        tpu.vector_store_idx %arg23[%add3A_1237, %broadcast_in_dim3A_1787], %add3A_1789 : memref<128x34xf32, #tpu.memory_space<vmem>>[vector<16xi32>, vector<16xi32>], vector<16xf32>,
        %get3A_1790 = arith.constant 15 : i32
        %get3A_1791 = arith.index_cast %get3A_1790 : i32 to index
        %get3A_1792 = arith.index_cast %mul3A_1233 : i32 to index
        %get3A_1793 = tpu.vector_load %arg18[%get3A_1791, %get3A_1792] {strides = array<i32>} : memref<17x128xf32, #tpu.memory_space<vmem>>, vector<16xf32>,
        %broadcast_in_dim3A_1794 = arith.constant 15 : i32
        %broadcast_in_dim3A_1795 = vector.broadcast %broadcast_in_dim3A_1794 : i32 to vector<16xi32>
        %neg3A_1796 = arith.constant 0.000000e+00 : f32
        %neg3A_1797 = vector.broadcast %neg3A_1796 : f32 to vector<16xf32>
        %neg3A_1798 = arith.subf %neg3A_1797, %get3A_1793 : vector<16xf32>
        %exp3A_1799 = math.exp %neg3A_1798 : vector<16xf32>
        %add3A_1800 = arith.constant 1.000000e+00 : f32
        %add3A_1801 = vector.broadcast %add3A_1800 : f32 to vector<16xf32>
        %add3A_1802 = arith.addf %add3A_1801, %exp3A_1799 : vector<16xf32>
        %div3A_1803 = arith.constant 1.000000e+00 : f32
        %div3A_1804 = vector.broadcast %div3A_1803 : f32 to vector<16xf32>
        %div3A_1805 = arith.divf %div3A_1804, %add3A_1802 : vector<16xf32>
        tpu.vector_store_idx %arg24[%add3A_1237, %broadcast_in_dim3A_1795], %div3A_1805 : memref<128x17xf32, #tpu.memory_space<vmem>>[vector<16xi32>, vector<16xi32>], vector<16xf32>,
        %get3A_1806 = arith.constant 32 : i32
        %get3A_1807 = arith.index_cast %get3A_1806 : i32 to index
        %get3A_1808 = arith.index_cast %mul3A_1233 : i32 to index
        %get3A_1809 = tpu.vector_load %arg17[%get3A_1807, %get3A_1808] {strides = array<i32>} : memref<34x128xf32, #tpu.memory_space<vmem>>, vector<16xf32>,
        %get3A_1810 = arith.constant 33 : i32
        %get3A_1811 = arith.index_cast %get3A_1810 : i32 to index
        %get3A_1812 = arith.index_cast %mul3A_1233 : i32 to index
        %get3A_1813 = tpu.vector_load %arg17[%get3A_1811, %get3A_1812] {strides = array<i32>} : memref<34x128xf32, #tpu.memory_space<vmem>>, vector<16xf32>,
        %broadcast_in_dim3A_1814 = arith.constant 32 : i32
        %broadcast_in_dim3A_1815 = vector.broadcast %broadcast_in_dim3A_1814 : i32 to vector<16xi32>
        %mul3A_1816 = arith.mulf %get3A_1809, %mul3A_1291 : vector<16xf32>
        %add3A_1817 = arith.addf %add3A_1266, %mul3A_1816 : vector<16xf32>
        tpu.vector_store_idx %arg23[%add3A_1237, %broadcast_in_dim3A_1815], %add3A_1817 : memref<128x34xf32, #tpu.memory_space<vmem>>[vector<16xi32>, vector<16xi32>], vector<16xf32>,
        %broadcast_in_dim3A_1818 = arith.constant 33 : i32
        %broadcast_in_dim3A_1819 = vector.broadcast %broadcast_in_dim3A_1818 : i32 to vector<16xi32>
        %mul3A_1820 = arith.mulf %get3A_1813, %mul3A_1294 : vector<16xf32>
        %add3A_1821 = arith.addf %add3A_1268, %mul3A_1820 : vector<16xf32>
        tpu.vector_store_idx %arg23[%add3A_1237, %broadcast_in_dim3A_1819], %add3A_1821 : memref<128x34xf32, #tpu.memory_space<vmem>>[vector<16xi32>, vector<16xi32>], vector<16xf32>,
        %get3A_1822 = arith.constant 16 : i32
        %get3A_1823 = arith.index_cast %get3A_1822 : i32 to index
        %get3A_1824 = arith.index_cast %mul3A_1233 : i32 to index
        %get3A_1825 = tpu.vector_load %arg18[%get3A_1823, %get3A_1824] {strides = array<i32>} : memref<17x128xf32, #tpu.memory_space<vmem>>, vector<16xf32>,
        %broadcast_in_dim3A_1826 = arith.constant 16 : i32
        %broadcast_in_dim3A_1827 = vector.broadcast %broadcast_in_dim3A_1826 : i32 to vector<16xi32>
        %neg3A_1828 = arith.constant 0.000000e+00 : f32
        %neg3A_1829 = vector.broadcast %neg3A_1828 : f32 to vector<16xf32>
        %neg3A_1830 = arith.subf %neg3A_1829, %get3A_1825 : vector<16xf32>
        %exp3A_1831 = math.exp %neg3A_1830 : vector<16xf32>
        %add3A_1832 = arith.constant 1.000000e+00 : f32
        %add3A_1833 = vector.broadcast %add3A_1832 : f32 to vector<16xf32>
        %add3A_1834 = arith.addf %add3A_1833, %exp3A_1831 : vector<16xf32>
        %div3A_1835 = arith.constant 1.000000e+00 : f32
        %div3A_1836 = vector.broadcast %div3A_1835 : f32 to vector<16xf32>
        %div3A_1837 = arith.divf %div3A_1836, %add3A_1834 : vector<16xf32>
        tpu.vector_store_idx %arg24[%add3A_1237, %broadcast_in_dim3A_1827], %div3A_1837 : memref<128x17xf32, #tpu.memory_space<vmem>>[vector<16xi32>, vector<16xi32>], vector<16xf32>,
      }
      %scan3A_1214 = arith.constant 8 : i32
      %mul3A_1215 = arith.constant 1000 : i32
      %mul3A_1216 = arith.muli %add3A, %mul3A_1215 : i32
      %add3A_1217 = arith.addi %mul3A_1216, %mul3A_32 : i32
      %mul3A_1218 = arith.constant 128 : i32
      %mul3A_1219 = arith.muli %scan3A_38, %mul3A_1218 : i32
      %add3A_1220 = arith.addi %add3A_1217, %mul3A_1219 : i32
      %eq3A_1221 = arith.constant 3 : i32
      %eq3A_1222 = arith.cmpi eq, %select_n3A_30, %eq3A_1221 : i32
      %eq3A_1223 = arith.constant 1 : i32
      %eq3A_1224 = arith.cmpi eq, %scan3A_38, %eq3A_1223 : i32
      %and3A_1225 = arith.andi %eq3A_1222, %eq3A_1224 : i1
      %not3A = arith.constant true
      %not3A_1226 = arith.xori %and3A_1225, %not3A : i1
      %convert_element_type3A = arith.extui %not3A_1226 : i1 to i32
      %cond3A = arith.constant 0 : i32
      %cond3A_1227 = arith.cmpi ne, %convert_element_type3A, %cond3A : i32
      scf.if %cond3A_1227 {
        "tpu.region"() ({
          %run_scoped3A = tpu.sem_alloc : memref<!tpu.dma_semaphore, #tpu.memory_space<semaphore_mem>>
          %dma_start3A_1231 = arith.constant 0 : i32
          %dma_start3A_1232 = tpu.memref_slice %arg8[%add3A_1220, %dma_start3A_1231] : memref<8000x4xf32, #tpu.memory_space<hbm>> -> memref<128x4xf32, #tpu.memory_space<hbm>>
          %dma_start3A_1233 = arith.constant 0 : i32
          %dma_start3A_1234 = tpu.memref_slice %arg8[%add3A_1220, %dma_start3A_1233] : memref<8000x4xf32, #tpu.memory_space<hbm>> -> memref<128x4xf32, #tpu.memory_space<hbm>>
          tpu.enqueue_dma source(%arg22 : memref<128x4xf32, #tpu.memory_space<vmem>>) target(%dma_start3A_1234 : memref<128x4xf32, #tpu.memory_space<hbm>>) target_semaphore(%run_scoped3A : memref<!tpu.dma_semaphore, #tpu.memory_space<semaphore_mem>>)
          %dma_wait3A_1235 = arith.constant 0 : i32
          %dma_wait3A_1236 = tpu.memref_slice %arg8[%add3A_1220, %dma_wait3A_1235] : memref<8000x4xf32, #tpu.memory_space<hbm>> -> memref<128x4xf32, #tpu.memory_space<hbm>>
          %dma_wait3A_1237 = arith.constant 0 : i32
          %dma_wait3A_1238 = tpu.memref_slice %arg8[%add3A_1220, %dma_wait3A_1237] : memref<8000x4xf32, #tpu.memory_space<hbm>> -> memref<128x4xf32, #tpu.memory_space<hbm>>
          tpu.wait_dma2 semaphore(%run_scoped3A : memref<!tpu.dma_semaphore, #tpu.memory_space<semaphore_mem>>) src(%arg22 : memref<128x4xf32, #tpu.memory_space<vmem>>) dst(%dma_wait3A_1238 : memref<128x4xf32, #tpu.memory_space<hbm>>)
          tpu.yield
        }) : () -> ()
        "tpu.region"() ({
          %run_scoped3A = tpu.sem_alloc : memref<!tpu.dma_semaphore, #tpu.memory_space<semaphore_mem>>
          %dma_start3A_1231 = arith.constant 0 : i32
          %dma_start3A_1232 = tpu.memref_slice %arg9[%add3A_1220, %dma_start3A_1231] : memref<8000x34xf32, #tpu.memory_space<hbm>> -> memref<128x34xf32, #tpu.memory_space<hbm>>
          %dma_start3A_1233 = arith.constant 0 : i32
          %dma_start3A_1234 = tpu.memref_slice %arg9[%add3A_1220, %dma_start3A_1233] : memref<8000x34xf32, #tpu.memory_space<hbm>> -> memref<128x34xf32, #tpu.memory_space<hbm>>
          tpu.enqueue_dma source(%arg23 : memref<128x34xf32, #tpu.memory_space<vmem>>) target(%dma_start3A_1234 : memref<128x34xf32, #tpu.memory_space<hbm>>) target_semaphore(%run_scoped3A : memref<!tpu.dma_semaphore, #tpu.memory_space<semaphore_mem>>)
          %dma_wait3A_1235 = arith.constant 0 : i32
          %dma_wait3A_1236 = tpu.memref_slice %arg9[%add3A_1220, %dma_wait3A_1235] : memref<8000x34xf32, #tpu.memory_space<hbm>> -> memref<128x34xf32, #tpu.memory_space<hbm>>
          %dma_wait3A_1237 = arith.constant 0 : i32
          %dma_wait3A_1238 = tpu.memref_slice %arg9[%add3A_1220, %dma_wait3A_1237] : memref<8000x34xf32, #tpu.memory_space<hbm>> -> memref<128x34xf32, #tpu.memory_space<hbm>>
          tpu.wait_dma2 semaphore(%run_scoped3A : memref<!tpu.dma_semaphore, #tpu.memory_space<semaphore_mem>>) src(%arg23 : memref<128x34xf32, #tpu.memory_space<vmem>>) dst(%dma_wait3A_1238 : memref<128x34xf32, #tpu.memory_space<hbm>>)
          tpu.yield
        }) : () -> ()
        "tpu.region"() ({
          %run_scoped3A = tpu.sem_alloc : memref<!tpu.dma_semaphore, #tpu.memory_space<semaphore_mem>>
          %dma_start3A_1231 = arith.constant 0 : i32
          %dma_start3A_1232 = tpu.memref_slice %arg10[%add3A_1220, %dma_start3A_1231] : memref<8000x17xf32, #tpu.memory_space<hbm>> -> memref<128x17xf32, #tpu.memory_space<hbm>>
          %dma_start3A_1233 = arith.constant 0 : i32
          %dma_start3A_1234 = tpu.memref_slice %arg10[%add3A_1220, %dma_start3A_1233] : memref<8000x17xf32, #tpu.memory_space<hbm>> -> memref<128x17xf32, #tpu.memory_space<hbm>>
          tpu.enqueue_dma source(%arg24 : memref<128x17xf32, #tpu.memory_space<vmem>>) target(%dma_start3A_1234 : memref<128x17xf32, #tpu.memory_space<hbm>>) target_semaphore(%run_scoped3A : memref<!tpu.dma_semaphore, #tpu.memory_space<semaphore_mem>>)
          %dma_wait3A_1235 = arith.constant 0 : i32
          %dma_wait3A_1236 = tpu.memref_slice %arg10[%add3A_1220, %dma_wait3A_1235] : memref<8000x17xf32, #tpu.memory_space<hbm>> -> memref<128x17xf32, #tpu.memory_space<hbm>>
          %dma_wait3A_1237 = arith.constant 0 : i32
          %dma_wait3A_1238 = tpu.memref_slice %arg10[%add3A_1220, %dma_wait3A_1237] : memref<8000x17xf32, #tpu.memory_space<hbm>> -> memref<128x17xf32, #tpu.memory_space<hbm>>
          tpu.wait_dma2 semaphore(%run_scoped3A : memref<!tpu.dma_semaphore, #tpu.memory_space<semaphore_mem>>) src(%arg24 : memref<128x17xf32, #tpu.memory_space<vmem>>) dst(%dma_wait3A_1238 : memref<128x17xf32, #tpu.memory_space<hbm>>)
          tpu.yield
        }) : () -> ()
      } else {
      }
      %convert_element_type3A_1228 = arith.extui %and3A_1225 : i1 to i32
      %cond3A_1229 = arith.constant 0 : i32
      %cond3A_1230 = arith.cmpi ne, %convert_element_type3A_1228, %cond3A_1229 : i32
      scf.if %cond3A_1230 {
        "tpu.region"() ({
          %run_scoped3A = tpu.sem_alloc : memref<!tpu.dma_semaphore, #tpu.memory_space<semaphore_mem>>
          %dma_start3A_1231 = arith.constant 0 : i32
          %dma_start3A_1232 = arith.constant 0 : i32
          %dma_start3A_1233 = tpu.memref_slice %arg22[%dma_start3A_1231, %dma_start3A_1232] : memref<128x4xf32, #tpu.memory_space<vmem>> -> memref<104x4xf32, #tpu.memory_space<vmem>>
          %dma_start3A_1234 = arith.constant 0 : i32
          %dma_start3A_1235 = tpu.memref_slice %arg8[%add3A_1220, %dma_start3A_1234] : memref<8000x4xf32, #tpu.memory_space<hbm>> -> memref<104x4xf32, #tpu.memory_space<hbm>>
          %dma_start3A_1236 = arith.constant 0 : i32
          %dma_start3A_1237 = tpu.memref_slice %arg8[%add3A_1220, %dma_start3A_1236] : memref<8000x4xf32, #tpu.memory_space<hbm>> -> memref<104x4xf32, #tpu.memory_space<hbm>>
          %dma_start3A_1238 = arith.constant 0 : i32
          %dma_start3A_1239 = arith.constant 0 : i32
          %dma_start3A_1240 = tpu.memref_slice %arg22[%dma_start3A_1238, %dma_start3A_1239] : memref<128x4xf32, #tpu.memory_space<vmem>> -> memref<104x4xf32, #tpu.memory_space<vmem>>
          tpu.enqueue_dma source(%dma_start3A_1240 : memref<104x4xf32, #tpu.memory_space<vmem>>) target(%dma_start3A_1237 : memref<104x4xf32, #tpu.memory_space<hbm>>) target_semaphore(%run_scoped3A : memref<!tpu.dma_semaphore, #tpu.memory_space<semaphore_mem>>)
          %dma_wait3A_1241 = arith.constant 0 : i32
          %dma_wait3A_1242 = arith.constant 0 : i32
          %dma_wait3A_1243 = tpu.memref_slice %arg22[%dma_wait3A_1241, %dma_wait3A_1242] : memref<128x4xf32, #tpu.memory_space<vmem>> -> memref<104x4xf32, #tpu.memory_space<vmem>>
          %dma_wait3A_1244 = arith.constant 0 : i32
          %dma_wait3A_1245 = tpu.memref_slice %arg8[%add3A_1220, %dma_wait3A_1244] : memref<8000x4xf32, #tpu.memory_space<hbm>> -> memref<104x4xf32, #tpu.memory_space<hbm>>
          %dma_wait3A_1246 = arith.constant 0 : i32
          %dma_wait3A_1247 = tpu.memref_slice %arg8[%add3A_1220, %dma_wait3A_1246] : memref<8000x4xf32, #tpu.memory_space<hbm>> -> memref<104x4xf32, #tpu.memory_space<hbm>>
          %dma_wait3A_1248 = arith.constant 0 : i32
          %dma_wait3A_1249 = arith.constant 0 : i32
          %dma_wait3A_1250 = tpu.memref_slice %arg22[%dma_wait3A_1248, %dma_wait3A_1249] : memref<128x4xf32, #tpu.memory_space<vmem>> -> memref<104x4xf32, #tpu.memory_space<vmem>>
          tpu.wait_dma2 semaphore(%run_scoped3A : memref<!tpu.dma_semaphore, #tpu.memory_space<semaphore_mem>>) src(%dma_wait3A_1250 : memref<104x4xf32, #tpu.memory_space<vmem>>) dst(%dma_wait3A_1247 : memref<104x4xf32, #tpu.memory_space<hbm>>)
          tpu.yield
        }) : () -> ()
        "tpu.region"() ({
          %run_scoped3A = tpu.sem_alloc : memref<!tpu.dma_semaphore, #tpu.memory_space<semaphore_mem>>
          %dma_start3A_1231 = arith.constant 0 : i32
          %dma_start3A_1232 = arith.constant 0 : i32
          %dma_start3A_1233 = tpu.memref_slice %arg23[%dma_start3A_1231, %dma_start3A_1232] : memref<128x34xf32, #tpu.memory_space<vmem>> -> memref<104x34xf32, #tpu.memory_space<vmem>>
          %dma_start3A_1234 = arith.constant 0 : i32
          %dma_start3A_1235 = tpu.memref_slice %arg9[%add3A_1220, %dma_start3A_1234] : memref<8000x34xf32, #tpu.memory_space<hbm>> -> memref<104x34xf32, #tpu.memory_space<hbm>>
          %dma_start3A_1236 = arith.constant 0 : i32
          %dma_start3A_1237 = tpu.memref_slice %arg9[%add3A_1220, %dma_start3A_1236] : memref<8000x34xf32, #tpu.memory_space<hbm>> -> memref<104x34xf32, #tpu.memory_space<hbm>>
          %dma_start3A_1238 = arith.constant 0 : i32
          %dma_start3A_1239 = arith.constant 0 : i32
          %dma_start3A_1240 = tpu.memref_slice %arg23[%dma_start3A_1238, %dma_start3A_1239] : memref<128x34xf32, #tpu.memory_space<vmem>> -> memref<104x34xf32, #tpu.memory_space<vmem>>
          tpu.enqueue_dma source(%dma_start3A_1240 : memref<104x34xf32, #tpu.memory_space<vmem>>) target(%dma_start3A_1237 : memref<104x34xf32, #tpu.memory_space<hbm>>) target_semaphore(%run_scoped3A : memref<!tpu.dma_semaphore, #tpu.memory_space<semaphore_mem>>)
          %dma_wait3A_1241 = arith.constant 0 : i32
          %dma_wait3A_1242 = arith.constant 0 : i32
          %dma_wait3A_1243 = tpu.memref_slice %arg23[%dma_wait3A_1241, %dma_wait3A_1242] : memref<128x34xf32, #tpu.memory_space<vmem>> -> memref<104x34xf32, #tpu.memory_space<vmem>>
          %dma_wait3A_1244 = arith.constant 0 : i32
          %dma_wait3A_1245 = tpu.memref_slice %arg9[%add3A_1220, %dma_wait3A_1244] : memref<8000x34xf32, #tpu.memory_space<hbm>> -> memref<104x34xf32, #tpu.memory_space<hbm>>
          %dma_wait3A_1246 = arith.constant 0 : i32
          %dma_wait3A_1247 = tpu.memref_slice %arg9[%add3A_1220, %dma_wait3A_1246] : memref<8000x34xf32, #tpu.memory_space<hbm>> -> memref<104x34xf32, #tpu.memory_space<hbm>>
          %dma_wait3A_1248 = arith.constant 0 : i32
          %dma_wait3A_1249 = arith.constant 0 : i32
          %dma_wait3A_1250 = tpu.memref_slice %arg23[%dma_wait3A_1248, %dma_wait3A_1249] : memref<128x34xf32, #tpu.memory_space<vmem>> -> memref<104x34xf32, #tpu.memory_space<vmem>>
          tpu.wait_dma2 semaphore(%run_scoped3A : memref<!tpu.dma_semaphore, #tpu.memory_space<semaphore_mem>>) src(%dma_wait3A_1250 : memref<104x34xf32, #tpu.memory_space<vmem>>) dst(%dma_wait3A_1247 : memref<104x34xf32, #tpu.memory_space<hbm>>)
          tpu.yield
        }) : () -> ()
        "tpu.region"() ({
          %run_scoped3A = tpu.sem_alloc : memref<!tpu.dma_semaphore, #tpu.memory_space<semaphore_mem>>
          %dma_start3A_1231 = arith.constant 0 : i32
          %dma_start3A_1232 = arith.constant 0 : i32
          %dma_start3A_1233 = tpu.memref_slice %arg24[%dma_start3A_1231, %dma_start3A_1232] : memref<128x17xf32, #tpu.memory_space<vmem>> -> memref<104x17xf32, #tpu.memory_space<vmem>>
          %dma_start3A_1234 = arith.constant 0 : i32
          %dma_start3A_1235 = tpu.memref_slice %arg10[%add3A_1220, %dma_start3A_1234] : memref<8000x17xf32, #tpu.memory_space<hbm>> -> memref<104x17xf32, #tpu.memory_space<hbm>>
          %dma_start3A_1236 = arith.constant 0 : i32
          %dma_start3A_1237 = tpu.memref_slice %arg10[%add3A_1220, %dma_start3A_1236] : memref<8000x17xf32, #tpu.memory_space<hbm>> -> memref<104x17xf32, #tpu.memory_space<hbm>>
          %dma_start3A_1238 = arith.constant 0 : i32
          %dma_start3A_1239 = arith.constant 0 : i32
          %dma_start3A_1240 = tpu.memref_slice %arg24[%dma_start3A_1238, %dma_start3A_1239] : memref<128x17xf32, #tpu.memory_space<vmem>> -> memref<104x17xf32, #tpu.memory_space<vmem>>
          tpu.enqueue_dma source(%dma_start3A_1240 : memref<104x17xf32, #tpu.memory_space<vmem>>) target(%dma_start3A_1237 : memref<104x17xf32, #tpu.memory_space<hbm>>) target_semaphore(%run_scoped3A : memref<!tpu.dma_semaphore, #tpu.memory_space<semaphore_mem>>)
          %dma_wait3A_1241 = arith.constant 0 : i32
          %dma_wait3A_1242 = arith.constant 0 : i32
          %dma_wait3A_1243 = tpu.memref_slice %arg24[%dma_wait3A_1241, %dma_wait3A_1242] : memref<128x17xf32, #tpu.memory_space<vmem>> -> memref<104x17xf32, #tpu.memory_space<vmem>>
          %dma_wait3A_1244 = arith.constant 0 : i32
          %dma_wait3A_1245 = tpu.memref_slice %arg10[%add3A_1220, %dma_wait3A_1244] : memref<8000x17xf32, #tpu.memory_space<hbm>> -> memref<104x17xf32, #tpu.memory_space<hbm>>
          %dma_wait3A_1246 = arith.constant 0 : i32
          %dma_wait3A_1247 = tpu.memref_slice %arg10[%add3A_1220, %dma_wait3A_1246] : memref<8000x17xf32, #tpu.memory_space<hbm>> -> memref<104x17xf32, #tpu.memory_space<hbm>>
          %dma_wait3A_1248 = arith.constant 0 : i32
          %dma_wait3A_1249 = arith.constant 0 : i32
          %dma_wait3A_1250 = tpu.memref_slice %arg24[%dma_wait3A_1248, %dma_wait3A_1249] : memref<128x17xf32, #tpu.memory_space<vmem>> -> memref<104x17xf32, #tpu.memory_space<vmem>>
          tpu.wait_dma2 semaphore(%run_scoped3A : memref<!tpu.dma_semaphore, #tpu.memory_space<semaphore_mem>>) src(%dma_wait3A_1250 : memref<104x17xf32, #tpu.memory_space<vmem>>) dst(%dma_wait3A_1247 : memref<104x17xf32, #tpu.memory_space<hbm>>)
          tpu.yield
        }) : () -> ()
      } else {
      }
    }
    %scan3A_37 = arith.constant 2 : i32
    return
  }
}

#map = affine_map<(d0, d1) -> (0)>
module attributes {stable_mosaic.version = 14 : i64} {
  func.func @_body_a(%arg0: i32, %arg1: i32, %arg2: memref<160000xf32, #tpu.memory_space<hbm>>, %arg3: memref<8192xi32, #tpu.memory_space<hbm>>, %arg4: memref<8000xf32, #tpu.memory_space<hbm>>, %arg5: memref<20000xf32, #tpu.memory_space<vmem>>, %arg6: memref<20032xi32, #tpu.memory_space<vmem>>, %arg7: memref<20032xi32, #tpu.memory_space<vmem>>, %arg8: memref<1024xi32, #tpu.memory_space<vmem>>, %arg9: memref<1024xi32, #tpu.memory_space<vmem>>, %arg10: memref<1024xi32, #tpu.memory_space<vmem>>, %arg11: memref<1024xi32, #tpu.memory_space<vmem>>, %arg12: memref<1008xf32, #tpu.memory_space<vmem>>) attributes {dimension_semantics = [#tpu.dimension_semantics<core_parallel>, #tpu.dimension_semantics<subcore_parallel>], iteration_bounds = array<i64: 2, 16>, scalar_prefetch = 0 : i64, scratch_operands = 8 : i64, tpu.core_type = #tpu.core_type<sc_vector_subcore>, window_params = [{transform_indices = #map}, {transform_indices = #map}, {transform_indices = #map}]} {
    %mul3A = arith.constant 4 : i32
    %mul3A_0 = arith.muli %arg0, %mul3A : i32
    %jit3A = arith.constant 4 : i32
    %div3A = arith.divsi %arg1, %jit3A : i32
    %sign3A = arith.constant 0 : i32
    %sign3A_1 = arith.cmpi sgt, %arg1, %sign3A : i32
    %sign3A_2 = arith.extui %sign3A_1 : i1 to i32
    %sign3A_3 = arith.constant 0 : i32
    %sign3A_4 = arith.cmpi slt, %arg1, %sign3A_3 : i32
    %sign3A_5 = arith.extui %sign3A_4 : i1 to i32
    %sign3A_6 = arith.subi %sign3A_2, %sign3A_5 : i32
    %sign3A_7 = arith.constant 0 : i32
    %sign3A_8 = arith.cmpi sgt, %jit3A, %sign3A_7 : i32
    %sign3A_9 = arith.extui %sign3A_8 : i1 to i32
    %sign3A_10 = arith.constant 0 : i32
    %sign3A_11 = arith.cmpi slt, %jit3A, %sign3A_10 : i32
    %sign3A_12 = arith.extui %sign3A_11 : i1 to i32
    %sign3A_13 = arith.subi %sign3A_9, %sign3A_12 : i32
    %ne3A = arith.cmpi ne, %sign3A_6, %sign3A_13 : i32
    %rem3A = arith.remsi %arg1, %jit3A : i32
    %ne3A_14 = arith.constant 0 : i32
    %ne3A_15 = arith.cmpi ne, %rem3A, %ne3A_14 : i32
    %and3A = arith.andi %ne3A, %ne3A_15 : i1
    %sub3A = arith.constant 1 : i32
    %sub3A_16 = arith.subi %div3A, %sub3A : i32
    %select_n3A = arith.select %and3A, %sub3A_16, %div3A : i32
    %add3A = arith.addi %mul3A_0, %select_n3A : i32
    %jit3A_17 = arith.constant 4 : i32
    %eq3A = arith.constant 0 : i32
    %eq3A_18 = arith.cmpi eq, %jit3A_17, %eq3A : i32
    %jit3A_19 = arith.constant 1 : i32
    %select_n3A_20 = arith.select %eq3A_18, %jit3A_19, %jit3A_17 : i32
    %rem3A_21 = arith.remsi %arg1, %select_n3A_20 : i32
    %ne3A_22 = arith.constant 0 : i32
    %ne3A_23 = arith.cmpi ne, %rem3A_21, %ne3A_22 : i32
    %lt3A = arith.constant 0 : i32
    %lt3A_24 = arith.cmpi slt, %rem3A_21, %lt3A : i32
    %lt3A_25 = arith.constant 0 : i32
    %lt3A_26 = arith.cmpi slt, %select_n3A_20, %lt3A_25 : i32
    %ne3A_27 = arith.xori %lt3A_24, %lt3A_26 : i1
    %and3A_28 = arith.andi %ne3A_27, %ne3A_23 : i1
    %add3A_29 = arith.addi %rem3A_21, %select_n3A_20 : i32
    %select_n3A_30 = arith.select %and3A_28, %add3A_29, %rem3A_21 : i32
    %eq3A_31 = arith.constant 0 : i32
    %eq3A_32 = arith.cmpi eq, %select_n3A_30, %eq3A_31 : i32
    %convert_element_type3A = arith.extui %eq3A_32 : i1 to i32
    %cond3A = arith.constant 0 : i32
    %cond3A_33 = arith.cmpi ne, %convert_element_type3A, %cond3A : i32
    scf.if %cond3A_33 {
      %mul3A_34 = arith.constant 20000 : i32
      %mul3A_35 = arith.muli %add3A, %mul3A_34 : i32
      "tpu.region"() ({
        %run_scoped3A = tpu.sem_alloc : memref<!tpu.dma_semaphore, #tpu.memory_space<semaphore_mem>>
        %dma_start3A = tpu.memref_slice %arg2[%mul3A_35] : memref<160000xf32, #tpu.memory_space<hbm>> -> memref<20000xf32, #tpu.memory_space<hbm>>
        %dma_start3A_125 = tpu.memref_slice %arg2[%mul3A_35] : memref<160000xf32, #tpu.memory_space<hbm>> -> memref<20000xf32, #tpu.memory_space<hbm>>
        tpu.enqueue_dma source(%dma_start3A_125 : memref<20000xf32, #tpu.memory_space<hbm>>) target(%arg5 : memref<20000xf32, #tpu.memory_space<vmem>>) target_semaphore(%run_scoped3A : memref<!tpu.dma_semaphore, #tpu.memory_space<semaphore_mem>>)
        %dma_wait3A = tpu.memref_slice %arg2[%mul3A_35] : memref<160000xf32, #tpu.memory_space<hbm>> -> memref<20000xf32, #tpu.memory_space<hbm>>
        %dma_wait3A_126 = tpu.memref_slice %arg2[%mul3A_35] : memref<160000xf32, #tpu.memory_space<hbm>> -> memref<20000xf32, #tpu.memory_space<hbm>>
        tpu.wait_dma2 semaphore(%run_scoped3A : memref<!tpu.dma_semaphore, #tpu.memory_space<semaphore_mem>>) src(%dma_wait3A_126 : memref<20000xf32, #tpu.memory_space<hbm>>) dst(%arg5 : memref<20000xf32, #tpu.memory_space<vmem>>)
        tpu.yield
      }) : () -> ()
      %scan3A = arith.constant 31 : i32
      %scan3A_36 = arith.constant 0 : i32
      %scan3A_37 = arith.constant 0 : i32
      %scan3A_38 = arith.constant 1250 : i32
      %scan3A_39 = arith.addi %scan3A_37, %scan3A_38 : i32
      %scan3A_40 = arith.constant 1 : i32
      %scan3A_41 = scf.for %scan3A_125 = %scan3A_37 to %scan3A_39 step %scan3A_40 iter_args(%scan3A_126 = %scan3A_36) -> (i32)  : i32 {
        %mul3A_127 = arith.constant 16 : i32
        %mul3A_128 = arith.muli %scan3A_125, %mul3A_127 : i32
        %get3A = arith.index_cast %mul3A_128 : i32 to index
        %get3A_129 = tpu.vector_load %arg5[%get3A] {strides = array<i32>} : memref<20000xf32, #tpu.memory_space<vmem>>, vector<16xf32>,
        %bitcast3A = vector.bitcast %get3A_129 : vector<16xf32> to vector<16xi32>
        %ge3A = arith.constant -2147483648 : i32
        %ge3A_130 = vector.broadcast %ge3A : i32 to vector<16xi32>
        %ge3A_131 = arith.cmpi uge, %bitcast3A, %ge3A_130 : vector<16xi32>
        %not3A_132 = arith.constant dense<-1> : vector<16xi32>
        %not3A_133 = arith.xori %bitcast3A, %not3A_132 : vector<16xi32>
        %or3A = arith.constant -2147483648 : i32
        %or3A_134 = vector.broadcast %or3A : i32 to vector<16xi32>
        %or3A_135 = arith.ori %bitcast3A, %or3A_134 : vector<16xi32>
        %select_n3A_136 = arith.select %ge3A_131, %not3A_133, %or3A_135 : vector<16xi1>, vector<16xi32>
        %mul3A_137 = arith.constant 16 : i32
        %mul3A_138 = arith.muli %scan3A_125, %mul3A_137 : i32
        %swap3A_139 = arith.index_cast %mul3A_138 : i32 to index
        %swap3A_140 = tpu.vector_load %arg6[%swap3A_139] {strides = array<i32>} : memref<20032xi32, #tpu.memory_space<vmem>>, vector<16xi32>,
        tpu.vector_store %arg6[%swap3A_139], %select_n3A_136 {strides = array<i32>} : memref<20032xi32, #tpu.memory_space<vmem>>, vector<16xi32>,
        %shift_right_logical3A = vector.broadcast %scan3A : i32 to vector<16xi32>
        %shift_right_logical3A_141 = arith.shrui %select_n3A_136, %shift_right_logical3A : vector<16xi32>
        %and3A_142 = arith.constant 1 : i32
        %and3A_143 = vector.broadcast %and3A_142 : i32 to vector<16xi32>
        %and3A_144 = arith.andi %shift_right_logical3A_141, %and3A_143 : vector<16xi32>
        %eq3A_145 = arith.constant 1 : i32
        %eq3A_146 = vector.broadcast %eq3A_145 : i32 to vector<16xi32>
        %eq3A_147 = arith.cmpi eq, %and3A_144, %eq3A_146 : vector<16xi32>
        %all_reduce_population_count3A = tpu.all_reduce %eq3A_147 {dim = 0 : i64, kind = #tpu.reduction_kind<sum>} : vector<16xi1> -> vector<16xi32>
        %slice3A = vector.extract_strided_slice %all_reduce_population_count3A {offsets = [0], sizes = [1], strides = [1]} : vector<16xi32> to vector<1xi32>
        %squeeze3A = vector.extract %slice3A[0] : i32 from vector<1xi32>
        %add3A_148 = arith.addi %scan3A_126, %squeeze3A : i32
        scf.yield %add3A_148 : i32
      }
      %scan3A_42 = arith.constant 1250 : i32
      %scan3A_43 = arith.constant 1000 : i32
      %scan3A_44 = arith.constant 0 : i32
      %scan3A_45 = arith.constant 20000 : i32
      %scan3A_46 = arith.constant 0 : i32
      %scan3A_47 = arith.constant 16 : i32
      %scan3A_48 = arith.addi %scan3A_46, %scan3A_47 : i32
      %scan3A_49 = arith.constant 1 : i32
      %scan3A_50:4 = scf.for %scan3A_125 = %scan3A_46 to %scan3A_48 step %scan3A_49 iter_args(%scan3A_126 = %scan3A_43, %scan3A_127 = %scan3A_44, %scan3A_128 = %scan3A_45, %scan3A_129 = %scan3A_41) -> (i32, i32, i32, i32)  : i32 {
        %mul3A_130 = arith.constant 2 : i32
        %mul3A_131 = arith.muli %mul3A_130, %scan3A_125 : i32
        %sub3A_132 = arith.constant 31 : i32
        %sub3A_133 = arith.subi %sub3A_132, %mul3A_131 : i32
        %ge3A = arith.cmpi sge, %scan3A_129, %scan3A_126 : i32
        %sub3A_134 = arith.subi %scan3A_126, %scan3A_129 : i32
        %select_n3A_135 = arith.select %ge3A, %scan3A_126, %sub3A_134 : i32
        %shift_left3A = arith.constant 1 : i32
        %shift_left3A_136 = arith.shli %shift_left3A, %sub3A_133 : i32
        %or3A = arith.ori %scan3A_127, %shift_left3A_136 : i32
        %select_n3A_137 = arith.select %ge3A, %or3A, %scan3A_127 : i32
        %sub3A_138 = arith.constant 1 : i32
        %sub3A_139 = arith.subi %sub3A_133, %sub3A_138 : i32
        %max3A = arith.constant 0 : i32
        %max3A_140 = arith.maxsi %sub3A_139, %max3A : i32
        %add3A_141 = arith.constant 15 : i32
        %add3A_142 = arith.addi %scan3A_128, %add3A_141 : i32
        %jit3A_143 = arith.constant 16 : i32
        %div3A_144 = arith.divsi %add3A_142, %jit3A_143 : i32
        %sign3A_145 = arith.constant 0 : i32
        %sign3A_146 = arith.cmpi sgt, %add3A_142, %sign3A_145 : i32
        %sign3A_147 = arith.extui %sign3A_146 : i1 to i32
        %sign3A_148 = arith.constant 0 : i32
        %sign3A_149 = arith.cmpi slt, %add3A_142, %sign3A_148 : i32
        %sign3A_150 = arith.extui %sign3A_149 : i1 to i32
        %sign3A_151 = arith.subi %sign3A_147, %sign3A_150 : i32
        %sign3A_152 = arith.constant 0 : i32
        %sign3A_153 = arith.cmpi sgt, %jit3A_143, %sign3A_152 : i32
        %sign3A_154 = arith.extui %sign3A_153 : i1 to i32
        %sign3A_155 = arith.constant 0 : i32
        %sign3A_156 = arith.cmpi slt, %jit3A_143, %sign3A_155 : i32
        %sign3A_157 = arith.extui %sign3A_156 : i1 to i32
        %sign3A_158 = arith.subi %sign3A_154, %sign3A_157 : i32
        %ne3A_159 = arith.cmpi ne, %sign3A_151, %sign3A_158 : i32
        %rem3A_160 = arith.remsi %add3A_142, %jit3A_143 : i32
        %ne3A_161 = arith.constant 0 : i32
        %ne3A_162 = arith.cmpi ne, %rem3A_160, %ne3A_161 : i32
        %and3A_163 = arith.andi %ne3A_159, %ne3A_162 : i1
        %sub3A_164 = arith.constant 1 : i32
        %sub3A_165 = arith.subi %div3A_144, %sub3A_164 : i32
        %select_n3A_166 = arith.select %and3A_163, %sub3A_165, %div3A_144 : i32
        %while3A_167 = arith.constant 0 : i32
        %while3A_168 = arith.constant 0 : i32
        %while3A_169 = arith.constant 0 : i32
        %while3A_170 = arith.subi %select_n3A_166, %while3A_167 : i32
        %while3A_171 = arith.addi %while3A_167, %while3A_170 : i32
        %while3A_172 = arith.constant 1 : i32
        %while3A_173 = arith.divsi %while3A_170, %while3A_172 : i32
        %while3A_174 = arith.muli %while3A_173, %while3A_172 : i32
        %while3A_175 = arith.addi %while3A_167, %while3A_174 : i32
        %while3A_176 = arith.constant 1 : i32
        %while3A_177:2 = scf.for %while3A_234 = %while3A_167 to %while3A_175 step %while3A_176 iter_args(%while3A_235 = %while3A_168, %while3A_236 = %while3A_169) -> (i32, i32)  : i32 {
          %mul3A_237 = arith.constant 16 : i32
          %mul3A_238 = arith.muli %while3A_234, %mul3A_237 : i32
          %get3A = arith.index_cast %mul3A_238 : i32 to index
          %get3A_239 = tpu.vector_load %arg6[%get3A] {strides = array<i32>} : memref<20032xi32, #tpu.memory_space<vmem>>, vector<16xi32>,
          %mul3A_240 = arith.constant 16 : i32
          %mul3A_241 = arith.muli %while3A_234, %mul3A_240 : i32
          %iota3A = tpu.iota {dimensions = array<i32: 0>} : vector<16xi32>
          %add3A_242 = vector.broadcast %mul3A_241 : i32 to vector<16xi32>
          %add3A_243 = arith.addi %add3A_242, %iota3A : vector<16xi32>
          %lt3A_244 = vector.broadcast %scan3A_128 : i32 to vector<16xi32>
          %lt3A_245 = arith.cmpi slt, %add3A_243, %lt3A_244 : vector<16xi32>
          %shift_right_logical3A = vector.broadcast %sub3A_133 : i32 to vector<16xi32>
          %shift_right_logical3A_246 = arith.shrui %get3A_239, %shift_right_logical3A : vector<16xi32>
          %and3A_247 = arith.constant 1 : i32
          %and3A_248 = vector.broadcast %and3A_247 : i32 to vector<16xi32>
          %and3A_249 = arith.andi %shift_right_logical3A_246, %and3A_248 : vector<16xi32>
          %eq3A_250 = arith.constant 1 : i32
          %eq3A_251 = vector.broadcast %eq3A_250 : i32 to vector<16xi32>
          %eq3A_252 = arith.cmpi eq, %and3A_249, %eq3A_251 : vector<16xi32>
          %eq3A_253 = vector.broadcast %ge3A : i1 to vector<16xi1>
          %eq3A_254 = vector.broadcast %eq3A_253 : vector<16xi1> to vector<16xi1>
          %eq3A_255 = arith.xori %eq3A_252, %eq3A_254 : vector<16xi1>
          %eq3A_256 = arith.constant dense<true> : vector<16xi1>
          %eq3A_257 = arith.xori %eq3A_255, %eq3A_256 : vector<16xi1>
          %and3A_258 = arith.andi %lt3A_245, %eq3A_257 : vector<16xi1>
          %swap3A_259 = arith.index_cast %while3A_235 : i32 to index
          %swap3A_260 = tpu.vector_load %arg7[%swap3A_259] masked %and3A_258 {strides = array<i32>} : memref<20032xi32, #tpu.memory_space<vmem>>, vector<16xi32>, vector<16xi1>
          tpu.vector_store %arg7[%swap3A_259], %get3A_239 masked %and3A_258 {strides = array<i32>} : memref<20032xi32, #tpu.memory_space<vmem>>, vector<16xi32>, vector<16xi1>
          %all_reduce_population_count3A = tpu.all_reduce %and3A_258 {dim = 0 : i64, kind = #tpu.reduction_kind<sum>} : vector<16xi1> -> vector<16xi32>
          %slice3A = vector.extract_strided_slice %all_reduce_population_count3A {offsets = [0], sizes = [1], strides = [1]} : vector<16xi32> to vector<1xi32>
          %squeeze3A = vector.extract %slice3A[0] : i32 from vector<1xi32>
          %add3A_261 = arith.addi %while3A_235, %squeeze3A : i32
          %shift_right_logical3A_262 = vector.broadcast %max3A_140 : i32 to vector<16xi32>
          %shift_right_logical3A_263 = arith.shrui %get3A_239, %shift_right_logical3A_262 : vector<16xi32>
          %and3A_264 = arith.constant 1 : i32
          %and3A_265 = vector.broadcast %and3A_264 : i32 to vector<16xi32>
          %and3A_266 = arith.andi %shift_right_logical3A_263, %and3A_265 : vector<16xi32>
          %eq3A_267 = arith.constant 1 : i32
          %eq3A_268 = vector.broadcast %eq3A_267 : i32 to vector<16xi32>
          %eq3A_269 = arith.cmpi eq, %and3A_266, %eq3A_268 : vector<16xi32>
          %and3A_270 = arith.andi %and3A_258, %eq3A_269 : vector<16xi1>
          %all_reduce_population_count3A_271 = tpu.all_reduce %and3A_270 {dim = 0 : i64, kind = #tpu.reduction_kind<sum>} : vector<16xi1> -> vector<16xi32>
          %slice3A_272 = vector.extract_strided_slice %all_reduce_population_count3A_271 {offsets = [0], sizes = [1], strides = [1]} : vector<16xi32> to vector<1xi32>
          %squeeze3A_273 = vector.extract %slice3A_272[0] : i32 from vector<1xi32>
          %add3A_274 = arith.addi %while3A_236, %squeeze3A_273 : i32
          scf.yield %add3A_261, %add3A_274 : i32, i32
        }
        %while3A_178 = arith.constant 1 : i32
        %while3A_179:2 = scf.for %while3A_234 = %while3A_175 to %while3A_171 step %while3A_178 iter_args(%while3A_235 = %while3A_177#0, %while3A_236 = %while3A_177#1) -> (i32, i32)  : i32 {
          %mul3A_237 = arith.constant 16 : i32
          %mul3A_238 = arith.muli %while3A_234, %mul3A_237 : i32
          %get3A = arith.index_cast %mul3A_238 : i32 to index
          %get3A_239 = tpu.vector_load %arg6[%get3A] {strides = array<i32>} : memref<20032xi32, #tpu.memory_space<vmem>>, vector<16xi32>,
          %mul3A_240 = arith.constant 16 : i32
          %mul3A_241 = arith.muli %while3A_234, %mul3A_240 : i32
          %iota3A = tpu.iota {dimensions = array<i32: 0>} : vector<16xi32>
          %add3A_242 = vector.broadcast %mul3A_241 : i32 to vector<16xi32>
          %add3A_243 = arith.addi %add3A_242, %iota3A : vector<16xi32>
          %lt3A_244 = vector.broadcast %scan3A_128 : i32 to vector<16xi32>
          %lt3A_245 = arith.cmpi slt, %add3A_243, %lt3A_244 : vector<16xi32>
          %shift_right_logical3A = vector.broadcast %sub3A_133 : i32 to vector<16xi32>
          %shift_right_logical3A_246 = arith.shrui %get3A_239, %shift_right_logical3A : vector<16xi32>
          %and3A_247 = arith.constant 1 : i32
          %and3A_248 = vector.broadcast %and3A_247 : i32 to vector<16xi32>
          %and3A_249 = arith.andi %shift_right_logical3A_246, %and3A_248 : vector<16xi32>
          %eq3A_250 = arith.constant 1 : i32
          %eq3A_251 = vector.broadcast %eq3A_250 : i32 to vector<16xi32>
          %eq3A_252 = arith.cmpi eq, %and3A_249, %eq3A_251 : vector<16xi32>
          %eq3A_253 = vector.broadcast %ge3A : i1 to vector<16xi1>
          %eq3A_254 = vector.broadcast %eq3A_253 : vector<16xi1> to vector<16xi1>
          %eq3A_255 = arith.xori %eq3A_252, %eq3A_254 : vector<16xi1>
          %eq3A_256 = arith.constant dense<true> : vector<16xi1>
          %eq3A_257 = arith.xori %eq3A_255, %eq3A_256 : vector<16xi1>
          %and3A_258 = arith.andi %lt3A_245, %eq3A_257 : vector<16xi1>
          %swap3A_259 = arith.index_cast %while3A_235 : i32 to index
          %swap3A_260 = tpu.vector_load %arg7[%swap3A_259] masked %and3A_258 {strides = array<i32>} : memref<20032xi32, #tpu.memory_space<vmem>>, vector<16xi32>, vector<16xi1>
          tpu.vector_store %arg7[%swap3A_259], %get3A_239 masked %and3A_258 {strides = array<i32>} : memref<20032xi32, #tpu.memory_space<vmem>>, vector<16xi32>, vector<16xi1>
          %all_reduce_population_count3A = tpu.all_reduce %and3A_258 {dim = 0 : i64, kind = #tpu.reduction_kind<sum>} : vector<16xi1> -> vector<16xi32>
          %slice3A = vector.extract_strided_slice %all_reduce_population_count3A {offsets = [0], sizes = [1], strides = [1]} : vector<16xi32> to vector<1xi32>
          %squeeze3A = vector.extract %slice3A[0] : i32 from vector<1xi32>
          %add3A_261 = arith.addi %while3A_235, %squeeze3A : i32
          %shift_right_logical3A_262 = vector.broadcast %max3A_140 : i32 to vector<16xi32>
          %shift_right_logical3A_263 = arith.shrui %get3A_239, %shift_right_logical3A_262 : vector<16xi32>
          %and3A_264 = arith.constant 1 : i32
          %and3A_265 = vector.broadcast %and3A_264 : i32 to vector<16xi32>
          %and3A_266 = arith.andi %shift_right_logical3A_263, %and3A_265 : vector<16xi32>
          %eq3A_267 = arith.constant 1 : i32
          %eq3A_268 = vector.broadcast %eq3A_267 : i32 to vector<16xi32>
          %eq3A_269 = arith.cmpi eq, %and3A_266, %eq3A_268 : vector<16xi32>
          %and3A_270 = arith.andi %and3A_258, %eq3A_269 : vector<16xi1>
          %all_reduce_population_count3A_271 = tpu.all_reduce %and3A_270 {dim = 0 : i64, kind = #tpu.reduction_kind<sum>} : vector<16xi1> -> vector<16xi32>
          %slice3A_272 = vector.extract_strided_slice %all_reduce_population_count3A_271 {offsets = [0], sizes = [1], strides = [1]} : vector<16xi32> to vector<1xi32>
          %squeeze3A_273 = vector.extract %slice3A_272[0] : i32 from vector<1xi32>
          %add3A_274 = arith.addi %while3A_236, %squeeze3A_273 : i32
          scf.yield %add3A_261, %add3A_274 : i32, i32
        }
        %mul3A_180 = arith.constant 2 : i32
        %mul3A_181 = arith.muli %mul3A_180, %scan3A_125 : i32
        %sub3A_182 = arith.constant 30 : i32
        %sub3A_183 = arith.subi %sub3A_182, %mul3A_181 : i32
        %ge3A_184 = arith.cmpi sge, %while3A_179#1, %select_n3A_135 : i32
        %sub3A_185 = arith.subi %select_n3A_135, %while3A_179#1 : i32
        %select_n3A_186 = arith.select %ge3A_184, %select_n3A_135, %sub3A_185 : i32
        %shift_left3A_187 = arith.constant 1 : i32
        %shift_left3A_188 = arith.shli %shift_left3A_187, %sub3A_183 : i32
        %or3A_189 = arith.ori %select_n3A_137, %shift_left3A_188 : i32
        %select_n3A_190 = arith.select %ge3A_184, %or3A_189, %select_n3A_137 : i32
        %sub3A_191 = arith.constant 1 : i32
        %sub3A_192 = arith.subi %sub3A_183, %sub3A_191 : i32
        %max3A_193 = arith.constant 0 : i32
        %max3A_194 = arith.maxsi %sub3A_192, %max3A_193 : i32
        %add3A_195 = arith.constant 15 : i32
        %add3A_196 = arith.addi %while3A_179#0, %add3A_195 : i32
        %jit3A_197 = arith.constant 16 : i32
        %div3A_198 = arith.divsi %add3A_196, %jit3A_197 : i32
        %sign3A_199 = arith.constant 0 : i32
        %sign3A_200 = arith.cmpi sgt, %add3A_196, %sign3A_199 : i32
        %sign3A_201 = arith.extui %sign3A_200 : i1 to i32
        %sign3A_202 = arith.constant 0 : i32
        %sign3A_203 = arith.cmpi slt, %add3A_196, %sign3A_202 : i32
        %sign3A_204 = arith.extui %sign3A_203 : i1 to i32
        %sign3A_205 = arith.subi %sign3A_201, %sign3A_204 : i32
        %sign3A_206 = arith.constant 0 : i32
        %sign3A_207 = arith.cmpi sgt, %jit3A_197, %sign3A_206 : i32
        %sign3A_208 = arith.extui %sign3A_207 : i1 to i32
        %sign3A_209 = arith.constant 0 : i32
        %sign3A_210 = arith.cmpi slt, %jit3A_197, %sign3A_209 : i32
        %sign3A_211 = arith.extui %sign3A_210 : i1 to i32
        %sign3A_212 = arith.subi %sign3A_208, %sign3A_211 : i32
        %ne3A_213 = arith.cmpi ne, %sign3A_205, %sign3A_212 : i32
        %rem3A_214 = arith.remsi %add3A_196, %jit3A_197 : i32
        %ne3A_215 = arith.constant 0 : i32
        %ne3A_216 = arith.cmpi ne, %rem3A_214, %ne3A_215 : i32
        %and3A_217 = arith.andi %ne3A_213, %ne3A_216 : i1
        %sub3A_218 = arith.constant 1 : i32
        %sub3A_219 = arith.subi %div3A_198, %sub3A_218 : i32
        %select_n3A_220 = arith.select %and3A_217, %sub3A_219, %div3A_198 : i32
        %while3A_221 = arith.constant 0 : i32
        %while3A_222 = arith.constant 0 : i32
        %while3A_223 = arith.constant 0 : i32
        %while3A_224 = arith.subi %select_n3A_220, %while3A_221 : i32
        %while3A_225 = arith.addi %while3A_221, %while3A_224 : i32
        %while3A_226 = arith.constant 1 : i32
        %while3A_227 = arith.divsi %while3A_224, %while3A_226 : i32
        %while3A_228 = arith.muli %while3A_227, %while3A_226 : i32
        %while3A_229 = arith.addi %while3A_221, %while3A_228 : i32
        %while3A_230 = arith.constant 1 : i32
        %while3A_231:2 = scf.for %while3A_234 = %while3A_221 to %while3A_229 step %while3A_230 iter_args(%while3A_235 = %while3A_222, %while3A_236 = %while3A_223) -> (i32, i32)  : i32 {
          %mul3A_237 = arith.constant 16 : i32
          %mul3A_238 = arith.muli %while3A_234, %mul3A_237 : i32
          %get3A = arith.index_cast %mul3A_238 : i32 to index
          %get3A_239 = tpu.vector_load %arg7[%get3A] {strides = array<i32>} : memref<20032xi32, #tpu.memory_space<vmem>>, vector<16xi32>,
          %mul3A_240 = arith.constant 16 : i32
          %mul3A_241 = arith.muli %while3A_234, %mul3A_240 : i32
          %iota3A = tpu.iota {dimensions = array<i32: 0>} : vector<16xi32>
          %add3A_242 = vector.broadcast %mul3A_241 : i32 to vector<16xi32>
          %add3A_243 = arith.addi %add3A_242, %iota3A : vector<16xi32>
          %lt3A_244 = vector.broadcast %while3A_179#0 : i32 to vector<16xi32>
          %lt3A_245 = arith.cmpi slt, %add3A_243, %lt3A_244 : vector<16xi32>
          %shift_right_logical3A = vector.broadcast %sub3A_183 : i32 to vector<16xi32>
          %shift_right_logical3A_246 = arith.shrui %get3A_239, %shift_right_logical3A : vector<16xi32>
          %and3A_247 = arith.constant 1 : i32
          %and3A_248 = vector.broadcast %and3A_247 : i32 to vector<16xi32>
          %and3A_249 = arith.andi %shift_right_logical3A_246, %and3A_248 : vector<16xi32>
          %eq3A_250 = arith.constant 1 : i32
          %eq3A_251 = vector.broadcast %eq3A_250 : i32 to vector<16xi32>
          %eq3A_252 = arith.cmpi eq, %and3A_249, %eq3A_251 : vector<16xi32>
          %eq3A_253 = vector.broadcast %ge3A_184 : i1 to vector<16xi1>
          %eq3A_254 = vector.broadcast %eq3A_253 : vector<16xi1> to vector<16xi1>
          %eq3A_255 = arith.xori %eq3A_252, %eq3A_254 : vector<16xi1>
          %eq3A_256 = arith.constant dense<true> : vector<16xi1>
          %eq3A_257 = arith.xori %eq3A_255, %eq3A_256 : vector<16xi1>
          %and3A_258 = arith.andi %lt3A_245, %eq3A_257 : vector<16xi1>
          %swap3A_259 = arith.index_cast %while3A_235 : i32 to index
          %swap3A_260 = tpu.vector_load %arg6[%swap3A_259] masked %and3A_258 {strides = array<i32>} : memref<20032xi32, #tpu.memory_space<vmem>>, vector<16xi32>, vector<16xi1>
          tpu.vector_store %arg6[%swap3A_259], %get3A_239 masked %and3A_258 {strides = array<i32>} : memref<20032xi32, #tpu.memory_space<vmem>>, vector<16xi32>, vector<16xi1>
          %all_reduce_population_count3A = tpu.all_reduce %and3A_258 {dim = 0 : i64, kind = #tpu.reduction_kind<sum>} : vector<16xi1> -> vector<16xi32>
          %slice3A = vector.extract_strided_slice %all_reduce_population_count3A {offsets = [0], sizes = [1], strides = [1]} : vector<16xi32> to vector<1xi32>
          %squeeze3A = vector.extract %slice3A[0] : i32 from vector<1xi32>
          %add3A_261 = arith.addi %while3A_235, %squeeze3A : i32
          %shift_right_logical3A_262 = vector.broadcast %max3A_194 : i32 to vector<16xi32>
          %shift_right_logical3A_263 = arith.shrui %get3A_239, %shift_right_logical3A_262 : vector<16xi32>
          %and3A_264 = arith.constant 1 : i32
          %and3A_265 = vector.broadcast %and3A_264 : i32 to vector<16xi32>
          %and3A_266 = arith.andi %shift_right_logical3A_263, %and3A_265 : vector<16xi32>
          %eq3A_267 = arith.constant 1 : i32
          %eq3A_268 = vector.broadcast %eq3A_267 : i32 to vector<16xi32>
          %eq3A_269 = arith.cmpi eq, %and3A_266, %eq3A_268 : vector<16xi32>
          %and3A_270 = arith.andi %and3A_258, %eq3A_269 : vector<16xi1>
          %all_reduce_population_count3A_271 = tpu.all_reduce %and3A_270 {dim = 0 : i64, kind = #tpu.reduction_kind<sum>} : vector<16xi1> -> vector<16xi32>
          %slice3A_272 = vector.extract_strided_slice %all_reduce_population_count3A_271 {offsets = [0], sizes = [1], strides = [1]} : vector<16xi32> to vector<1xi32>
          %squeeze3A_273 = vector.extract %slice3A_272[0] : i32 from vector<1xi32>
          %add3A_274 = arith.addi %while3A_236, %squeeze3A_273 : i32
          scf.yield %add3A_261, %add3A_274 : i32, i32
        }
        %while3A_232 = arith.constant 1 : i32
        %while3A_233:2 = scf.for %while3A_234 = %while3A_229 to %while3A_225 step %while3A_232 iter_args(%while3A_235 = %while3A_231#0, %while3A_236 = %while3A_231#1) -> (i32, i32)  : i32 {
          %mul3A_237 = arith.constant 16 : i32
          %mul3A_238 = arith.muli %while3A_234, %mul3A_237 : i32
          %get3A = arith.index_cast %mul3A_238 : i32 to index
          %get3A_239 = tpu.vector_load %arg7[%get3A] {strides = array<i32>} : memref<20032xi32, #tpu.memory_space<vmem>>, vector<16xi32>,
          %mul3A_240 = arith.constant 16 : i32
          %mul3A_241 = arith.muli %while3A_234, %mul3A_240 : i32
          %iota3A = tpu.iota {dimensions = array<i32: 0>} : vector<16xi32>
          %add3A_242 = vector.broadcast %mul3A_241 : i32 to vector<16xi32>
          %add3A_243 = arith.addi %add3A_242, %iota3A : vector<16xi32>
          %lt3A_244 = vector.broadcast %while3A_179#0 : i32 to vector<16xi32>
          %lt3A_245 = arith.cmpi slt, %add3A_243, %lt3A_244 : vector<16xi32>
          %shift_right_logical3A = vector.broadcast %sub3A_183 : i32 to vector<16xi32>
          %shift_right_logical3A_246 = arith.shrui %get3A_239, %shift_right_logical3A : vector<16xi32>
          %and3A_247 = arith.constant 1 : i32
          %and3A_248 = vector.broadcast %and3A_247 : i32 to vector<16xi32>
          %and3A_249 = arith.andi %shift_right_logical3A_246, %and3A_248 : vector<16xi32>
          %eq3A_250 = arith.constant 1 : i32
          %eq3A_251 = vector.broadcast %eq3A_250 : i32 to vector<16xi32>
          %eq3A_252 = arith.cmpi eq, %and3A_249, %eq3A_251 : vector<16xi32>
          %eq3A_253 = vector.broadcast %ge3A_184 : i1 to vector<16xi1>
          %eq3A_254 = vector.broadcast %eq3A_253 : vector<16xi1> to vector<16xi1>
          %eq3A_255 = arith.xori %eq3A_252, %eq3A_254 : vector<16xi1>
          %eq3A_256 = arith.constant dense<true> : vector<16xi1>
          %eq3A_257 = arith.xori %eq3A_255, %eq3A_256 : vector<16xi1>
          %and3A_258 = arith.andi %lt3A_245, %eq3A_257 : vector<16xi1>
          %swap3A_259 = arith.index_cast %while3A_235 : i32 to index
          %swap3A_260 = tpu.vector_load %arg6[%swap3A_259] masked %and3A_258 {strides = array<i32>} : memref<20032xi32, #tpu.memory_space<vmem>>, vector<16xi32>, vector<16xi1>
          tpu.vector_store %arg6[%swap3A_259], %get3A_239 masked %and3A_258 {strides = array<i32>} : memref<20032xi32, #tpu.memory_space<vmem>>, vector<16xi32>, vector<16xi1>
          %all_reduce_population_count3A = tpu.all_reduce %and3A_258 {dim = 0 : i64, kind = #tpu.reduction_kind<sum>} : vector<16xi1> -> vector<16xi32>
          %slice3A = vector.extract_strided_slice %all_reduce_population_count3A {offsets = [0], sizes = [1], strides = [1]} : vector<16xi32> to vector<1xi32>
          %squeeze3A = vector.extract %slice3A[0] : i32 from vector<1xi32>
          %add3A_261 = arith.addi %while3A_235, %squeeze3A : i32
          %shift_right_logical3A_262 = vector.broadcast %max3A_194 : i32 to vector<16xi32>
          %shift_right_logical3A_263 = arith.shrui %get3A_239, %shift_right_logical3A_262 : vector<16xi32>
          %and3A_264 = arith.constant 1 : i32
          %and3A_265 = vector.broadcast %and3A_264 : i32 to vector<16xi32>
          %and3A_266 = arith.andi %shift_right_logical3A_263, %and3A_265 : vector<16xi32>
          %eq3A_267 = arith.constant 1 : i32
          %eq3A_268 = vector.broadcast %eq3A_267 : i32 to vector<16xi32>
          %eq3A_269 = arith.cmpi eq, %and3A_266, %eq3A_268 : vector<16xi32>
          %and3A_270 = arith.andi %and3A_258, %eq3A_269 : vector<16xi1>
          %all_reduce_population_count3A_271 = tpu.all_reduce %and3A_270 {dim = 0 : i64, kind = #tpu.reduction_kind<sum>} : vector<16xi1> -> vector<16xi32>
          %slice3A_272 = vector.extract_strided_slice %all_reduce_population_count3A_271 {offsets = [0], sizes = [1], strides = [1]} : vector<16xi32> to vector<1xi32>
          %squeeze3A_273 = vector.extract %slice3A_272[0] : i32 from vector<1xi32>
          %add3A_274 = arith.addi %while3A_236, %squeeze3A_273 : i32
          scf.yield %add3A_261, %add3A_274 : i32, i32
        }
        scf.yield %select_n3A_186, %select_n3A_190, %while3A_233#0, %while3A_233#1 : i32, i32, i32, i32
      }
      %scan3A_51 = arith.constant 16 : i32
      %scan3A_52 = arith.constant 0 : i32
      %scan3A_53 = arith.constant 0 : i32
      %scan3A_54 = arith.constant 0 : i32
      %scan3A_55 = arith.constant 1250 : i32
      %scan3A_56 = arith.addi %scan3A_54, %scan3A_55 : i32
      %scan3A_57 = arith.constant 1 : i32
      %scan3A_58:2 = scf.for %scan3A_125 = %scan3A_54 to %scan3A_56 step %scan3A_57 iter_args(%scan3A_126 = %scan3A_52, %scan3A_127 = %scan3A_53) -> (i32, i32)  : i32 {
        %mul3A_128 = arith.constant 16 : i32
        %mul3A_129 = arith.muli %scan3A_125, %mul3A_128 : i32
        %get3A = arith.index_cast %mul3A_129 : i32 to index
        %get3A_130 = tpu.vector_load %arg5[%get3A] {strides = array<i32>} : memref<20000xf32, #tpu.memory_space<vmem>>, vector<16xf32>,
        %bitcast3A = vector.bitcast %get3A_130 : vector<16xf32> to vector<16xi32>
        %ge3A = arith.constant -2147483648 : i32
        %ge3A_131 = vector.broadcast %ge3A : i32 to vector<16xi32>
        %ge3A_132 = arith.cmpi uge, %bitcast3A, %ge3A_131 : vector<16xi32>
        %not3A_133 = arith.constant dense<-1> : vector<16xi32>
        %not3A_134 = arith.xori %bitcast3A, %not3A_133 : vector<16xi32>
        %or3A = arith.constant -2147483648 : i32
        %or3A_135 = vector.broadcast %or3A : i32 to vector<16xi32>
        %or3A_136 = arith.ori %bitcast3A, %or3A_135 : vector<16xi32>
        %select_n3A_137 = arith.select %ge3A_132, %not3A_134, %or3A_136 : vector<16xi1>, vector<16xi32>
        %gt3A = vector.broadcast %scan3A_50#1 : i32 to vector<16xi32>
        %gt3A_138 = arith.cmpi ugt, %select_n3A_137, %gt3A : vector<16xi32>
        %eq3A_139 = vector.broadcast %scan3A_50#1 : i32 to vector<16xi32>
        %eq3A_140 = arith.cmpi eq, %select_n3A_137, %eq3A_139 : vector<16xi32>
        %mul3A_141 = arith.constant 16 : i32
        %mul3A_142 = arith.muli %scan3A_125, %mul3A_141 : i32
        %iota3A = tpu.iota {dimensions = array<i32: 0>} : vector<16xi32>
        %add3A_143 = vector.broadcast %mul3A_142 : i32 to vector<16xi32>
        %add3A_144 = arith.addi %add3A_143, %iota3A : vector<16xi32>
        %not3A_145 = arith.constant dense<-1> : vector<16xi32>
        %not3A_146 = arith.xori %select_n3A_137, %not3A_145 : vector<16xi32>
        %swap3A_147 = arith.index_cast %scan3A_126 : i32 to index
        %swap3A_148 = tpu.vector_load %arg8[%swap3A_147] masked %gt3A_138 {strides = array<i32>} : memref<1024xi32, #tpu.memory_space<vmem>>, vector<16xi32>, vector<16xi1>
        tpu.vector_store %arg8[%swap3A_147], %not3A_146 masked %gt3A_138 {strides = array<i32>} : memref<1024xi32, #tpu.memory_space<vmem>>, vector<16xi32>, vector<16xi1>
        %swap3A_149 = arith.index_cast %scan3A_126 : i32 to index
        %swap3A_150 = tpu.vector_load %arg9[%swap3A_149] masked %gt3A_138 {strides = array<i32>} : memref<1024xi32, #tpu.memory_space<vmem>>, vector<16xi32>, vector<16xi1>
        tpu.vector_store %arg9[%swap3A_149], %add3A_144 masked %gt3A_138 {strides = array<i32>} : memref<1024xi32, #tpu.memory_space<vmem>>, vector<16xi32>, vector<16xi1>
        %bitcast3A_151 = vector.bitcast %add3A_144 : vector<16xi32> to vector<16xi32>
        %swap3A_152 = arith.index_cast %scan3A_127 : i32 to index
        %swap3A_153 = tpu.vector_load %arg7[%swap3A_152] masked %eq3A_140 {strides = array<i32>} : memref<20032xi32, #tpu.memory_space<vmem>>, vector<16xi32>, vector<16xi1>
        tpu.vector_store %arg7[%swap3A_152], %bitcast3A_151 masked %eq3A_140 {strides = array<i32>} : memref<20032xi32, #tpu.memory_space<vmem>>, vector<16xi32>, vector<16xi1>
        %all_reduce_population_count3A = tpu.all_reduce %gt3A_138 {dim = 0 : i64, kind = #tpu.reduction_kind<sum>} : vector<16xi1> -> vector<16xi32>
        %slice3A = vector.extract_strided_slice %all_reduce_population_count3A {offsets = [0], sizes = [1], strides = [1]} : vector<16xi32> to vector<1xi32>
        %squeeze3A = vector.extract %slice3A[0] : i32 from vector<1xi32>
        %add3A_154 = arith.addi %scan3A_126, %squeeze3A : i32
        %all_reduce_population_count3A_155 = tpu.all_reduce %eq3A_140 {dim = 0 : i64, kind = #tpu.reduction_kind<sum>} : vector<16xi1> -> vector<16xi32>
        %slice3A_156 = vector.extract_strided_slice %all_reduce_population_count3A_155 {offsets = [0], sizes = [1], strides = [1]} : vector<16xi32> to vector<1xi32>
        %squeeze3A_157 = vector.extract %slice3A_156[0] : i32 from vector<1xi32>
        %add3A_158 = arith.addi %scan3A_127, %squeeze3A_157 : i32
        scf.yield %add3A_154, %add3A_158 : i32, i32
      }
      %scan3A_59 = arith.constant 1250 : i32
      %sub3A_60 = arith.constant 1000 : i32
      %sub3A_61 = arith.subi %sub3A_60, %scan3A_58#0 : i32
      %not3A = arith.constant -1 : i32
      %not3A_62 = arith.xori %scan3A_50#1, %not3A : i32
      %add3A_63 = arith.constant 15 : i32
      %add3A_64 = arith.addi %sub3A_61, %add3A_63 : i32
      %jit3A_65 = arith.constant 16 : i32
      %div3A_66 = arith.divsi %add3A_64, %jit3A_65 : i32
      %sign3A_67 = arith.constant 0 : i32
      %sign3A_68 = arith.cmpi sgt, %add3A_64, %sign3A_67 : i32
      %sign3A_69 = arith.extui %sign3A_68 : i1 to i32
      %sign3A_70 = arith.constant 0 : i32
      %sign3A_71 = arith.cmpi slt, %add3A_64, %sign3A_70 : i32
      %sign3A_72 = arith.extui %sign3A_71 : i1 to i32
      %sign3A_73 = arith.subi %sign3A_69, %sign3A_72 : i32
      %sign3A_74 = arith.constant 0 : i32
      %sign3A_75 = arith.cmpi sgt, %jit3A_65, %sign3A_74 : i32
      %sign3A_76 = arith.extui %sign3A_75 : i1 to i32
      %sign3A_77 = arith.constant 0 : i32
      %sign3A_78 = arith.cmpi slt, %jit3A_65, %sign3A_77 : i32
      %sign3A_79 = arith.extui %sign3A_78 : i1 to i32
      %sign3A_80 = arith.subi %sign3A_76, %sign3A_79 : i32
      %ne3A_81 = arith.cmpi ne, %sign3A_73, %sign3A_80 : i32
      %rem3A_82 = arith.remsi %add3A_64, %jit3A_65 : i32
      %ne3A_83 = arith.constant 0 : i32
      %ne3A_84 = arith.cmpi ne, %rem3A_82, %ne3A_83 : i32
      %and3A_85 = arith.andi %ne3A_81, %ne3A_84 : i1
      %sub3A_86 = arith.constant 1 : i32
      %sub3A_87 = arith.subi %div3A_66, %sub3A_86 : i32
      %select_n3A_88 = arith.select %and3A_85, %sub3A_87, %div3A_66 : i32
      %while3A = arith.constant 0 : i32
      %while3A_89 = arith.constant 0 : i32
      %while3A_90 = arith.subi %select_n3A_88, %while3A_89 : i32
      %while3A_91 = arith.addi %while3A_89, %while3A_90 : i32
      %while3A_92 = arith.constant 1 : i32
      %while3A_93 = arith.divsi %while3A_90, %while3A_92 : i32
      %while3A_94 = arith.muli %while3A_93, %while3A_92 : i32
      %while3A_95 = arith.addi %while3A_89, %while3A_94 : i32
      %while3A_96 = arith.constant 1 : i32
      scf.for %while3A_125 = %while3A_89 to %while3A_95 step %while3A_96  : i32 {
        %mul3A_126 = arith.constant 16 : i32
        %mul3A_127 = arith.muli %while3A_125, %mul3A_126 : i32
        %iota3A = tpu.iota {dimensions = array<i32: 0>} : vector<16xi32>
        %add3A_128 = vector.broadcast %mul3A_127 : i32 to vector<16xi32>
        %add3A_129 = arith.addi %add3A_128, %iota3A : vector<16xi32>
        %lt3A_130 = vector.broadcast %sub3A_61 : i32 to vector<16xi32>
        %lt3A_131 = arith.cmpi slt, %add3A_129, %lt3A_130 : vector<16xi32>
        %mul3A_132 = arith.constant 16 : i32
        %mul3A_133 = arith.muli %while3A_125, %mul3A_132 : i32
        %get3A = arith.index_cast %mul3A_133 : i32 to index
        %get3A_134 = tpu.vector_load %arg7[%get3A] {strides = array<i32>} : memref<20032xi32, #tpu.memory_space<vmem>>, vector<16xi32>,
        %bitcast3A = vector.bitcast %get3A_134 : vector<16xi32> to vector<16xi32>
        %mul3A_135 = arith.constant 16 : i32
        %mul3A_136 = arith.muli %while3A_125, %mul3A_135 : i32
        %add3A_137 = arith.addi %scan3A_58#0, %mul3A_136 : i32
        %broadcast_in_dim3A_138 = vector.broadcast %not3A_62 : i32 to vector<16xi32>
        %swap3A_139 = arith.index_cast %add3A_137 : i32 to index
        %swap3A_140 = tpu.vector_load %arg8[%swap3A_139] masked %lt3A_131 {strides = array<i32>} : memref<1024xi32, #tpu.memory_space<vmem>>, vector<16xi32>, vector<16xi1>
        tpu.vector_store %arg8[%swap3A_139], %broadcast_in_dim3A_138 masked %lt3A_131 {strides = array<i32>} : memref<1024xi32, #tpu.memory_space<vmem>>, vector<16xi32>, vector<16xi1>
        %mul3A_141 = arith.constant 16 : i32
        %mul3A_142 = arith.muli %while3A_125, %mul3A_141 : i32
        %add3A_143 = arith.addi %scan3A_58#0, %mul3A_142 : i32
        %swap3A_144 = arith.index_cast %add3A_143 : i32 to index
        %swap3A_145 = tpu.vector_load %arg9[%swap3A_144] masked %lt3A_131 {strides = array<i32>} : memref<1024xi32, #tpu.memory_space<vmem>>, vector<16xi32>, vector<16xi1>
        tpu.vector_store %arg9[%swap3A_144], %bitcast3A masked %lt3A_131 {strides = array<i32>} : memref<1024xi32, #tpu.memory_space<vmem>>, vector<16xi32>, vector<16xi1>
      }
      %while3A_97 = arith.constant 1 : i32
      scf.for %while3A_125 = %while3A_95 to %while3A_91 step %while3A_97  : i32 {
        %mul3A_126 = arith.constant 16 : i32
        %mul3A_127 = arith.muli %while3A_125, %mul3A_126 : i32
        %iota3A = tpu.iota {dimensions = array<i32: 0>} : vector<16xi32>
        %add3A_128 = vector.broadcast %mul3A_127 : i32 to vector<16xi32>
        %add3A_129 = arith.addi %add3A_128, %iota3A : vector<16xi32>
        %lt3A_130 = vector.broadcast %sub3A_61 : i32 to vector<16xi32>
        %lt3A_131 = arith.cmpi slt, %add3A_129, %lt3A_130 : vector<16xi32>
        %mul3A_132 = arith.constant 16 : i32
        %mul3A_133 = arith.muli %while3A_125, %mul3A_132 : i32
        %get3A = arith.index_cast %mul3A_133 : i32 to index
        %get3A_134 = tpu.vector_load %arg7[%get3A] {strides = array<i32>} : memref<20032xi32, #tpu.memory_space<vmem>>, vector<16xi32>,
        %bitcast3A = vector.bitcast %get3A_134 : vector<16xi32> to vector<16xi32>
        %mul3A_135 = arith.constant 16 : i32
        %mul3A_136 = arith.muli %while3A_125, %mul3A_135 : i32
        %add3A_137 = arith.addi %scan3A_58#0, %mul3A_136 : i32
        %broadcast_in_dim3A_138 = vector.broadcast %not3A_62 : i32 to vector<16xi32>
        %swap3A_139 = arith.index_cast %add3A_137 : i32 to index
        %swap3A_140 = tpu.vector_load %arg8[%swap3A_139] masked %lt3A_131 {strides = array<i32>} : memref<1024xi32, #tpu.memory_space<vmem>>, vector<16xi32>, vector<16xi1>
        tpu.vector_store %arg8[%swap3A_139], %broadcast_in_dim3A_138 masked %lt3A_131 {strides = array<i32>} : memref<1024xi32, #tpu.memory_space<vmem>>, vector<16xi32>, vector<16xi1>
        %mul3A_141 = arith.constant 16 : i32
        %mul3A_142 = arith.muli %while3A_125, %mul3A_141 : i32
        %add3A_143 = arith.addi %scan3A_58#0, %mul3A_142 : i32
        %swap3A_144 = arith.index_cast %add3A_143 : i32 to index
        %swap3A_145 = tpu.vector_load %arg9[%swap3A_144] masked %lt3A_131 {strides = array<i32>} : memref<1024xi32, #tpu.memory_space<vmem>>, vector<16xi32>, vector<16xi1>
        tpu.vector_store %arg9[%swap3A_144], %bitcast3A masked %lt3A_131 {strides = array<i32>} : memref<1024xi32, #tpu.memory_space<vmem>>, vector<16xi32>, vector<16xi1>
      }
      %scan3A_98 = arith.constant 0 : i32
      %scan3A_99 = arith.constant 0 : i32
      %scan3A_100 = arith.constant 63 : i32
      %scan3A_101 = arith.addi %scan3A_99, %scan3A_100 : i32
      %scan3A_102 = arith.constant 1 : i32
      %scan3A_103 = scf.for %scan3A_125 = %scan3A_99 to %scan3A_101 step %scan3A_102 iter_args(%scan3A_126 = %scan3A_98) -> (i32)  : i32 {
        %mul3A_127 = arith.constant 16 : i32
        %mul3A_128 = arith.muli %scan3A_125, %mul3A_127 : i32
        %get3A = arith.index_cast %mul3A_128 : i32 to index
        %get3A_129 = tpu.vector_load %arg8[%get3A] {strides = array<i32>} : memref<1024xi32, #tpu.memory_space<vmem>>, vector<16xi32>,
        %mul3A_130 = arith.constant 16 : i32
        %mul3A_131 = arith.muli %scan3A_125, %mul3A_130 : i32
        %iota3A = tpu.iota {dimensions = array<i32: 0>} : vector<16xi32>
        %add3A_132 = vector.broadcast %mul3A_131 : i32 to vector<16xi32>
        %add3A_133 = arith.addi %add3A_132, %iota3A : vector<16xi32>
        %lt3A_134 = arith.constant 1000 : i32
        %lt3A_135 = vector.broadcast %lt3A_134 : i32 to vector<16xi32>
        %lt3A_136 = arith.cmpi slt, %add3A_133, %lt3A_135 : vector<16xi32>
        %and3A_137 = arith.constant 1 : i32
        %and3A_138 = vector.broadcast %and3A_137 : i32 to vector<16xi32>
        %and3A_139 = arith.andi %get3A_129, %and3A_138 : vector<16xi32>
        %eq3A_140 = arith.constant 1 : i32
        %eq3A_141 = vector.broadcast %eq3A_140 : i32 to vector<16xi32>
        %eq3A_142 = arith.cmpi eq, %and3A_139, %eq3A_141 : vector<16xi32>
        %and3A_143 = arith.andi %lt3A_136, %eq3A_142 : vector<16xi1>
        %all_reduce_population_count3A = tpu.all_reduce %and3A_143 {dim = 0 : i64, kind = #tpu.reduction_kind<sum>} : vector<16xi1> -> vector<16xi32>
        %slice3A = vector.extract_strided_slice %all_reduce_population_count3A {offsets = [0], sizes = [1], strides = [1]} : vector<16xi32> to vector<1xi32>
        %squeeze3A = vector.extract %slice3A[0] : i32 from vector<1xi32>
        %add3A_144 = arith.addi %scan3A_126, %squeeze3A : i32
        scf.yield %add3A_144 : i32
      }
      %scan3A_104 = arith.constant 63 : i32
      %scan3A_105 = arith.constant 0 : i32
      %scan3A_106 = arith.constant 16 : i32
      %scan3A_107 = arith.addi %scan3A_105, %scan3A_106 : i32
      %scan3A_108 = arith.constant 1 : i32
      %scan3A_109 = scf.for %scan3A_125 = %scan3A_105 to %scan3A_107 step %scan3A_108 iter_args(%scan3A_126 = %scan3A_103) -> (i32)  : i32 {
        %mul3A_127 = arith.constant 2 : i32
        %mul3A_128 = arith.muli %mul3A_127, %scan3A_125 : i32
        %sub3A_129 = arith.constant 1000 : i32
        %sub3A_130 = arith.subi %sub3A_129, %scan3A_126 : i32
        %add3A_131 = arith.constant 1 : i32
        %add3A_132 = arith.addi %mul3A_128, %add3A_131 : i32
        %min3A = arith.constant 31 : i32
        %min3A_133 = arith.minsi %add3A_132, %min3A : i32
        %scan3A_134 = arith.constant 0 : i32
        %scan3A_135 = arith.constant 0 : i32
        %scan3A_136 = arith.constant 0 : i32
        %scan3A_137 = arith.constant 63 : i32
        %scan3A_138 = arith.addi %scan3A_136, %scan3A_137 : i32
        %scan3A_139 = arith.constant 1 : i32
        %scan3A_140:3 = scf.for %scan3A_160 = %scan3A_136 to %scan3A_138 step %scan3A_139 iter_args(%scan3A_161 = %scan3A_134, %scan3A_162 = %sub3A_130, %scan3A_163 = %scan3A_135) -> (i32, i32, i32)  : i32 {
          %mul3A_164 = arith.constant 16 : i32
          %mul3A_165 = arith.muli %scan3A_160, %mul3A_164 : i32
          %get3A = arith.index_cast %mul3A_165 : i32 to index
          %get3A_166 = tpu.vector_load %arg8[%get3A] {strides = array<i32>} : memref<1024xi32, #tpu.memory_space<vmem>>, vector<16xi32>,
          %mul3A_167 = arith.constant 16 : i32
          %mul3A_168 = arith.muli %scan3A_160, %mul3A_167 : i32
          %get3A_169 = arith.index_cast %mul3A_168 : i32 to index
          %get3A_170 = tpu.vector_load %arg9[%get3A_169] {strides = array<i32>} : memref<1024xi32, #tpu.memory_space<vmem>>, vector<16xi32>,
          %mul3A_171 = arith.constant 16 : i32
          %mul3A_172 = arith.muli %scan3A_160, %mul3A_171 : i32
          %iota3A = tpu.iota {dimensions = array<i32: 0>} : vector<16xi32>
          %add3A_173 = vector.broadcast %mul3A_172 : i32 to vector<16xi32>
          %add3A_174 = arith.addi %add3A_173, %iota3A : vector<16xi32>
          %lt3A_175 = arith.constant 1000 : i32
          %lt3A_176 = vector.broadcast %lt3A_175 : i32 to vector<16xi32>
          %lt3A_177 = arith.cmpi slt, %add3A_174, %lt3A_176 : vector<16xi32>
          %mul3A_178 = arith.constant 16 : i32
          %mul3A_179 = arith.muli %scan3A_160, %mul3A_178 : i32
          %sub3A_180 = arith.constant 1000 : i32
          %sub3A_181 = arith.subi %sub3A_180, %mul3A_179 : i32
          %min3A_182 = arith.constant 16 : i32
          %min3A_183 = arith.minsi %min3A_182, %sub3A_181 : i32
          %shift_right_logical3A = vector.broadcast %mul3A_128 : i32 to vector<16xi32>
          %shift_right_logical3A_184 = arith.shrui %get3A_166, %shift_right_logical3A : vector<16xi32>
          %and3A_185 = arith.constant 1 : i32
          %and3A_186 = vector.broadcast %and3A_185 : i32 to vector<16xi32>
          %and3A_187 = arith.andi %shift_right_logical3A_184, %and3A_186 : vector<16xi32>
          %eq3A_188 = arith.constant 1 : i32
          %eq3A_189 = vector.broadcast %eq3A_188 : i32 to vector<16xi32>
          %eq3A_190 = arith.cmpi eq, %and3A_187, %eq3A_189 : vector<16xi32>
          %and3A_191 = arith.andi %lt3A_177, %eq3A_190 : vector<16xi1>
          %not3A_192 = arith.constant dense<true> : vector<16xi1>
          %not3A_193 = arith.xori %eq3A_190, %not3A_192 : vector<16xi1>
          %and3A_194 = arith.andi %lt3A_177, %not3A_193 : vector<16xi1>
          %swap3A_195 = arith.index_cast %scan3A_161 : i32 to index
          %swap3A_196 = tpu.vector_load %arg10[%swap3A_195] masked %and3A_194 {strides = array<i32>} : memref<1024xi32, #tpu.memory_space<vmem>>, vector<16xi32>, vector<16xi1>
          tpu.vector_store %arg10[%swap3A_195], %get3A_166 masked %and3A_194 {strides = array<i32>} : memref<1024xi32, #tpu.memory_space<vmem>>, vector<16xi32>, vector<16xi1>
          %swap3A_197 = arith.index_cast %scan3A_161 : i32 to index
          %swap3A_198 = tpu.vector_load %arg11[%swap3A_197] masked %and3A_194 {strides = array<i32>} : memref<1024xi32, #tpu.memory_space<vmem>>, vector<16xi32>, vector<16xi1>
          tpu.vector_store %arg11[%swap3A_197], %get3A_170 masked %and3A_194 {strides = array<i32>} : memref<1024xi32, #tpu.memory_space<vmem>>, vector<16xi32>, vector<16xi1>
          %swap3A_199 = arith.index_cast %scan3A_162 : i32 to index
          %swap3A_200 = tpu.vector_load %arg10[%swap3A_199] masked %and3A_191 {strides = array<i32>} : memref<1024xi32, #tpu.memory_space<vmem>>, vector<16xi32>, vector<16xi1>
          tpu.vector_store %arg10[%swap3A_199], %get3A_166 masked %and3A_191 {strides = array<i32>} : memref<1024xi32, #tpu.memory_space<vmem>>, vector<16xi32>, vector<16xi1>
          %swap3A_201 = arith.index_cast %scan3A_162 : i32 to index
          %swap3A_202 = tpu.vector_load %arg11[%swap3A_201] masked %and3A_191 {strides = array<i32>} : memref<1024xi32, #tpu.memory_space<vmem>>, vector<16xi32>, vector<16xi1>
          tpu.vector_store %arg11[%swap3A_201], %get3A_170 masked %and3A_191 {strides = array<i32>} : memref<1024xi32, #tpu.memory_space<vmem>>, vector<16xi32>, vector<16xi1>
          %shift_right_logical3A_203 = vector.broadcast %min3A_133 : i32 to vector<16xi32>
          %shift_right_logical3A_204 = arith.shrui %get3A_166, %shift_right_logical3A_203 : vector<16xi32>
          %and3A_205 = arith.constant 1 : i32
          %and3A_206 = vector.broadcast %and3A_205 : i32 to vector<16xi32>
          %and3A_207 = arith.andi %shift_right_logical3A_204, %and3A_206 : vector<16xi32>
          %eq3A_208 = arith.constant 1 : i32
          %eq3A_209 = vector.broadcast %eq3A_208 : i32 to vector<16xi32>
          %eq3A_210 = arith.cmpi eq, %and3A_207, %eq3A_209 : vector<16xi32>
          %all_reduce_population_count3A = tpu.all_reduce %and3A_194 {dim = 0 : i64, kind = #tpu.reduction_kind<sum>} : vector<16xi1> -> vector<16xi32>
          %slice3A = vector.extract_strided_slice %all_reduce_population_count3A {offsets = [0], sizes = [1], strides = [1]} : vector<16xi32> to vector<1xi32>
          %squeeze3A = vector.extract %slice3A[0] : i32 from vector<1xi32>
          %add3A_211 = arith.addi %scan3A_161, %squeeze3A : i32
          %sub3A_212 = arith.subi %min3A_183, %squeeze3A : i32
          %add3A_213 = arith.addi %scan3A_162, %sub3A_212 : i32
          %and3A_214 = arith.andi %lt3A_177, %eq3A_210 : vector<16xi1>
          %all_reduce_population_count3A_215 = tpu.all_reduce %and3A_214 {dim = 0 : i64, kind = #tpu.reduction_kind<sum>} : vector<16xi1> -> vector<16xi32>
          %slice3A_216 = vector.extract_strided_slice %all_reduce_population_count3A_215 {offsets = [0], sizes = [1], strides = [1]} : vector<16xi32> to vector<1xi32>
          %squeeze3A_217 = vector.extract %slice3A_216[0] : i32 from vector<1xi32>
          %add3A_218 = arith.addi %scan3A_163, %squeeze3A_217 : i32
          scf.yield %add3A_211, %add3A_213, %add3A_218 : i32, i32, i32
        }
        %scan3A_141 = arith.constant 63 : i32
        %mul3A_142 = arith.constant 2 : i32
        %mul3A_143 = arith.muli %mul3A_142, %scan3A_125 : i32
        %add3A_144 = arith.constant 1 : i32
        %add3A_145 = arith.addi %mul3A_143, %add3A_144 : i32
        %sub3A_146 = arith.constant 1000 : i32
        %sub3A_147 = arith.subi %sub3A_146, %scan3A_140#2 : i32
        %add3A_148 = arith.constant 1 : i32
        %add3A_149 = arith.addi %add3A_145, %add3A_148 : i32
        %min3A_150 = arith.constant 31 : i32
        %min3A_151 = arith.minsi %add3A_149, %min3A_150 : i32
        %scan3A_152 = arith.constant 0 : i32
        %scan3A_153 = arith.constant 0 : i32
        %scan3A_154 = arith.constant 0 : i32
        %scan3A_155 = arith.constant 63 : i32
        %scan3A_156 = arith.addi %scan3A_154, %scan3A_155 : i32
        %scan3A_157 = arith.constant 1 : i32
        %scan3A_158:3 = scf.for %scan3A_160 = %scan3A_154 to %scan3A_156 step %scan3A_157 iter_args(%scan3A_161 = %scan3A_152, %scan3A_162 = %sub3A_147, %scan3A_163 = %scan3A_153) -> (i32, i32, i32)  : i32 {
          %mul3A_164 = arith.constant 16 : i32
          %mul3A_165 = arith.muli %scan3A_160, %mul3A_164 : i32
          %get3A = arith.index_cast %mul3A_165 : i32 to index
          %get3A_166 = tpu.vector_load %arg10[%get3A] {strides = array<i32>} : memref<1024xi32, #tpu.memory_space<vmem>>, vector<16xi32>,
          %mul3A_167 = arith.constant 16 : i32
          %mul3A_168 = arith.muli %scan3A_160, %mul3A_167 : i32
          %get3A_169 = arith.index_cast %mul3A_168 : i32 to index
          %get3A_170 = tpu.vector_load %arg11[%get3A_169] {strides = array<i32>} : memref<1024xi32, #tpu.memory_space<vmem>>, vector<16xi32>,
          %mul3A_171 = arith.constant 16 : i32
          %mul3A_172 = arith.muli %scan3A_160, %mul3A_171 : i32
          %iota3A = tpu.iota {dimensions = array<i32: 0>} : vector<16xi32>
          %add3A_173 = vector.broadcast %mul3A_172 : i32 to vector<16xi32>
          %add3A_174 = arith.addi %add3A_173, %iota3A : vector<16xi32>
          %lt3A_175 = arith.constant 1000 : i32
          %lt3A_176 = vector.broadcast %lt3A_175 : i32 to vector<16xi32>
          %lt3A_177 = arith.cmpi slt, %add3A_174, %lt3A_176 : vector<16xi32>
          %mul3A_178 = arith.constant 16 : i32
          %mul3A_179 = arith.muli %scan3A_160, %mul3A_178 : i32
          %sub3A_180 = arith.constant 1000 : i32
          %sub3A_181 = arith.subi %sub3A_180, %mul3A_179 : i32
          %min3A_182 = arith.constant 16 : i32
          %min3A_183 = arith.minsi %min3A_182, %sub3A_181 : i32
          %shift_right_logical3A = vector.broadcast %add3A_145 : i32 to vector<16xi32>
          %shift_right_logical3A_184 = arith.shrui %get3A_166, %shift_right_logical3A : vector<16xi32>
          %and3A_185 = arith.constant 1 : i32
          %and3A_186 = vector.broadcast %and3A_185 : i32 to vector<16xi32>
          %and3A_187 = arith.andi %shift_right_logical3A_184, %and3A_186 : vector<16xi32>
          %eq3A_188 = arith.constant 1 : i32
          %eq3A_189 = vector.broadcast %eq3A_188 : i32 to vector<16xi32>
          %eq3A_190 = arith.cmpi eq, %and3A_187, %eq3A_189 : vector<16xi32>
          %and3A_191 = arith.andi %lt3A_177, %eq3A_190 : vector<16xi1>
          %not3A_192 = arith.constant dense<true> : vector<16xi1>
          %not3A_193 = arith.xori %eq3A_190, %not3A_192 : vector<16xi1>
          %and3A_194 = arith.andi %lt3A_177, %not3A_193 : vector<16xi1>
          %swap3A_195 = arith.index_cast %scan3A_161 : i32 to index
          %swap3A_196 = tpu.vector_load %arg8[%swap3A_195] masked %and3A_194 {strides = array<i32>} : memref<1024xi32, #tpu.memory_space<vmem>>, vector<16xi32>, vector<16xi1>
          tpu.vector_store %arg8[%swap3A_195], %get3A_166 masked %and3A_194 {strides = array<i32>} : memref<1024xi32, #tpu.memory_space<vmem>>, vector<16xi32>, vector<16xi1>
          %swap3A_197 = arith.index_cast %scan3A_161 : i32 to index
          %swap3A_198 = tpu.vector_load %arg9[%swap3A_197] masked %and3A_194 {strides = array<i32>} : memref<1024xi32, #tpu.memory_space<vmem>>, vector<16xi32>, vector<16xi1>
          tpu.vector_store %arg9[%swap3A_197], %get3A_170 masked %and3A_194 {strides = array<i32>} : memref<1024xi32, #tpu.memory_space<vmem>>, vector<16xi32>, vector<16xi1>
          %swap3A_199 = arith.index_cast %scan3A_162 : i32 to index
          %swap3A_200 = tpu.vector_load %arg8[%swap3A_199] masked %and3A_191 {strides = array<i32>} : memref<1024xi32, #tpu.memory_space<vmem>>, vector<16xi32>, vector<16xi1>
          tpu.vector_store %arg8[%swap3A_199], %get3A_166 masked %and3A_191 {strides = array<i32>} : memref<1024xi32, #tpu.memory_space<vmem>>, vector<16xi32>, vector<16xi1>
          %swap3A_201 = arith.index_cast %scan3A_162 : i32 to index
          %swap3A_202 = tpu.vector_load %arg9[%swap3A_201] masked %and3A_191 {strides = array<i32>} : memref<1024xi32, #tpu.memory_space<vmem>>, vector<16xi32>, vector<16xi1>
          tpu.vector_store %arg9[%swap3A_201], %get3A_170 masked %and3A_191 {strides = array<i32>} : memref<1024xi32, #tpu.memory_space<vmem>>, vector<16xi32>, vector<16xi1>
          %shift_right_logical3A_203 = vector.broadcast %min3A_151 : i32 to vector<16xi32>
          %shift_right_logical3A_204 = arith.shrui %get3A_166, %shift_right_logical3A_203 : vector<16xi32>
          %and3A_205 = arith.constant 1 : i32
          %and3A_206 = vector.broadcast %and3A_205 : i32 to vector<16xi32>
          %and3A_207 = arith.andi %shift_right_logical3A_204, %and3A_206 : vector<16xi32>
          %eq3A_208 = arith.constant 1 : i32
          %eq3A_209 = vector.broadcast %eq3A_208 : i32 to vector<16xi32>
          %eq3A_210 = arith.cmpi eq, %and3A_207, %eq3A_209 : vector<16xi32>
          %all_reduce_population_count3A = tpu.all_reduce %and3A_194 {dim = 0 : i64, kind = #tpu.reduction_kind<sum>} : vector<16xi1> -> vector<16xi32>
          %slice3A = vector.extract_strided_slice %all_reduce_population_count3A {offsets = [0], sizes = [1], strides = [1]} : vector<16xi32> to vector<1xi32>
          %squeeze3A = vector.extract %slice3A[0] : i32 from vector<1xi32>
          %add3A_211 = arith.addi %scan3A_161, %squeeze3A : i32
          %sub3A_212 = arith.subi %min3A_183, %squeeze3A : i32
          %add3A_213 = arith.addi %scan3A_162, %sub3A_212 : i32
          %and3A_214 = arith.andi %lt3A_177, %eq3A_210 : vector<16xi1>
          %all_reduce_population_count3A_215 = tpu.all_reduce %and3A_214 {dim = 0 : i64, kind = #tpu.reduction_kind<sum>} : vector<16xi1> -> vector<16xi32>
          %slice3A_216 = vector.extract_strided_slice %all_reduce_population_count3A_215 {offsets = [0], sizes = [1], strides = [1]} : vector<16xi32> to vector<1xi32>
          %squeeze3A_217 = vector.extract %slice3A_216[0] : i32 from vector<1xi32>
          %add3A_218 = arith.addi %scan3A_163, %squeeze3A_217 : i32
          scf.yield %add3A_211, %add3A_213, %add3A_218 : i32, i32, i32
        }
        %scan3A_159 = arith.constant 63 : i32
        scf.yield %scan3A_158#2 : i32
      }
      %scan3A_110 = arith.constant 16 : i32
      %broadcast_in_dim3A = arith.constant 0 : i32
      %broadcast_in_dim3A_111 = vector.broadcast %broadcast_in_dim3A : i32 to vector<16xi32>
      %swap3A = arith.constant 1000 : index
      %swap3A_112 = tpu.vector_load %arg9[%swap3A] {strides = array<i32>} : memref<1024xi32, #tpu.memory_space<vmem>>, vector<16xi32>,
      tpu.vector_store %arg9[%swap3A], %broadcast_in_dim3A_111 {strides = array<i32>} : memref<1024xi32, #tpu.memory_space<vmem>>, vector<16xi32>,
      %swap3A_113 = arith.constant 1008 : index
      %swap3A_114 = tpu.vector_load %arg9[%swap3A_113] {strides = array<i32>} : memref<1024xi32, #tpu.memory_space<vmem>>, vector<16xi32>,
      tpu.vector_store %arg9[%swap3A_113], %broadcast_in_dim3A_111 {strides = array<i32>} : memref<1024xi32, #tpu.memory_space<vmem>>, vector<16xi32>,
      %mul3A_115 = arith.constant 1024 : i32
      %mul3A_116 = arith.muli %add3A, %mul3A_115 : i32
      "tpu.region"() ({
        %run_scoped3A = tpu.sem_alloc : memref<!tpu.dma_semaphore, #tpu.memory_space<semaphore_mem>>
        %dma_start3A = tpu.memref_slice %arg3[%mul3A_116] : memref<8192xi32, #tpu.memory_space<hbm>> -> memref<1024xi32, #tpu.memory_space<hbm>>
        %dma_start3A_125 = tpu.memref_slice %arg3[%mul3A_116] : memref<8192xi32, #tpu.memory_space<hbm>> -> memref<1024xi32, #tpu.memory_space<hbm>>
        tpu.enqueue_dma source(%arg9 : memref<1024xi32, #tpu.memory_space<vmem>>) target(%dma_start3A_125 : memref<1024xi32, #tpu.memory_space<hbm>>) target_semaphore(%run_scoped3A : memref<!tpu.dma_semaphore, #tpu.memory_space<semaphore_mem>>)
        %dma_wait3A = tpu.memref_slice %arg3[%mul3A_116] : memref<8192xi32, #tpu.memory_space<hbm>> -> memref<1024xi32, #tpu.memory_space<hbm>>
        %dma_wait3A_126 = tpu.memref_slice %arg3[%mul3A_116] : memref<8192xi32, #tpu.memory_space<hbm>> -> memref<1024xi32, #tpu.memory_space<hbm>>
        tpu.wait_dma2 semaphore(%run_scoped3A : memref<!tpu.dma_semaphore, #tpu.memory_space<semaphore_mem>>) src(%arg9 : memref<1024xi32, #tpu.memory_space<vmem>>) dst(%dma_wait3A_126 : memref<1024xi32, #tpu.memory_space<hbm>>)
        tpu.yield
      }) : () -> ()
      %scan3A_117 = arith.constant 0 : i32
      %scan3A_118 = arith.constant 0 : i32
      %scan3A_119 = arith.constant 63 : i32
      %scan3A_120 = arith.addi %scan3A_118, %scan3A_119 : i32
      %scan3A_121 = arith.constant 1 : i32
      scf.for %scan3A_125 = %scan3A_118 to %scan3A_120 step %scan3A_121  : i32 {
        %mul3A_126 = arith.constant 16 : i32
        %mul3A_127 = arith.muli %scan3A_125, %mul3A_126 : i32
        %get3A = arith.index_cast %mul3A_127 : i32 to index
        %get3A_128 = tpu.vector_load %arg8[%get3A] {strides = array<i32>} : memref<1024xi32, #tpu.memory_space<vmem>>, vector<16xi32>,
        %not3A_129 = arith.constant dense<-1> : vector<16xi32>
        %not3A_130 = arith.xori %get3A_128, %not3A_129 : vector<16xi32>
        %ge3A = arith.constant -2147483648 : i32
        %ge3A_131 = vector.broadcast %ge3A : i32 to vector<16xi32>
        %ge3A_132 = arith.cmpi uge, %not3A_130, %ge3A_131 : vector<16xi32>
        %xor3A = arith.constant -2147483648 : i32
        %xor3A_133 = vector.broadcast %xor3A : i32 to vector<16xi32>
        %xor3A_134 = arith.xori %not3A_130, %xor3A_133 : vector<16xi32>
        %not3A_135 = arith.constant dense<-1> : vector<16xi32>
        %not3A_136 = arith.xori %not3A_130, %not3A_135 : vector<16xi32>
        %select_n3A_137 = arith.select %ge3A_132, %xor3A_134, %not3A_136 : vector<16xi1>, vector<16xi32>
        %bitcast3A = vector.bitcast %select_n3A_137 : vector<16xi32> to vector<16xf32>
        %neg3A = arith.constant 0.000000e+00 : f32
        %neg3A_138 = vector.broadcast %neg3A : f32 to vector<16xf32>
        %neg3A_139 = arith.subf %neg3A_138, %bitcast3A : vector<16xf32>
        %exp3A = math.exp %neg3A_139 : vector<16xf32>
        %add3A_140 = arith.constant 1.000000e+00 : f32
        %add3A_141 = vector.broadcast %add3A_140 : f32 to vector<16xf32>
        %add3A_142 = arith.addf %add3A_141, %exp3A : vector<16xf32>
        %div3A_143 = arith.constant 1.000000e+00 : f32
        %div3A_144 = vector.broadcast %div3A_143 : f32 to vector<16xf32>
        %div3A_145 = arith.divf %div3A_144, %add3A_142 : vector<16xf32>
        %mul3A_146 = arith.constant 16 : i32
        %mul3A_147 = arith.muli %scan3A_125, %mul3A_146 : i32
        %swap3A_148 = arith.index_cast %mul3A_147 : i32 to index
        %swap3A_149 = tpu.vector_load %arg12[%swap3A_148] {strides = array<i32>} : memref<1008xf32, #tpu.memory_space<vmem>>, vector<16xf32>,
        tpu.vector_store %arg12[%swap3A_148], %div3A_145 {strides = array<i32>} : memref<1008xf32, #tpu.memory_space<vmem>>, vector<16xf32>,
      }
      %scan3A_122 = arith.constant 63 : i32
      %mul3A_123 = arith.constant 1000 : i32
      %mul3A_124 = arith.muli %add3A, %mul3A_123 : i32
      "tpu.region"() ({
        %run_scoped3A = tpu.sem_alloc : memref<!tpu.dma_semaphore, #tpu.memory_space<semaphore_mem>>
        %dma_start3A = arith.constant 0 : i32
        %dma_start3A_125 = tpu.memref_slice %arg12[%dma_start3A] : memref<1008xf32, #tpu.memory_space<vmem>> -> memref<1000xf32, #tpu.memory_space<vmem>>
        %dma_start3A_126 = tpu.memref_slice %arg4[%mul3A_124] : memref<8000xf32, #tpu.memory_space<hbm>> -> memref<1000xf32, #tpu.memory_space<hbm>>
        %dma_start3A_127 = tpu.memref_slice %arg4[%mul3A_124] : memref<8000xf32, #tpu.memory_space<hbm>> -> memref<1000xf32, #tpu.memory_space<hbm>>
        %dma_start3A_128 = arith.constant 0 : i32
        %dma_start3A_129 = tpu.memref_slice %arg12[%dma_start3A_128] : memref<1008xf32, #tpu.memory_space<vmem>> -> memref<1000xf32, #tpu.memory_space<vmem>>
        tpu.enqueue_dma source(%dma_start3A_129 : memref<1000xf32, #tpu.memory_space<vmem>>) target(%dma_start3A_127 : memref<1000xf32, #tpu.memory_space<hbm>>) target_semaphore(%run_scoped3A : memref<!tpu.dma_semaphore, #tpu.memory_space<semaphore_mem>>)
        %dma_wait3A = arith.constant 0 : i32
        %dma_wait3A_130 = tpu.memref_slice %arg12[%dma_wait3A] : memref<1008xf32, #tpu.memory_space<vmem>> -> memref<1000xf32, #tpu.memory_space<vmem>>
        %dma_wait3A_131 = tpu.memref_slice %arg4[%mul3A_124] : memref<8000xf32, #tpu.memory_space<hbm>> -> memref<1000xf32, #tpu.memory_space<hbm>>
        %dma_wait3A_132 = tpu.memref_slice %arg4[%mul3A_124] : memref<8000xf32, #tpu.memory_space<hbm>> -> memref<1000xf32, #tpu.memory_space<hbm>>
        %dma_wait3A_133 = arith.constant 0 : i32
        %dma_wait3A_134 = tpu.memref_slice %arg12[%dma_wait3A_133] : memref<1008xf32, #tpu.memory_space<vmem>> -> memref<1000xf32, #tpu.memory_space<vmem>>
        tpu.wait_dma2 semaphore(%run_scoped3A : memref<!tpu.dma_semaphore, #tpu.memory_space<semaphore_mem>>) src(%dma_wait3A_134 : memref<1000xf32, #tpu.memory_space<vmem>>) dst(%dma_wait3A_132 : memref<1000xf32, #tpu.memory_space<hbm>>)
        tpu.yield
      }) : () -> ()
    } else {
    }
    return
  }
}

</mosaic_0001>

<sc_bundles>
// kernel: kernel.4.cloned.1.call-start
scs
__scs_entry_jumppad:
0x0: {  	(pc) =	sbr.rel $0x88, $3  }
0x1: {  	(tag) =	ssettag $0x0;
	lr =	simm.s32 $0x1  }
0x2: {  	[smem:$0x3F9B] =	sst lr;
	_ =	strace $0xD0000000  }
0x3: {  	_ = 	snop  }
0x4: {  	_ = 	snop  }
0x5: {  	_ = 	snop  }
0x6: {  	_ = 	snop  }
0x7: {  	_ = 	snop  }
__scs_overlays_trampoline_lowered:
0x8: {  	[smem:$0x3FAA] =	sst s0  }
0x9: {  	[smem:$0x3FAB] =	sst s1  }
0xa: {  	[smem:$0x3FAC] =	sst s2  }
0xb: {  	[smem:$0x3FAD] =	sst s3  }
0xc: {  	[smem:$0x3FAE] =	sst s4  }
0xd: {  	[smem:$0x3FAF] =	sst s5  }
0xe: {  	[smem:$0x3FB0] =	sst s6  }
0xf: {  	[smem:$0x3FB1] =	sst s7  }
0x10: {  	[smem:$0x3FB2] =	sst s8  }
0x11: {  	[smem:$0x3FB3] =	sst s9;
	s0 =	simm.s32 @!p0 $0x0  }
0x12: {  	s1 =	sld [smem:$0x3F99];
	s0 =	simm.s32 @p0 $0x1  }
0x13: {  	[smem:$0x3FB4] =	sst s0;
	s0 =	simm.s32 @!p1 $0x0  }
0x14: {  	s2 =	sld [smem:$0x3F98];
	s0 =	simm.s32 @p1 $0x1  }
0x15: {  	[smem:$0x3FB5] =	sst s0;
	s0 =	simm.s32 @!p2 $0x0  }
0x16: {  	s3 =	sld [smem:$0x3FDB];
	s0 =	simm.s32 @p2 $0x1  }
0x17: {  	s4 =	simm.s32 $0x1BF5;
	[smem:$0x3FB7] =	sst s0  }
0x18: {  	s0 =	sld [smem:$0x3F9A];
	_ =	swait.ge [sflag:s4], $0x0  }
0x19: {  	s7 =	sld [smem:$0x3F9B]  }
0x1a: {  	s8 =	sadd.s32 $0xFFFFE003, lr  }
0x1b: {  	s9 =	sadd.s32 $0xFFFFFEF7, lr;
	s5 =	simm.s32 $0xFFFFFFFF;
	p2 =	slt.u32 s8, $0xFFFFF086  }
0x1c: {  	p1 =	slt.u32 s9, $0xF7A;
	s5 =	simm.s32 @!p2 $0x0  }
0x1d: {  	s5 =	simm.s32 @p1 $0x1;
	p0 =	seq.s32 s7, s2  }
0x1e: {  	s7 =	smul.u32 @!p0 $0xF7A, s2;
	p2 =	seq.s32 @!p0 s5, $0x0  }
0x1f: {  	s9 =	smul.u32 $0xF7A, s1;
	s8 =	simm.s32 @!p0 $0x1BF5;
	p2 =	por !p2, p0  }
0x20: {  	[sflag:s8] =	ssyncset.s32 @!p0 $0xFFFFF086;
	s6 =	sadd.s32 @!p0 s3, s7;
	s7 =	simm.s32 @!p0 $0x108  }
0x21: {  	s3 =	sadd.s32 s3, s9;
	s6 =	sadd.s32 @!p0 $0x88, s6;
	s7 =	simm.s32 @p2 $0x1082  }
0x22: {  	[simem:s7], [sflag:s8] =	dma.local @!p0 [hbm:s6], $0xF7A  }
0x23: {  	s9 =	sor.u32 $0xD0000000, s2;
	s6 =	simm.s32 $0x108;
	_ =	swait.ge @!p0 [sflag:s8], $0x0  }
0x24: {  	s3 =	sadd.s32 $0x88, s3;
	s6 =	simm.s32 @!p1 $0x1082;
	[sflag:s4] =	ssyncset.s32 $0xFFFFF086  }
0x25: {  	[simem:s6], [sflag:s4] =	dma.local [hbm:s3], $0xF7A  }
0x26: {  	[smem:$0x3F9B] =	sst s1;
	(tag) =	ssettag s2;
	_ =	strace s9  }
0x27: {  	s1 =	sld [smem:$0x3FAB]  }
0x28: {  	s2 =	sld [smem:$0x3FAC]  }
0x29: {  	s4 =	sld [smem:$0x3FAE]  }
0x2a: {  	p0 =	seq.s32 s5, $0x0;
	s5 =	sld [smem:$0x3FAF]  }
0x2b: {  	s6 =	sld [smem:$0x3FB0]  }
0x2c: {  	s7 =	sld [smem:$0x3FB1]  }
0x2d: {  	s3 =	simm.s32 $0x108;
	s8 =	sld [smem:$0x3FB2]  }
0x2e: {  	s3 =	simm.s32 @!p0 $0x1082;
	s9 =	sld [smem:$0x3FB3]  }
0x2f: {  	lr =	sadd.s32 s0, s3;
	s0 =	sld [smem:$0x3FAA]  }
0x30: {  	s3 =	sld [smem:$0x3FAD]  }
0x31: {  	[smem:$0x3FB6] =	sst s10  }
0x32: {  	s10 =	sld [smem:$0x3FB4];
	_ =	sdelay $0x3  }
0x33: {  	p0 =	seq.s32 s10, $0x1;
	s10 =	sld [smem:$0x3FB6];
	_ =	sdelay $0x3  }
0x34: {  	[smem:$0x3FB6] =	sst s10  }
0x35: {  	s10 =	sld [smem:$0x3FB5];
	_ =	sdelay $0x3  }
0x36: {  	p1 =	seq.s32 s10, $0x1;
	s10 =	sld [smem:$0x3FB6];
	_ =	sdelay $0x3  }
0x37: {  	[smem:$0x3FB6] =	sst s10  }
0x38: {  	s10 =	sld [smem:$0x3FB7]  }
0x39: {  	_ = 	snop;
	(pc) =	sbr.ind lr, $3  }
0x3a: {  	_ = 	snop  }
0x3b: {  	_ = 	snop  }
0x3c: {  	p2 =	seq.s32 s10, $0x1;
	s10 =	sld [smem:$0x3FB6]  }
0x3d: {  	_ =	shalt  }
0x3e: {  	_ =	shalt  }
0x3f: {  	_ =	shalt  }
0x40: {  	_ =	shalt  }
0x41: {  	_ =	shalt  }
0x42: {  	_ =	shalt  }
0x43: {  	_ =	shalt  }
0x44: {  	_ =	shalt  }
0x45: {  	_ =	shalt  }
0x46: {  	_ =	shalt  }
0x47: {  	_ =	shalt  }
0x48: {  	_ =	shalt  }
0x49: {  	_ =	shalt  }
0x4a: {  	_ =	shalt  }
0x4b: {  	_ =	shalt  }
0x4c: {  	_ =	shalt  }
0x4d: {  	_ =	shalt  }
0x4e: {  	_ =	shalt  }
0x4f: {  	_ =	shalt  }
0x50: {  	_ =	shalt  }
0x51: {  	_ =	shalt  }
0x52: {  	_ =	shalt  }
0x53: {  	_ =	shalt  }
0x54: {  	_ =	shalt  }
0x55: {  	_ =	shalt  }
0x56: {  	_ =	shalt  }
0x57: {  	_ =	shalt  }
0x58: {  	_ =	shalt  }
0x59: {  	_ =	shalt  }
0x5a: {  	_ =	shalt  }
0x5b: {  	_ =	shalt  }
0x5c: {  	_ =	shalt  }
0x5d: {  	_ =	shalt  }
0x5e: {  	_ =	shalt  }
0x5f: {  	_ =	shalt  }
0x60: {  	_ =	shalt  }
0x61: {  	_ =	shalt  }
0x62: {  	_ =	shalt  }
0x63: {  	_ =	shalt  }
0x64: {  	_ =	shalt  }
0x65: {  	_ =	shalt  }
0x66: {  	_ =	shalt  }
0x67: {  	_ =	shalt  }
0x68: {  	_ =	shalt  }
0x69: {  	_ =	shalt  }
0x6a: {  	_ =	shalt  }
0x6b: {  	_ =	shalt  }
0x6c: {  	_ =	shalt  }
0x6d: {  	_ =	shalt  }
0x6e: {  	_ =	shalt  }
0x6f: {  	_ =	shalt  }
0x70: {  	_ =	shalt  }
0x71: {  	_ =	shalt  }
0x72: {  	_ =	shalt  }
0x73: {  	_ =	shalt  }
0x74: {  	_ =	shalt  }
0x75: {  	_ =	shalt  }
0x76: {  	_ =	shalt  }
0x77: {  	_ =	shalt  }
0x78: {  	_ =	shalt  }
0x79: {  	_ =	shalt  }
0x7a: {  	_ =	shalt  }
0x7b: {  	_ =	shalt  }
0x7c: {  	_ =	shalt  }
0x7d: {  	_ =	shalt  }
0x7e: {  	_ =	shalt  }
0x7f: {  	_ =	shalt  }
0x80: {  	_ =	shalt  }
0x81: {  	_ =	shalt  }
0x82: {  	_ =	shalt  }
0x83: {  	_ =	shalt  }
0x84: {  	_ =	shalt  }
0x85: {  	_ =	shalt  }
0x86: {  	_ =	shalt  }
0x87: {  	_ =	shalt  }
.Lfunc_end0:
.L_simem_size_0:
called_computation_lowered:
.L_overlay_start_0:
0x88: {  	s2 =	sld [smem:$0x3FD9]  }
0x89: {  	s3 =	sld [smem:$0x3FFE];
	_ =	sdelay $0x1  }
0x8a: {  	s1 =	srdreg.scid  }
0x8b: {  	s0 =	sand.u32 $0x1, s1  }
0x8c: {  	s15 =	sshll.u32 s0, $0xA;
	s2 =	sadd.s32 s3, s2  }
0x8d: {  	s2 =	sadd.s32 s2, s15  }
0x8e: {  	[smem:$0x3FC2] =	sst s2  }
0x8f: {  	_ = 	snop  }
0x90: {  	s2 =	sld [smem:$0x3FD0];
	_ =	sdelay $0x2  }
0x91: {  	s16 =	simm.s32 $0xA;
	s4 =	simm.s32 $0x10  }
0x92: {  	[smem:s4], [sflag:s16] =	dma.local [hbm:s2], $0x1  }
0x93: {  	_ =	swait.eq [sflag:s16], $0x1  }
0x94: {  	s17 =	sld [smem:$0x10];
	[sflag:s16] =	ssyncset.done $0x0  }
0x95: {  	s18 =	sld [smem:$0x11];
	[sflag:s16] =	ssyncadd.s32 $0xFFFFFFFF  }
0x96: {  	s19 =	sld [smem:$0x12];
	(tm) =	ssettm $0x1  }
0x97: {  	s5 =	sld [smem:$0x3FFB];
	_ =	sdelay $0x3  }
0x98: {  	_ =	strace s5  }
0x99: {  	s5 =	sld [smem:$0x3FFC];
	_ =	sdelay $0x3  }
0x9a: {  	_ =	strace s5  }
0x9b: {  	s5 =	sld [smem:$0x3FFD];
	_ =	sdelay $0x3  }
0x9c: {  	_ =	strace s5  }
0x9d: {  	_ =	strace $0x8FFFFFFF  }
0x9e: {  	s20 =	sld [smem:$0x3FDB];
	_ =	sdelay $0x1  }
0x9f: {  	s6 =	simm.s32 $_scs_section_size  }
0xa0: {  	s7 =	simm.s32 $_size__tile_overlayer_lowered;
	s8 =	simm.s32 $_tile_overlayer_lowered  }
0xa1: {  	s23 =	simm.s32 $0x1BFF;
	s22 =	sshll.u32 s8, $0x1;
	s5 =	sadd.s32 s6, s20  }
0xa2: {  	s9 =	simm.s32 $0x0;
	s21 =	sshll.u32 s7, $0x1;
	s7 =	sadd.s32 s22, s5  }
0xa3: {  	[timem:s9], [sflag:s23] =	dma.local [hbm:s7], s21  }
0xa4: {  	_ =	swait.ge [sflag:s23], s21  }
0xa5: {  	s6 =	ssub.s32 $0x0, s21;
	[sflag:s23] =	ssyncset.done $0x0  }
0xa6: {  	[sflag:s23] =	ssyncadd.s32 s6;
	_ =	sdelay $0x1  }
0xa7: {  	s24 =	simm.s32 $0x1B8B  }
0xa8: {  	_ =	swait.ge [sflag:s24], $0x1  }
0xa9: {  	[sflag:s24] =	ssyncset.done $0x0  }
0xaa: {  	s25 =	simm.s32 $0x1B8E;
	[sflag:s24] =	ssyncadd.s32 $0xFFFFFFFF  }
0xab: {  	s26 =	simm.s32 $execute0_lowered;
	[smem:$0x3FD2] =	sst s25  }
0xac: {  	s6 =	sshll.u32 s26, $0x1;
	_ =	strace $0x80000046;
	[dreg:$0x1] =	wrdreg $0xFFFFFFFF  }
0xad: {  	s28 =	simm.s32 $_size_execute0_lowered;
	s5 =	sadd.s32 s5, s6;
	[dreg:$0x0] =	wrdreg $0x0  }
0xae: {  	s6 =	sshll.u32 s28, $0x1;
	[dreg:$0x2] =	wrdreg s5  }
0xaf: {  	[dreg:$0x3] =	wrdreg s6  }
0xb0: {  	[dreg:$0x4] =	wrdreg $0xC0  }
0xb1: {  	_ =	task [dreg:s9], $0x5FFFF  }
0xb2: {  	[dreg:$0x1] =	wrdreg $0xFFFFFFFF  }
0xb3: {  	[dreg:$0x0] =	wrdreg $0x60  }
0xb4: {  	[dreg:$0x2] =	wrdreg s19  }
0xb5: {  	[dreg:$0x3] =	wrdreg s17  }
0xb6: {  	[dreg:$0x4] =	wrdreg s18  }
0xb7: {  	[dreg:$0x5] =	wrdreg $0x9  }
0xb8: {  	_ =	task.clear_ibuf [dreg:s9], $0x6FFFF;
	_ =	strace $0x90000046  }
0xb9: {  	s29 =	simm.s32 $0x9;
	_ =	strace $0x80000048  }
0xba: {  	_ =	swait.ge [sflag:s29], $0x1  }
0xbb: {  	[sflag:s29] =	ssyncadd.s32 $0xFFFFFFFF  }
0xbc: {  	_ =	strace $0x90000048  }
0xbd: {  	_ =	sfence  }
0xbe: {  	s30 =	sld [smem:$0x0];
	_ =	sdelay $0x2  }
0xbf: {  	s31 =	sshll.u32 s1, $0xD;
	s1 =	sshrl.u32 s1, $0x2  }
0xc0: {  	s3 =	sand.u32 $0x4000, s31;
	s1 =	sadd.s32 s1, s30  }
0xc1: {  	s0 =	sor.u32 s3, s0;
	s1 =	sshll.u32 s1, $0x11  }
0xc2: {  	s0 =	sor.u32 s1, s0  }
0xc3: {  	s0 =	sadd.s32 $0x8F2B, s0  }
0xc4: {  	[sflag:s0] =	ssyncadd.remote.s32 $0x1  }
0xc5: {  	_ =	sfence.sel $0xFFFF  }
0xc6: {  	[dreg:$0x0] =	wrdreg $0xFFFFFFFF;
	(pc) =	sbr.abs _section_cstart, $3  }
0xc7: {  	[dreg:$0x1] =	wrdreg $0xFFFFFFFF  }
0xc8: {  	_ =	task.clear_ibuf [dreg:s9], $0x2FFFF;
	_ =	strace $0x9FFFFFFF  }
0xc9: {  	(tm) =	ssettm $0x7FFFFFFF  }
tec
execute0_lowered:
.L_overlay_start_1:
0x0: {  	(tag) =	ssettag $0x1  }
0x1: {  	s1 =	stileid.u32  }
0x2: {  	s6 =	sand.u32 $0x3, s1  }
0x3: {  	p0 =	sne.s32 s6, $0x0  }
.Ltmp0:
0x4: {  	s5 =	rddreg [dreg:$0x0];
	(pc) =	sbr.rel @!p0 .LBB2_1-.Ltmp0, $4  }
0x5: {  	s3 =	rddreg [dreg:$0x1]  }
0x6: {  	s4 =	rddreg [dreg:$0x2];
	s2 =	simm.s32 $0x0  }
0x7: {  	[smem:$0x7FF] =	sst s2  }
0x8: {  	s0 =	rddreg [dreg:$0x3];
	_ =	strace $0x80000047  }
.LBB2_44:
0x9: {  	_ =	sfence.sel $0x180000  }
0xa: {  	[bflag:$0x0] =	sbarrier.arrive $0xFFFF  }
0xb: {  	p0 =	sne.s32 s1, $0x0;
	_ =	strace $0x90000047  }
0xc: {  	s0 =	sadd.s32 @!p0 $0x100000, s0;
	[bflag:$0x2] =	sbarrier.arrive $0xFFFF  }
0xd: {  	[sflag:s0] =	ssyncadd.tile.s32 @!p0 $0x1;
	_ =	shalt  }
.LBB2_1:
0xe: {  	s6 =	srdreg.scid  }
0xf: {  	s6 =	sand.u32 $0x1, s6  }
0x10: {  	s8 =	sshrl.u32 s1, $0x2;
	s7 =	sshll.u32 s6, $0x2  }
0x11: {  	s11 =	simm.s32 $0xFAA0;
	s7 =	sor.u32 s8, s7  }
0x12: {  	s12 =	simm.s32 $0x0;
	s6 =	ssub.s32 $0x2, s6;
	s8 =	smul.u32 $0x7D, s7  }
0x13: {  	v0 =	vlaneseq.u32;
	s10 =	sshrl.u32 s6, $0x1;
	s9 =	sshll.u32 s7, $0x7;
	s7 =	smul.u32 $0x9C4, s7  }
0x14: {  	v2 =	vmul.u32 $0xFFFFFFFF, v0;
	s6 =	ssub.s32 s6, s10;
	s10 =	simm.s32 $0xEEA0;
	s3 =	sadd.s32 s3, s9  }
0x15: {  	s6 =	smax.u32 s6, $0x1;
	s9 =	simm.s32 $0x40000000;
	s4 =	sadd.s32 s4, s8  }
0x16: {  	vm0 =	vmxor vm0, vm0;
	v1 =	vimm.s32 $0x0;
	v2 =	vadd.s32 $0x3E8, v2;
	s5 =	sadd.s32 s5, s7;
	s7 =	simm.s32 $0x1;
	s8 =	simm.s32 $0x80000000  }
.LBB2_2:
0x17: {  	s13 =	simm.s32 $0x0;
	p3 =	por $0x0, $0x0  }
0x18: {  	[tilespmem:s13], [sflag:$0x1] =	stream.linear.gather [hbm4b:s5+s13], $0x4E20, $0x38;
	[tilespmem:$0xFE90] =	vst v63  }
.Ltmp1:
0x19: {  	_ = 	snop;
	(pc) =	sbr.rel @p3 .LBB2_3-.Ltmp1, $4  }
0x1a: {  	_ =	swait.ge [sflag:s7], $0x4E20  }
0x1b: {  	[sflag:s7] =	ssyncset.done $0x0  }
0x1c: {  	s14 =	simm.s32 $0x0;
	[sflag:s7] =	ssyncadd.s32 $0xFFFFB1E0  }
0x1d: {  	p0 =	por $0x0, $0x0;
	p1 =	por $0x0, $0x0;
	p2 =	por $0x0, $0x0;
	v3 =	vld [tilespmem:s14+$0x0]  }
0x1e: {  	_ =	sdelay $0x3  }
0x1f: {  	vm1 =	vlt.s32 v3, $0x0;
	v4 =	vxor.u32 $0xFFFFFFFF, v3;
	v3 =	vor.u32 $0x80000000, v3  }
0x20: {  	v4 =	vsel vm1, v4, v3  }
0x21: {  	vm1 =	vlt.s32 v4, $0x0  }
0x22: {  	v5 =	vmpcnt.ones.xlane vm1;
	_ =	sdelay $0x1  }
0x23: {  	(v2sf) =	vpush v5, $0x0;
	_ =	sdelay $0x6  }
0x24: {  	p3 =	por $0x0, $0x0  }
.Ltmp2:
0x25: {  	_ = 	snop;
	(pc) =	sbr.rel @p3 .LBB2_5-.Ltmp2, $3  }
0x26: {  	_ =	sdelay $0x1  }
0x27: {  	s15 =	simm.s32 $0x10  }
0x28: {  	p0 =	por $0x1, $0x1;
	v3 =	vld [tilespmem:s15+$0x0];
	[tilespmem:s14+$0x4E20] =	vst v4  }
0x29: {  	_ =	sdelay $0x3  }
0x2a: {  	vm1 =	vlt.s32 v3, $0x0;
	v4 =	vxor.u32 $0xFFFFFFFF, v3;
	v3 =	vor.u32 $0x80000000, v3  }
0x2b: {  	v4 =	vsel vm1, v4, v3  }
0x2c: {  	vm1 =	vlt.s32 v4, $0x0  }
0x2d: {  	v5 =	vmpcnt.ones.xlane vm1;
	_ =	sdelay $0x1  }
0x2e: {  	(v2sf) =	vpush v5, $0x0;
	_ =	sdelay $0x3  }
0x2f: {  	p3 =	por $0x0, $0x0  }
.Ltmp3:
0x30: {  	_ = 	snop;
	(pc) =	sbr.rel @p3 .LBB2_7-.Ltmp3, $3  }
0x31: {  	_ =	sdelay $0x1  }
0x32: {  	s14 =	simm.s32 $0x20  }
0x33: {  	p1 =	por $0x1, $0x1;
	v3 =	vld [tilespmem:s14+$0x0];
	[tilespmem:s15+$0x4E20] =	vst v4  }
0x34: {  	_ =	sdelay $0x3  }
0x35: {  	vm1 =	vlt.s32 v3, $0x0;
	v4 =	vxor.u32 $0xFFFFFFFF, v3;
	v3 =	vor.u32 $0x80000000, v3  }
0x36: {  	v4 =	vsel vm1, v4, v3  }
0x37: {  	vm1 =	vlt.s32 v4, $0x0  }
0x38: {  	v5 =	vmpcnt.ones.xlane vm1;
	_ =	sdelay $0x1  }
0x39: {  	(v2sf) =	vpush v5, $0x0;
	_ =	sdelay $0x3  }
0x3a: {  	s16 =	simm.s32 $0x30;
	p3 =	por $0x0, $0x0  }
.Ltmp4:
0x3b: {  	v3 =	vld [tilespmem:s16+$0x0];
	(pc) =	sbr.rel @p3 .LBB2_9-.Ltmp4, $2  }
0x3c: {  	_ =	sdelay $0x2  }
0x3d: {  	s17 =	simm.s32 $0x100;
	p2 =	por $0x1, $0x1;
	s15 =	simm.s32 $0x0;
	[tilespmem:s14+$0x4E20] =	vst v4  }
.LBB2_10:
0x3e: {  	s14 =	sshra.s32 s17, $0x2;
	p3 =	seq.s32 s17, $0x13840;
	s17 =	sadd.s32 $0x40, s17;
	vm1 =	vlt.s32 v3, $0x0;
	v4 =	vxor.u32 $0xFFFFFFFF, v3;
	v5 =	vor.u32 $0x80000000, v3  }
.Ltmp5:
0x3f: {  	v3 =	vld [tilespmem:s14+$0x0];
	v4 =	vsel vm1, v4, v5;
	(pc) =	sbr.rel @!p3 .LBB2_10-.Ltmp5, $3  }
0x40: {  	[tilespmem:s16+$0x4E20] =	vst v4;
	vm1 =	vlt.s32 v4, $0x0;
	s18 =	spop (v2sf);
	s16 =	smov.u32 s14  }
0x41: {  	v4 =	vmpcnt.ones.xlane vm1;
	s15 =	sadd.s32 s15, s18;
	_ =	sdelay $0x1  }
0x42: {  	(v2sf) =	vpush v4, $0x0  }
0x43: {  	s14 =	smov.u32 s16  }
.LBB2_12:
0x44: {  	vm1 =	vlt.s32 v3, $0x0;
	v4 =	vxor.u32 $0xFFFFFFFF, v3;
	v3 =	vor.u32 $0x80000000, v3  }
0x45: {  	v3 =	vsel vm1, v4, v3  }
0x46: {  	vm1 =	vlt.s32 v3, $0x0  }
0x47: {  	v63 =	vmpcnt.ones.xlane vm1;
	_ =	sdelay $0x1  }
0x48: {  	(v2sf) =	vpush v63, $0x0;
	_ =	sdelay $0x8  }
0x49: {  	s16 =	spop @p2 (v2sf)  }
0x4a: {  	s15 =	sadd.s32 @p2 s15, s16;
	s16 =	simm.s32 $0x0  }
0x4b: {  	s16 =	smov.u32 @p2 s15;
	s15 =	spop @p1 (v2sf)  }
.Ltmp6:
0x4c: {  	s15 =	sadd.s32 @p1 s16, s15;
	s16 =	simm.s32 $0x0;
	(pc) =	sbr.rel .LBB2_13-.Ltmp6, $4  }
0x4d: {  	s16 =	smov.u32 @p1 s15;
	s15 =	spop @p0 (v2sf)  }
0x4e: {  	s15 =	sadd.s32 @p0 s16, s15;
	s16 =	simm.s32 $0x0  }
0x4f: {  	s17 =	simm.s32 $0x3E8;
	s16 =	smov.u32 @p0 s15;
	s31 =	spop (v2sf)  }
0x50: {  	s22 =	simm.s32 $0x4E20;
	[tilespmem:s14+$0x4E20] =	vst v3;
	s14 =	simm.s32 $0x0;
	s16 =	sadd.s32 s16, s31  }
.LBB2_22:
0x51: {  	s22 =	simm.s32 $0x0;
	s18 =	simm.s32 $0x0;
	s21 =	simm.s32 $0x0  }
.LBB2_26:
0x52: {  	v6 =	vld [tilespmem:s19+$0x0];
	_ =	sdelay $0x4  }
0x53: {  	s19 =	sadd.s32 @p2 $0x10, s22;
	s22 =	simm.s32 $0x0;
	v5 =	vshrl.u32 v6, v5  }
0x54: {  	s22 =	smov.u32 @p2 s19;
	v5 =	vand.u32 $0x1, v5  }
0x55: {  	v7 =	vor.u32 s22, v0;
	v4 =	vshrl.u32 v6, v4;
	vm2 =	veq.s32 v5, $0x1  }
0x56: {  	vm3 =	vlt.s32 v7, v3;
	v4 =	vand.u32 $0x1, v4;
	vm1 =	vmxor vm1, vm2  }
0x57: {  	vm2 =	veq.s32 v4, $0x1;
	vm1 =	vmand vm3, vm1  }
0x58: {  	v3 =	vmpcnt.ones.xlane vm1;
	vm2 =	vmand vm1, vm2  }
0x59: {  	v63 =	vmpcnt.ones.xlane vm2  }
0x5a: {  	(v2sf) =	vpush v3, $0x0  }
0x5b: {  	(v2sf) =	vpush v63, $0x0;
	_ =	sdelay $0xb  }
0x5c: {  	s19 =	spop @p2 (v2sf)  }
0x5d: {  	s22 =	spop @p2 (v2sf);
	s18 =	sadd.s32 @p2 s18, s19;
	s19 =	simm.s32 $0x0  }
0x5e: {  	s19 =	smov.u32 @p2 s18;
	s18 =	sadd.s32 @p2 s21, s22;
	s30 =	spop (v2sf)  }
0x5f: {  	s16 =	smov.u32 @p2 s18;
	s31 =	spop (v2sf)  }
0x60: {  	[tilespmem:s19+$0x4E20] =	vst.msk vm1, v6;
	s19 =	sadd.s32 s19, s30;
	s16 =	sadd.s32 s16, s31  }
.LBB2_27:
0x61: {  	s18 =	sshrl.u32 s8, s15;
	s14 =	sadd.s32 $0x1, s14  }
0x62: {  	s18 =	simm.s32 @!p0 $0x0;
	p0 =	seq.s32 s14, $0x10  }
.Ltmp7:
0x63: {  	_ = 	snop;
	(pc) =	sbr.rel @p0 .LBB2_28-.Ltmp7, $4  }
0x64: {  	_ = 	snop  }
0x65: {  	s15 =	sshrl.u32 s9, s15  }
0x66: {  	s20 =	simm.s32 @p1 $0x0;
	s15 =	simm.s32 @!p1 $0x0;
	s13 =	sor.u32 s13, s18  }
0x67: {  	s22 =	smov.u32 s19;
	s17 =	ssub.s32 s17, s20;
	s13 =	sor.u32 s15, s13  }
.LBB2_13:
0x68: {  	s15 =	sadd.s32 $0xF, s22  }
0x69: {  	s18 =	sand.u32 $0xF, s15  }
0x6a: {  	s19 =	sshra.s32 s15, $0x1F;
	p0 =	slt.s32 s15, $0x1;
	p1 =	sne.s32 s18, $0x0  }
0x6b: {  	s30 =	sshrl.u32 s19, $0x1C;
	p0 =	por !p0, !p1  }
0x6c: {  	s18 =	simm.s32 $0x1;
	s15 =	sadd.s32 s30, s15;
	p0 =	por !p0, !p0  }
0x6d: {  	s31 =	sshra.s32 s15, $0x4;
	s18 =	simm.s32 @!p0 $0x0  }
0x6e: {  	s23 =	ssub.s32 s31, s18  }
0x6f: {  	p1 =	slt.s32 s23, $0x1  }
.Ltmp8:
0x70: {  	_ = 	snop;
	(pc) =	sbr.rel @p1 .LBB2_20-.Ltmp8, $3  }
0x71: {  	_ =	sdelay $0x1  }
0x72: {  	s21 =	simm.s32 $0x0;
	s20 =	simm.s32 $0x0;
	s15 =	sshll.u32 s14, $0x1  }
0x73: {  	s19 =	simm.s32 $0x0;
	p0 =	sge.s32 s16, s17;
	s18 =	ssub.s32 $0x1E, s15  }
0x74: {  	vm1 =	vmmov vm0  }
0x75: {  	vm1 =	vmneg @p0 vm1  }
0x76: {  	p2 =	sne.s32 s23, $0x1;
	vm1 =	vmneg vm1  }
.Ltmp9:
0x77: {  	v3 =	vsel vm1, $0x1, v1;
	(pc) =	sbr.rel @!p2 .LBB2_15-.Ltmp9, $4  }
0x78: {  	v4 =	vbroadcast v3, $0x0  }
0x79: {  	s20 =	sxor.u32 $0x1F, s15  }
0x7a: {  	s21 =	sadd.s32 $0xFFFFFFFF, s23;
	v5 =	vmov s20;
	v4 =	vand.u32 $0x1, v4  }
0x7b: {  	p1 =	por $0x0, $0x0;
	s20 =	simm.s32 $0x0;
	v3 =	vmov s22;
	s22 =	simm.s32 $0x4E20;
	vm1 =	veq.s32 v4, $0x1;
	v4 =	vmov s18  }
0x7c: {  	v6 =	vld [tilespmem:s22+$0x0];
	_ =	sdelay $0x4  }
0x7d: {  	v7 =	vshrl.u32 v6, v5  }
0x7e: {  	v7 =	vand.u32 $0x1, v7  }
0x7f: {  	v9 =	vor.u32 s20, v0;
	v8 =	vshrl.u32 v6, v4;
	vm2 =	veq.s32 v7, $0x1  }
0x80: {  	vm3 =	vlt.s32 v9, v3;
	v7 =	vand.u32 $0x1, v8;
	vm2 =	vmxor vm1, vm2  }
0x81: {  	vm4 =	veq.s32 v7, $0x1;
	vm2 =	vmand vm3, vm2  }
0x82: {  	p2 =	sne.s32 s21, $0x1;
	v7 =	vmpcnt.ones.xlane vm2;
	vm3 =	vmand vm2, vm4  }
.Ltmp10:
0x83: {  	v63 =	vmpcnt.ones.xlane vm3;
	(pc) =	sbr.rel @!p2 .LBB2_17-.Ltmp10, $4  }
0x84: {  	(v2sf) =	vpush v7, $0x0  }
0x85: {  	(v2sf) =	vpush v63, $0x0  }
0x86: {  	s25 =	sadd.s32 $0xFFFFFFFF, s21;
	s22 =	simm.s32 $0x4E30;
	p1 =	por $0x1, $0x1  }
0x87: {  	s24 =	simm.s32 $0x0;
	s21 =	simm.s32 $0x0;
	s23 =	simm.s32 $0x0;
	[tilespmem:s20+$0x9C60] =	vst.msk vm2, v6  }
.LBB2_18:
0x88: {  	p2 =	sne.s32 s25, $0x1;
	v6 =	vld [tilespmem:s22+$0x0];
	_ =	sdelay $0x4  }
0x89: {  	v7 =	vshrl.u32 v6, v5;
	v8 =	vshrl.u32 v6, v4  }
0x8a: {  	s24 =	sadd.s32 $0x10, s24;
	v7 =	vand.u32 $0x1, v7;
	v8 =	vand.u32 $0x1, v8  }
0x8b: {  	v9 =	vor.u32 s24, v0;
	vm2 =	veq.s32 v7, $0x1;
	vm3 =	veq.s32 v8, $0x1  }
0x8c: {  	vm4 =	vlt.s32 v9, v3;
	vm2 =	vmxor vm1, vm2  }
0x8d: {  	vm2 =	vmand vm4, vm2  }
0x8e: {  	v7 =	vmpcnt.ones.xlane vm2;
	vm3 =	vmand vm2, vm3  }
.Ltmp11:
0x8f: {  	v8 =	vmpcnt.ones.xlane vm3;
	s26 =	spop (v2sf);
	(pc) =	sbr.rel @p2 .LBB2_18-.Ltmp11, $3  }
0x90: {  	(v2sf) =	vpush v7, $0x0;
	s21 =	sadd.s32 s21, s26;
	s26 =	spop (v2sf)  }
0x91: {  	[tilespmem:s21+$0x9C60] =	vst.msk vm2, v6;
	(v2sf) =	vpush v8, $0x0;
	s23 =	sadd.s32 s23, s26;
	_ =	sdelay $0x1  }
0x92: {  	s25 =	sadd.s32 $0xFFFFFFFF, s25;
	s22 =	sadd.s32 $0x10, s22  }
.LBB2_19:
0x93: {  	v6 =	vld [tilespmem:s22+$0x0];
	_ =	sdelay $0x4  }
0x94: {  	s22 =	sadd.s32 @p1 $0x10, s24;
	s24 =	simm.s32 $0x0;
	v5 =	vshrl.u32 v6, v5  }
0x95: {  	s24 =	smov.u32 @p1 s22;
	v5 =	vand.u32 $0x1, v5  }
0x96: {  	v7 =	vor.u32 s24, v0;
	v4 =	vshrl.u32 v6, v4;
	vm2 =	veq.s32 v5, $0x1  }
0x97: {  	vm3 =	vlt.s32 v7, v3;
	v4 =	vand.u32 $0x1, v4;
	vm1 =	vmxor vm1, vm2  }
0x98: {  	vm2 =	veq.s32 v4, $0x1;
	vm1 =	vmand vm3, vm1  }
0x99: {  	v3 =	vmpcnt.ones.xlane vm1;
	vm2 =	vmand vm1, vm2  }
0x9a: {  	v63 =	vmpcnt.ones.xlane vm2  }
0x9b: {  	(v2sf) =	vpush v3, $0x0  }
0x9c: {  	(v2sf) =	vpush v63, $0x0;
	_ =	sdelay $0xb  }
0x9d: {  	s22 =	spop @p1 (v2sf)  }
0x9e: {  	s24 =	spop @p1 (v2sf);
	s21 =	sadd.s32 @p1 s21, s22;
	s22 =	simm.s32 $0x0  }
0x9f: {  	s22 =	smov.u32 @p1 s21;
	s21 =	sadd.s32 @p1 s23, s24;
	s30 =	spop (v2sf)  }
0xa0: {  	s20 =	smov.u32 @p1 s21;
	s31 =	spop (v2sf)  }
0xa1: {  	[tilespmem:s22+$0x9C60] =	vst.msk vm1, v6;
	s21 =	sadd.s32 s22, s30;
	s20 =	sadd.s32 s20, s31  }
.LBB2_20:
0xa2: {  	s22 =	sadd.s32 $0xF, s21  }
0xa3: {  	s23 =	sand.u32 $0xF, s22  }
0xa4: {  	s31 =	sshra.s32 s22, $0x1F;
	p2 =	slt.s32 s22, $0x1;
	p1 =	sne.s32 s23, $0x0  }
0xa5: {  	s23 =	sshrl.u32 s31, $0x1C;
	p1 =	por !p2, !p1  }
0xa6: {  	s22 =	sadd.s32 s23, s22;
	s23 =	simm.s32 $0x1;
	p1 =	por !p1, !p1  }
0xa7: {  	s22 =	sshra.s32 s22, $0x4;
	s23 =	simm.s32 @!p1 $0x0  }
0xa8: {  	s22 =	ssub.s32 s22, s23  }
0xa9: {  	p2 =	slt.s32 s22, $0x1  }
.Ltmp12:
0xaa: {  	_ = 	snop;
	(pc) =	sbr.rel @p2 .LBB2_27-.Ltmp12, $4  }
0xab: {  	_ = 	snop  }
0xac: {  	s16 =	simm.s32 @p0 $0x0  }
0xad: {  	s17 =	ssub.s32 s17, s16  }
0xae: {  	s16 =	simm.s32 $0x0;
	p1 =	sge.s32 s20, s17  }
0xaf: {  	vm1 =	vmmov vm0  }
0xb0: {  	vm1 =	vmneg @p1 vm1  }
0xb1: {  	p3 =	sne.s32 s22, $0x1;
	vm1 =	vmneg vm1  }
.Ltmp13:
0xb2: {  	v3 =	vsel vm1, $0x1, v1;
	(pc) =	sbr.rel @!p3 .LBB2_22-.Ltmp13, $4  }
0xb3: {  	s16 =	ssub.s32 $0x1D, s15;
	v4 =	vbroadcast v3, $0x0  }
0xb4: {  	p2 =	sgt.s32 s16, $0x0  }
0xb5: {  	s19 =	simm.s32 $0x9C60;
	v5 =	vmov s18;
	s16 =	simm.s32 @!p2 $0x0;
	v4 =	vand.u32 $0x1, v4  }
0xb6: {  	s18 =	sadd.s32 $0xFFFFFFFF, s22;
	p2 =	por $0x0, $0x0;
	v3 =	vmov s21;
	vm1 =	veq.s32 v4, $0x1;
	v4 =	vmov s16;
	s16 =	simm.s32 $0x0  }
0xb7: {  	v6 =	vld [tilespmem:s19+$0x0];
	_ =	sdelay $0x4  }
0xb8: {  	v7 =	vshrl.u32 v6, v5  }
0xb9: {  	v7 =	vand.u32 $0x1, v7  }
0xba: {  	v9 =	vor.u32 s16, v0;
	v8 =	vshrl.u32 v6, v4;
	vm2 =	veq.s32 v7, $0x1  }
0xbb: {  	vm3 =	vlt.s32 v9, v3;
	v7 =	vand.u32 $0x1, v8;
	vm2 =	vmxor vm1, vm2  }
0xbc: {  	vm4 =	veq.s32 v7, $0x1;
	vm2 =	vmand vm3, vm2  }
0xbd: {  	p3 =	sne.s32 s18, $0x1;
	v7 =	vmpcnt.ones.xlane vm2;
	vm3 =	vmand vm2, vm4  }
.Ltmp14:
0xbe: {  	v63 =	vmpcnt.ones.xlane vm3;
	(pc) =	sbr.rel @!p3 .LBB2_24-.Ltmp14, $4  }
0xbf: {  	(v2sf) =	vpush v7, $0x0  }
0xc0: {  	(v2sf) =	vpush v63, $0x0  }
0xc1: {  	s23 =	sadd.s32 $0xFFFFFFFF, s18;
	s19 =	simm.s32 $0x9C70;
	p2 =	por $0x1, $0x1  }
0xc2: {  	s22 =	simm.s32 $0x0;
	s18 =	simm.s32 $0x0;
	s21 =	simm.s32 $0x0;
	[tilespmem:s16+$0x4E20] =	vst.msk vm2, v6  }
.LBB2_25:
0xc3: {  	p3 =	sne.s32 s23, $0x1;
	v6 =	vld [tilespmem:s19+$0x0];
	_ =	sdelay $0x4  }
0xc4: {  	v7 =	vshrl.u32 v6, v5;
	v8 =	vshrl.u32 v6, v4  }
0xc5: {  	s22 =	sadd.s32 $0x10, s22;
	v7 =	vand.u32 $0x1, v7;
	v8 =	vand.u32 $0x1, v8  }
0xc6: {  	v9 =	vor.u32 s22, v0;
	vm2 =	veq.s32 v7, $0x1;
	vm3 =	veq.s32 v8, $0x1  }
0xc7: {  	vm4 =	vlt.s32 v9, v3;
	vm2 =	vmxor vm1, vm2  }
0xc8: {  	vm2 =	vmand vm4, vm2  }
0xc9: {  	v7 =	vmpcnt.ones.xlane vm2;
	vm3 =	vmand vm2, vm3  }
.Ltmp15:
0xca: {  	v8 =	vmpcnt.ones.xlane vm3;
	s24 =	spop (v2sf);
	(pc) =	sbr.rel @p3 .LBB2_25-.Ltmp15, $3  }
0xcb: {  	(v2sf) =	vpush v7, $0x0;
	s18 =	sadd.s32 s18, s24;
	s24 =	spop (v2sf)  }
0xcc: {  	[tilespmem:s18+$0x4E20] =	vst.msk vm2, v6;
	(v2sf) =	vpush v8, $0x0;
	s21 =	sadd.s32 s21, s24;
	_ =	sdelay $0x1  }
0xcd: {  	s23 =	sadd.s32 $0xFFFFFFFF, s23;
	s19 =	sadd.s32 $0x10, s19  }
.Ltmp16:
0xce: {  	_ = 	snop;
	(pc) =	sbr.rel .LBB2_26-.Ltmp16, $1  }
0xcf: {  	_ =	sdelay $0x3  }
.LBB2_15:
.Ltmp17:
0xd0: {  	(pc) =	sbr.rel .LBB2_19-.Ltmp17, $2  }
0xd1: {  	_ =	sdelay $0x2  }
0xd2: {  	s24 =	simm.s32 $0x0;
	s21 =	simm.s32 $0x0;
	s23 =	simm.s32 $0x0  }
.LBB2_17:
.Ltmp18:
0xd3: {  	(pc) =	sbr.rel .LBB2_19-.Ltmp18, $2  }
0xd4: {  	_ =	sdelay $0x2  }
0xd5: {  	s24 =	simm.s32 $0x0;
	s21 =	simm.s32 $0x0;
	s23 =	simm.s32 $0x0  }
.LBB2_24:
.Ltmp19:
0xd6: {  	(pc) =	sbr.rel .LBB2_26-.Ltmp19, $2  }
0xd7: {  	_ =	sdelay $0x2  }
0xd8: {  	s22 =	simm.s32 $0x0;
	s18 =	simm.s32 $0x0;
	s21 =	simm.s32 $0x0  }
.LBB2_28:
0xd9: {  	s16 =	simm.s32 $0x0  }
0xda: {  	v4 =	vld [tilespmem:s16+$0x0];
	_ =	sdelay $0x4  }
0xdb: {  	vm1 =	vlt.s32 v4, $0x0;
	v5 =	vxor.u32 $0xFFFFFFFF, v4;
	v4 =	vor.u32 $0x80000000, v4  }
0xdc: {  	v3 =	vmov s13;
	v4 =	vsel vm1, v5, v4  }
0xdd: {  	vm1 =	vgt.u32 v4, v3  }
0xde: {  	v5 =	vxor.u32 $0xFFFFFFFF, v4;
	vm2 =	veq.s32 v4, v3;
	v4 =	vmpcnt.ones.xlane vm1  }
0xdf: {  	[tilespmem:s16+$0xEAA0] =	vst.msk vm1, v5;
	v5 =	vmpcnt.ones.xlane vm2  }
0xe0: {  	(v2sf) =	vpush v4, $0x0  }
0xe1: {  	(v2sf) =	vpush v5, $0x0;
	_ =	sdelay $0x1  }
0xe2: {  	v6 =	vor.u32 s16, v0  }
0xe3: {  	[tilespmem:s16+$0xEEA0] =	vst.msk vm1, v6  }
0xe4: {  	s15 =	simm.s32 $0x10;
	[tilespmem:s16+$0x9C60] =	vst.msk vm2, v6  }
0xe5: {  	s17 =	simm.s32 $0x20;
	s14 =	simm.s32 $0x0;
	s18 =	simm.s32 $0x10;
	v4 =	vld [tilespmem:s15+$0x0]  }
.LBB2_29:
0xe6: {  	p0 =	sne.s32 s17, $0x4E10;
	_ =	sdelay $0x3  }
0xe7: {  	vm1 =	vlt.s32 v4, $0x0;
	v5 =	vxor.u32 $0xFFFFFFFF, v4;
	v4 =	vor.u32 $0x80000000, v4  }
0xe8: {  	v4 =	vsel vm1, v5, v4  }
0xe9: {  	vm1 =	vgt.u32 v4, v3;
	vm2 =	veq.s32 v4, v3;
	v4 =	vxor.u32 $0xFFFFFFFF, v4  }
0xea: {  	v5 =	vmpcnt.ones.xlane vm1;
	v6 =	vmpcnt.ones.xlane vm2  }
0xeb: {  	s19 =	spop (v2sf)  }
0xec: {  	(v2sf) =	vpush v5, $0x0;
	s16 =	sadd.s32 s16, s19;
	s19 =	spop (v2sf)  }
0xed: {  	v5 =	vor.u32 s15, v0;
	s15 =	smov.u32 s17;
	[tilespmem:s16+$0xEAA0] =	vst.msk vm1, v4;
	(v2sf) =	vpush v6, $0x0;
	s14 =	sadd.s32 s14, s19  }
.Ltmp20:
0xee: {  	[tilespmem:s16+$0xEEA0] =	vst.msk vm1, v5;
	(pc) =	sbr.rel @p0 .LBB2_29-.Ltmp20, $3  }
0xef: {  	[tilespmem:s14+$0x9C60] =	vst.msk vm2, v5;
	_ =	sdelay $0x1  }
0xf0: {  	s18 =	sadd.s32 $0x10, s18  }
0xf1: {  	s17 =	sadd.s32 $0x10, s17;
	v4 =	vld [tilespmem:s18+$0x0]  }
0xf2: {  	_ =	sdelay $0x3  }
0xf3: {  	vm1 =	vlt.s32 v4, $0x0;
	v5 =	vxor.u32 $0xFFFFFFFF, v4;
	v61 =	vor.u32 $0x80000000, v4  }
0xf4: {  	v4 =	vsel vm1, v5, v61  }
0xf5: {  	vm1 =	vgt.u32 v4, v3  }
0xf6: {  	v62 =	vmpcnt.ones.xlane vm1;
	_ =	sdelay $0x1  }
0xf7: {  	(v2sf) =	vpush v62, $0x0;
	_ =	sdelay $0xb  }
0xf8: {  	vm2 =	veq.s32 v4, v3  }
0xf9: {  	v3 =	vmpcnt.ones.xlane vm2;
	s17 =	spop (v2sf)  }
0xfa: {  	s18 =	spop (v2sf)  }
0xfb: {  	s19 =	sadd.s32 s16, s17;
	(v2sf) =	vpush v3, $0x0;
	s28 =	spop (v2sf)  }
0xfc: {  	s16 =	sadd.s32 s19, s28  }
0xfd: {  	s20 =	simm.s32 $0x1;
	s29 =	ssub.s32 $0x3F7, s16;
	p0 =	sne.s32 s16, $0x3F7  }
0xfe: {  	s21 =	sshra.s32 s29, $0x1F;
	s20 =	simm.s32 @!p0 $0x0  }
0xff: {  	s22 =	sand.u32 $0xF, s29;
	s20 =	sor.u32 s20, s21  }
0x100: {  	p1 =	sne.s32 s22, $0x0;
	p6 =	sne.s32 s20, $0x1  }
0x101: {  	s30 =	sshrl.u32 s21, $0x1C;
	p0 =	por !p1, !p6  }
0x102: {  	s17 =	sadd.s32 s30, s29;
	s20 =	simm.s32 $0x1;
	p0 =	por !p0, !p0  }
0x103: {  	s17 =	sshra.s32 s17, $0x4;
	s20 =	simm.s32 @!p0 $0x0  }
0x104: {  	s17 =	ssub.s32 s17, s20  }
0x105: {  	p0 =	slt.s32 s17, $0x1  }
.Ltmp21:
0x106: {  	_ = 	snop;
	(pc) =	sbr.rel @p0 .LBB2_33-.Ltmp21, $4  }
0x107: {  	v3 =	vxor.u32 $0xFFFFFFFF, v4  }
0x108: {  	v63 =	vor.u32 s15, v0;
	[tilespmem:s19+$0xEAA0] =	vst.msk vm1, v3  }
0x109: {  	s14 =	sadd.s32 s14, s18;
	[tilespmem:s19+$0xEEA0] =	vst.msk vm1, v63  }
0x10a: {  	[tilespmem:s14+$0x9C60] =	vst.msk vm2, v63;
	s31 =	spop (v2sf)  }
0x10b: {  	s14 =	simm.s32 $0x9C60  }
0x10c: {  	s15 =	ssub.s32 $0x3E8, s16;
	p0 =	sne.s32 s17, $0x1;
	v5 =	vld [tilespmem:s14+$0x0]  }
.Ltmp22:
0x10d: {  	s30 =	sshll.u32 s16, $0x2;
	s14 =	simm.s32 $0x0;
	(pc) =	sbr.rel @!p0 .LBB2_33-.Ltmp22, $4  }
0x10e: {  	s13 =	sxor.u32 $0xFFFFFFFF, s13;
	v3 =	vmov s15;
	s31 =	sshra.s32 s30, $0x2;
	v6 =	vor.u32 s14, v0  }
0x10f: {  	v4 =	vmov s13;
	s13 =	sadd.s32 $0xEAA0, s31;
	vm1 =	vlt.s32 v6, v3  }
0x110: {  	s15 =	sadd.s32 $0xEEA0, s31;
	[tilespmem:s13+$0x0] =	vst.msk vm1, v4  }
0x111: {  	s16 =	sadd.s32 $0xFFFFFFFF, s17;
	s17 =	simm.s32 $0x9C70;
	[tilespmem:s15+$0x0] =	vst.msk vm1, v5  }
.LBB2_32:
0x112: {  	v5 =	vld [tilespmem:s17+$0x0];
	p0 =	sne.s32 s16, $0x1;
	s16 =	sadd.s32 $0xFFFFFFFF, s16  }
.Ltmp23:
0x113: {  	s14 =	sadd.s32 $0x10, s14;
	(pc) =	sbr.rel @p0 .LBB2_32-.Ltmp23, $4  }
0x114: {  	v6 =	vor.u32 s14, v0  }
0x115: {  	s13 =	sadd.s32 $0x10, s13;
	vm1 =	vlt.s32 v6, v3  }
0x116: {  	s15 =	sadd.s32 $0x10, s15;
	[tilespmem:s13+$0x0] =	vst.msk vm1, v4  }
0x117: {  	s17 =	sadd.s32 $0x10, s17;
	[tilespmem:s15+$0x0] =	vst.msk vm1, v5  }
.LBB2_33:
0x118: {  	s13 =	simm.s32 $0xEAA0  }
0x119: {  	s28 =	simm.s32 $0xEAB0;
	v3 =	vld [tilespmem:s13+$0x0]  }
0x11a: {  	v4 =	vld [tilespmem:s28+$0x0];
	_ =	sdelay $0x2  }
0x11b: {  	s14 =	simm.s32 $0xEAC0;
	s13 =	simm.s32 $0x0  }
0x11c: {  	v5 =	vld [tilespmem:s14+$0x0];
	v6 =	vmov s13  }
0x11d: {  	s29 =	simm.s32 $0x10;
	vm1 =	vlt.u32 v6, v2;
	v3 =	vand.u32 $0x1, v3;
	v4 =	vand.u32 $0x1, v4  }
0x11e: {  	s30 =	simm.s32 $0x20;
	vm2 =	veq.s32 v3, $0x1;
	v3 =	vmov s29;
	vm3 =	veq.s32 v4, $0x1  }
0x11f: {  	vm1 =	vmand vm1, vm2;
	vm2 =	vlt.u32 v3, v2;
	v3 =	vmov s30  }
0x120: {  	vm2 =	vmand vm2, vm3;
	vm3 =	vlt.u32 v3, v2;
	v3 =	vmpcnt.ones.xlane vm1  }
0x121: {  	v4 =	vand.u32 $0x1, v5  }
0x122: {  	vm1 =	veq.s32 v4, $0x1;
	(v2sf) =	vpush v3, $0x0  }
0x123: {  	vm1 =	vmand vm3, vm1;
	v4 =	vmpcnt.ones.xlane vm2  }
0x124: {  	v3 =	vmpcnt.ones.xlane vm1  }
0x125: {  	(v2sf) =	vpush v4, $0x0  }
0x126: {  	(v2sf) =	vpush v3, $0x0;
	_ =	sdelay $0x2  }
0x127: {  	s15 =	simm.s32 $0xEAD0  }
0x128: {  	v5 =	vld [tilespmem:s15+$0x0];
	_ =	sdelay $0x3  }
0x129: {  	s31 =	simm.s32 $0x30  }
0x12a: {  	s16 =	simm.s32 $0xEAE0;
	s14 =	simm.s32 $0x0;
	s15 =	simm.s32 $0x40;
	v4 =	vand.u32 $0x1, v5;
	v3 =	vmov s31  }
.LBB2_34:
0x12b: {  	v5 =	vld [tilespmem:s16+$0x0];
	p0 =	sne.s32 s15, $0x3E0;
	vm1 =	vlt.u32 v3, v2;
	vm2 =	veq.s32 v4, $0x1;
	s17 =	smov.u32 s15;
	s15 =	sadd.s32 $0x10, s15  }
.Ltmp24:
0x12c: {  	vm1 =	vmand vm1, vm2;
	s18 =	spop (v2sf);
	(pc) =	sbr.rel @p0 .LBB2_34-.Ltmp24, $3  }
0x12d: {  	v3 =	vmpcnt.ones.xlane vm1;
	s14 =	sadd.s32 s14, s18;
	_ =	sdelay $0x1  }
0x12e: {  	(v2sf) =	vpush v3, $0x0  }
0x12f: {  	s16 =	sadd.s32 $0x10, s16;
	v3 =	vmov s17;
	v4 =	vand.u32 $0x1, v5  }
0x130: {  	vm1 =	vlt.u32 v3, v2;
	vm2 =	veq.s32 v4, $0x1  }
0x131: {  	vm1 =	vmand vm1, vm2  }
0x132: {  	v3 =	vmpcnt.ones.xlane vm1;
	_ =	sdelay $0x1  }
0x133: {  	(v2sf) =	vpush v3, $0x0;
	_ =	sdelay $0xb  }
0x134: {  	s15 =	spop (v2sf)  }
0x135: {  	s14 =	sadd.s32 s14, s15;
	s29 =	spop (v2sf)  }
0x136: {  	s14 =	sadd.s32 s14, s29;
	s30 =	spop (v2sf)  }
0x137: {  	s14 =	sadd.s32 s14, s30;
	s31 =	spop (v2sf)  }
0x138: {  	s16 =	sadd.s32 s14, s31  }
.LBB2_36:
0x139: {  	s14 =	simm.s32 $0xEAA0  }
0x13a: {  	v5 =	vld [tilespmem:s14+$0x0];
	_ =	sdelay $0x2  }
0x13b: {  	s15 =	sshllo.u32 s13, $0x1;
	s14 =	sshll.u32 s13, $0x1  }
0x13c: {  	v3 =	vmov s15;
	v4 =	vmov s14  }
0x13d: {  	s15 =	simm.s32 $0x0;
	v6 =	vshrl.u32 v5, v4;
	v7 =	vshrl.u32 v5, v3  }
0x13e: {  	v8 =	vmov s15;
	v6 =	vand.u32 $0x1, v6;
	v7 =	vand.u32 $0x1, v7  }
0x13f: {  	vm1 =	vlt.u32 v8, v2;
	vm2 =	veq.s32 v6, $0x1;
	vm3 =	veq.s32 v7, $0x1  }
0x140: {  	s17 =	simm.s32 $0xEEA0;
	vm4 =	vmneg vm2;
	vm3 =	vmand vm1, vm3  }
0x141: {  	v6 =	vld [tilespmem:s17+$0x0];
	vm4 =	vmand vm1, vm4;
	v7 =	vmpcnt.ones.xlane vm3  }
0x142: {  	v8 =	vmpcnt.ones.xlane vm4  }
0x143: {  	(v2sf) =	vpush v7, $0x0  }
0x144: {  	(v2sf) =	vpush v8, $0x0  }
0x145: {  	[tilespmem:s15+$0xF2A0] =	vst.msk vm4, v5  }
0x146: {  	s16 =	ssub.s32 $0x3E8, s16;
	vm1 =	vmand vm1, vm2;
	[tilespmem:s15+$0xF6A0] =	vst.msk vm4, v6  }
0x147: {  	[tilespmem:s16+$0xF2A0] =	vst.msk vm1, v5  }
0x148: {  	s17 =	simm.s32 $0xEAB0;
	[tilespmem:s16+$0xF6A0] =	vst.msk vm1, v6  }
0x149: {  	v5 =	vld [tilespmem:s17+$0x0];
	_ =	sdelay $0x4  }
0x14a: {  	s18 =	simm.s32 $0x10;
	v6 =	vshrl.u32 v5, v4;
	v7 =	vshrl.u32 v5, v3  }
0x14b: {  	v8 =	vmov s18;
	v6 =	vand.u32 $0x1, v6;
	v7 =	vand.u32 $0x1, v7  }
0x14c: {  	s21 =	simm.s32 $0xEEB0;
	vm2 =	vlt.u32 v8, v2;
	vm1 =	veq.s32 v6, $0x1;
	vm3 =	veq.s32 v7, $0x1  }
0x14d: {  	s22 =	simm.s32 $0x3E8;
	s20 =	simm.s32 $0x3D8;
	v6 =	vld [tilespmem:s21+$0x0];
	vm4 =	vmneg vm1;
	vm5 =	vmand vm2, vm3  }
0x14e: {  	s19 =	simm.s32 $0x3C8;
	s22 =	smin.u32 s22, $0x10;
	vm3 =	vmand vm2, vm4;
	v8 =	vmpcnt.ones.xlane vm5;
	s23 =	spop (v2sf)  }
0x14f: {  	s22 =	sadd.s32 s16, s22;
	v7 =	vmpcnt.ones.xlane vm3;
	s16 =	sadd.s32 $0x0, s23;
	s23 =	spop (v2sf)  }
.LBB2_37:
0x150: {  	p0 =	sne.s32 s19, $0x8;
	(v2sf) =	vpush v8, $0x0;
	s15 =	sadd.s32 s15, s23;
	s22 =	ssub.s32 s22, s23  }
0x151: {  	s23 =	smov.u32 s19;
	s19 =	sadd.s32 $0xFFFFFFF0, s19;
	[tilespmem:s15+$0xF2A0] =	vst.msk vm3, v5;
	(v2sf) =	vpush v7, $0x0  }
0x152: {  	vm1 =	vmand vm2, vm1;
	[tilespmem:s15+$0xF6A0] =	vst.msk vm3, v6  }
0x153: {  	[tilespmem:s22+$0xF2A0] =	vst.msk vm1, v5  }
0x154: {  	[tilespmem:s22+$0xF6A0] =	vst.msk vm1, v6  }
0x155: {  	s17 =	sadd.s32 $0x10, s17  }
0x156: {  	v5 =	vld [tilespmem:s17+$0x0];
	_ =	sdelay $0x4  }
0x157: {  	s18 =	sadd.s32 $0x10, s18;
	v6 =	vshrl.u32 v5, v4;
	v7 =	vshrl.u32 v5, v3  }
.Ltmp25:
0x158: {  	v8 =	vmov s18;
	v6 =	vand.u32 $0x1, v6;
	v7 =	vand.u32 $0x1, v7;
	(pc) =	sbr.rel @p0 .LBB2_37-.Ltmp25, $4  }
0x159: {  	s21 =	sadd.s32 $0x10, s21;
	vm2 =	vlt.u32 v8, v2;
	vm1 =	veq.s32 v6, $0x1;
	vm3 =	veq.s32 v7, $0x1  }
0x15a: {  	v6 =	vld [tilespmem:s21+$0x0];
	vm4 =	vmneg vm1;
	vm5 =	vmand vm2, vm3  }
0x15b: {  	s24 =	smin.u32 s20, $0x10;
	s20 =	smov.u32 s23;
	vm3 =	vmand vm2, vm4;
	v8 =	vmpcnt.ones.xlane vm5;
	s25 =	spop (v2sf)  }
0x15c: {  	s22 =	sadd.s32 s22, s24;
	v7 =	vmpcnt.ones.xlane vm3;
	s16 =	sadd.s32 s16, s25;
	s23 =	spop (v2sf)  }
0x15d: {  	s15 =	sadd.s32 s15, s23  }
0x15e: {  	[tilespmem:s15+$0xF2A0] =	vst.msk vm3, v5  }
0x15f: {  	(v2sf) =	vpush v8, $0x0;
	s17 =	ssub.s32 s22, s23;
	vm1 =	vmand vm2, vm1;
	[tilespmem:s15+$0xF6A0] =	vst.msk vm3, v6  }
0x160: {  	[tilespmem:s17+$0xF2A0] =	vst.msk vm1, v5  }
0x161: {  	s26 =	simm.s32 $0xF2A0;
	[tilespmem:s17+$0xF6A0] =	vst.msk vm1, v6  }
0x162: {  	v5 =	vld [tilespmem:s26+$0x0];
	_ =	sdelay $0x1  }
0x163: {  	s14 =	smin.u32 s14, $0x1D  }
0x164: {  	s14 =	sadd.s32 $0x2, s14  }
0x165: {  	v4 =	vmov s14  }
0x166: {  	s14 =	simm.s32 $0x0;
	v6 =	vshrl.u32 v5, v3;
	v8 =	vshrl.u32 v5, v4  }
0x167: {  	v9 =	vmov s14;
	v6 =	vand.u32 $0x1, v6;
	v8 =	vand.u32 $0x1, v8  }
0x168: {  	vm1 =	vlt.u32 v9, v2;
	vm2 =	veq.s32 v6, $0x1;
	vm3 =	veq.s32 v8, $0x1  }
0x169: {  	s28 =	simm.s32 $0xF6A0;
	vm4 =	vmneg vm2;
	vm3 =	vmand vm1, vm3  }
0x16a: {  	(v2sf) =	vpush v7, $0x0;
	v6 =	vld [tilespmem:s28+$0x0];
	vm4 =	vmand vm1, vm4;
	v7 =	vmpcnt.ones.xlane vm3  }
0x16b: {  	v8 =	vmpcnt.ones.xlane vm4  }
0x16c: {  	(v2sf) =	vpush v7, $0x0  }
0x16d: {  	s29 =	spop (v2sf);
	(v2sf) =	vpush v8, $0x0  }
0x16e: {  	[tilespmem:s14+$0xEAA0] =	vst.msk vm4, v5;
	s15 =	sadd.s32 s16, s29  }
0x16f: {  	vm1 =	vmand vm1, vm2;
	s30 =	ssub.s32 $0x3E8, s15;
	[tilespmem:s14+$0xEEA0] =	vst.msk vm4, v6  }
0x170: {  	[tilespmem:s30+$0xEAA0] =	vst.msk vm1, v5  }
0x171: {  	s15 =	simm.s32 $0xF2B0;
	[tilespmem:s30+$0xEEA0] =	vst.msk vm1, v6  }
0x172: {  	v5 =	vld [tilespmem:s15+$0x0];
	_ =	sdelay $0x4  }
0x173: {  	s16 =	simm.s32 $0x10;
	v6 =	vshrl.u32 v5, v3;
	v7 =	vshrl.u32 v5, v4  }
0x174: {  	v8 =	vmov s16;
	v6 =	vand.u32 $0x1, v6;
	v7 =	vand.u32 $0x1, v7  }
0x175: {  	s20 =	simm.s32 $0xF6B0;
	vm2 =	vlt.u32 v8, v2;
	vm1 =	veq.s32 v6, $0x1;
	vm3 =	veq.s32 v7, $0x1  }
0x176: {  	s21 =	simm.s32 $0x3E8;
	s19 =	simm.s32 $0x3D8;
	s18 =	spop (v2sf);
	v6 =	vld [tilespmem:s20+$0x0];
	vm4 =	vmneg vm1;
	vm5 =	vmand vm2, vm3  }
0x177: {  	s21 =	smin.u32 s21, $0x10;
	s18 =	simm.s32 $0x3C8;
	vm3 =	vmand vm2, vm4;
	v7 =	vmpcnt.ones.xlane vm5;
	s31 =	spop (v2sf)  }
0x178: {  	s21 =	sadd.s32 s30, s21;
	v8 =	vmpcnt.ones.xlane vm3;
	s17 =	sadd.s32 $0x0, s31;
	s22 =	spop (v2sf)  }
.LBB2_39:
0x179: {  	p0 =	sne.s32 s18, $0x8;
	(v2sf) =	vpush v7, $0x0;
	s14 =	sadd.s32 s14, s22;
	s21 =	ssub.s32 s21, s22  }
0x17a: {  	s22 =	smov.u32 s18;
	s18 =	sadd.s32 $0xFFFFFFF0, s18;
	[tilespmem:s14+$0xEAA0] =	vst.msk vm3, v5;
	(v2sf) =	vpush v8, $0x0  }
0x17b: {  	vm1 =	vmand vm2, vm1;
	[tilespmem:s14+$0xEEA0] =	vst.msk vm3, v6  }
0x17c: {  	[tilespmem:s21+$0xEAA0] =	vst.msk vm1, v5  }
0x17d: {  	[tilespmem:s21+$0xEEA0] =	vst.msk vm1, v6  }
0x17e: {  	s15 =	sadd.s32 $0x10, s15  }
0x17f: {  	v5 =	vld [tilespmem:s15+$0x0];
	_ =	sdelay $0x4  }
0x180: {  	s16 =	sadd.s32 $0x10, s16;
	v6 =	vshrl.u32 v5, v3;
	v7 =	vshrl.u32 v5, v4  }
.Ltmp26:
0x181: {  	v8 =	vmov s16;
	v6 =	vand.u32 $0x1, v6;
	v7 =	vand.u32 $0x1, v7;
	(pc) =	sbr.rel @p0 .LBB2_39-.Ltmp26, $4  }
0x182: {  	s20 =	sadd.s32 $0x10, s20;
	vm2 =	vlt.u32 v8, v2;
	vm1 =	veq.s32 v6, $0x1;
	vm3 =	veq.s32 v7, $0x1  }
0x183: {  	v6 =	vld [tilespmem:s20+$0x0];
	vm4 =	vmneg vm1;
	vm5 =	vmand vm2, vm3  }
0x184: {  	s23 =	smin.u32 s19, $0x10;
	s19 =	smov.u32 s22;
	vm3 =	vmand vm2, vm4;
	v7 =	vmpcnt.ones.xlane vm5;
	s24 =	spop (v2sf)  }
0x185: {  	s21 =	sadd.s32 s21, s23;
	v8 =	vmpcnt.ones.xlane vm3;
	s17 =	sadd.s32 s17, s24;
	s22 =	spop (v2sf)  }
0x186: {  	(v2sf) =	vpush v7, $0x0  }
0x187: {  	(v2sf) =	vpush v8, $0x0;
	_ =	sdelay $0x8  }
0x188: {  	s13 =	sadd.s32 $0x1, s13  }
0x189: {  	p0 =	sne.s32 s13, $0x10  }
.Ltmp27:
0x18a: {  	s14 =	sadd.s32 s14, s22;
	(pc) =	sbr.rel @p0 .LBB2_36-.Ltmp27, $4  }
0x18b: {  	[tilespmem:s14+$0xEAA0] =	vst.msk vm3, v5  }
0x18c: {  	s15 =	ssub.s32 s21, s22;
	vm1 =	vmand vm2, vm1;
	[tilespmem:s14+$0xEEA0] =	vst.msk vm3, v6  }
0x18d: {  	[tilespmem:s15+$0xEAA0] =	vst.msk vm1, v5;
	s30 =	spop (v2sf)  }
0x18e: {  	[tilespmem:s15+$0xEEA0] =	vst.msk vm1, v6;
	s16 =	sadd.s32 s17, s30;
	s31 =	spop (v2sf)  }
0x18f: {  	[tilespmem:$0xF288] =	vst v1  }
0x190: {  	s13 =	simm.s32 $0x0;
	[tilespmem:$0xF290] =	vst v1  }
0x191: {  	[hbm4b:s3+s13] =	stream.linear.scatter [tilespmem:s10], [sflag:$0x1], $0x400, $0x38;
	[tilespmem:$0xFE90] =	vst v63  }
0x192: {  	_ =	swait.ge [sflag:s7], $0x400  }
0x193: {  	[sflag:s7] =	ssyncset.done $0x0  }
0x194: {  	s13 =	simm.s32 $0x0;
	[sflag:s7] =	ssyncadd.s32 $0xFFFFFC00  }
0x195: {  	v3 =	vld [tilespmem:s13+$0xEAA0];
	_ =	sdelay $0x1  }
0x196: {  	s14 =	simm.s32 $0x10  }
0x197: {  	v4 =	vld [tilespmem:s14+$0xEAA0];
	_ =	sdelay $0x1  }
0x198: {  	v5 =	vxor.u32 $0x7FFFFFFF, v3;
	vm1 =	vlt.s32 v3, $0x0  }
0x199: {  	v3 =	vsel vm1, v3, v5  }
0x19a: {  	v3 =	vsub.f32 $0.0e+00, v3  }
0x19b: {  	v5 =	vxor.u32 $0x7FFFFFFF, v4;
	vm1 =	vlt.s32 v4, $0x0  }
0x19c: {  	v4 =	vsel vm1, v4, v5;
	v3 =	vmul.f32 $1.442695020e+00, v3  }
0x19d: {  	s15 =	simm.s32 $0x20;
	v4 =	vsub.f32 $0.0e+00, v4  }
0x19e: {  	(erf) = vpow2.f32 v3;
	v3 =	vld [tilespmem:s15+$0xEAA0]  }
0x19f: {  	v4 =	vmul.f32 $1.442695020e+00, v4;
	_ =	sdelay $0x1  }
0x1a0: {  	s16 =	simm.s32 $0x30;
	(erf) = vpow2.f32 v4  }
0x1a1: {  	v4 =	vld [tilespmem:s16+$0xEAA0]  }
0x1a2: {  	v5 =	vxor.u32 $0x7FFFFFFF, v3;
	vm1 =	vlt.s32 v3, $0x0  }
0x1a3: {  	v3 =	vsel vm1, v3, v5  }
0x1a4: {  	v3 =	vsub.f32 $0.0e+00, v3;
	_ =	sdelay $0x1  }
0x1a5: {  	v5 =	vxor.u32 $0x7FFFFFFF, v4;
	vm1 =	vlt.s32 v4, $0x0;
	v6 =	vpop (erf);
	v3 =	vmul.f32 $1.442695020e+00, v3  }
0x1a6: {  	v4 =	vsel vm1, v4, v5;
	v5 =	vadd.f32 $1.000000000e+00, v6  }
0x1a7: {  	s17 =	simm.s32 $0x40;
	(erf) = vpow2.f32 v3  }
0x1a8: {  	v6 =	vpop (erf);
	v3 =	vld [tilespmem:s17+$0xEAA0];
	(erf) = vrcp.f32 v5  }
0x1a9: {  	v4 =	vsub.f32 $0.0e+00, v4;
	_ =	sdelay $0x1  }
0x1aa: {  	s18 =	simm.s32 $0x140;
	v5 =	vmul.f32 $1.442695020e+00, v4;
	v4 =	vadd.f32 $1.000000000e+00, v6  }
.LBB2_42:
0x1ab: {  	s19 =	smov.u32 s16  }
0x1ac: {  	v6 =	vxor.u32 $0x7FFFFFFF, v3;
	vm1 =	vlt.s32 v3, $0x0;
	(erf) = vpow2.f32 v5;
	s16 =	smov.u32 s17;
	s17 =	sshra.s32 s18, $0x2;
	p0 =	sne.s32 s18, $0xF80  }
.Ltmp28:
0x1ad: {  	s18 =	sadd.s32 $0x40, s18;
	v5 =	vsel vm1, v3, v6;
	v3 =	vld [tilespmem:s17+$0xEAA0];
	(erf) = vrcp.f32 v4;
	(pc) =	sbr.rel @p0 .LBB2_42-.Ltmp28, $4  }
0x1ae: {  	v4 =	vsub.f32 $0.0e+00, v5  }
0x1af: {  	v6 =	vpop (erf)  }
0x1b0: {  	v5 =	vmul.f32 $1.442695020e+00, v4;
	v7 =	vpop (erf)  }
0x1b1: {  	v4 =	vadd.f32 $1.000000000e+00, v6;
	[tilespmem:s13+$0xFAA0] =	vst v7;
	s13 =	smov.u32 s14;
	s14 =	smov.u32 s15;
	s15 =	smov.u32 s19  }
0x1b2: {  	v6 =	vxor.u32 $0x7FFFFFFF, v3;
	vm1 =	vlt.s32 v3, $0x0  }
0x1b3: {  	v3 =	vsel vm1, v3, v6  }
0x1b4: {  	v3 =	vsub.f32 $0.0e+00, v3;
	_ =	sdelay $0x1  }
0x1b5: {  	(erf) = vpow2.f32 v5;
	v3 =	vmul.f32 $1.442695020e+00, v3  }
0x1b6: {  	(erf) = vrcp.f32 v4  }
0x1b7: {  	(erf) = vpow2.f32 v3;
	_ =	sdelay $0x4  }
0x1b8: {  	v3 =	vpop (erf)  }
0x1b9: {  	v62 =	vpop (erf)  }
0x1ba: {  	v5 =	vpop (erf)  }
0x1bb: {  	v3 =	vadd.f32 $1.000000000e+00, v3;
	v63 =	vpop (erf)  }
0x1bc: {  	v5 =	vadd.f32 $1.000000000e+00, v5;
	v7 =	vpop (erf)  }
0x1bd: {  	(erf) = vrcp.f32 v3;
	v3 =	vadd.f32 $1.000000000e+00, v7  }
0x1be: {  	(erf) = vrcp.f32 v5  }
0x1bf: {  	(erf) = vrcp.f32 v3;
	_ =	sdelay $0x5  }
0x1c0: {  	[tilespmem:s13+$0xFAA0] =	vst v62  }
0x1c1: {  	[tilespmem:s14+$0xFAA0] =	vst v63;
	v3 =	vpop (erf)  }
0x1c2: {  	[tilespmem:s15+$0xFAA0] =	vst v3;
	v3 =	vpop (erf)  }
0x1c3: {  	s12 =	sadd.s32 $0x1, s12;
	[tilespmem:s16+$0xFAA0] =	vst v3;
	v3 =	vpop (erf)  }
0x1c4: {  	p0 =	sne.s32 s12, s6;
	[tilespmem:s17+$0xFAA0] =	vst v3  }
0x1c5: {  	[hbm4b:s4+s2] =	stream.linear.scatter [tilespmem:s11], [sflag:$0x1], $0x3E8, $0x38;
	[tilespmem:$0xFE90] =	vst v63  }
.Ltmp29:
0x1c6: {  	_ = 	snop;
	(pc) =	sbr.rel @p0 .LBB2_2-.Ltmp29, $4  }
.Ltmp30:
0x1c7: {  	_ = 	snop;
	(pc) =	sbr.rel @!p0 .LBB2_44-.Ltmp30, $4  }
0x1c8: {  	_ =	swait.ge [sflag:s7], $0x3E8  }
0x1c9: {  	[sflag:s7] =	ssyncset.done $0x0  }
0x1ca: {  	[sflag:s7] =	ssyncadd.s32 $0xFFFFFC18  }
0x1cb: {  	_ = 	snop  }
.LBB2_3:
.Ltmp31:
0x1cc: {  	(pc) =	sbr.rel .LBB2_12-.Ltmp31, $2  }
0x1cd: {  	_ =	sdelay $0x2  }
0x1ce: {  	s15 =	simm.s32 $0x0  }
.LBB2_5:
.Ltmp32:
0x1cf: {  	(pc) =	sbr.rel .LBB2_12-.Ltmp32, $2  }
0x1d0: {  	_ =	sdelay $0x2  }
0x1d1: {  	s14 =	simm.s32 $0x10;
	s15 =	simm.s32 $0x0  }
.LBB2_7:
.Ltmp33:
0x1d2: {  	(pc) =	sbr.rel .LBB2_12-.Ltmp33, $2  }
0x1d3: {  	_ =	sdelay $0x3  }
0x1d4: {  	s15 =	simm.s32 $0x0  }
.LBB2_9:
.Ltmp34:
0x1d5: {  	(pc) =	sbr.rel .LBB2_12-.Ltmp34, $2  }
0x1d6: {  	_ =	sdelay $0x2  }
0x1d7: {  	s14 =	simm.s32 $0x30;
	s15 =	simm.s32 $0x0  }
.Lfunc_end2:
_tile_overlayer_lowered:
.L_overlay_start_2:
0x1d8: {  	(tag) =	ssettag $0x2  }
0x1d9: {  	s0 =	rddreg [dreg:$0x0];
	s2 =	stileid.u32  }
0x1da: {  	s1 =	rddreg [dreg:$0x1];
	p0 =	sne.s32 s2, $0x0  }
0x1db: {  	s3 =	rddreg [dreg:$0x2];
	[bflag:$0x3] =	sbarrier.arrive $0xFFFF;
	s2 =	simm.s32 @!p0 $0x1C01  }
0x1dc: {  	[timem:s3], [sflag:s2] =	dma.local @!p0 [hbm:s0], s1  }
0x1dd: {  	s0 =	simm.s32 @!p0 $0x1  }
0x1de: {  	_ =	swait.ge @!p0 [sflag:s0], s1  }
0x1df: {  	s1 =	ssub.s32 @!p0 $0x0, s1;
	[sflag:s0] =	ssyncset.done @!p0 $0x0  }
0x1e0: {  	[sflag:s0] =	ssyncadd.s32 @!p0 s1  }
0x1e1: {  	[bflag:$0x3] =	sbarrier.arrive $0xFFFF  }
0x1e2: {  	_ =	shalt  }

// kernel: kernel.7.cloned.1.call-start
scs
__scs_entry_jumppad:
0x0: {  	(pc) =	sbr.rel $0x88, $3  }
0x1: {  	(tag) =	ssettag $0x0;
	lr =	simm.s32 $0x1  }
0x2: {  	[smem:$0x3F9B] =	sst lr;
	_ =	strace $0xD0000000  }
0x3: {  	_ = 	snop  }
0x4: {  	_ = 	snop  }
0x5: {  	_ = 	snop  }
0x6: {  	_ = 	snop  }
0x7: {  	_ = 	snop  }
__scs_overlays_trampoline_lowered:
0x8: {  	[smem:$0x3FAA] =	sst s0  }
0x9: {  	[smem:$0x3FAB] =	sst s1  }
0xa: {  	[smem:$0x3FAC] =	sst s2  }
0xb: {  	[smem:$0x3FAD] =	sst s3  }
0xc: {  	[smem:$0x3FAE] =	sst s4  }
0xd: {  	[smem:$0x3FAF] =	sst s5  }
0xe: {  	[smem:$0x3FB0] =	sst s6  }
0xf: {  	[smem:$0x3FB1] =	sst s7  }
0x10: {  	[smem:$0x3FB2] =	sst s8  }
0x11: {  	[smem:$0x3FB3] =	sst s9;
	s0 =	simm.s32 @!p0 $0x0  }
0x12: {  	s1 =	sld [smem:$0x3F99];
	s0 =	simm.s32 @p0 $0x1  }
0x13: {  	[smem:$0x3FB4] =	sst s0;
	s0 =	simm.s32 @!p1 $0x0  }
0x14: {  	s2 =	sld [smem:$0x3F98];
	s0 =	simm.s32 @p1 $0x1  }
0x15: {  	[smem:$0x3FB5] =	sst s0;
	s0 =	simm.s32 @!p2 $0x0  }
0x16: {  	s3 =	sld [smem:$0x3FDB];
	s0 =	simm.s32 @p2 $0x1  }
0x17: {  	s4 =	simm.s32 $0x1BF5;
	[smem:$0x3FB7] =	sst s0  }
0x18: {  	s0 =	sld [smem:$0x3F9A];
	_ =	swait.ge [sflag:s4], $0x0  }
0x19: {  	s7 =	sld [smem:$0x3F9B]  }
0x1a: {  	s8 =	sadd.s32 $0xFFFFE003, lr  }
0x1b: {  	s9 =	sadd.s32 $0xFFFFFEF7, lr;
	s5 =	simm.s32 $0xFFFFFFFF;
	p2 =	slt.u32 s8, $0xFFFFF086  }
0x1c: {  	p1 =	slt.u32 s9, $0xF7A;
	s5 =	simm.s32 @!p2 $0x0  }
0x1d: {  	s5 =	simm.s32 @p1 $0x1;
	p0 =	seq.s32 s7, s2  }
0x1e: {  	s7 =	smul.u32 @!p0 $0xF7A, s2;
	p2 =	seq.s32 @!p0 s5, $0x0  }
0x1f: {  	s9 =	smul.u32 $0xF7A, s1;
	s8 =	simm.s32 @!p0 $0x1BF5;
	p2 =	por !p2, p0  }
0x20: {  	[sflag:s8] =	ssyncset.s32 @!p0 $0xFFFFF086;
	s6 =	sadd.s32 @!p0 s3, s7;
	s7 =	simm.s32 @!p0 $0x108  }
0x21: {  	s3 =	sadd.s32 s3, s9;
	s6 =	sadd.s32 @!p0 $0x88, s6;
	s7 =	simm.s32 @p2 $0x1082  }
0x22: {  	[simem:s7], [sflag:s8] =	dma.local @!p0 [hbm:s6], $0xF7A  }
0x23: {  	s9 =	sor.u32 $0xD0000000, s2;
	s6 =	simm.s32 $0x108;
	_ =	swait.ge @!p0 [sflag:s8], $0x0  }
0x24: {  	s3 =	sadd.s32 $0x88, s3;
	s6 =	simm.s32 @!p1 $0x1082;
	[sflag:s4] =	ssyncset.s32 $0xFFFFF086  }
0x25: {  	[simem:s6], [sflag:s4] =	dma.local [hbm:s3], $0xF7A  }
0x26: {  	[smem:$0x3F9B] =	sst s1;
	(tag) =	ssettag s2;
	_ =	strace s9  }
0x27: {  	s1 =	sld [smem:$0x3FAB]  }
0x28: {  	s2 =	sld [smem:$0x3FAC]  }
0x29: {  	s4 =	sld [smem:$0x3FAE]  }
0x2a: {  	p0 =	seq.s32 s5, $0x0;
	s5 =	sld [smem:$0x3FAF]  }
0x2b: {  	s6 =	sld [smem:$0x3FB0]  }
0x2c: {  	s7 =	sld [smem:$0x3FB1]  }
0x2d: {  	s3 =	simm.s32 $0x108;
	s8 =	sld [smem:$0x3FB2]  }
0x2e: {  	s3 =	simm.s32 @!p0 $0x1082;
	s9 =	sld [smem:$0x3FB3]  }
0x2f: {  	lr =	sadd.s32 s0, s3;
	s0 =	sld [smem:$0x3FAA]  }
0x30: {  	s3 =	sld [smem:$0x3FAD]  }
0x31: {  	[smem:$0x3FB6] =	sst s10  }
0x32: {  	s10 =	sld [smem:$0x3FB4];
	_ =	sdelay $0x3  }
0x33: {  	p0 =	seq.s32 s10, $0x1;
	s10 =	sld [smem:$0x3FB6];
	_ =	sdelay $0x3  }
0x34: {  	[smem:$0x3FB6] =	sst s10  }
0x35: {  	s10 =	sld [smem:$0x3FB5];
	_ =	sdelay $0x3  }
0x36: {  	p1 =	seq.s32 s10, $0x1;
	s10 =	sld [smem:$0x3FB6];
	_ =	sdelay $0x3  }
0x37: {  	[smem:$0x3FB6] =	sst s10  }
0x38: {  	s10 =	sld [smem:$0x3FB7]  }
0x39: {  	_ = 	snop;
	(pc) =	sbr.ind lr, $3  }
0x3a: {  	_ = 	snop  }
0x3b: {  	_ = 	snop  }
0x3c: {  	p2 =	seq.s32 s10, $0x1;
	s10 =	sld [smem:$0x3FB6]  }
0x3d: {  	_ =	shalt  }
0x3e: {  	_ =	shalt  }
0x3f: {  	_ =	shalt  }
0x40: {  	_ =	shalt  }
0x41: {  	_ =	shalt  }
0x42: {  	_ =	shalt  }
0x43: {  	_ =	shalt  }
0x44: {  	_ =	shalt  }
0x45: {  	_ =	shalt  }
0x46: {  	_ =	shalt  }
0x47: {  	_ =	shalt  }
0x48: {  	_ =	shalt  }
0x49: {  	_ =	shalt  }
0x4a: {  	_ =	shalt  }
0x4b: {  	_ =	shalt  }
0x4c: {  	_ =	shalt  }
0x4d: {  	_ =	shalt  }
0x4e: {  	_ =	shalt  }
0x4f: {  	_ =	shalt  }
0x50: {  	_ =	shalt  }
0x51: {  	_ =	shalt  }
0x52: {  	_ =	shalt  }
0x53: {  	_ =	shalt  }
0x54: {  	_ =	shalt  }
0x55: {  	_ =	shalt  }
0x56: {  	_ =	shalt  }
0x57: {  	_ =	shalt  }
0x58: {  	_ =	shalt  }
0x59: {  	_ =	shalt  }
0x5a: {  	_ =	shalt  }
0x5b: {  	_ =	shalt  }
0x5c: {  	_ =	shalt  }
0x5d: {  	_ =	shalt  }
0x5e: {  	_ =	shalt  }
0x5f: {  	_ =	shalt  }
0x60: {  	_ =	shalt  }
0x61: {  	_ =	shalt  }
0x62: {  	_ =	shalt  }
0x63: {  	_ =	shalt  }
0x64: {  	_ =	shalt  }
0x65: {  	_ =	shalt  }
0x66: {  	_ =	shalt  }
0x67: {  	_ =	shalt  }
0x68: {  	_ =	shalt  }
0x69: {  	_ =	shalt  }
0x6a: {  	_ =	shalt  }
0x6b: {  	_ =	shalt  }
0x6c: {  	_ =	shalt  }
0x6d: {  	_ =	shalt  }
0x6e: {  	_ =	shalt  }
0x6f: {  	_ =	shalt  }
0x70: {  	_ =	shalt  }
0x71: {  	_ =	shalt  }
0x72: {  	_ =	shalt  }
0x73: {  	_ =	shalt  }
0x74: {  	_ =	shalt  }
0x75: {  	_ =	shalt  }
0x76: {  	_ =	shalt  }
0x77: {  	_ =	shalt  }
0x78: {  	_ =	shalt  }
0x79: {  	_ =	shalt  }
0x7a: {  	_ =	shalt  }
0x7b: {  	_ =	shalt  }
0x7c: {  	_ =	shalt  }
0x7d: {  	_ =	shalt  }
0x7e: {  	_ =	shalt  }
0x7f: {  	_ =	shalt  }
0x80: {  	_ =	shalt  }
0x81: {  	_ =	shalt  }
0x82: {  	_ =	shalt  }
0x83: {  	_ =	shalt  }
0x84: {  	_ =	shalt  }
0x85: {  	_ =	shalt  }
0x86: {  	_ =	shalt  }
0x87: {  	_ =	shalt  }
.Lfunc_end0:
.L_simem_size_0:
called_computation.1_lowered:
.L_overlay_start_0:
0x88: {  	s2 =	sld [smem:$0x3FD9]  }
0x89: {  	s3 =	sld [smem:$0x3FFE];
	_ =	sdelay $0x1  }
0x8a: {  	s1 =	srdreg.scid  }
0x8b: {  	s0 =	sand.u32 $0x1, s1  }
0x8c: {  	s14 =	sshll.u32 s0, $0xA;
	s2 =	sadd.s32 s3, s2  }
0x8d: {  	s2 =	sadd.s32 s2, s14  }
0x8e: {  	[smem:$0x3FC2] =	sst s2  }
0x8f: {  	_ = 	snop  }
0x90: {  	s2 =	sld [smem:$0x3FD0];
	_ =	sdelay $0x2  }
0x91: {  	s4 =	simm.s32 $0xA;
	s5 =	simm.s32 $0x10;
	s15 =	sld [smem:$0x3FC4]  }
0x92: {  	[smem:s5], [sflag:s4] =	dma.local [hbm:s2], $0x1  }
0x93: {  	_ =	swait.eq [sflag:s4], $0x1  }
0x94: {  	[sflag:s4] =	ssyncset.done $0x0  }
0x95: {  	s16 =	sld [smem:$0x10];
	[sflag:s4] =	ssyncadd.s32 $0xFFFFFFFF  }
0x96: {  	s17 =	sld [smem:$0x13];
	(tm) =	ssettm $0x1  }
0x97: {  	s18 =	sld [smem:$0x3FFB];
	_ =	sdelay $0x3  }
0x98: {  	_ =	strace s18  }
0x99: {  	s5 =	sld [smem:$0x3FFC];
	_ =	sdelay $0x3  }
0x9a: {  	_ =	strace s5  }
0x9b: {  	s5 =	sld [smem:$0x3FFD];
	_ =	sdelay $0x3  }
0x9c: {  	_ =	strace s5  }
0x9d: {  	_ =	strace $0x8FFFFFFF  }
0x9e: {  	s19 =	sld [smem:$0x3FDB];
	_ =	sdelay $0x1  }
0x9f: {  	s6 =	simm.s32 $_scs_section_size  }
0xa0: {  	s7 =	simm.s32 $_size__tile_overlayer_lowered;
	s8 =	simm.s32 $_tile_overlayer_lowered  }
0xa1: {  	s22 =	simm.s32 $0x1BFF;
	s21 =	sshll.u32 s8, $0x1;
	s5 =	sadd.s32 s6, s19  }
0xa2: {  	s9 =	simm.s32 $0x0;
	s20 =	sshll.u32 s7, $0x1;
	s7 =	sadd.s32 s21, s5  }
0xa3: {  	[timem:s9], [sflag:s22] =	dma.local [hbm:s7], s20  }
0xa4: {  	_ =	swait.ge [sflag:s22], s20  }
0xa5: {  	s6 =	ssub.s32 $0x0, s20;
	[sflag:s22] =	ssyncset.done $0x0  }
0xa6: {  	[sflag:s22] =	ssyncadd.s32 s6;
	_ =	sdelay $0x1  }
0xa7: {  	s23 =	simm.s32 $0x1B8B  }
0xa8: {  	_ =	swait.ge [sflag:s23], $0x1  }
0xa9: {  	[sflag:s23] =	ssyncset.done $0x0  }
0xaa: {  	s25 =	simm.s32 $0x1B8E;
	s24 =	sld [smem:$0x3FFE];
	[sflag:s23] =	ssyncadd.s32 $0xFFFFFFFF  }
0xab: {  	s26 =	simm.s32 $execute0_lowered;
	[smem:$0x3FD2] =	sst s25  }
0xac: {  	s7 =	sshll.u32 s26, $0x1;
	_ =	strace $0x80000049;
	[dreg:$0x1] =	wrdreg $0xFFFFFFFF  }
0xad: {  	s28 =	simm.s32 $_size_execute0_lowered;
	s5 =	sadd.s32 s5, s7;
	[dreg:$0x0] =	wrdreg $0x0  }
0xae: {  	s7 =	sshll.u32 s28, $0x1;
	[dreg:$0x2] =	wrdreg s5  }
0xaf: {  	[dreg:$0x3] =	wrdreg s7  }
0xb0: {  	[dreg:$0x4] =	wrdreg $0xC0  }
0xb1: {  	_ =	task [dreg:s9], $0x5FFFF  }
0xb2: {  	[dreg:$0x1] =	wrdreg $0xFFFFFFFF  }
0xb3: {  	[dreg:$0x0] =	wrdreg $0x60  }
0xb4: {  	[dreg:$0x2] =	wrdreg s16  }
0xb5: {  	[dreg:$0x3] =	wrdreg s24  }
0xb6: {  	[dreg:$0x4] =	wrdreg s17  }
0xb7: {  	[dreg:$0x5] =	wrdreg s15  }
0xb8: {  	[dreg:$0x6] =	wrdreg $0x9  }
0xb9: {  	_ =	task.clear_ibuf [dreg:s9], $0x7FFFF;
	_ =	strace $0x90000049  }
0xba: {  	s29 =	simm.s32 $0x9;
	_ =	strace $0x8000004B  }
0xbb: {  	_ =	swait.ge [sflag:s29], $0x1  }
0xbc: {  	[sflag:s29] =	ssyncadd.s32 $0xFFFFFFFF  }
0xbd: {  	_ =	strace $0x9000004B  }
0xbe: {  	_ =	sfence  }
0xbf: {  	s30 =	sld [smem:$0x0];
	_ =	sdelay $0x2  }
0xc0: {  	s31 =	sshll.u32 s1, $0xD;
	s1 =	sshrl.u32 s1, $0x2  }
0xc1: {  	s3 =	sand.u32 $0x4000, s31;
	s1 =	sadd.s32 s1, s30  }
0xc2: {  	s0 =	sor.u32 s3, s0;
	s1 =	sshll.u32 s1, $0x11  }
0xc3: {  	s0 =	sor.u32 s1, s0  }
0xc4: {  	s0 =	sadd.s32 $0x8F2B, s0  }
0xc5: {  	[sflag:s0] =	ssyncadd.remote.s32 $0x1  }
0xc6: {  	_ =	sfence.sel $0xFFFF  }
0xc7: {  	[dreg:$0x0] =	wrdreg $0xFFFFFFFF;
	(pc) =	sbr.abs _section_cstart, $3  }
0xc8: {  	[dreg:$0x1] =	wrdreg $0xFFFFFFFF  }
0xc9: {  	_ =	task.clear_ibuf [dreg:s9], $0x2FFFF;
	_ =	strace $0x9FFFFFFF  }
0xca: {  	(tm) =	ssettm $0x7FFFFFFF  }
0xcb: {  	_ =	shalt  }
tec
execute0_lowered:
.L_overlay_start_1:
0x0: {  	(tag) =	ssettag $0x1  }
0x1: {  	s0 =	rddreg [dreg:$0x1]  }
0x2: {  	s2 =	rddreg [dreg:$0x2];
	s4 =	simm.s32 $0x0;
	s1 =	srdreg.scid  }
0x3: {  	s11 =	stileid.u32;
	s16 =	simm.s32 $0x80;
	s28 =	simm.s32 $0x3880  }
0x4: {  	s29 =	simm.s32 $0x1C00;
	s30 =	simm.s32 $0x3900;
	s31 =	simm.s32 $0x1C80  }
0x5: {  	s19 =	simm.s32 $0x0;
	s5 =	sadd.s32 $0x36C600, s0;
	s6 =	sadd.s32 $0x273200, s0  }
0x6: {  	[smem:$0x7FF] =	sst s4;
	s8 =	sadd.s32 $0x319400, s0;
	s9 =	sadd.s32 $0x11E00, s0  }
0x7: {  	s10 =	sadd.s32 $0x2200, s0;
	s1 =	sand.u32 $0x1, s1;
	s7 =	sshrl.u32 s11, $0x2  }
0x8: {  	s14 =	sand.u32 $0x3, s11;
	s11 =	sadd.s32 $0xC000, s0;
	_ =	strace $0x8000004A  }
0x9: {  	s3 =	ssub.s32 $0x2, s1;
	s1 =	sshll.u32 s1, $0x2;
	s25 =	sshll.u32 s14, $0x8  }
0xa: {  	p0 =	seq.s32 s14, $0x3;
	s14 =	simm.s32 $0x3A80;
	s1 =	sor.u32 s7, s1  }
0xb: {  	s12 =	sshrl.u32 s3, $0x1;
	s7 =	simm.s32 $0x1;
	s15 =	smul.u32 $0x3E8, s1  }
.Ltmp0:
0xc: {  	s13 =	sshll.u32 s1, $0xA;
	s26 =	ssub.s32 s3, s12;
	(pc) =	sbr.rel .LBB2_1-.Ltmp0, $4  }
0xd: {  	s17 =	smul.u32 $0x4E20, s1;
	s1 =	simm.s32 $0x3E80;
	s3 =	simm.s32 $0x5280  }
0xe: {  	s12 =	sor.u32 s25, s13;
	s0 =	smax.u32 s26, $0x1;
	s26 =	simm.s32 $0x1B80  }
0xf: {  	s13 =	sadd.s32 s25, s15;
	[dreg:$0x5] =	wrdreg s0;
	s15 =	simm.s32 $0x4  }
0x10: {  	v1 =	vlaneseq.u32;
	s25 =	simm.s32 $0x1B00;
	s0 =	simm.s32 $0x1D00;
	v0 =	vmov s17;
	s17 =	simm.s32 $0x3  }
.LBB2_7:
0x11: {  	[hbm4b:s20+s4] =	stream.linear.scatter [tilespmem:s14], [sflag:$0x4], $0x340, $0x38;
	[tilespmem:$0x5E80] =	vst v63  }
0x12: {  	_ =	swait.ge [sflag:s15], $0x340  }
0x13: {  	[sflag:s15] =	ssyncset.done $0x0  }
0x14: {  	[sflag:s15] =	ssyncadd.s32 $0xFFFFFCC0  }
0x15: {  	[hbm4b:s19+s4] =	stream.linear.scatter [tilespmem:s1], [sflag:$0x4], $0x1040, $0x38;
	[tilespmem:$0x5E80] =	vst v63  }
0x16: {  	_ =	swait.ge [sflag:s15], $0x1040  }
0x17: {  	[sflag:s15] =	ssyncset.done $0x0  }
0x18: {  	s24 =	simm.s32 $0x2;
	[sflag:s15] =	ssyncadd.s32 $0xFFFFEFC0  }
0x19: {  	[hbm4b:s18+s4] =	stream.linear.scatter [tilespmem:s3], [sflag:$0x2], $0x9C0, $0x38;
	[tilespmem:$0x5E80] =	vst v63  }
0x1a: {  	_ =	swait.ge [sflag:s24], $0x9C0  }
0x1b: {  	[sflag:s24] =	ssyncset.done $0x0  }
0x1c: {  	[sflag:s24] =	ssyncadd.s32 $0xFFFFF640  }
.LBB2_9:
0x1d: {  	s19 =	rddreg [dreg:$0x6]  }
0x1e: {  	s18 =	rddreg [dreg:$0x5];
	s19 =	sadd.s32 $0x1, s19  }
0x1f: {  	p1 =	sne.s32 s19, s18  }
.Ltmp1:
0x20: {  	_ = 	snop;
	(pc) =	sbr.rel @!p1 .LBB2_10-.Ltmp1, $1  }
0x21: {  	_ =	sdelay $0x3  }
.LBB2_1:
0x22: {  	[dreg:$0x6] =	wrdreg s19  }
0x23: {  	p3 =	por $0x1, $0x1;
	p1 =	por $0x0, $0x0;
	s18 =	simm.s32 $0x0  }
.LBB2_2:
0x24: {  	s19 =	sor.u32 s12, s18  }
0x25: {  	s20 =	rddreg [dreg:$0x0];
	s19 =	sshrl.u32 s19, $0x3  }
0x26: {  	s24 =	simm.s32 $0x0;
	s19 =	sadd.s32 s20, s19  }
0x27: {  	[tilespmem:s24], [sflag:$0x4] =	stream.linear.gather [hbm4b:s19+s24], $0x80, $0x38;
	[tilespmem:$0x5E80] =	vst v63  }
0x28: {  	_ =	swait.ge [sflag:s15], $0x80  }
0x29: {  	[sflag:s15] =	ssyncset.done $0x0  }
0x2a: {  	s19 =	simm.s32 $0x0;
	[sflag:s15] =	ssyncadd.s32 $0xFFFFFF80  }
0x2b: {  	v2 =	vld [tilespmem:s19+$0x0];
	_ =	sdelay $0x4  }
0x2c: {  	v3 =	vadd.s32 v0, v2;
	v6 =	vshll.u32 v2, $0x1;
	[tilespmem:s19+$0x1D00] =	vst v2  }
0x2d: {  	v4 =	vmul.u32 $0x22, v3;
	v2 =	vmul.u32 $0x11, v3;
	v7 =	vshll.u32 v3, $0x2;
	[tilespmem:s19+$0x1C00] =	vst v6  }
0x2e: {  	[tilespmem:s19+$0x1A00] =	vst v7  }
0x2f: {  	[tilespmem:s19+$0x80] =	vst v4;
	v3 =	vadd.s32 $0x10, v2  }
0x30: {  	v5 =	vor.u32 $0x1, v4;
	[tilespmem:s19+$0x1980] =	vst v3  }
0x31: {  	v8 =	vadd.s32 $0xF, v2;
	[tilespmem:s19+$0x100] =	vst v5  }
0x32: {  	v3 =	vadd.s32 $0x2, v4;
	[tilespmem:s19+$0x1900] =	vst v8  }
0x33: {  	v5 =	vadd.s32 $0x3, v4;
	[tilespmem:s19+$0x180] =	vst v3  }
0x34: {  	v3 =	vadd.s32 $0x4, v4;
	[tilespmem:s19+$0x200] =	vst v5  }
0x35: {  	v5 =	vadd.s32 $0x5, v4;
	[tilespmem:s19+$0x280] =	vst v3  }
0x36: {  	v3 =	vadd.s32 $0x6, v4;
	[tilespmem:s19+$0x300] =	vst v5  }
0x37: {  	v5 =	vadd.s32 $0x7, v4;
	[tilespmem:s19+$0x380] =	vst v3  }
0x38: {  	v3 =	vadd.s32 $0x8, v4;
	[tilespmem:s19+$0x400] =	vst v5  }
0x39: {  	v5 =	vadd.s32 $0x9, v4;
	[tilespmem:s19+$0x480] =	vst v3  }
0x3a: {  	v3 =	vadd.s32 $0xA, v4;
	[tilespmem:s19+$0x500] =	vst v5  }
0x3b: {  	v5 =	vadd.s32 $0xB, v4;
	[tilespmem:s19+$0x580] =	vst v3  }
0x3c: {  	v3 =	vadd.s32 $0xC, v4;
	[tilespmem:s19+$0x600] =	vst v5  }
0x3d: {  	v5 =	vadd.s32 $0xD, v4;
	[tilespmem:s19+$0x680] =	vst v3  }
0x3e: {  	v3 =	vadd.s32 $0xE, v4;
	[tilespmem:s19+$0x700] =	vst v5  }
0x3f: {  	v5 =	vadd.s32 $0xF, v4;
	[tilespmem:s19+$0x780] =	vst v3  }
0x40: {  	v3 =	vadd.s32 $0x10, v4;
	[tilespmem:s19+$0x800] =	vst v5  }
0x41: {  	v5 =	vadd.s32 $0x11, v4;
	[tilespmem:s19+$0x880] =	vst v3  }
0x42: {  	v3 =	vadd.s32 $0x12, v4;
	[tilespmem:s19+$0x900] =	vst v5  }
0x43: {  	v5 =	vadd.s32 $0x13, v4;
	[tilespmem:s19+$0x980] =	vst v3  }
0x44: {  	v3 =	vadd.s32 $0x14, v4;
	[tilespmem:s19+$0xA00] =	vst v5  }
0x45: {  	v5 =	vadd.s32 $0x15, v4;
	[tilespmem:s19+$0xA80] =	vst v3  }
0x46: {  	v3 =	vadd.s32 $0x16, v4;
	[tilespmem:s19+$0xB00] =	vst v5  }
0x47: {  	v5 =	vadd.s32 $0x17, v4;
	[tilespmem:s19+$0xB80] =	vst v3  }
0x48: {  	v3 =	vadd.s32 $0x18, v4;
	[tilespmem:s19+$0xC00] =	vst v5  }
0x49: {  	v5 =	vadd.s32 $0x19, v4;
	[tilespmem:s19+$0xC80] =	vst v3  }
0x4a: {  	v3 =	vadd.s32 $0x1A, v4;
	[tilespmem:s19+$0xD00] =	vst v5  }
0x4b: {  	v5 =	vadd.s32 $0x1B, v4;
	[tilespmem:s19+$0xD80] =	vst v3  }
0x4c: {  	v3 =	vadd.s32 $0x1C, v4;
	[tilespmem:s19+$0xE00] =	vst v5  }
0x4d: {  	v5 =	vadd.s32 $0x1D, v4;
	[tilespmem:s19+$0xE80] =	vst v3  }
0x4e: {  	v3 =	vadd.s32 $0x1E, v4;
	[tilespmem:s19+$0xF00] =	vst v5  }
0x4f: {  	v5 =	vadd.s32 $0x1F, v4;
	[tilespmem:s19+$0xF80] =	vst v3  }
0x50: {  	v3 =	vadd.s32 $0x20, v4;
	[tilespmem:s19+$0x1000] =	vst v5  }
0x51: {  	v4 =	vadd.s32 $0x21, v4;
	[tilespmem:s19+$0x1080] =	vst v3  }
0x52: {  	v3 =	vadd.s32 $0x1, v2;
	[tilespmem:s19+$0x1100] =	vst v4  }
0x53: {  	v4 =	vadd.s32 $0x2, v2;
	[tilespmem:s19+$0x1200] =	vst v3  }
0x54: {  	v3 =	vadd.s32 $0x3, v2;
	[tilespmem:s19+$0x1280] =	vst v4  }
0x55: {  	v4 =	vadd.s32 $0x4, v2;
	[tilespmem:s19+$0x1300] =	vst v3  }
0x56: {  	v3 =	vadd.s32 $0x5, v2;
	[tilespmem:s19+$0x1380] =	vst v4  }
0x57: {  	v4 =	vadd.s32 $0x6, v2;
	[tilespmem:s19+$0x1400] =	vst v3  }
0x58: {  	v3 =	vadd.s32 $0x7, v2;
	[tilespmem:s19+$0x1480] =	vst v4  }
0x59: {  	v4 =	vadd.s32 $0x8, v2;
	[tilespmem:s19+$0x1500] =	vst v3  }
0x5a: {  	v3 =	vadd.s32 $0x9, v2;
	[tilespmem:s19+$0x1580] =	vst v4  }
0x5b: {  	v4 =	vadd.s32 $0xA, v2;
	[tilespmem:s19+$0x1600] =	vst v3  }
0x5c: {  	v3 =	vadd.s32 $0xB, v2;
	[tilespmem:s19+$0x1680] =	vst v4  }
0x5d: {  	v4 =	vadd.s32 $0xC, v2;
	[tilespmem:s19+$0x1700] =	vst v3  }
0x5e: {  	v3 =	vadd.s32 $0xD, v2;
	[tilespmem:s19+$0x1780] =	vst v4  }
0x5f: {  	v6 =	vor.u32 $0x1, v6;
	v4 =	vadd.s32 $0xE, v2;
	[tilespmem:s19+$0x1800] =	vst v3  }
0x60: {  	p2 =	por p3, p3;
	s21 =	simm.s32 $0x10;
	s20 =	simm.s32 $0x80;
	v5 =	vor.u32 $0x2, v7;
	v3 =	vor.u32 $0x1, v7;
	[tilespmem:s19+$0x1880] =	vst v4;
	v4 =	vor.u32 $0x3, v7  }
.LBB2_3:
0x61: {  	p3 =	sne.s32 s20, $0x1C0;
	v7 =	vld [tilespmem:s21+$0x0];
	[tilespmem:s19+$0x1180] =	vst v2  }
0x62: {  	[tilespmem:s19+$0x1A80] =	vst v3  }
0x63: {  	[tilespmem:s19+$0x1B00] =	vst v5  }
0x64: {  	[tilespmem:s19+$0x1B80] =	vst v4  }
0x65: {  	[tilespmem:s19+$0x1C80] =	vst v6;
	s19 =	smov.u32 s21  }
0x66: {  	v3 =	vadd.s32 v0, v7;
	v6 =	vshll.u32 v7, $0x1;
	[tilespmem:s19+$0x1D00] =	vst v7  }
0x67: {  	v7 =	vmul.u32 $0x22, v3;
	v2 =	vmul.u32 $0x11, v3;
	v4 =	vshll.u32 v3, $0x2;
	[tilespmem:s19+$0x1C00] =	vst v6  }
0x68: {  	[tilespmem:s19+$0x1A00] =	vst v4;
	v3 =	vor.u32 $0x1, v4;
	v5 =	vor.u32 $0x2, v4;
	v4 =	vor.u32 $0x3, v4  }
0x69: {  	[tilespmem:s19+$0x80] =	vst v7;
	v8 =	vor.u32 $0x1, v7;
	v9 =	vadd.s32 $0x2, v7;
	v10 =	vadd.s32 $0x10, v2  }
0x6a: {  	v11 =	vadd.s32 $0x3, v7;
	v12 =	vadd.s32 $0x4, v7;
	v13 =	vadd.s32 $0x5, v7;
	[tilespmem:s19+$0x1980] =	vst v10  }
0x6b: {  	v14 =	vadd.s32 $0x8, v7;
	v10 =	vadd.s32 $0x7, v7;
	[tilespmem:s19+$0x100] =	vst v8;
	v8 =	vadd.s32 $0x6, v7  }
0x6c: {  	v15 =	vadd.s32 $0xA, v7;
	v16 =	vadd.s32 $0xB, v7;
	[tilespmem:s19+$0x180] =	vst v9;
	v9 =	vadd.s32 $0x9, v7  }
0x6d: {  	v17 =	vadd.s32 $0xD, v7;
	v18 =	vadd.s32 $0xE, v7;
	[tilespmem:s19+$0x200] =	vst v11;
	v11 =	vadd.s32 $0xC, v7  }
0x6e: {  	v19 =	vadd.s32 $0x10, v7;
	v20 =	vadd.s32 $0x11, v7;
	[tilespmem:s19+$0x280] =	vst v12;
	v12 =	vadd.s32 $0xF, v7  }
0x6f: {  	v21 =	vadd.s32 $0x13, v7;
	v22 =	vadd.s32 $0x14, v7;
	[tilespmem:s19+$0x300] =	vst v13;
	v13 =	vadd.s32 $0x12, v7  }
0x70: {  	v23 =	vadd.s32 $0x16, v7;
	v24 =	vadd.s32 $0x17, v7;
	[tilespmem:s19+$0x380] =	vst v8;
	v8 =	vadd.s32 $0x15, v7  }
0x71: {  	v25 =	vadd.s32 $0x19, v7;
	v26 =	vadd.s32 $0x1A, v7;
	[tilespmem:s19+$0x400] =	vst v10;
	v10 =	vadd.s32 $0x18, v7  }
0x72: {  	v27 =	vadd.s32 $0x1C, v7;
	v28 =	vadd.s32 $0x1D, v7;
	[tilespmem:s19+$0x480] =	vst v14;
	v14 =	vadd.s32 $0x1B, v7  }
0x73: {  	v29 =	vadd.s32 $0x1F, v7;
	v30 =	vadd.s32 $0x20, v7;
	[tilespmem:s19+$0x500] =	vst v9;
	v9 =	vadd.s32 $0x1E, v7  }
0x74: {  	v31 =	vadd.s32 $0x2, v2;
	v7 =	vadd.s32 $0x21, v7;
	[tilespmem:s19+$0x580] =	vst v15;
	v15 =	vadd.s32 $0x1, v2  }
0x75: {  	v32 =	vadd.s32 $0x4, v2;
	v33 =	vadd.s32 $0x5, v2;
	[tilespmem:s19+$0x600] =	vst v16;
	v16 =	vadd.s32 $0x3, v2  }
0x76: {  	v34 =	vadd.s32 $0x7, v2;
	v35 =	vadd.s32 $0x8, v2;
	[tilespmem:s19+$0x680] =	vst v11;
	v11 =	vadd.s32 $0x6, v2  }
0x77: {  	v36 =	vadd.s32 $0xA, v2;
	v37 =	vadd.s32 $0xB, v2;
	[tilespmem:s19+$0x700] =	vst v17;
	v17 =	vadd.s32 $0x9, v2  }
0x78: {  	v38 =	vadd.s32 $0xD, v2;
	v39 =	vadd.s32 $0xE, v2;
	[tilespmem:s19+$0x780] =	vst v18;
	v18 =	vadd.s32 $0xC, v2  }
0x79: {  	v6 =	vor.u32 $0x1, v6;
	[tilespmem:s19+$0x800] =	vst v12;
	v12 =	vadd.s32 $0xF, v2  }
0x7a: {  	[tilespmem:s19+$0x880] =	vst v19  }
0x7b: {  	[tilespmem:s19+$0x900] =	vst v20  }
0x7c: {  	[tilespmem:s19+$0x980] =	vst v13  }
0x7d: {  	[tilespmem:s19+$0xA00] =	vst v21  }
0x7e: {  	[tilespmem:s19+$0xA80] =	vst v22  }
0x7f: {  	[tilespmem:s19+$0xB00] =	vst v8  }
0x80: {  	[tilespmem:s19+$0xB80] =	vst v23  }
0x81: {  	[tilespmem:s19+$0xC00] =	vst v24  }
0x82: {  	[tilespmem:s19+$0xC80] =	vst v10  }
0x83: {  	[tilespmem:s19+$0xD00] =	vst v25  }
0x84: {  	[tilespmem:s19+$0xD80] =	vst v26  }
0x85: {  	[tilespmem:s19+$0xE00] =	vst v14  }
0x86: {  	[tilespmem:s19+$0xE80] =	vst v27  }
0x87: {  	[tilespmem:s19+$0xF00] =	vst v28  }
0x88: {  	[tilespmem:s19+$0xF80] =	vst v9  }
0x89: {  	[tilespmem:s19+$0x1000] =	vst v29  }
0x8a: {  	[tilespmem:s19+$0x1080] =	vst v30  }
0x8b: {  	[tilespmem:s19+$0x1100] =	vst v7  }
0x8c: {  	[tilespmem:s19+$0x1200] =	vst v15  }
0x8d: {  	[tilespmem:s19+$0x1280] =	vst v31  }
0x8e: {  	[tilespmem:s19+$0x1300] =	vst v16  }
0x8f: {  	[tilespmem:s19+$0x1380] =	vst v32  }
0x90: {  	[tilespmem:s19+$0x1400] =	vst v33  }
0x91: {  	[tilespmem:s19+$0x1480] =	vst v11  }
0x92: {  	[tilespmem:s19+$0x1500] =	vst v34  }
0x93: {  	[tilespmem:s19+$0x1580] =	vst v35  }
0x94: {  	[tilespmem:s19+$0x1600] =	vst v17  }
0x95: {  	[tilespmem:s19+$0x1680] =	vst v36  }
.Ltmp2:
0x96: {  	[tilespmem:s19+$0x1700] =	vst v37;
	(pc) =	sbr.rel @p3 .LBB2_3-.Ltmp2, $4  }
0x97: {  	[tilespmem:s19+$0x1780] =	vst v18  }
0x98: {  	[tilespmem:s19+$0x1800] =	vst v38  }
0x99: {  	[tilespmem:s19+$0x1880] =	vst v39  }
0x9a: {  	s21 =	sshra.s32 s20, $0x2;
	s20 =	sadd.s32 $0x40, s20;
	[tilespmem:s19+$0x1900] =	vst v12  }
0x9b: {  	v7 =	vld [tilespmem:s21+$0x0];
	[tilespmem:s19+$0x1180] =	vst v2  }
0x9c: {  	[tilespmem:s19+$0x1A80] =	vst v3  }
0x9d: {  	[tilespmem:s19+$0x1B00] =	vst v5  }
0x9e: {  	[tilespmem:s19+$0x1B80] =	vst v4  }
0x9f: {  	[tilespmem:s19+$0x1C80] =	vst v6  }
0xa0: {  	v2 =	vadd.s32 v0, v7;
	v3 =	vshll.u32 v7, $0x1;
	[tilespmem:s21+$0x1D00] =	vst v7  }
0xa1: {  	v12 =	vmul.u32 $0x22, v2;
	v13 =	vmul.u32 $0x11, v2;
	v2 =	vshll.u32 v2, $0x2;
	[tilespmem:s21+$0x1C00] =	vst v3  }
0xa2: {  	v3 =	vor.u32 $0x1, v3;
	[tilespmem:s21+$0x1A00] =	vst v2  }
0xa3: {  	[tilespmem:s21+$0x1C80] =	vst v3  }
0xa4: {  	[tilespmem:s21+$0x80] =	vst v12  }
0xa5: {  	v62 =	vor.u32 $0x1, v2;
	[tilespmem:s21+$0x1180] =	vst v13  }
0xa6: {  	v63 =	vor.u32 $0x2, v2;
	[tilespmem:s21+$0x1A80] =	vst v62  }
0xa7: {  	v2 =	vor.u32 $0x3, v2;
	[tilespmem:s21+$0x1B00] =	vst v63  }
0xa8: {  	v14 =	vadd.s32 $0x10, v13;
	[tilespmem:s21+$0x1B80] =	vst v2  }
0xa9: {  	v15 =	vor.u32 $0x1, v12;
	[tilespmem:s21+$0x1980] =	vst v14  }
0xaa: {  	v16 =	vadd.s32 $0x2, v12;
	[tilespmem:s21+$0x100] =	vst v15  }
0xab: {  	v17 =	vadd.s32 $0x3, v12;
	[tilespmem:s21+$0x180] =	vst v16  }
0xac: {  	v18 =	vadd.s32 $0x4, v12;
	[tilespmem:s21+$0x200] =	vst v17  }
0xad: {  	v19 =	vadd.s32 $0x5, v12;
	[tilespmem:s21+$0x280] =	vst v18  }
0xae: {  	v20 =	vadd.s32 $0x6, v12;
	[tilespmem:s21+$0x300] =	vst v19  }
0xaf: {  	v21 =	vadd.s32 $0x7, v12;
	[tilespmem:s21+$0x380] =	vst v20  }
0xb0: {  	v22 =	vadd.s32 $0x8, v12;
	[tilespmem:s21+$0x400] =	vst v21  }
0xb1: {  	v23 =	vadd.s32 $0x9, v12;
	[tilespmem:s21+$0x480] =	vst v22  }
0xb2: {  	v24 =	vadd.s32 $0xA, v12;
	[tilespmem:s21+$0x500] =	vst v23  }
0xb3: {  	v25 =	vadd.s32 $0xB, v12;
	[tilespmem:s21+$0x580] =	vst v24  }
0xb4: {  	v26 =	vadd.s32 $0xC, v12;
	[tilespmem:s21+$0x600] =	vst v25  }
0xb5: {  	v27 =	vadd.s32 $0xD, v12;
	[tilespmem:s21+$0x680] =	vst v26  }
0xb6: {  	v28 =	vadd.s32 $0xE, v12;
	[tilespmem:s21+$0x700] =	vst v27  }
0xb7: {  	v29 =	vadd.s32 $0xF, v12;
	[tilespmem:s21+$0x780] =	vst v28  }
0xb8: {  	v30 =	vadd.s32 $0x10, v12;
	[tilespmem:s21+$0x800] =	vst v29  }
0xb9: {  	v31 =	vadd.s32 $0x11, v12;
	[tilespmem:s21+$0x880] =	vst v30  }
0xba: {  	v32 =	vadd.s32 $0x12, v12;
	[tilespmem:s21+$0x900] =	vst v31  }
0xbb: {  	v33 =	vadd.s32 $0x13, v12;
	[tilespmem:s21+$0x980] =	vst v32  }
0xbc: {  	v34 =	vadd.s32 $0x14, v12;
	[tilespmem:s21+$0xA00] =	vst v33  }
0xbd: {  	v35 =	vadd.s32 $0x15, v12;
	[tilespmem:s21+$0xA80] =	vst v34  }
0xbe: {  	v36 =	vadd.s32 $0x16, v12;
	[tilespmem:s21+$0xB00] =	vst v35  }
0xbf: {  	v37 =	vadd.s32 $0x17, v12;
	[tilespmem:s21+$0xB80] =	vst v36  }
0xc0: {  	v38 =	vadd.s32 $0x18, v12;
	[tilespmem:s21+$0xC00] =	vst v37  }
0xc1: {  	v39 =	vadd.s32 $0x19, v12;
	[tilespmem:s21+$0xC80] =	vst v38  }
0xc2: {  	v40 =	vadd.s32 $0x1A, v12;
	[tilespmem:s21+$0xD00] =	vst v39  }
0xc3: {  	v41 =	vadd.s32 $0x1B, v12;
	[tilespmem:s21+$0xD80] =	vst v40  }
0xc4: {  	v42 =	vadd.s32 $0x1C, v12;
	[tilespmem:s21+$0xE00] =	vst v41  }
0xc5: {  	v43 =	vadd.s32 $0x1D, v12;
	[tilespmem:s21+$0xE80] =	vst v42  }
0xc6: {  	v44 =	vadd.s32 $0x1E, v12;
	[tilespmem:s21+$0xF00] =	vst v43  }
0xc7: {  	v45 =	vadd.s32 $0x1F, v12;
	[tilespmem:s21+$0xF80] =	vst v44  }
0xc8: {  	v46 =	vadd.s32 $0x20, v12;
	[tilespmem:s21+$0x1000] =	vst v45  }
0xc9: {  	v4 =	vadd.s32 $0x21, v12;
	[tilespmem:s21+$0x1080] =	vst v46  }
0xca: {  	v47 =	vadd.s32 $0x1, v13;
	[tilespmem:s21+$0x1100] =	vst v4  }
0xcb: {  	v48 =	vadd.s32 $0x2, v13;
	[tilespmem:s21+$0x1200] =	vst v47  }
0xcc: {  	v49 =	vadd.s32 $0x3, v13;
	[tilespmem:s21+$0x1280] =	vst v48  }
0xcd: {  	v50 =	vadd.s32 $0x4, v13;
	[tilespmem:s21+$0x1300] =	vst v49  }
0xce: {  	v51 =	vadd.s32 $0x5, v13;
	[tilespmem:s21+$0x1380] =	vst v50  }
0xcf: {  	v52 =	vadd.s32 $0x6, v13;
	[tilespmem:s21+$0x1400] =	vst v51  }
0xd0: {  	v53 =	vadd.s32 $0x7, v13;
	[tilespmem:s21+$0x1480] =	vst v52  }
0xd1: {  	v54 =	vadd.s32 $0x8, v13;
	[tilespmem:s21+$0x1500] =	vst v53  }
0xd2: {  	v55 =	vadd.s32 $0x9, v13;
	[tilespmem:s21+$0x1580] =	vst v54  }
0xd3: {  	v56 =	vadd.s32 $0xA, v13;
	[tilespmem:s21+$0x1600] =	vst v55  }
0xd4: {  	v57 =	vadd.s32 $0xB, v13;
	[tilespmem:s21+$0x1680] =	vst v56  }
0xd5: {  	v58 =	vadd.s32 $0xC, v13;
	[tilespmem:s21+$0x1700] =	vst v57  }
0xd6: {  	v59 =	vadd.s32 $0xD, v13;
	[tilespmem:s21+$0x1780] =	vst v58  }
0xd7: {  	v60 =	vadd.s32 $0xE, v13;
	[tilespmem:s21+$0x1800] =	vst v59  }
0xd8: {  	v61 =	vadd.s32 $0xF, v13;
	[tilespmem:s21+$0x1880] =	vst v60  }
0xd9: {  	s23 =	simm.s32 $0x1D80;
	[tilespmem:s21+$0x1900] =	vst v61  }
0xda: {  	[tilespmem:s23], [sflag:$0x1] =	stream.indirect.gather [hbm4b:s6+s16], $0x1, s16, s16, $0xb8;
	[tilespmem:$0x5E80] =	vst v63  }
0xdb: {  	s24 =	simm.s32 $0x100;
	s20 =	simm.s32 $0x1E00  }
0xdc: {  	[tilespmem:s20], [sflag:$0x1] =	stream.indirect.gather [hbm4b:s6+s16], $0x1, s24, s16, $0xb8;
	[tilespmem:$0x5E80] =	vst v63  }
0xdd: {  	s22 =	simm.s32 $0x1E80;
	s21 =	simm.s32 $0x180  }
0xde: {  	[tilespmem:s22], [sflag:$0x1] =	stream.indirect.gather [hbm4b:s6+s16], $0x1, s21, s16, $0xb8;
	[tilespmem:$0x5E80] =	vst v63  }
0xdf: {  	s23 =	simm.s32 $0x200;
	s24 =	simm.s32 $0x1F00  }
0xe0: {  	[tilespmem:s24], [sflag:$0x1] =	stream.indirect.gather [hbm4b:s6+s16], $0x1, s23, s16, $0xb8;
	[tilespmem:$0x5E80] =	vst v63  }
0xe1: {  	s21 =	simm.s32 $0x280;
	s22 =	simm.s32 $0x1F80  }
0xe2: {  	[tilespmem:s22], [sflag:$0x1] =	stream.indirect.gather [hbm4b:s6+s16], $0x1, s21, s16, $0xb8;
	[tilespmem:$0x5E80] =	vst v63  }
0xe3: {  	s23 =	simm.s32 $0x300;
	s24 =	simm.s32 $0x2000  }
0xe4: {  	[tilespmem:s24], [sflag:$0x1] =	stream.indirect.gather [hbm4b:s6+s16], $0x1, s23, s16, $0xb8;
	[tilespmem:$0x5E80] =	vst v63  }
0xe5: {  	s21 =	simm.s32 $0x380;
	s22 =	simm.s32 $0x2080  }
0xe6: {  	[tilespmem:s22], [sflag:$0x1] =	stream.indirect.gather [hbm4b:s6+s16], $0x1, s21, s16, $0xb8;
	[tilespmem:$0x5E80] =	vst v63  }
0xe7: {  	s23 =	simm.s32 $0x400;
	s24 =	simm.s32 $0x2100  }
0xe8: {  	[tilespmem:s24], [sflag:$0x1] =	stream.indirect.gather [hbm4b:s6+s16], $0x1, s23, s16, $0xb8;
	[tilespmem:$0x5E80] =	vst v63  }
0xe9: {  	s21 =	simm.s32 $0x480;
	s22 =	simm.s32 $0x2180  }
0xea: {  	[tilespmem:s22], [sflag:$0x1] =	stream.indirect.gather [hbm4b:s6+s16], $0x1, s21, s16, $0xb8;
	[tilespmem:$0x5E80] =	vst v63  }
0xeb: {  	s23 =	simm.s32 $0x500;
	s24 =	simm.s32 $0x2200  }
0xec: {  	[tilespmem:s24], [sflag:$0x1] =	stream.indirect.gather [hbm4b:s6+s16], $0x1, s23, s16, $0xb8;
	[tilespmem:$0x5E80] =	vst v63  }
0xed: {  	s21 =	simm.s32 $0x580;
	s22 =	simm.s32 $0x2280  }
0xee: {  	[tilespmem:s22], [sflag:$0x1] =	stream.indirect.gather [hbm4b:s6+s16], $0x1, s21, s16, $0xb8;
	[tilespmem:$0x5E80] =	vst v63  }
0xef: {  	s23 =	simm.s32 $0x600;
	s24 =	simm.s32 $0x2300  }
0xf0: {  	[tilespmem:s24], [sflag:$0x1] =	stream.indirect.gather [hbm4b:s6+s16], $0x1, s23, s16, $0xb8;
	[tilespmem:$0x5E80] =	vst v63  }
0xf1: {  	s21 =	simm.s32 $0x680;
	s22 =	simm.s32 $0x2380  }
0xf2: {  	[tilespmem:s22], [sflag:$0x1] =	stream.indirect.gather [hbm4b:s6+s16], $0x1, s21, s16, $0xb8;
	[tilespmem:$0x5E80] =	vst v63  }
0xf3: {  	s23 =	simm.s32 $0x700;
	s24 =	simm.s32 $0x2400  }
0xf4: {  	[tilespmem:s24], [sflag:$0x1] =	stream.indirect.gather [hbm4b:s6+s16], $0x1, s23, s16, $0xb8;
	[tilespmem:$0x5E80] =	vst v63  }
0xf5: {  	s21 =	simm.s32 $0x780;
	s22 =	simm.s32 $0x2480  }
0xf6: {  	[tilespmem:s22], [sflag:$0x1] =	stream.indirect.gather [hbm4b:s6+s16], $0x1, s21, s16, $0xb8;
	[tilespmem:$0x5E80] =	vst v63  }
0xf7: {  	s23 =	simm.s32 $0x800;
	s24 =	simm.s32 $0x2500  }
0xf8: {  	[tilespmem:s24], [sflag:$0x1] =	stream.indirect.gather [hbm4b:s6+s16], $0x1, s23, s16, $0xb8;
	[tilespmem:$0x5E80] =	vst v63  }
0xf9: {  	s20 =	simm.s32 $0x880;
	s21 =	simm.s32 $0x2580  }
0xfa: {  	[tilespmem:s21], [sflag:$0x1] =	stream.indirect.gather [hbm4b:s6+s16], $0x1, s20, s16, $0xb8;
	[tilespmem:$0x5E80] =	vst v63  }
0xfb: {  	s19 =	simm.s32 $0x2600;
	s22 =	simm.s32 $0x900  }
0xfc: {  	[tilespmem:s19], [sflag:$0x1] =	stream.indirect.gather [hbm4b:s6+s16], $0x1, s22, s16, $0xb8;
	[tilespmem:$0x5E80] =	vst v63  }
0xfd: {  	s23 =	simm.s32 $0x980;
	s24 =	simm.s32 $0x2680  }
0xfe: {  	[tilespmem:s24], [sflag:$0x1] =	stream.indirect.gather [hbm4b:s6+s16], $0x1, s23, s16, $0xb8;
	[tilespmem:$0x5E80] =	vst v63  }
0xff: {  	s21 =	simm.s32 $0xA00;
	s22 =	simm.s32 $0x2700  }
0x100: {  	[tilespmem:s22], [sflag:$0x1] =	stream.indirect.gather [hbm4b:s6+s16], $0x1, s21, s16, $0xb8;
	[tilespmem:$0x5E80] =	vst v63  }
0x101: {  	s23 =	simm.s32 $0xA80;
	s24 =	simm.s32 $0x2780  }
0x102: {  	[tilespmem:s24], [sflag:$0x1] =	stream.indirect.gather [hbm4b:s6+s16], $0x1, s23, s16, $0xb8;
	[tilespmem:$0x5E80] =	vst v63  }
0x103: {  	s21 =	simm.s32 $0xB00;
	s22 =	simm.s32 $0x2800  }
0x104: {  	[tilespmem:s22], [sflag:$0x1] =	stream.indirect.gather [hbm4b:s6+s16], $0x1, s21, s16, $0xb8;
	[tilespmem:$0x5E80] =	vst v63  }
0x105: {  	s23 =	simm.s32 $0xB80;
	s24 =	simm.s32 $0x2880  }
0x106: {  	[tilespmem:s24], [sflag:$0x1] =	stream.indirect.gather [hbm4b:s6+s16], $0x1, s23, s16, $0xb8;
	[tilespmem:$0x5E80] =	vst v63  }
0x107: {  	s21 =	simm.s32 $0xC00;
	s22 =	simm.s32 $0x2900  }
0x108: {  	[tilespmem:s22], [sflag:$0x1] =	stream.indirect.gather [hbm4b:s6+s16], $0x1, s21, s16, $0xb8;
	[tilespmem:$0x5E80] =	vst v63  }
0x109: {  	s23 =	simm.s32 $0xC80;
	s24 =	simm.s32 $0x2980  }
0x10a: {  	[tilespmem:s24], [sflag:$0x1] =	stream.indirect.gather [hbm4b:s6+s16], $0x1, s23, s16, $0xb8;
	[tilespmem:$0x5E80] =	vst v63  }
0x10b: {  	s21 =	simm.s32 $0xD00;
	s22 =	simm.s32 $0x2A00  }
0x10c: {  	[tilespmem:s22], [sflag:$0x1] =	stream.indirect.gather [hbm4b:s6+s16], $0x1, s21, s16, $0xb8;
	[tilespmem:$0x5E80] =	vst v63  }
0x10d: {  	s23 =	simm.s32 $0xD80;
	s24 =	simm.s32 $0x2A80  }
0x10e: {  	[tilespmem:s24], [sflag:$0x1] =	stream.indirect.gather [hbm4b:s6+s16], $0x1, s23, s16, $0xb8;
	[tilespmem:$0x5E80] =	vst v63  }
0x10f: {  	s21 =	simm.s32 $0xE00;
	s22 =	simm.s32 $0x2B00  }
0x110: {  	[tilespmem:s22], [sflag:$0x1] =	stream.indirect.gather [hbm4b:s6+s16], $0x1, s21, s16, $0xb8;
	[tilespmem:$0x5E80] =	vst v63  }
0x111: {  	s23 =	simm.s32 $0xE80;
	s24 =	simm.s32 $0x2B80  }
0x112: {  	[tilespmem:s24], [sflag:$0x1] =	stream.indirect.gather [hbm4b:s6+s16], $0x1, s23, s16, $0xb8;
	[tilespmem:$0x5E80] =	vst v63  }
0x113: {  	s21 =	simm.s32 $0xF00;
	s22 =	simm.s32 $0x2C00  }
0x114: {  	[tilespmem:s22], [sflag:$0x1] =	stream.indirect.gather [hbm4b:s6+s16], $0x1, s21, s16, $0xb8;
	[tilespmem:$0x5E80] =	vst v63  }
0x115: {  	s23 =	simm.s32 $0xF80;
	s24 =	simm.s32 $0x2C80  }
0x116: {  	[tilespmem:s24], [sflag:$0x1] =	stream.indirect.gather [hbm4b:s6+s16], $0x1, s23, s16, $0xb8;
	[tilespmem:$0x5E80] =	vst v63  }
0x117: {  	s21 =	simm.s32 $0x1000;
	s22 =	simm.s32 $0x2D00  }
0x118: {  	[tilespmem:s22], [sflag:$0x1] =	stream.indirect.gather [hbm4b:s6+s16], $0x1, s21, s16, $0xb8;
	[tilespmem:$0x5E80] =	vst v63  }
0x119: {  	s23 =	simm.s32 $0x1080;
	s24 =	simm.s32 $0x2D80  }
0x11a: {  	[tilespmem:s24], [sflag:$0x1] =	stream.indirect.gather [hbm4b:s6+s16], $0x1, s23, s16, $0xb8;
	[tilespmem:$0x5E80] =	vst v63  }
0x11b: {  	s21 =	simm.s32 $0x1100;
	s22 =	simm.s32 $0x2E00  }
0x11c: {  	[tilespmem:s22], [sflag:$0x1] =	stream.indirect.gather [hbm4b:s6+s16], $0x1, s21, s16, $0xb8;
	[tilespmem:$0x5E80] =	vst v63  }
0x11d: {  	s23 =	simm.s32 $0x1180;
	s24 =	simm.s32 $0x2E80  }
0x11e: {  	[tilespmem:s24], [sflag:$0x1] =	stream.indirect.gather [hbm4b:s8+s16], $0x1, s23, s16, $0xb8;
	[tilespmem:$0x5E80] =	vst v63  }
0x11f: {  	s21 =	simm.s32 $0x1200;
	s22 =	simm.s32 $0x2F00  }
0x120: {  	[tilespmem:s22], [sflag:$0x1] =	stream.indirect.gather [hbm4b:s8+s16], $0x1, s21, s16, $0xb8;
	[tilespmem:$0x5E80] =	vst v63  }
0x121: {  	s23 =	simm.s32 $0x1280;
	s24 =	simm.s32 $0x2F80  }
0x122: {  	[tilespmem:s24], [sflag:$0x1] =	stream.indirect.gather [hbm4b:s8+s16], $0x1, s23, s16, $0xb8;
	[tilespmem:$0x5E80] =	vst v63  }
0x123: {  	s21 =	simm.s32 $0x1300;
	s22 =	simm.s32 $0x3000  }
0x124: {  	[tilespmem:s22], [sflag:$0x1] =	stream.indirect.gather [hbm4b:s8+s16], $0x1, s21, s16, $0xb8;
	[tilespmem:$0x5E80] =	vst v63  }
0x125: {  	s23 =	simm.s32 $0x1380;
	s24 =	simm.s32 $0x3080  }
0x126: {  	[tilespmem:s24], [sflag:$0x1] =	stream.indirect.gather [hbm4b:s8+s16], $0x1, s23, s16, $0xb8;
	[tilespmem:$0x5E80] =	vst v63  }
0x127: {  	s21 =	simm.s32 $0x1400;
	s22 =	simm.s32 $0x3100  }
0x128: {  	[tilespmem:s22], [sflag:$0x1] =	stream.indirect.gather [hbm4b:s8+s16], $0x1, s21, s16, $0xb8;
	[tilespmem:$0x5E80] =	vst v63  }
0x129: {  	s23 =	simm.s32 $0x1480;
	s24 =	simm.s32 $0x3180  }
0x12a: {  	[tilespmem:s24], [sflag:$0x1] =	stream.indirect.gather [hbm4b:s8+s16], $0x1, s23, s16, $0xb8;
	[tilespmem:$0x5E80] =	vst v63  }
0x12b: {  	s21 =	simm.s32 $0x1500;
	s22 =	simm.s32 $0x3200  }
0x12c: {  	[tilespmem:s22], [sflag:$0x1] =	stream.indirect.gather [hbm4b:s8+s16], $0x1, s21, s16, $0xb8;
	[tilespmem:$0x5E80] =	vst v63  }
0x12d: {  	s20 =	simm.s32 $0x3280;
	s23 =	simm.s32 $0x1580  }
0x12e: {  	[tilespmem:s20], [sflag:$0x1] =	stream.indirect.gather [hbm4b:s8+s16], $0x1, s23, s16, $0xb8;
	[tilespmem:$0x5E80] =	vst v63  }
0x12f: {  	s24 =	simm.s32 $0x1600;
	s22 =	simm.s32 $0x3300  }
0x130: {  	[tilespmem:s22], [sflag:$0x1] =	stream.indirect.gather [hbm4b:s8+s16], $0x1, s24, s16, $0xb8;
	[tilespmem:$0x5E80] =	vst v63  }
0x131: {  	s23 =	simm.s32 $0x1680;
	s24 =	simm.s32 $0x3380  }
0x132: {  	[tilespmem:s24], [sflag:$0x1] =	stream.indirect.gather [hbm4b:s8+s16], $0x1, s23, s16, $0xb8;
	[tilespmem:$0x5E80] =	vst v63  }
0x133: {  	s23 =	simm.s32 $0x1700;
	s24 =	simm.s32 $0x3400  }
0x134: {  	[tilespmem:s24], [sflag:$0x1] =	stream.indirect.gather [hbm4b:s8+s16], $0x1, s23, s16, $0xb8;
	[tilespmem:$0x5E80] =	vst v63  }
0x135: {  	s23 =	simm.s32 $0x1780;
	s24 =	simm.s32 $0x3480  }
0x136: {  	[tilespmem:s24], [sflag:$0x1] =	stream.indirect.gather [hbm4b:s8+s16], $0x1, s23, s16, $0xb8;
	[tilespmem:$0x5E80] =	vst v63  }
0x137: {  	s23 =	simm.s32 $0x1800;
	s24 =	simm.s32 $0x3500  }
0x138: {  	[tilespmem:s24], [sflag:$0x1] =	stream.indirect.gather [hbm4b:s8+s16], $0x1, s23, s16, $0xb8;
	[tilespmem:$0x5E80] =	vst v63  }
0x139: {  	s23 =	simm.s32 $0x1880;
	s24 =	simm.s32 $0x3580  }
0x13a: {  	[tilespmem:s24], [sflag:$0x1] =	stream.indirect.gather [hbm4b:s8+s16], $0x1, s23, s16, $0xb8;
	[tilespmem:$0x5E80] =	vst v63  }
0x13b: {  	s23 =	simm.s32 $0x1900;
	s24 =	simm.s32 $0x3600  }
0x13c: {  	[tilespmem:s24], [sflag:$0x1] =	stream.indirect.gather [hbm4b:s8+s16], $0x1, s23, s16, $0xb8;
	[tilespmem:$0x5E80] =	vst v63  }
0x13d: {  	s23 =	simm.s32 $0x1980;
	s24 =	simm.s32 $0x3680  }
0x13e: {  	[tilespmem:s24], [sflag:$0x1] =	stream.indirect.gather [hbm4b:s8+s16], $0x1, s23, s16, $0xb8;
	[tilespmem:$0x5E80] =	vst v63  }
0x13f: {  	s23 =	simm.s32 $0x1A00;
	s24 =	simm.s32 $0x3700  }
0x140: {  	[tilespmem:s24], [sflag:$0x1] =	stream.indirect.gather [hbm4b:s5+s16], $0x1, s23, s16, $0xb8;
	[tilespmem:$0x5E80] =	vst v63  }
0x141: {  	s23 =	simm.s32 $0x1A80;
	s24 =	simm.s32 $0x3780  }
0x142: {  	[tilespmem:s24], [sflag:$0x1] =	stream.indirect.gather [hbm4b:s5+s16], $0x1, s23, s16, $0xb8;
	[tilespmem:$0x5E80] =	vst v63  }
0x143: {  	s21 =	simm.s32 $0x3800  }
0x144: {  	[tilespmem:s21], [sflag:$0x1] =	stream.indirect.gather [hbm4b:s5+s16], $0x1, s25, s16, $0xb8;
	[tilespmem:$0x5E80] =	vst v63  }
0x145: {  	_ = 	snop  }
0x146: {  	[tilespmem:s28], [sflag:$0x1] =	stream.indirect.gather [hbm4b:s5+s16], $0x1, s26, s16, $0xb8;
	[tilespmem:$0x5E80] =	vst v63  }
0x147: {  	_ = 	snop  }
0x148: {  	[tilespmem:s30], [sflag:$0x1] =	stream.indirect.gather [hbm4b:s2+s16], $0x1, s29, s16, $0xb8;
	[tilespmem:$0x5E80] =	vst v63  }
0x149: {  	s22 =	simm.s32 $0x3980  }
0x14a: {  	[tilespmem:s22], [sflag:$0x1] =	stream.indirect.gather [hbm4b:s2+s16], $0x1, s31, s16, $0xb8;
	[tilespmem:$0x5E80] =	vst v63  }
0x14b: {  	s23 =	simm.s32 $0x3A00;
	s24 =	rddreg [dreg:$0x3]  }
0x14c: {  	[tilespmem:s23], [sflag:$0x1] =	stream.indirect.gather [hbm4b:s24+s16], $0x1, s0, s16, $0xb8;
	[tilespmem:$0x5E80] =	vst v63  }
0x14d: {  	_ =	swait.ge [sflag:s7], $0x80  }
0x14e: {  	[sflag:s7] =	ssyncset.done $0x0  }
0x14f: {  	[sflag:s7] =	ssyncadd.s32 $0xFFFFFF80  }
0x150: {  	_ =	swait.ge [sflag:s7], $0x80  }
0x151: {  	[sflag:s7] =	ssyncset.done $0x0  }
0x152: {  	[sflag:s7] =	ssyncadd.s32 $0xFFFFFF80  }
0x153: {  	_ =	swait.ge [sflag:s7], $0x80  }
0x154: {  	[sflag:s7] =	ssyncset.done $0x0  }
0x155: {  	[sflag:s7] =	ssyncadd.s32 $0xFFFFFF80  }
0x156: {  	_ =	swait.ge [sflag:s7], $0x80  }
0x157: {  	[sflag:s7] =	ssyncset.done $0x0  }
0x158: {  	[sflag:s7] =	ssyncadd.s32 $0xFFFFFF80  }
0x159: {  	_ =	swait.ge [sflag:s7], $0x80  }
0x15a: {  	[sflag:s7] =	ssyncset.done $0x0  }
0x15b: {  	[sflag:s7] =	ssyncadd.s32 $0xFFFFFF80  }
0x15c: {  	_ =	swait.ge [sflag:s7], $0x80  }
0x15d: {  	[sflag:s7] =	ssyncset.done $0x0  }
0x15e: {  	[sflag:s7] =	ssyncadd.s32 $0xFFFFFF80  }
0x15f: {  	_ =	swait.ge [sflag:s7], $0x80  }
0x160: {  	[sflag:s7] =	ssyncset.done $0x0  }
0x161: {  	[sflag:s7] =	ssyncadd.s32 $0xFFFFFF80  }
0x162: {  	_ =	swait.ge [sflag:s7], $0x80  }
0x163: {  	[sflag:s7] =	ssyncset.done $0x0  }
0x164: {  	[sflag:s7] =	ssyncadd.s32 $0xFFFFFF80  }
0x165: {  	_ =	swait.ge [sflag:s7], $0x80  }
0x166: {  	[sflag:s7] =	ssyncset.done $0x0  }
0x167: {  	[sflag:s7] =	ssyncadd.s32 $0xFFFFFF80  }
0x168: {  	_ =	swait.ge [sflag:s7], $0x80  }
0x169: {  	[sflag:s7] =	ssyncset.done $0x0  }
0x16a: {  	[sflag:s7] =	ssyncadd.s32 $0xFFFFFF80  }
0x16b: {  	_ =	swait.ge [sflag:s7], $0x80  }
0x16c: {  	[sflag:s7] =	ssyncset.done $0x0  }
0x16d: {  	[sflag:s7] =	ssyncadd.s32 $0xFFFFFF80  }
0x16e: {  	_ =	swait.ge [sflag:s7], $0x80  }
0x16f: {  	[sflag:s7] =	ssyncset.done $0x0  }
0x170: {  	[sflag:s7] =	ssyncadd.s32 $0xFFFFFF80  }
0x171: {  	_ =	swait.ge [sflag:s7], $0x80  }
0x172: {  	[sflag:s7] =	ssyncset.done $0x0  }
0x173: {  	[sflag:s7] =	ssyncadd.s32 $0xFFFFFF80  }
0x174: {  	_ =	swait.ge [sflag:s7], $0x80  }
0x175: {  	[sflag:s7] =	ssyncset.done $0x0  }
0x176: {  	[sflag:s7] =	ssyncadd.s32 $0xFFFFFF80  }
0x177: {  	_ =	swait.ge [sflag:s7], $0x80  }
0x178: {  	[sflag:s7] =	ssyncset.done $0x0  }
0x179: {  	[sflag:s7] =	ssyncadd.s32 $0xFFFFFF80  }
0x17a: {  	_ =	swait.ge [sflag:s7], $0x80  }
0x17b: {  	[sflag:s7] =	ssyncset.done $0x0  }
0x17c: {  	[sflag:s7] =	ssyncadd.s32 $0xFFFFFF80  }
0x17d: {  	_ =	swait.ge [sflag:s7], $0x80  }
0x17e: {  	[sflag:s7] =	ssyncset.done $0x0  }
0x17f: {  	[sflag:s7] =	ssyncadd.s32 $0xFFFFFF80  }
0x180: {  	_ =	swait.ge [sflag:s7], $0x80  }
0x181: {  	[sflag:s7] =	ssyncset.done $0x0  }
0x182: {  	[sflag:s7] =	ssyncadd.s32 $0xFFFFFF80  }
0x183: {  	_ =	swait.ge [sflag:s7], $0x80  }
0x184: {  	[sflag:s7] =	ssyncset.done $0x0  }
0x185: {  	[sflag:s7] =	ssyncadd.s32 $0xFFFFFF80  }
0x186: {  	_ =	swait.ge [sflag:s7], $0x80  }
0x187: {  	[sflag:s7] =	ssyncset.done $0x0  }
0x188: {  	[sflag:s7] =	ssyncadd.s32 $0xFFFFFF80  }
0x189: {  	_ =	swait.ge [sflag:s7], $0x80  }
0x18a: {  	[sflag:s7] =	ssyncset.done $0x0  }
0x18b: {  	[sflag:s7] =	ssyncadd.s32 $0xFFFFFF80  }
0x18c: {  	_ =	swait.ge [sflag:s7], $0x80  }
0x18d: {  	[sflag:s7] =	ssyncset.done $0x0  }
0x18e: {  	[sflag:s7] =	ssyncadd.s32 $0xFFFFFF80  }
0x18f: {  	_ =	swait.ge [sflag:s7], $0x80  }
0x190: {  	[sflag:s7] =	ssyncset.done $0x0  }
0x191: {  	[sflag:s7] =	ssyncadd.s32 $0xFFFFFF80  }
0x192: {  	_ =	swait.ge [sflag:s7], $0x80  }
0x193: {  	[sflag:s7] =	ssyncset.done $0x0  }
0x194: {  	[sflag:s7] =	ssyncadd.s32 $0xFFFFFF80  }
0x195: {  	_ =	swait.ge [sflag:s7], $0x80  }
0x196: {  	[sflag:s7] =	ssyncset.done $0x0  }
0x197: {  	[sflag:s7] =	ssyncadd.s32 $0xFFFFFF80  }
0x198: {  	_ =	swait.ge [sflag:s7], $0x80  }
0x199: {  	[sflag:s7] =	ssyncset.done $0x0  }
0x19a: {  	[sflag:s7] =	ssyncadd.s32 $0xFFFFFF80  }
0x19b: {  	_ =	swait.ge [sflag:s7], $0x80  }
0x19c: {  	[sflag:s7] =	ssyncset.done $0x0  }
0x19d: {  	[sflag:s7] =	ssyncadd.s32 $0xFFFFFF80  }
0x19e: {  	_ =	swait.ge [sflag:s7], $0x80  }
0x19f: {  	[sflag:s7] =	ssyncset.done $0x0  }
0x1a0: {  	[sflag:s7] =	ssyncadd.s32 $0xFFFFFF80  }
0x1a1: {  	_ =	swait.ge [sflag:s7], $0x80  }
0x1a2: {  	[sflag:s7] =	ssyncset.done $0x0  }
0x1a3: {  	[sflag:s7] =	ssyncadd.s32 $0xFFFFFF80  }
0x1a4: {  	_ =	swait.ge [sflag:s7], $0x80  }
0x1a5: {  	[sflag:s7] =	ssyncset.done $0x0  }
0x1a6: {  	[sflag:s7] =	ssyncadd.s32 $0xFFFFFF80  }
0x1a7: {  	_ =	swait.ge [sflag:s7], $0x80  }
0x1a8: {  	[sflag:s7] =	ssyncset.done $0x0  }
0x1a9: {  	[sflag:s7] =	ssyncadd.s32 $0xFFFFFF80  }
0x1aa: {  	_ =	swait.ge [sflag:s7], $0x80  }
0x1ab: {  	[sflag:s7] =	ssyncset.done $0x0  }
0x1ac: {  	[sflag:s7] =	ssyncadd.s32 $0xFFFFFF80  }
0x1ad: {  	_ =	swait.ge [sflag:s7], $0x80  }
0x1ae: {  	[sflag:s7] =	ssyncset.done $0x0  }
0x1af: {  	[sflag:s7] =	ssyncadd.s32 $0xFFFFFF80  }
0x1b0: {  	_ =	swait.ge [sflag:s7], $0x80  }
0x1b1: {  	[sflag:s7] =	ssyncset.done $0x0  }
0x1b2: {  	[sflag:s7] =	ssyncadd.s32 $0xFFFFFF80  }
0x1b3: {  	_ =	swait.ge [sflag:s7], $0x80  }
0x1b4: {  	[sflag:s7] =	ssyncset.done $0x0  }
0x1b5: {  	[sflag:s7] =	ssyncadd.s32 $0xFFFFFF80  }
0x1b6: {  	_ =	swait.ge [sflag:s7], $0x80  }
0x1b7: {  	[sflag:s7] =	ssyncset.done $0x0  }
0x1b8: {  	[sflag:s7] =	ssyncadd.s32 $0xFFFFFF80  }
0x1b9: {  	_ =	swait.ge [sflag:s7], $0x80  }
0x1ba: {  	[sflag:s7] =	ssyncset.done $0x0  }
0x1bb: {  	[sflag:s7] =	ssyncadd.s32 $0xFFFFFF80  }
0x1bc: {  	_ =	swait.ge [sflag:s7], $0x80  }
0x1bd: {  	[sflag:s7] =	ssyncset.done $0x0  }
0x1be: {  	[sflag:s7] =	ssyncadd.s32 $0xFFFFFF80  }
0x1bf: {  	_ =	swait.ge [sflag:s7], $0x80  }
0x1c0: {  	[sflag:s7] =	ssyncset.done $0x0  }
0x1c1: {  	[sflag:s7] =	ssyncadd.s32 $0xFFFFFF80  }
0x1c2: {  	_ =	swait.ge [sflag:s7], $0x80  }
0x1c3: {  	[sflag:s7] =	ssyncset.done $0x0  }
0x1c4: {  	[sflag:s7] =	ssyncadd.s32 $0xFFFFFF80  }
0x1c5: {  	_ =	swait.ge [sflag:s7], $0x80  }
0x1c6: {  	[sflag:s7] =	ssyncset.done $0x0  }
0x1c7: {  	[sflag:s7] =	ssyncadd.s32 $0xFFFFFF80  }
0x1c8: {  	_ =	swait.ge [sflag:s7], $0x80  }
0x1c9: {  	[sflag:s7] =	ssyncset.done $0x0  }
0x1ca: {  	[sflag:s7] =	ssyncadd.s32 $0xFFFFFF80  }
0x1cb: {  	_ =	swait.ge [sflag:s7], $0x80  }
0x1cc: {  	[sflag:s7] =	ssyncset.done $0x0  }
0x1cd: {  	[sflag:s7] =	ssyncadd.s32 $0xFFFFFF80  }
0x1ce: {  	_ =	swait.ge [sflag:s7], $0x80  }
0x1cf: {  	[sflag:s7] =	ssyncset.done $0x0  }
0x1d0: {  	[sflag:s7] =	ssyncadd.s32 $0xFFFFFF80  }
0x1d1: {  	_ =	swait.ge [sflag:s7], $0x80  }
0x1d2: {  	[sflag:s7] =	ssyncset.done $0x0  }
0x1d3: {  	[sflag:s7] =	ssyncadd.s32 $0xFFFFFF80  }
0x1d4: {  	_ =	swait.ge [sflag:s7], $0x80  }
0x1d5: {  	[sflag:s7] =	ssyncset.done $0x0  }
0x1d6: {  	[sflag:s7] =	ssyncadd.s32 $0xFFFFFF80  }
0x1d7: {  	_ =	swait.ge [sflag:s7], $0x80  }
0x1d8: {  	[sflag:s7] =	ssyncset.done $0x0  }
0x1d9: {  	[sflag:s7] =	ssyncadd.s32 $0xFFFFFF80  }
0x1da: {  	_ =	swait.ge [sflag:s7], $0x80  }
0x1db: {  	[sflag:s7] =	ssyncset.done $0x0  }
0x1dc: {  	[sflag:s7] =	ssyncadd.s32 $0xFFFFFF80  }
0x1dd: {  	_ =	swait.ge [sflag:s7], $0x80  }
0x1de: {  	[sflag:s7] =	ssyncset.done $0x0  }
0x1df: {  	[sflag:s7] =	ssyncadd.s32 $0xFFFFFF80  }
0x1e0: {  	_ =	swait.ge [sflag:s7], $0x80  }
0x1e1: {  	[sflag:s7] =	ssyncset.done $0x0  }
0x1e2: {  	[sflag:s7] =	ssyncadd.s32 $0xFFFFFF80  }
0x1e3: {  	_ =	swait.ge [sflag:s7], $0x80  }
0x1e4: {  	[sflag:s7] =	ssyncset.done $0x0  }
0x1e5: {  	[sflag:s7] =	ssyncadd.s32 $0xFFFFFF80  }
0x1e6: {  	_ =	swait.ge [sflag:s7], $0x80  }
0x1e7: {  	[sflag:s7] =	ssyncset.done $0x0  }
0x1e8: {  	[sflag:s7] =	ssyncadd.s32 $0xFFFFFF80  }
0x1e9: {  	_ =	swait.ge [sflag:s7], $0x80  }
0x1ea: {  	[sflag:s7] =	ssyncset.done $0x0  }
0x1eb: {  	[sflag:s7] =	ssyncadd.s32 $0xFFFFFF80  }
0x1ec: {  	_ =	swait.ge [sflag:s7], $0x80  }
0x1ed: {  	[sflag:s7] =	ssyncset.done $0x0  }
0x1ee: {  	[sflag:s7] =	ssyncadd.s32 $0xFFFFFF80  }
0x1ef: {  	_ =	swait.ge [sflag:s7], $0x80  }
0x1f0: {  	[sflag:s7] =	ssyncset.done $0x0  }
0x1f1: {  	[sflag:s7] =	ssyncadd.s32 $0xFFFFFF80  }
0x1f2: {  	_ =	swait.ge [sflag:s7], $0x80  }
0x1f3: {  	[sflag:s7] =	ssyncset.done $0x0  }
0x1f4: {  	[sflag:s7] =	ssyncadd.s32 $0xFFFFFF80  }
0x1f5: {  	_ =	swait.ge [sflag:s7], $0x80  }
0x1f6: {  	[sflag:s7] =	ssyncset.done $0x0  }
0x1f7: {  	[sflag:s7] =	ssyncadd.s32 $0xFFFFFF80  }
0x1f8: {  	_ =	swait.ge [sflag:s7], $0x80  }
0x1f9: {  	[sflag:s7] =	ssyncset.done $0x0  }
0x1fa: {  	s24 =	simm.s32 $0x0;
	[sflag:s7] =	ssyncadd.s32 $0xFFFFFF80  }
.LBB2_5:
0x1fb: {  	v2 =	vld [tilespmem:s21+$0x0]  }
0x1fc: {  	v3 =	vld [tilespmem:s21+$0x80];
	_ =	sdelay $0x3  }
0x1fd: {  	v2 =	vmul.f32 $1.442695020e+00, v2  }
0x1fe: {  	v3 =	vmul.f32 $1.442695020e+00, v3  }
0x1ff: {  	(erf) = vpow2.f32 v2  }
0x200: {  	(erf) = vpow2.f32 v3;
	_ =	sdelay $0x2  }
0x201: {  	v2 =	vld [tilespmem:s21+$0xFFFFFF00]  }
0x202: {  	v3 =	vld [tilespmem:s23+$0x0]  }
0x203: {  	v4 =	vld [tilespmem:s21+$0xFFFFFF80]  }
0x204: {  	v5 =	vld [tilespmem:s22+$0xFFFFFF80]  }
0x205: {  	v6 =	vld [tilespmem:s22+$0x0]  }
0x206: {  	v7 =	vpop (erf)  }
0x207: {  	v8 =	vor.u32 s24, v1;
	v2 =	vmul.f32 v3, v2;
	v7 =	vmul.f32 v3, v7;
	v9 =	vpop (erf)  }
0x208: {  	v10 =	vshll.u32 v8, $0x3;
	v4 =	vmul.f32 v3, v4;
	v9 =	vmul.f32 v3, v9  }
0x209: {  	v11 =	vor.u32 $0x1, v10;
	v2 =	vadd.f32 v2, v5;
	v49 =	vmul.f32 $5.000000000e-01, v7  }
0x20a: {  	v51 =	vor.u32 $0x2, v10;
	v3 =	vadd.f32 v4, v6;
	v50 =	vmul.f32 $5.000000000e-01, v9  }
0x20b: {  	v13 =	vor.u32 $0x3, v10;
	v12 =	vsub.f32 v2, v49  }
0x20c: {  	v14 =	vsub.f32 v3, v50  }
0x20d: {  	v5 =	vadd.f32 v49, v2;
	[tilespmem:v10+s14+$0x0] =	vst.idx.msk $0xffff, v12  }
0x20e: {  	v4 =	vadd.f32 v50, v3;
	[tilespmem:v11+s14+$0x0] =	vst.idx.msk $0xffff, v14  }
0x20f: {  	[tilespmem:v51+s14+$0x0] =	vst.idx.msk $0xffff, v5  }
0x210: {  	[tilespmem:v13+s14+$0x0] =	vst.idx.msk $0xffff, v4  }
0x211: {  	v10 =	vld [tilespmem:s19+$0xFFFFF780]  }
0x212: {  	v11 =	vld [tilespmem:s19+$0xFFFFF800];
	_ =	sdelay $0x1  }
0x213: {  	v6 =	vmul.u32 $0x28, v8;
	v4 =	vmul.f32 $6.250000000e-01, v7  }
0x214: {  	v5 =	vmul.f32 $6.250000000e-01, v9  }
0x215: {  	v52 =	vor.u32 $0x1, v6;
	v7 =	vmul.f32 v10, v4  }
0x216: {  	v53 =	vmul.f32 v11, v5  }
0x217: {  	v7 =	vadd.f32 v7, v2  }
0x218: {  	v10 =	vadd.f32 v53, v3  }
0x219: {  	[tilespmem:v6+s1+$0x0] =	vst.idx.msk $0xffff, v7  }
0x21a: {  	[tilespmem:v52+s1+$0x0] =	vst.idx.msk $0xffff, v10  }
0x21b: {  	v7 =	vld [tilespmem:s20+$0xFFFFFC00];
	_ =	sdelay $0x4  }
0x21c: {  	v7 =	vsub.f32 $0.0e+00, v7;
	_ =	sdelay $0x1  }
0x21d: {  	v7 =	vmul.f32 $1.442695020e+00, v7;
	_ =	sdelay $0x1  }
0x21e: {  	(erf) = vpow2.f32 v7;
	_ =	sdelay $0x8  }
0x21f: {  	v7 =	vpop (erf)  }
0x220: {  	v7 =	vadd.f32 $1.000000000e+00, v7;
	_ =	sdelay $0x1  }
0x221: {  	(erf) = vrcp.f32 v7;
	_ =	sdelay $0x3  }
0x222: {  	v7 =	vmul.u32 $0x18, v8;
	_ =	sdelay $0x4  }
0x223: {  	v54 =	vpop (erf)  }
0x224: {  	[tilespmem:v7+s3+$0x0] =	vst.idx.msk $0xffff, v54  }
0x225: {  	v8 =	vld [tilespmem:s19+$0xFFFFF880]  }
0x226: {  	v9 =	vld [tilespmem:s19+$0xFFFFF900];
	_ =	sdelay $0x2  }
0x227: {  	v55 =	vor.u32 $0x2, v6  }
0x228: {  	v56 =	vor.u32 $0x3, v6;
	v8 =	vmul.f32 v8, v4  }
0x229: {  	v9 =	vmul.f32 v9, v5  }
0x22a: {  	v8 =	vadd.f32 v8, v2  }
0x22b: {  	v9 =	vadd.f32 v9, v3  }
0x22c: {  	[tilespmem:v55+s1+$0x0] =	vst.idx.msk $0xffff, v8  }
0x22d: {  	[tilespmem:v56+s1+$0x0] =	vst.idx.msk $0xffff, v9  }
0x22e: {  	v8 =	vld [tilespmem:s20+$0xFFFFFC80];
	_ =	sdelay $0x4  }
0x22f: {  	v8 =	vsub.f32 $0.0e+00, v8;
	_ =	sdelay $0x1  }
0x230: {  	v8 =	vmul.f32 $1.442695020e+00, v8;
	_ =	sdelay $0x1  }
0x231: {  	(erf) = vpow2.f32 v8;
	_ =	sdelay $0x8  }
0x232: {  	v8 =	vpop (erf)  }
0x233: {  	v8 =	vadd.f32 $1.000000000e+00, v8;
	_ =	sdelay $0x1  }
0x234: {  	(erf) = vrcp.f32 v8;
	_ =	sdelay $0x4  }
0x235: {  	v57 =	vor.u32 $0x1, v7;
	_ =	sdelay $0x3  }
0x236: {  	v58 =	vpop (erf)  }
0x237: {  	[tilespmem:v57+s3+$0x0] =	vst.idx.msk $0xffff, v58  }
0x238: {  	v8 =	vld [tilespmem:s19+$0xFFFFF980]  }
0x239: {  	v9 =	vld [tilespmem:s19+$0xFFFFFA00];
	_ =	sdelay $0x2  }
0x23a: {  	v59 =	vor.u32 $0x4, v6  }
0x23b: {  	v60 =	vor.u32 $0x5, v6;
	v8 =	vmul.f32 v8, v4  }
0x23c: {  	v9 =	vmul.f32 v9, v5  }
0x23d: {  	v8 =	vadd.f32 v8, v2  }
0x23e: {  	v9 =	vadd.f32 v9, v3  }
0x23f: {  	[tilespmem:v59+s1+$0x0] =	vst.idx.msk $0xffff, v8  }
0x240: {  	[tilespmem:v60+s1+$0x0] =	vst.idx.msk $0xffff, v9  }
0x241: {  	v8 =	vld [tilespmem:s20+$0xFFFFFD00];
	_ =	sdelay $0x4  }
0x242: {  	v8 =	vsub.f32 $0.0e+00, v8;
	_ =	sdelay $0x1  }
0x243: {  	v8 =	vmul.f32 $1.442695020e+00, v8;
	_ =	sdelay $0x1  }
0x244: {  	(erf) = vpow2.f32 v8;
	_ =	sdelay $0x8  }
0x245: {  	v8 =	vpop (erf)  }
0x246: {  	v8 =	vadd.f32 $1.000000000e+00, v8;
	_ =	sdelay $0x1  }
0x247: {  	(erf) = vrcp.f32 v8;
	_ =	sdelay $0x4  }
0x248: {  	v61 =	vor.u32 $0x2, v7;
	_ =	sdelay $0x3  }
0x249: {  	v62 =	vpop (erf)  }
0x24a: {  	[tilespmem:v61+s3+$0x0] =	vst.idx.msk $0xffff, v62  }
0x24b: {  	v8 =	vld [tilespmem:s19+$0xFFFFFA80]  }
0x24c: {  	v9 =	vld [tilespmem:s19+$0xFFFFFB00];
	_ =	sdelay $0x2  }
0x24d: {  	v63 =	vor.u32 $0x6, v6  }
0x24e: {  	v12 =	vor.u32 $0x7, v6;
	v8 =	vmul.f32 v8, v4  }
0x24f: {  	v9 =	vmul.f32 v9, v5  }
0x250: {  	v8 =	vadd.f32 v8, v2  }
0x251: {  	v9 =	vadd.f32 v9, v3  }
0x252: {  	[tilespmem:v63+s1+$0x0] =	vst.idx.msk $0xffff, v8  }
0x253: {  	[tilespmem:v12+s1+$0x0] =	vst.idx.msk $0xffff, v9  }
0x254: {  	v8 =	vld [tilespmem:s20+$0xFFFFFD80];
	_ =	sdelay $0x4  }
0x255: {  	v8 =	vsub.f32 $0.0e+00, v8;
	_ =	sdelay $0x1  }
0x256: {  	v8 =	vmul.f32 $1.442695020e+00, v8;
	_ =	sdelay $0x1  }
0x257: {  	(erf) = vpow2.f32 v8;
	_ =	sdelay $0x8  }
0x258: {  	v8 =	vpop (erf)  }
0x259: {  	v8 =	vadd.f32 $1.000000000e+00, v8;
	_ =	sdelay $0x1  }
0x25a: {  	(erf) = vrcp.f32 v8;
	_ =	sdelay $0x4  }
0x25b: {  	v13 =	vor.u32 $0x3, v7;
	_ =	sdelay $0x3  }
0x25c: {  	v14 =	vpop (erf)  }
0x25d: {  	[tilespmem:v13+s3+$0x0] =	vst.idx.msk $0xffff, v14  }
0x25e: {  	v8 =	vld [tilespmem:s19+$0xFFFFFB80]  }
0x25f: {  	v9 =	vld [tilespmem:s19+$0xFFFFFC00];
	_ =	sdelay $0x2  }
0x260: {  	v15 =	vadd.s32 $0x8, v6  }
0x261: {  	v16 =	vadd.s32 $0x9, v6;
	v8 =	vmul.f32 v8, v4  }
0x262: {  	v9 =	vmul.f32 v9, v5  }
0x263: {  	v8 =	vadd.f32 v8, v2  }
0x264: {  	v9 =	vadd.f32 v9, v3  }
0x265: {  	[tilespmem:v15+s1+$0x0] =	vst.idx.msk $0xffff, v8  }
0x266: {  	[tilespmem:v16+s1+$0x0] =	vst.idx.msk $0xffff, v9  }
0x267: {  	v8 =	vld [tilespmem:s20+$0xFFFFFE00];
	_ =	sdelay $0x4  }
0x268: {  	v8 =	vsub.f32 $0.0e+00, v8;
	_ =	sdelay $0x1  }
0x269: {  	v8 =	vmul.f32 $1.442695020e+00, v8;
	_ =	sdelay $0x1  }
0x26a: {  	(erf) = vpow2.f32 v8;
	_ =	sdelay $0x8  }
0x26b: {  	v8 =	vpop (erf)  }
0x26c: {  	v8 =	vadd.f32 $1.000000000e+00, v8;
	_ =	sdelay $0x1  }
0x26d: {  	(erf) = vrcp.f32 v8;
	_ =	sdelay $0x4  }
0x26e: {  	v17 =	vor.u32 $0x4, v7;
	_ =	sdelay $0x3  }
0x26f: {  	v18 =	vpop (erf)  }
0x270: {  	[tilespmem:v17+s3+$0x0] =	vst.idx.msk $0xffff, v18  }
0x271: {  	v8 =	vld [tilespmem:s19+$0xFFFFFC80]  }
0x272: {  	v9 =	vld [tilespmem:s19+$0xFFFFFD00];
	_ =	sdelay $0x2  }
0x273: {  	v19 =	vadd.s32 $0xA, v6  }
0x274: {  	v20 =	vadd.s32 $0xB, v6;
	v8 =	vmul.f32 v8, v4  }
0x275: {  	v9 =	vmul.f32 v9, v5  }
0x276: {  	v8 =	vadd.f32 v8, v2  }
0x277: {  	v9 =	vadd.f32 v9, v3  }
0x278: {  	[tilespmem:v19+s1+$0x0] =	vst.idx.msk $0xffff, v8  }
0x279: {  	[tilespmem:v20+s1+$0x0] =	vst.idx.msk $0xffff, v9  }
0x27a: {  	v8 =	vld [tilespmem:s20+$0xFFFFFE80];
	_ =	sdelay $0x4  }
0x27b: {  	v8 =	vsub.f32 $0.0e+00, v8;
	_ =	sdelay $0x1  }
0x27c: {  	v8 =	vmul.f32 $1.442695020e+00, v8;
	_ =	sdelay $0x1  }
0x27d: {  	(erf) = vpow2.f32 v8;
	_ =	sdelay $0x8  }
0x27e: {  	v8 =	vpop (erf)  }
0x27f: {  	v8 =	vadd.f32 $1.000000000e+00, v8;
	_ =	sdelay $0x1  }
0x280: {  	(erf) = vrcp.f32 v8;
	_ =	sdelay $0x4  }
0x281: {  	v21 =	vor.u32 $0x5, v7;
	_ =	sdelay $0x3  }
0x282: {  	v22 =	vpop (erf)  }
0x283: {  	[tilespmem:v21+s3+$0x0] =	vst.idx.msk $0xffff, v22  }
0x284: {  	v8 =	vld [tilespmem:s19+$0xFFFFFD80]  }
0x285: {  	v9 =	vld [tilespmem:s19+$0xFFFFFE00];
	_ =	sdelay $0x2  }
0x286: {  	v23 =	vadd.s32 $0xC, v6  }
0x287: {  	v24 =	vadd.s32 $0xD, v6;
	v8 =	vmul.f32 v8, v4  }
0x288: {  	v9 =	vmul.f32 v9, v5  }
0x289: {  	v8 =	vadd.f32 v8, v2  }
0x28a: {  	v9 =	vadd.f32 v9, v3  }
0x28b: {  	[tilespmem:v23+s1+$0x0] =	vst.idx.msk $0xffff, v8  }
0x28c: {  	[tilespmem:v24+s1+$0x0] =	vst.idx.msk $0xffff, v9  }
0x28d: {  	v8 =	vld [tilespmem:s20+$0xFFFFFF00];
	_ =	sdelay $0x4  }
0x28e: {  	v8 =	vsub.f32 $0.0e+00, v8;
	_ =	sdelay $0x1  }
0x28f: {  	v8 =	vmul.f32 $1.442695020e+00, v8;
	_ =	sdelay $0x1  }
0x290: {  	(erf) = vpow2.f32 v8;
	_ =	sdelay $0x8  }
0x291: {  	v8 =	vpop (erf)  }
0x292: {  	v8 =	vadd.f32 $1.000000000e+00, v8;
	_ =	sdelay $0x1  }
0x293: {  	(erf) = vrcp.f32 v8;
	_ =	sdelay $0x4  }
0x294: {  	v25 =	vor.u32 $0x6, v7;
	_ =	sdelay $0x3  }
0x295: {  	v26 =	vpop (erf)  }
0x296: {  	[tilespmem:v25+s3+$0x0] =	vst.idx.msk $0xffff, v26  }
0x297: {  	v8 =	vld [tilespmem:s19+$0xFFFFFE80]  }
0x298: {  	v9 =	vld [tilespmem:s19+$0xFFFFFF00];
	_ =	sdelay $0x2  }
0x299: {  	v27 =	vadd.s32 $0xE, v6  }
0x29a: {  	v28 =	vadd.s32 $0xF, v6;
	v8 =	vmul.f32 v8, v4  }
0x29b: {  	v9 =	vmul.f32 v9, v5  }
0x29c: {  	v8 =	vadd.f32 v8, v2  }
0x29d: {  	v9 =	vadd.f32 v9, v3  }
0x29e: {  	[tilespmem:v27+s1+$0x0] =	vst.idx.msk $0xffff, v8  }
0x29f: {  	[tilespmem:v28+s1+$0x0] =	vst.idx.msk $0xffff, v9  }
0x2a0: {  	v8 =	vld [tilespmem:s20+$0xFFFFFF80];
	_ =	sdelay $0x4  }
0x2a1: {  	v8 =	vsub.f32 $0.0e+00, v8;
	_ =	sdelay $0x1  }
0x2a2: {  	v8 =	vmul.f32 $1.442695020e+00, v8;
	_ =	sdelay $0x1  }
0x2a3: {  	(erf) = vpow2.f32 v8;
	_ =	sdelay $0x8  }
0x2a4: {  	v8 =	vpop (erf)  }
0x2a5: {  	v8 =	vadd.f32 $1.000000000e+00, v8;
	_ =	sdelay $0x1  }
0x2a6: {  	(erf) = vrcp.f32 v8;
	_ =	sdelay $0x4  }
0x2a7: {  	v29 =	vor.u32 $0x7, v7;
	_ =	sdelay $0x3  }
0x2a8: {  	v30 =	vpop (erf)  }
0x2a9: {  	[tilespmem:v29+s3+$0x0] =	vst.idx.msk $0xffff, v30  }
0x2aa: {  	v8 =	vld [tilespmem:s19+$0xFFFFFF80]  }
0x2ab: {  	v9 =	vld [tilespmem:s19+$0x0];
	_ =	sdelay $0x2  }
0x2ac: {  	v31 =	vadd.s32 $0x10, v6  }
0x2ad: {  	v32 =	vadd.s32 $0x11, v6;
	v8 =	vmul.f32 v8, v4  }
0x2ae: {  	v9 =	vmul.f32 v9, v5  }
0x2af: {  	v8 =	vadd.f32 v8, v2  }
0x2b0: {  	v9 =	vadd.f32 v9, v3  }
0x2b1: {  	[tilespmem:v31+s1+$0x0] =	vst.idx.msk $0xffff, v8  }
0x2b2: {  	[tilespmem:v32+s1+$0x0] =	vst.idx.msk $0xffff, v9  }
0x2b3: {  	v8 =	vld [tilespmem:s20+$0x0];
	_ =	sdelay $0x4  }
0x2b4: {  	v8 =	vsub.f32 $0.0e+00, v8;
	_ =	sdelay $0x1  }
0x2b5: {  	v8 =	vmul.f32 $1.442695020e+00, v8;
	_ =	sdelay $0x1  }
0x2b6: {  	(erf) = vpow2.f32 v8;
	_ =	sdelay $0x8  }
0x2b7: {  	v8 =	vpop (erf)  }
0x2b8: {  	v8 =	vadd.f32 $1.000000000e+00, v8;
	_ =	sdelay $0x1  }
0x2b9: {  	(erf) = vrcp.f32 v8;
	_ =	sdelay $0x4  }
0x2ba: {  	v33 =	vadd.s32 $0x8, v7;
	_ =	sdelay $0x3  }
0x2bb: {  	v34 =	vpop (erf)  }
0x2bc: {  	[tilespmem:v33+s3+$0x0] =	vst.idx.msk $0xffff, v34  }
0x2bd: {  	v8 =	vld [tilespmem:s19+$0x80]  }
0x2be: {  	v9 =	vld [tilespmem:s19+$0x100];
	_ =	sdelay $0x2  }
0x2bf: {  	v35 =	vadd.s32 $0x12, v6  }
0x2c0: {  	v36 =	vadd.s32 $0x13, v6;
	v8 =	vmul.f32 v8, v4  }
0x2c1: {  	v9 =	vmul.f32 v9, v5  }
0x2c2: {  	v8 =	vadd.f32 v8, v2  }
0x2c3: {  	v9 =	vadd.f32 v9, v3  }
0x2c4: {  	[tilespmem:v35+s1+$0x0] =	vst.idx.msk $0xffff, v8  }
0x2c5: {  	[tilespmem:v36+s1+$0x0] =	vst.idx.msk $0xffff, v9  }
0x2c6: {  	v8 =	vld [tilespmem:s20+$0x80];
	_ =	sdelay $0x4  }
0x2c7: {  	v8 =	vsub.f32 $0.0e+00, v8;
	_ =	sdelay $0x1  }
0x2c8: {  	v8 =	vmul.f32 $1.442695020e+00, v8;
	_ =	sdelay $0x1  }
0x2c9: {  	(erf) = vpow2.f32 v8;
	_ =	sdelay $0x8  }
0x2ca: {  	v8 =	vpop (erf)  }
0x2cb: {  	v8 =	vadd.f32 $1.000000000e+00, v8;
	_ =	sdelay $0x1  }
0x2cc: {  	(erf) = vrcp.f32 v8;
	_ =	sdelay $0x4  }
0x2cd: {  	v37 =	vadd.s32 $0x9, v7;
	_ =	sdelay $0x3  }
0x2ce: {  	v38 =	vpop (erf)  }
0x2cf: {  	[tilespmem:v37+s3+$0x0] =	vst.idx.msk $0xffff, v38  }
0x2d0: {  	v8 =	vld [tilespmem:s19+$0x180]  }
0x2d1: {  	v9 =	vld [tilespmem:s19+$0x200];
	_ =	sdelay $0x2  }
0x2d2: {  	v39 =	vadd.s32 $0x14, v6  }
0x2d3: {  	v40 =	vadd.s32 $0x15, v6;
	v8 =	vmul.f32 v8, v4  }
0x2d4: {  	v9 =	vmul.f32 v9, v5  }
0x2d5: {  	v8 =	vadd.f32 v8, v2  }
0x2d6: {  	v9 =	vadd.f32 v9, v3  }
0x2d7: {  	[tilespmem:v39+s1+$0x0] =	vst.idx.msk $0xffff, v8  }
0x2d8: {  	[tilespmem:v40+s1+$0x0] =	vst.idx.msk $0xffff, v9  }
0x2d9: {  	v8 =	vld [tilespmem:s20+$0x100];
	_ =	sdelay $0x4  }
0x2da: {  	v8 =	vsub.f32 $0.0e+00, v8;
	_ =	sdelay $0x1  }
0x2db: {  	v8 =	vmul.f32 $1.442695020e+00, v8;
	_ =	sdelay $0x1  }
0x2dc: {  	(erf) = vpow2.f32 v8;
	_ =	sdelay $0x8  }
0x2dd: {  	v8 =	vpop (erf)  }
0x2de: {  	v8 =	vadd.f32 $1.000000000e+00, v8;
	_ =	sdelay $0x1  }
0x2df: {  	(erf) = vrcp.f32 v8;
	_ =	sdelay $0x4  }
0x2e0: {  	v41 =	vadd.s32 $0xA, v7;
	_ =	sdelay $0x3  }
0x2e1: {  	v42 =	vpop (erf)  }
0x2e2: {  	[tilespmem:v41+s3+$0x0] =	vst.idx.msk $0xffff, v42  }
0x2e3: {  	v8 =	vld [tilespmem:s19+$0x280]  }
0x2e4: {  	v9 =	vld [tilespmem:s19+$0x300];
	_ =	sdelay $0x2  }
0x2e5: {  	v43 =	vadd.s32 $0x16, v6  }
0x2e6: {  	v44 =	vadd.s32 $0x17, v6;
	v8 =	vmul.f32 v8, v4  }
0x2e7: {  	v9 =	vmul.f32 v9, v5  }
0x2e8: {  	v8 =	vadd.f32 v8, v2  }
0x2e9: {  	v9 =	vadd.f32 v9, v3  }
0x2ea: {  	[tilespmem:v43+s1+$0x0] =	vst.idx.msk $0xffff, v8  }
0x2eb: {  	[tilespmem:v44+s1+$0x0] =	vst.idx.msk $0xffff, v9  }
0x2ec: {  	v8 =	vld [tilespmem:s20+$0x180];
	_ =	sdelay $0x4  }
0x2ed: {  	v8 =	vsub.f32 $0.0e+00, v8;
	_ =	sdelay $0x1  }
0x2ee: {  	v8 =	vmul.f32 $1.442695020e+00, v8;
	_ =	sdelay $0x1  }
0x2ef: {  	(erf) = vpow2.f32 v8;
	_ =	sdelay $0x8  }
0x2f0: {  	v8 =	vpop (erf)  }
0x2f1: {  	v8 =	vadd.f32 $1.000000000e+00, v8;
	_ =	sdelay $0x1  }
0x2f2: {  	(erf) = vrcp.f32 v8;
	_ =	sdelay $0x4  }
0x2f3: {  	v45 =	vadd.s32 $0xB, v7;
	_ =	sdelay $0x3  }
0x2f4: {  	v46 =	vpop (erf)  }
0x2f5: {  	[tilespmem:v45+s3+$0x0] =	vst.idx.msk $0xffff, v46  }
0x2f6: {  	v8 =	vld [tilespmem:s19+$0x380]  }
0x2f7: {  	v9 =	vld [tilespmem:s19+$0x400];
	_ =	sdelay $0x2  }
0x2f8: {  	v47 =	vadd.s32 $0x18, v6  }
0x2f9: {  	v48 =	vadd.s32 $0x19, v6;
	v8 =	vmul.f32 v8, v4  }
0x2fa: {  	v9 =	vmul.f32 v9, v5  }
0x2fb: {  	v8 =	vadd.f32 v8, v2  }
0x2fc: {  	v9 =	vadd.f32 v9, v3  }
0x2fd: {  	[tilespmem:v47+s1+$0x0] =	vst.idx.msk $0xffff, v8  }
0x2fe: {  	[tilespmem:v48+s1+$0x0] =	vst.idx.msk $0xffff, v9  }
0x2ff: {  	v8 =	vld [tilespmem:s20+$0x200];
	_ =	sdelay $0x4  }
0x300: {  	v8 =	vsub.f32 $0.0e+00, v8;
	_ =	sdelay $0x1  }
0x301: {  	v8 =	vmul.f32 $1.442695020e+00, v8;
	_ =	sdelay $0x1  }
0x302: {  	(erf) = vpow2.f32 v8;
	_ =	sdelay $0x8  }
0x303: {  	v8 =	vpop (erf)  }
0x304: {  	v8 =	vadd.f32 $1.000000000e+00, v8;
	_ =	sdelay $0x1  }
0x305: {  	(erf) = vrcp.f32 v8;
	_ =	sdelay $0x4  }
0x306: {  	v49 =	vadd.s32 $0xC, v7;
	_ =	sdelay $0x3  }
0x307: {  	v50 =	vpop (erf)  }
0x308: {  	[tilespmem:v49+s3+$0x0] =	vst.idx.msk $0xffff, v50  }
0x309: {  	v8 =	vld [tilespmem:s19+$0x480]  }
0x30a: {  	v9 =	vld [tilespmem:s19+$0x500];
	_ =	sdelay $0x2  }
0x30b: {  	v51 =	vadd.s32 $0x1A, v6  }
0x30c: {  	v52 =	vadd.s32 $0x1B, v6;
	v8 =	vmul.f32 v8, v4  }
0x30d: {  	v9 =	vmul.f32 v9, v5  }
0x30e: {  	v8 =	vadd.f32 v8, v2  }
0x30f: {  	v9 =	vadd.f32 v9, v3  }
0x310: {  	[tilespmem:v51+s1+$0x0] =	vst.idx.msk $0xffff, v8  }
0x311: {  	[tilespmem:v52+s1+$0x0] =	vst.idx.msk $0xffff, v9  }
0x312: {  	v8 =	vld [tilespmem:s20+$0x280];
	_ =	sdelay $0x4  }
0x313: {  	v8 =	vsub.f32 $0.0e+00, v8;
	_ =	sdelay $0x1  }
0x314: {  	v8 =	vmul.f32 $1.442695020e+00, v8;
	_ =	sdelay $0x1  }
0x315: {  	(erf) = vpow2.f32 v8;
	_ =	sdelay $0x8  }
0x316: {  	v8 =	vpop (erf)  }
0x317: {  	v8 =	vadd.f32 $1.000000000e+00, v8;
	_ =	sdelay $0x1  }
0x318: {  	(erf) = vrcp.f32 v8;
	_ =	sdelay $0x4  }
0x319: {  	v53 =	vadd.s32 $0xD, v7;
	_ =	sdelay $0x3  }
0x31a: {  	v54 =	vpop (erf)  }
0x31b: {  	[tilespmem:v53+s3+$0x0] =	vst.idx.msk $0xffff, v54  }
0x31c: {  	v8 =	vld [tilespmem:s19+$0x580]  }
0x31d: {  	v9 =	vld [tilespmem:s19+$0x600];
	_ =	sdelay $0x2  }
0x31e: {  	v55 =	vadd.s32 $0x1C, v6  }
0x31f: {  	v56 =	vadd.s32 $0x1D, v6;
	v8 =	vmul.f32 v8, v4  }
0x320: {  	v9 =	vmul.f32 v9, v5  }
0x321: {  	v8 =	vadd.f32 v8, v2  }
0x322: {  	v9 =	vadd.f32 v9, v3  }
0x323: {  	[tilespmem:v55+s1+$0x0] =	vst.idx.msk $0xffff, v8  }
0x324: {  	[tilespmem:v56+s1+$0x0] =	vst.idx.msk $0xffff, v9  }
0x325: {  	v8 =	vld [tilespmem:s20+$0x300];
	_ =	sdelay $0x4  }
0x326: {  	v8 =	vsub.f32 $0.0e+00, v8;
	_ =	sdelay $0x1  }
0x327: {  	v8 =	vmul.f32 $1.442695020e+00, v8;
	_ =	sdelay $0x1  }
0x328: {  	(erf) = vpow2.f32 v8;
	_ =	sdelay $0x8  }
0x329: {  	v8 =	vpop (erf)  }
0x32a: {  	v8 =	vadd.f32 $1.000000000e+00, v8;
	_ =	sdelay $0x1  }
0x32b: {  	(erf) = vrcp.f32 v8;
	_ =	sdelay $0x4  }
0x32c: {  	v57 =	vadd.s32 $0xE, v7;
	_ =	sdelay $0x3  }
0x32d: {  	v58 =	vpop (erf)  }
0x32e: {  	[tilespmem:v57+s3+$0x0] =	vst.idx.msk $0xffff, v58  }
0x32f: {  	v8 =	vld [tilespmem:s19+$0x680]  }
0x330: {  	v9 =	vld [tilespmem:s19+$0x700];
	_ =	sdelay $0x2  }
0x331: {  	v59 =	vadd.s32 $0x1E, v6  }
0x332: {  	v60 =	vadd.s32 $0x1F, v6;
	v8 =	vmul.f32 v8, v4  }
0x333: {  	v9 =	vmul.f32 v9, v5  }
0x334: {  	v8 =	vadd.f32 v8, v2  }
0x335: {  	v9 =	vadd.f32 v9, v3  }
0x336: {  	[tilespmem:v59+s1+$0x0] =	vst.idx.msk $0xffff, v8  }
0x337: {  	[tilespmem:v60+s1+$0x0] =	vst.idx.msk $0xffff, v9  }
0x338: {  	v8 =	vld [tilespmem:s20+$0x380];
	_ =	sdelay $0x4  }
0x339: {  	v8 =	vsub.f32 $0.0e+00, v8;
	_ =	sdelay $0x1  }
0x33a: {  	v8 =	vmul.f32 $1.442695020e+00, v8;
	_ =	sdelay $0x1  }
0x33b: {  	(erf) = vpow2.f32 v8;
	_ =	sdelay $0x8  }
0x33c: {  	v8 =	vpop (erf)  }
0x33d: {  	v8 =	vadd.f32 $1.000000000e+00, v8;
	_ =	sdelay $0x1  }
0x33e: {  	(erf) = vrcp.f32 v8;
	_ =	sdelay $0x4  }
0x33f: {  	v61 =	vadd.s32 $0xF, v7;
	_ =	sdelay $0x3  }
0x340: {  	v62 =	vpop (erf)  }
0x341: {  	[tilespmem:v61+s3+$0x0] =	vst.idx.msk $0xffff, v62  }
0x342: {  	v8 =	vld [tilespmem:s19+$0x780]  }
0x343: {  	v9 =	vld [tilespmem:s19+$0x800];
	_ =	sdelay $0x2  }
0x344: {  	v63 =	vadd.s32 $0x20, v6  }
0x345: {  	v6 =	vadd.s32 $0x21, v6;
	v4 =	vmul.f32 v8, v4  }
0x346: {  	v5 =	vmul.f32 v9, v5  }
0x347: {  	v2 =	vadd.f32 v4, v2  }
0x348: {  	v3 =	vadd.f32 v5, v3  }
0x349: {  	[tilespmem:v63+s1+$0x0] =	vst.idx.msk $0xffff, v2  }
0x34a: {  	[tilespmem:v6+s1+$0x0] =	vst.idx.msk $0xffff, v3  }
0x34b: {  	v2 =	vld [tilespmem:s20+$0x400];
	_ =	sdelay $0x4  }
0x34c: {  	v2 =	vsub.f32 $0.0e+00, v2;
	_ =	sdelay $0x1  }
0x34d: {  	v2 =	vmul.f32 $1.442695020e+00, v2;
	_ =	sdelay $0x1  }
0x34e: {  	(erf) = vpow2.f32 v2;
	_ =	sdelay $0x8  }
0x34f: {  	v2 =	vpop (erf)  }
0x350: {  	v2 =	vadd.f32 $1.000000000e+00, v2;
	_ =	sdelay $0x1  }
0x351: {  	(erf) = vrcp.f32 v2;
	_ =	sdelay $0x4  }
0x352: {  	p3 =	sne.s32 s24, $0x70;
	v2 =	vadd.s32 $0x10, v7  }
.Ltmp3:
0x353: {  	_ = 	snop;
	(pc) =	sbr.rel @p3 .LBB2_5-.Ltmp3, $3  }
0x354: {  	_ =	sdelay $0x1  }
0x355: {  	s22 =	sadd.s32 $0x10, s22;
	s24 =	sadd.s32 $0x10, s24;
	s21 =	sadd.s32 $0x10, s21;
	v3 =	vpop (erf)  }
0x356: {  	s23 =	sadd.s32 $0x10, s23;
	s19 =	sadd.s32 $0x10, s19;
	s20 =	sadd.s32 $0x10, s20;
	[tilespmem:v2+s3+$0x0] =	vst.idx.msk $0xffff, v3  }
.Ltmp4:
0x357: {  	s18 =	sadd.s32 s18, s13;
	(pc) =	sbr.rel @p1 .LBB2_7-.Ltmp4, $3  }
0x358: {  	s19 =	smul.u32 $0x5, s18  }
0x359: {  	s21 =	smul.u32 $0x3, s18;
	_ =	sdelay $0x1  }
0x35a: {  	s20 =	sadd.s32 s9, s18;
	s19 =	sadd.s32 s10, s19;
	s18 =	sadd.s32 s11, s21  }
0x35b: {  	[hbm4b:s20+s4] =	stream.linear.scatter [tilespmem:s14], [sflag:$0x4], $0x400, $0x38;
	[tilespmem:$0x5E80] =	vst v63  }
0x35c: {  	_ =	swait.ge [sflag:s15], $0x400  }
0x35d: {  	[sflag:s15] =	ssyncset.done $0x0  }
0x35e: {  	[sflag:s15] =	ssyncadd.s32 $0xFFFFFC00  }
0x35f: {  	[hbm4b:s19+s4] =	stream.linear.scatter [tilespmem:s1], [sflag:$0x4], $0x1400, $0x38;
	[tilespmem:$0x5E80] =	vst v63  }
0x360: {  	_ =	swait.ge [sflag:s15], $0x1400  }
0x361: {  	[sflag:s15] =	ssyncset.done $0x0  }
0x362: {  	[sflag:s15] =	ssyncadd.s32 $0xFFFFEC00  }
0x363: {  	[hbm4b:s18+s4] =	stream.linear.scatter [tilespmem:s3], [sflag:$0x3], $0xC00, $0x38;
	[tilespmem:$0x5E80] =	vst v63  }
.Ltmp5:
0x364: {  	_ = 	snop;
	(pc) =	sbr.rel @p2 .LBB2_2-.Ltmp5, $4  }
.Ltmp6:
0x365: {  	_ = 	snop;
	(pc) =	sbr.rel @!p2 .LBB2_9-.Ltmp6, $4  }
0x366: {  	_ =	swait.ge [sflag:s17], $0xC00  }
0x367: {  	p3 =	por $0x0, $0x0;
	[sflag:s17] =	ssyncset.done $0x0  }
0x368: {  	p1 =	por p0, p0;
	s18 =	simm.s32 $0x80;
	[sflag:s17] =	ssyncadd.s32 $0xFFFFF400  }
0x369: {  	_ = 	snop  }
.LBB2_10:
0x36a: {  	_ =	sfence.sel $0x180000  }
0x36b: {  	[bflag:$0x0] =	sbarrier.arrive $0xFFFF  }
0x36c: {  	_ =	strace $0x9000004A  }
0x36d: {  	s0 =	stileid.u32;
	[bflag:$0x2] =	sbarrier.arrive $0xFFFF  }
0x36e: {  	p0 =	sne.s32 s0, $0x0;
	s0 =	rddreg [dreg:$0x4]  }
0x36f: {  	s0 =	sadd.s32 @!p0 $0x100000, s0  }
0x370: {  	[sflag:s0] =	ssyncadd.tile.s32 @!p0 $0x1;
	_ =	shalt  }
.Lfunc_end2:
_tile_overlayer_lowered:
.L_overlay_start_2:
0x371: {  	(tag) =	ssettag $0x2  }
0x372: {  	s0 =	rddreg [dreg:$0x0];
	s2 =	stileid.u32  }
0x373: {  	s1 =	rddreg [dreg:$0x1];
	p0 =	sne.s32 s2, $0x0  }
0x374: {  	s3 =	rddreg [dreg:$0x2];
	[bflag:$0x3] =	sbarrier.arrive $0xFFFF;
	s2 =	simm.s32 @!p0 $0x1C02  }
0x375: {  	[timem:s3], [sflag:s2] =	dma.local @!p0 [hbm:s0], s1  }
0x376: {  	s0 =	simm.s32 @!p0 $0x2  }
0x377: {  	_ =	swait.ge @!p0 [sflag:s0], s1  }
0x378: {  	s1 =	ssub.s32 @!p0 $0x0, s1;
	[sflag:s0] =	ssyncset.done @!p0 $0x0  }
0x379: {  	[sflag:s0] =	ssyncadd.s32 @!p0 s1  }
0x37a: {  	[bflag:$0x3] =	sbarrier.arrive $0xFFFF  }
0x37b: {  	_ =	shalt  }

</sc_bundles>
